<compile_context>
chip_gen: v7x
topology: tpu7x:2x2x1
jax: 0.10.2.dev20260603
libtpu: 0.0.44.dev20260713+nightly
codegen_flags: <defaults>
</compile_context>

<pallas_src>
import functools

import jax
import jax.numpy as jnp
from jax import lax
from jax.experimental import pallas as pl
from jax.experimental.pallas import tpu as pltpu
from jax.experimental.pallas import tpu_sc as plsc

NC = 2
NS = 16
NW = NC * NS
CH = 128
N = 10000
NPAD = 10240
HR = NPAD // 128
E = 320000

_mesh = plsc.VectorSubcoreMesh(core_axis_name="c", subcore_axis_name="s")
_f32 = jnp.float32


def _zero16():
    return jnp.zeros((16,), _f32)


def _ones16():
    return jnp.ones((16,), _f32)


def _deg_body(nch, dst_hbm, out_hbm, db0, db1, hist, sd0, sd1):
    cid = lax.axis_index("c")
    sid = lax.axis_index("s")
    wid = sid * NC + cid

    def _zrow(i, c):
        hist[pl.ds(pl.multiple_of(i * 16, 8), 16)] = _zero16()
        return c

    lax.fori_loop(0, NPAD // 16, _zrow, 0)

    dbs = (db0, db1)
    sds = (sd0, sd1)
    pltpu.async_copy(dst_hbm.at[wid, 0], db0, sd0)
    pltpu.async_copy(dst_hbm.at[wid, 1], db1, sd1)

    def _pair(i, carry):
        for k in range(2):
            c = i * 2 + k
            pltpu.make_async_copy(dst_hbm.at[wid, c], dbs[k],
                                  sds[k]).wait()
            for j in range(CH // 16):
                dv = dbs[k][pl.ds(j * 16, 16)]
                plsc.addupdate_scatter(hist, [dv], _ones16())
            nxt = jnp.minimum(c + 2, nch - 1)
            pltpu.async_copy(dst_hbm.at[wid, nxt], dbs[k], sds[k])
        return carry

    lax.fori_loop(0, nch // 2, _pair, 0)
    pltpu.make_async_copy(dst_hbm.at[wid, 0], db0, sd0).wait()
    pltpu.make_async_copy(dst_hbm.at[wid, 0], db1, sd1).wait()

    pltpu.sync_copy(hist,
                    out_hbm.at[pl.ds(pl.multiple_of(wid * NPAD, 8), NPAD)])


def _make_deg(nch):
    return pl.kernel(
        functools.partial(_deg_body, nch),
        out_type=jax.ShapeDtypeStruct((NW * NPAD,), _f32),
        mesh=_mesh,
        scratch_types=[
            pltpu.VMEM((CH,), jnp.int32),
            pltpu.VMEM((CH,), jnp.int32),
            pltpu.VMEM((NPAD,), _f32),
            pltpu.SemaphoreType.DMA,
            pltpu.SemaphoreType.DMA,
        ],
        compiler_params=pltpu.CompilerParams(needs_layout_passes=False),
    )


def _agg_body(nch, g_hbm, src_hbm, dst_hbm, out_hbm, sb0, sb1, dstv,
              rows0, rows1, out_sh, gs0, gs1, ss0, ss1):
    cid = lax.axis_index("c")
    sid = lax.axis_index("s")
    wid = sid * NC + cid
    rpt = NPAD // NS

    pltpu.sync_copy(dst_hbm.at[wid], dstv)

    def _zrow(i, c):
        for j in range(8):
            rows0[i, pl.ds(j * 16, 16)] = _zero16()
        return c

    lax.fori_loop(0, CH, _zrow, 0)
    for r in range(rpt // CH):
        pltpu.async_copy(rows0, out_sh.at[pl.ds(
            pl.multiple_of(sid * rpt + r * CH, 8), CH)], gs1)
    for r in range(rpt // CH):
        pltpu.make_async_copy(rows0, out_sh.at[pl.ds(
            pl.multiple_of(sid * rpt, 8), CH)], gs1).wait()
    plsc.subcore_barrier()

    sbs = (sb0, sb1)
    rbs = (rows0, rows1)
    gss = (gs0, gs1)
    sss = (ss0, ss1)

    pltpu.sync_copy(src_hbm.at[wid, 0], sb0)
    pltpu.async_copy(g_hbm.at[sb0], rows0, gs0)
    pltpu.async_copy(src_hbm.at[wid, 1], sb1, ss1)

    def _pair(i, carry):
        for k in range(2):
            c = i * 2 + k
            ko = (k + 1) % 2
            pltpu.make_async_copy(src_hbm.at[wid, c], sbs[ko],
                                  sss[ko]).wait()
            pltpu.async_copy(g_hbm.at[sbs[ko]], rbs[ko], gss[ko])
            pltpu.make_async_copy(g_hbm.at[sbs[k]], rbs[k], gss[k]).wait()
            pltpu.sync_copy(rbs[k], out_sh.at[dstv.at[c]], add=True)
            nxt = jnp.minimum(c + 2, nch - 1)
            pltpu.async_copy(src_hbm.at[wid, nxt], sbs[k], sss[k])
        return carry

    lax.fori_loop(0, nch // 2, _pair, 0)
    pltpu.make_async_copy(g_hbm.at[sbs[0]], rbs[0], gss[0]).wait()
    pltpu.make_async_copy(src_hbm.at[wid, 0], sbs[1], sss[1]).wait()
    plsc.subcore_barrier()

    nwb = rpt // CH
    for r in range(nwb):
        k = r % 2
        hb = pl.ds(pl.multiple_of(cid * NPAD + sid * rpt + r * CH, 8), CH)
        if r >= 2:
            pltpu.make_async_copy(rbs[k], out_hbm.at[hb], sss[k]).wait()
        pltpu.sync_copy(out_sh.at[pl.ds(
            pl.multiple_of(sid * rpt + r * CH, 8), CH)], rbs[k])
        pltpu.async_copy(rbs[k], out_hbm.at[hb], sss[k])
    for r in range(nwb - 2, nwb):
        k = r % 2
        hb = pl.ds(pl.multiple_of(cid * NPAD + sid * rpt + r * CH, 8), CH)
        pltpu.make_async_copy(rbs[k], out_hbm.at[hb], sss[k]).wait()


def _make_agg(nch):
    return pl.kernel(
        functools.partial(_agg_body, nch),
        out_type=jax.ShapeDtypeStruct((NC * NPAD, 128), _f32),
        mesh=_mesh,
        scratch_types=[
            pltpu.VMEM((CH,), jnp.int32),
            pltpu.VMEM((CH,), jnp.int32),
            pltpu.VMEM((nch, CH), jnp.int32),
            pltpu.VMEM((CH, 128), _f32),
            pltpu.VMEM((CH, 128), _f32),
            pltpu.VMEM_SHARED((NPAD, 128), _f32),
            pltpu.SemaphoreType.DMA,
            pltpu.SemaphoreType.DMA,
            pltpu.SemaphoreType.DMA,
            pltpu.SemaphoreType.DMA,
        ],
        compiler_params=pltpu.CompilerParams(needs_layout_passes=False),
    )



BR = 512
GB = NPAD // BR


def _tca_body(d_ref, h_ref, db_ref, g_ref):
    degs = jnp.sum(d_ref[...], axis=0) + 1.0
    dis = lax.rsqrt(degs)
    ones = jnp.ones((1, 128), _f32)
    parts = []
    for r in range(8):
        row = dis[r:r + 1, :]
        parts.append(lax.dot_general(
            row, ones, (((0,), (0,)), ((), ())),
            preferred_element_type=_f32))
    db = jnp.concatenate(parts, axis=0)
    db_ref[...] = db
    g_ref[...] = h_ref[...] * db


def _tch_body(x_ref, w_ref, h_ref):
    h_ref[...] = jnp.dot(x_ref[...], w_ref[...],
                         preferred_element_type=_f32)


def _tc_mid_body(e0_ref, e1_ref, g_ref, db_ref, b_ref, w_ref, go_ref):
    t = ((e0_ref[...] + e1_ref[...] + g_ref[...]) * db_ref[...]
         + b_ref[...])
    xn = jnp.maximum(t, 0.0)
    h = jnp.dot(xn, w_ref[...], preferred_element_type=_f32)
    go_ref[...] = h * db_ref[...]


def _tc_fin_body(e0_ref, e1_ref, g_ref, db_ref, b_ref, w_ref, b4_ref,
                 o_ref):
    t = ((e0_ref[...] + e1_ref[...] + g_ref[...]) * db_ref[...]
         + b_ref[...])
    xn = jnp.maximum(t, 0.0)
    o_ref[...] = jnp.dot(xn, w_ref[...],
                         preferred_element_type=_f32) + b4_ref[...]


_blk_x = pl.BlockSpec((BR, 128), lambda b: (b, 0))
_blk_w = pl.BlockSpec((128, 128), lambda b: (0, 0))
_blk_elo = pl.BlockSpec((BR, 128), lambda b: (b, 0))
_blk_ehi = pl.BlockSpec((BR, 128), lambda b: (b + GB, 0))
_blk_bias = pl.BlockSpec((1, 128), lambda b: (0, 0))


def _tca(deg3, h1):
    return pl.pallas_call(
        _tca_body,
        grid=(HR // 8,),
        in_specs=[pl.BlockSpec((NW, 8, 128), lambda b: (0, b, 0)),
                  pl.BlockSpec((1024, 128), lambda b: (b, 0))],
        out_specs=[pl.BlockSpec((1024, 128), lambda b: (b, 0)),
                   pl.BlockSpec((1024, 128), lambda b: (b, 0))],
        out_shape=[
            jax.ShapeDtypeStruct((NPAD, 128), _f32),
            jax.ShapeDtypeStruct((NPAD, 128), _f32),
        ],
    )(deg3, h1)


def _tch(x_pad, W1):
    return pl.pallas_call(
        _tch_body,
        grid=(GB,),
        in_specs=[_blk_x, _blk_w],
        out_specs=_blk_x,
        out_shape=jax.ShapeDtypeStruct((NPAD, 128), _f32),
    )(x_pad, W1)


def _tc_mid(e2, g_prev, disb, b_row, W):
    return pl.pallas_call(
        _tc_mid_body,
        grid=(GB,),
        in_specs=[_blk_elo, _blk_ehi, _blk_x, _blk_x, _blk_bias, _blk_w],
        out_specs=_blk_x,
        out_shape=jax.ShapeDtypeStruct((NPAD, 128), _f32),
    )(e2, e2, g_prev, disb, b_row, W)


def _tc_fin(e2, g_prev, disb, b_row, W4, b4_row):
    dout = W4.shape[1]
    return pl.pallas_call(
        _tc_fin_body,
        grid=(GB,),
        in_specs=[_blk_elo, _blk_ehi, _blk_x, _blk_x, _blk_bias,
                  pl.BlockSpec((128, dout), lambda b: (0, 0)),
                  pl.BlockSpec((1, dout), lambda b: (0, 0))],
        out_specs=pl.BlockSpec((BR, dout), lambda b: (b, 0)),
        out_shape=jax.ShapeDtypeStruct((NPAD, dout), _f32),
    )(e2, e2, g_prev, disb, b_row, W4, b4_row)


def kernel(x, edge_index, W1, b1, W2, b2, W3, b3, W4, b4):
    src = edge_index[0]
    dst = edge_index[1]

    nch = ((E + NW * CH - 1) // (NW * CH) + 7) // 8 * 8
    e_pad = NW * nch * CH
    padn = e_pad - E
    pidx = jnp.arange(padn, dtype=jnp.int32) % (NPAD - N)
    pad_src = N + pidx
    pad_dst = N + pidx
    src_flat = jnp.concatenate([src, pad_src])
    dst_flat = jnp.concatenate([dst, pad_dst])
    src3 = src_flat.reshape(NW, nch, CH)
    dst3 = dst_flat.reshape(NW, nch, CH)

    x_pad = jnp.concatenate(
        [x, jnp.zeros((NPAD - N, x.shape[1]), _f32)])

    h1 = _tch(x_pad, W1)
    deg3 = _make_deg(nch)(dst3).reshape(NW, HR, 128)
    disb, g1 = _tca(deg3, h1)

    b1r = b1.reshape(1, -1)
    b2r = b2.reshape(1, -1)
    b3r = b3.reshape(1, -1)
    b4r = b4.reshape(1, -1)

    agg = _make_agg(nch)
    e1 = agg(g1, src3, dst3)
    g2 = _tc_mid(e1, g1, disb, b1r, W2)
    e2 = agg(g2, src3, dst3)
    g3 = _tc_mid(e2, g2, disb, b2r, W3)
    e3 = agg(g3, src3, dst3)
    out = _tc_fin(e3, g3, disb, b3r, W4, b4r)
    return out[:N]

# --- scband reference (transcript-rebuilt; emitter-appended) ---
"""Pipeline reference for scband-gcnn3-l-11785390260548 (READ-ONLY COPY).

The authoritative reference and input builder live on the scoring server;
editing this copy changes nothing except your own understanding.
"""

import jax, jax.numpy as jnp
import numpy as np

N = 10000
E = 320000
D_IN = 128
H1 = 128
H2 = 128
H3 = 128
D_OUT = 64


def setup_inputs(seed: int = 0):
    key = jax.random.key(seed)
    ks = jax.random.split(key, 12)
    x = jax.random.normal(ks[0], (N, D_IN), dtype=jnp.float32)
    edge_index = jax.random.randint(ks[1], (2, E), 0, N, dtype=jnp.int32)
    W1 = jax.random.normal(ks[2], (D_IN, H1), dtype=jnp.float32) * (1.0 / np.sqrt(D_IN))
    b1 = jnp.zeros((H1,), dtype=jnp.float32)
    W2 = jax.random.normal(ks[3], (H1, H2), dtype=jnp.float32) * (1.0 / np.sqrt(H1))
    b2 = jnp.zeros((H2,), dtype=jnp.float32)
    W3 = jax.random.normal(ks[4], (H2, H3), dtype=jnp.float32) * (1.0 / np.sqrt(H2))
    b3 = jnp.zeros((H3,), dtype=jnp.float32)
    W4 = jax.random.normal(ks[5], (H3, D_OUT), dtype=jnp.float32) * (1.0 / np.sqrt(H3))
    b4 = jnp.zeros((D_OUT,), dtype=jnp.float32)
    return {"x": x, "edge_index": edge_index, "W1": W1, "b1": b1, "W2": W2, "b2": b2, "W3": W3, "b3": b3, "W4": W4, "b4": b4}


def gcn_conv(x, src, dst, W, b):
    # PyG GCNConv: h = X W ; out = D^{-1/2} (A+I) D^{-1/2} h + b
    h = x @ W
    n = h.shape[0]
    deg = jnp.zeros((n,), dtype=h.dtype).at[dst].add(1.0)
    dis = jnp.where(deg > 0, jax.lax.rsqrt(jnp.maximum(deg, 1e-12)), 0.0)
    norm = dis[src] * dis[dst]
    msgs = h[src] * norm[:, None]
    out = jnp.zeros_like(h).at[dst].add(msgs)
    return out + b


def reference(x, edge_index, W1, b1, W2, b2, W3, b3, W4, b4):
    n = x.shape[0]
    sl = jnp.arange(n, dtype=edge_index.dtype)
    src = jnp.concatenate([edge_index[0], sl])
    dst = jnp.concatenate([edge_index[1], sl])
    h = jax.nn.relu(gcn_conv(x, src, dst, W1, b1))
    h = jax.nn.relu(gcn_conv(h, src, dst, W2, b2))
    h = jax.nn.relu(gcn_conv(h, src, dst, W3, b3))
    out = h @ W4 + b4
    return out

if __name__ == "__main__":
    import jax
    _d = setup_inputs()
    print(jax.jit(kernel)(*tuple(_d.values())))

</pallas_src>

<mosaic_0001>
#map = affine_map<(d0, d1) -> (0, 0, 0)>
#map1 = affine_map<(d0, d1) -> (0)>
module attributes {stable_mosaic.version = 14 : i64} {
  func.func @_deg_body(%arg0: i32, %arg1: i32, %arg2: memref<32x80x128xi32, #tpu.memory_space<hbm>>, %arg3: memref<327680xf32, #tpu.memory_space<hbm>>, %arg4: memref<128xi32, #tpu.memory_space<vmem>>, %arg5: memref<128xi32, #tpu.memory_space<vmem>>, %arg6: memref<10240xf32, #tpu.memory_space<vmem>>, %arg7: memref<!tpu.dma_semaphore, #tpu.memory_space<semaphore_mem>>, %arg8: memref<!tpu.dma_semaphore, #tpu.memory_space<semaphore_mem>>) attributes {dimension_semantics = [#tpu.dimension_semantics<core_parallel>, #tpu.dimension_semantics<subcore_parallel>], iteration_bounds = array<i64: 2, 16>, scalar_prefetch = 0 : i64, scratch_operands = 5 : i64, tpu.core_type = #tpu.core_type<sc_vector_subcore>, window_params = [{transform_indices = #map}, {transform_indices = #map1}]} {
    %mul3A = arith.constant 2 : i32
    %mul3A_0 = arith.muli %arg1, %mul3A : i32
    %add3A = arith.addi %mul3A_0, %arg0 : i32
    %scan3A = arith.constant 0 : i32
    %scan3A_1 = arith.constant 0 : i32
    %scan3A_2 = arith.constant 640 : i32
    %scan3A_3 = arith.addi %scan3A_1, %scan3A_2 : i32
    %scan3A_4 = arith.constant 1 : i32
    scf.for %scan3A_40 = %scan3A_1 to %scan3A_3 step %scan3A_4  : i32 {
      %broadcast_in_dim3A = arith.constant 0.000000e+00 : f32
      %broadcast_in_dim3A_41 = vector.broadcast %broadcast_in_dim3A : f32 to vector<16xf32>
      %mul3A_42 = arith.constant 16 : i32
      %mul3A_43 = arith.muli %scan3A_40, %mul3A_42 : i32
      %multiple_of3A_44 = tpu.assume_multiple %mul3A_43, 8 : i32
      %swap3A = arith.index_cast %multiple_of3A_44 : i32 to index
      %swap3A_45 = tpu.vector_load %arg6[%swap3A] {strides = array<i32>} : memref<10240xf32, #tpu.memory_space<vmem>>, vector<16xf32>,
      tpu.vector_store %arg6[%swap3A], %broadcast_in_dim3A_41 {strides = array<i32>} : memref<10240xf32, #tpu.memory_space<vmem>>, vector<16xf32>,
    }
    %scan3A_5 = arith.constant 640 : i32
    %dma_start3A = arith.constant 0 : i32
    %dma_start3A_6 = arith.constant 0 : i32
    %dma_start3A_7 = tpu.memref_slice %arg2[%add3A, %dma_start3A, %dma_start3A_6] : memref<32x80x128xi32, #tpu.memory_space<hbm>> -> memref<1x1x128xi32, #tpu.memory_space<hbm>>
    %dma_start3A_8 = tpu.memref_squeeze %dma_start3A_7 : memref<1x1x128xi32, #tpu.memory_space<hbm>> -> memref<128xi32, #tpu.memory_space<hbm>>
    %dma_start3A_9 = arith.constant 0 : i32
    %dma_start3A_10 = tpu.memref_slice %arg2[%add3A, %dma_start3A, %dma_start3A_9] : memref<32x80x128xi32, #tpu.memory_space<hbm>> -> memref<1x1x128xi32, #tpu.memory_space<hbm>>
    %dma_start3A_11 = tpu.memref_squeeze %dma_start3A_10 : memref<1x1x128xi32, #tpu.memory_space<hbm>> -> memref<128xi32, #tpu.memory_space<hbm>>
    tpu.enqueue_dma source(%dma_start3A_11 : memref<128xi32, #tpu.memory_space<hbm>>) target(%arg4 : memref<128xi32, #tpu.memory_space<vmem>>) target_semaphore(%arg7 : memref<!tpu.dma_semaphore, #tpu.memory_space<semaphore_mem>>)
    %dma_start3A_12 = arith.constant 1 : i32
    %dma_start3A_13 = arith.constant 0 : i32
    %dma_start3A_14 = tpu.memref_slice %arg2[%add3A, %dma_start3A_12, %dma_start3A_13] : memref<32x80x128xi32, #tpu.memory_space<hbm>> -> memref<1x1x128xi32, #tpu.memory_space<hbm>>
    %dma_start3A_15 = tpu.memref_squeeze %dma_start3A_14 : memref<1x1x128xi32, #tpu.memory_space<hbm>> -> memref<128xi32, #tpu.memory_space<hbm>>
    %dma_start3A_16 = arith.constant 0 : i32
    %dma_start3A_17 = tpu.memref_slice %arg2[%add3A, %dma_start3A_12, %dma_start3A_16] : memref<32x80x128xi32, #tpu.memory_space<hbm>> -> memref<1x1x128xi32, #tpu.memory_space<hbm>>
    %dma_start3A_18 = tpu.memref_squeeze %dma_start3A_17 : memref<1x1x128xi32, #tpu.memory_space<hbm>> -> memref<128xi32, #tpu.memory_space<hbm>>
    tpu.enqueue_dma source(%dma_start3A_18 : memref<128xi32, #tpu.memory_space<hbm>>) target(%arg5 : memref<128xi32, #tpu.memory_space<vmem>>) target_semaphore(%arg8 : memref<!tpu.dma_semaphore, #tpu.memory_space<semaphore_mem>>)
    %scan3A_19 = arith.constant 0 : i32
    %scan3A_20 = arith.constant 0 : i32
    %scan3A_21 = arith.constant 40 : i32
    %scan3A_22 = arith.addi %scan3A_20, %scan3A_21 : i32
    %scan3A_23 = arith.constant 1 : i32
    scf.for %scan3A_40 = %scan3A_20 to %scan3A_22 step %scan3A_23  : i32 {
      %mul3A_41 = arith.constant 2 : i32
      %mul3A_42 = arith.muli %scan3A_40, %mul3A_41 : i32
      %add3A_43 = arith.constant 0 : i32
      %add3A_44 = arith.addi %mul3A_42, %add3A_43 : i32
      %dma_wait3A_45 = arith.constant 0 : i32
      %dma_wait3A_46 = tpu.memref_slice %arg2[%add3A, %add3A_44, %dma_wait3A_45] : memref<32x80x128xi32, #tpu.memory_space<hbm>> -> memref<1x1x128xi32, #tpu.memory_space<hbm>>
      %dma_wait3A_47 = tpu.memref_squeeze %dma_wait3A_46 : memref<1x1x128xi32, #tpu.memory_space<hbm>> -> memref<128xi32, #tpu.memory_space<hbm>>
      %dma_wait3A_48 = arith.constant 0 : i32
      %dma_wait3A_49 = tpu.memref_slice %arg2[%add3A, %add3A_44, %dma_wait3A_48] : memref<32x80x128xi32, #tpu.memory_space<hbm>> -> memref<1x1x128xi32, #tpu.memory_space<hbm>>
      %dma_wait3A_50 = tpu.memref_squeeze %dma_wait3A_49 : memref<1x1x128xi32, #tpu.memory_space<hbm>> -> memref<128xi32, #tpu.memory_space<hbm>>
      tpu.wait_dma2 semaphore(%arg7 : memref<!tpu.dma_semaphore, #tpu.memory_space<semaphore_mem>>) src(%dma_wait3A_50 : memref<128xi32, #tpu.memory_space<hbm>>) dst(%arg4 : memref<128xi32, #tpu.memory_space<vmem>>)
      %get3A = arith.constant 0 : index
      %get3A_51 = tpu.vector_load %arg4[%get3A] {strides = array<i32>} : memref<128xi32, #tpu.memory_space<vmem>>, vector<16xi32>,
      %broadcast_in_dim3A = arith.constant 1.000000e+00 : f32
      %broadcast_in_dim3A_52 = vector.broadcast %broadcast_in_dim3A : f32 to vector<16xf32>
      tpu.vector_store_idx %arg6[%get3A_51], %broadcast_in_dim3A_52 {add = true} : memref<10240xf32, #tpu.memory_space<vmem>>[vector<16xi32>], vector<16xf32>,
      %get3A_53 = arith.constant 16 : index
      %get3A_54 = tpu.vector_load %arg4[%get3A_53] {strides = array<i32>} : memref<128xi32, #tpu.memory_space<vmem>>, vector<16xi32>,
      %broadcast_in_dim3A_55 = arith.constant 1.000000e+00 : f32
      %broadcast_in_dim3A_56 = vector.broadcast %broadcast_in_dim3A_55 : f32 to vector<16xf32>
      tpu.vector_store_idx %arg6[%get3A_54], %broadcast_in_dim3A_56 {add = true} : memref<10240xf32, #tpu.memory_space<vmem>>[vector<16xi32>], vector<16xf32>,
      %get3A_57 = arith.constant 32 : index
      %get3A_58 = tpu.vector_load %arg4[%get3A_57] {strides = array<i32>} : memref<128xi32, #tpu.memory_space<vmem>>, vector<16xi32>,
      %broadcast_in_dim3A_59 = arith.constant 1.000000e+00 : f32
      %broadcast_in_dim3A_60 = vector.broadcast %broadcast_in_dim3A_59 : f32 to vector<16xf32>
      tpu.vector_store_idx %arg6[%get3A_58], %broadcast_in_dim3A_60 {add = true} : memref<10240xf32, #tpu.memory_space<vmem>>[vector<16xi32>], vector<16xf32>,
      %get3A_61 = arith.constant 48 : index
      %get3A_62 = tpu.vector_load %arg4[%get3A_61] {strides = array<i32>} : memref<128xi32, #tpu.memory_space<vmem>>, vector<16xi32>,
      %broadcast_in_dim3A_63 = arith.constant 1.000000e+00 : f32
      %broadcast_in_dim3A_64 = vector.broadcast %broadcast_in_dim3A_63 : f32 to vector<16xf32>
      tpu.vector_store_idx %arg6[%get3A_62], %broadcast_in_dim3A_64 {add = true} : memref<10240xf32, #tpu.memory_space<vmem>>[vector<16xi32>], vector<16xf32>,
      %get3A_65 = arith.constant 64 : index
      %get3A_66 = tpu.vector_load %arg4[%get3A_65] {strides = array<i32>} : memref<128xi32, #tpu.memory_space<vmem>>, vector<16xi32>,
      %broadcast_in_dim3A_67 = arith.constant 1.000000e+00 : f32
      %broadcast_in_dim3A_68 = vector.broadcast %broadcast_in_dim3A_67 : f32 to vector<16xf32>
      tpu.vector_store_idx %arg6[%get3A_66], %broadcast_in_dim3A_68 {add = true} : memref<10240xf32, #tpu.memory_space<vmem>>[vector<16xi32>], vector<16xf32>,
      %get3A_69 = arith.constant 80 : index
      %get3A_70 = tpu.vector_load %arg4[%get3A_69] {strides = array<i32>} : memref<128xi32, #tpu.memory_space<vmem>>, vector<16xi32>,
      %broadcast_in_dim3A_71 = arith.constant 1.000000e+00 : f32
      %broadcast_in_dim3A_72 = vector.broadcast %broadcast_in_dim3A_71 : f32 to vector<16xf32>
      tpu.vector_store_idx %arg6[%get3A_70], %broadcast_in_dim3A_72 {add = true} : memref<10240xf32, #tpu.memory_space<vmem>>[vector<16xi32>], vector<16xf32>,
      %get3A_73 = arith.constant 96 : index
      %get3A_74 = tpu.vector_load %arg4[%get3A_73] {strides = array<i32>} : memref<128xi32, #tpu.memory_space<vmem>>, vector<16xi32>,
      %broadcast_in_dim3A_75 = arith.constant 1.000000e+00 : f32
      %broadcast_in_dim3A_76 = vector.broadcast %broadcast_in_dim3A_75 : f32 to vector<16xf32>
      tpu.vector_store_idx %arg6[%get3A_74], %broadcast_in_dim3A_76 {add = true} : memref<10240xf32, #tpu.memory_space<vmem>>[vector<16xi32>], vector<16xf32>,
      %get3A_77 = arith.constant 112 : index
      %get3A_78 = tpu.vector_load %arg4[%get3A_77] {strides = array<i32>} : memref<128xi32, #tpu.memory_space<vmem>>, vector<16xi32>,
      %broadcast_in_dim3A_79 = arith.constant 1.000000e+00 : f32
      %broadcast_in_dim3A_80 = vector.broadcast %broadcast_in_dim3A_79 : f32 to vector<16xf32>
      tpu.vector_store_idx %arg6[%get3A_78], %broadcast_in_dim3A_80 {add = true} : memref<10240xf32, #tpu.memory_space<vmem>>[vector<16xi32>], vector<16xf32>,
      %add3A_81 = arith.constant 2 : i32
      %add3A_82 = arith.addi %add3A_44, %add3A_81 : i32
      %min3A = arith.constant 79 : i32
      %min3A_83 = arith.minsi %add3A_82, %min3A : i32
      %dma_start3A_84 = arith.constant 0 : i32
      %dma_start3A_85 = tpu.memref_slice %arg2[%add3A, %min3A_83, %dma_start3A_84] : memref<32x80x128xi32, #tpu.memory_space<hbm>> -> memref<1x1x128xi32, #tpu.memory_space<hbm>>
      %dma_start3A_86 = tpu.memref_squeeze %dma_start3A_85 : memref<1x1x128xi32, #tpu.memory_space<hbm>> -> memref<128xi32, #tpu.memory_space<hbm>>
      %dma_start3A_87 = arith.constant 0 : i32
      %dma_start3A_88 = tpu.memref_slice %arg2[%add3A, %min3A_83, %dma_start3A_87] : memref<32x80x128xi32, #tpu.memory_space<hbm>> -> memref<1x1x128xi32, #tpu.memory_space<hbm>>
      %dma_start3A_89 = tpu.memref_squeeze %dma_start3A_88 : memref<1x1x128xi32, #tpu.memory_space<hbm>> -> memref<128xi32, #tpu.memory_space<hbm>>
      tpu.enqueue_dma source(%dma_start3A_89 : memref<128xi32, #tpu.memory_space<hbm>>) target(%arg4 : memref<128xi32, #tpu.memory_space<vmem>>) target_semaphore(%arg7 : memref<!tpu.dma_semaphore, #tpu.memory_space<semaphore_mem>>)
      %mul3A_90 = arith.constant 2 : i32
      %mul3A_91 = arith.muli %scan3A_40, %mul3A_90 : i32
      %add3A_92 = arith.constant 1 : i32
      %add3A_93 = arith.addi %mul3A_91, %add3A_92 : i32
      %dma_wait3A_94 = arith.constant 0 : i32
      %dma_wait3A_95 = tpu.memref_slice %arg2[%add3A, %add3A_93, %dma_wait3A_94] : memref<32x80x128xi32, #tpu.memory_space<hbm>> -> memref<1x1x128xi32, #tpu.memory_space<hbm>>
      %dma_wait3A_96 = tpu.memref_squeeze %dma_wait3A_95 : memref<1x1x128xi32, #tpu.memory_space<hbm>> -> memref<128xi32, #tpu.memory_space<hbm>>
      %dma_wait3A_97 = arith.constant 0 : i32
      %dma_wait3A_98 = tpu.memref_slice %arg2[%add3A, %add3A_93, %dma_wait3A_97] : memref<32x80x128xi32, #tpu.memory_space<hbm>> -> memref<1x1x128xi32, #tpu.memory_space<hbm>>
      %dma_wait3A_99 = tpu.memref_squeeze %dma_wait3A_98 : memref<1x1x128xi32, #tpu.memory_space<hbm>> -> memref<128xi32, #tpu.memory_space<hbm>>
      tpu.wait_dma2 semaphore(%arg8 : memref<!tpu.dma_semaphore, #tpu.memory_space<semaphore_mem>>) src(%dma_wait3A_99 : memref<128xi32, #tpu.memory_space<hbm>>) dst(%arg5 : memref<128xi32, #tpu.memory_space<vmem>>)
      %get3A_100 = arith.constant 0 : index
      %get3A_101 = tpu.vector_load %arg5[%get3A_100] {strides = array<i32>} : memref<128xi32, #tpu.memory_space<vmem>>, vector<16xi32>,
      %broadcast_in_dim3A_102 = arith.constant 1.000000e+00 : f32
      %broadcast_in_dim3A_103 = vector.broadcast %broadcast_in_dim3A_102 : f32 to vector<16xf32>
      tpu.vector_store_idx %arg6[%get3A_101], %broadcast_in_dim3A_103 {add = true} : memref<10240xf32, #tpu.memory_space<vmem>>[vector<16xi32>], vector<16xf32>,
      %get3A_104 = arith.constant 16 : index
      %get3A_105 = tpu.vector_load %arg5[%get3A_104] {strides = array<i32>} : memref<128xi32, #tpu.memory_space<vmem>>, vector<16xi32>,
      %broadcast_in_dim3A_106 = arith.constant 1.000000e+00 : f32
      %broadcast_in_dim3A_107 = vector.broadcast %broadcast_in_dim3A_106 : f32 to vector<16xf32>
      tpu.vector_store_idx %arg6[%get3A_105], %broadcast_in_dim3A_107 {add = true} : memref<10240xf32, #tpu.memory_space<vmem>>[vector<16xi32>], vector<16xf32>,
      %get3A_108 = arith.constant 32 : index
      %get3A_109 = tpu.vector_load %arg5[%get3A_108] {strides = array<i32>} : memref<128xi32, #tpu.memory_space<vmem>>, vector<16xi32>,
      %broadcast_in_dim3A_110 = arith.constant 1.000000e+00 : f32
      %broadcast_in_dim3A_111 = vector.broadcast %broadcast_in_dim3A_110 : f32 to vector<16xf32>
      tpu.vector_store_idx %arg6[%get3A_109], %broadcast_in_dim3A_111 {add = true} : memref<10240xf32, #tpu.memory_space<vmem>>[vector<16xi32>], vector<16xf32>,
      %get3A_112 = arith.constant 48 : index
      %get3A_113 = tpu.vector_load %arg5[%get3A_112] {strides = array<i32>} : memref<128xi32, #tpu.memory_space<vmem>>, vector<16xi32>,
      %broadcast_in_dim3A_114 = arith.constant 1.000000e+00 : f32
      %broadcast_in_dim3A_115 = vector.broadcast %broadcast_in_dim3A_114 : f32 to vector<16xf32>
      tpu.vector_store_idx %arg6[%get3A_113], %broadcast_in_dim3A_115 {add = true} : memref<10240xf32, #tpu.memory_space<vmem>>[vector<16xi32>], vector<16xf32>,
      %get3A_116 = arith.constant 64 : index
      %get3A_117 = tpu.vector_load %arg5[%get3A_116] {strides = array<i32>} : memref<128xi32, #tpu.memory_space<vmem>>, vector<16xi32>,
      %broadcast_in_dim3A_118 = arith.constant 1.000000e+00 : f32
      %broadcast_in_dim3A_119 = vector.broadcast %broadcast_in_dim3A_118 : f32 to vector<16xf32>
      tpu.vector_store_idx %arg6[%get3A_117], %broadcast_in_dim3A_119 {add = true} : memref<10240xf32, #tpu.memory_space<vmem>>[vector<16xi32>], vector<16xf32>,
      %get3A_120 = arith.constant 80 : index
      %get3A_121 = tpu.vector_load %arg5[%get3A_120] {strides = array<i32>} : memref<128xi32, #tpu.memory_space<vmem>>, vector<16xi32>,
      %broadcast_in_dim3A_122 = arith.constant 1.000000e+00 : f32
      %broadcast_in_dim3A_123 = vector.broadcast %broadcast_in_dim3A_122 : f32 to vector<16xf32>
      tpu.vector_store_idx %arg6[%get3A_121], %broadcast_in_dim3A_123 {add = true} : memref<10240xf32, #tpu.memory_space<vmem>>[vector<16xi32>], vector<16xf32>,
      %get3A_124 = arith.constant 96 : index
      %get3A_125 = tpu.vector_load %arg5[%get3A_124] {strides = array<i32>} : memref<128xi32, #tpu.memory_space<vmem>>, vector<16xi32>,
      %broadcast_in_dim3A_126 = arith.constant 1.000000e+00 : f32
      %broadcast_in_dim3A_127 = vector.broadcast %broadcast_in_dim3A_126 : f32 to vector<16xf32>
      tpu.vector_store_idx %arg6[%get3A_125], %broadcast_in_dim3A_127 {add = true} : memref<10240xf32, #tpu.memory_space<vmem>>[vector<16xi32>], vector<16xf32>,
      %get3A_128 = arith.constant 112 : index
      %get3A_129 = tpu.vector_load %arg5[%get3A_128] {strides = array<i32>} : memref<128xi32, #tpu.memory_space<vmem>>, vector<16xi32>,
      %broadcast_in_dim3A_130 = arith.constant 1.000000e+00 : f32
      %broadcast_in_dim3A_131 = vector.broadcast %broadcast_in_dim3A_130 : f32 to vector<16xf32>
      tpu.vector_store_idx %arg6[%get3A_129], %broadcast_in_dim3A_131 {add = true} : memref<10240xf32, #tpu.memory_space<vmem>>[vector<16xi32>], vector<16xf32>,
      %add3A_132 = arith.constant 2 : i32
      %add3A_133 = arith.addi %add3A_93, %add3A_132 : i32
      %min3A_134 = arith.constant 79 : i32
      %min3A_135 = arith.minsi %add3A_133, %min3A_134 : i32
      %dma_start3A_136 = arith.constant 0 : i32
      %dma_start3A_137 = tpu.memref_slice %arg2[%add3A, %min3A_135, %dma_start3A_136] : memref<32x80x128xi32, #tpu.memory_space<hbm>> -> memref<1x1x128xi32, #tpu.memory_space<hbm>>
      %dma_start3A_138 = tpu.memref_squeeze %dma_start3A_137 : memref<1x1x128xi32, #tpu.memory_space<hbm>> -> memref<128xi32, #tpu.memory_space<hbm>>
      %dma_start3A_139 = arith.constant 0 : i32
      %dma_start3A_140 = tpu.memref_slice %arg2[%add3A, %min3A_135, %dma_start3A_139] : memref<32x80x128xi32, #tpu.memory_space<hbm>> -> memref<1x1x128xi32, #tpu.memory_space<hbm>>
      %dma_start3A_141 = tpu.memref_squeeze %dma_start3A_140 : memref<1x1x128xi32, #tpu.memory_space<hbm>> -> memref<128xi32, #tpu.memory_space<hbm>>
      tpu.enqueue_dma source(%dma_start3A_141 : memref<128xi32, #tpu.memory_space<hbm>>) target(%arg5 : memref<128xi32, #tpu.memory_space<vmem>>) target_semaphore(%arg8 : memref<!tpu.dma_semaphore, #tpu.memory_space<semaphore_mem>>)
    }
    %scan3A_24 = arith.constant 40 : i32
    %dma_wait3A = arith.constant 0 : i32
    %dma_wait3A_25 = arith.constant 0 : i32
    %dma_wait3A_26 = tpu.memref_slice %arg2[%add3A, %dma_wait3A, %dma_wait3A_25] : memref<32x80x128xi32, #tpu.memory_space<hbm>> -> memref<1x1x128xi32, #tpu.memory_space<hbm>>
    %dma_wait3A_27 = tpu.memref_squeeze %dma_wait3A_26 : memref<1x1x128xi32, #tpu.memory_space<hbm>> -> memref<128xi32, #tpu.memory_space<hbm>>
    %dma_wait3A_28 = arith.constant 0 : i32
    %dma_wait3A_29 = tpu.memref_slice %arg2[%add3A, %dma_wait3A, %dma_wait3A_28] : memref<32x80x128xi32, #tpu.memory_space<hbm>> -> memref<1x1x128xi32, #tpu.memory_space<hbm>>
    %dma_wait3A_30 = tpu.memref_squeeze %dma_wait3A_29 : memref<1x1x128xi32, #tpu.memory_space<hbm>> -> memref<128xi32, #tpu.memory_space<hbm>>
    tpu.wait_dma2 semaphore(%arg7 : memref<!tpu.dma_semaphore, #tpu.memory_space<semaphore_mem>>) src(%dma_wait3A_30 : memref<128xi32, #tpu.memory_space<hbm>>) dst(%arg4 : memref<128xi32, #tpu.memory_space<vmem>>)
    %dma_wait3A_31 = arith.constant 0 : i32
    %dma_wait3A_32 = arith.constant 0 : i32
    %dma_wait3A_33 = tpu.memref_slice %arg2[%add3A, %dma_wait3A_31, %dma_wait3A_32] : memref<32x80x128xi32, #tpu.memory_space<hbm>> -> memref<1x1x128xi32, #tpu.memory_space<hbm>>
    %dma_wait3A_34 = tpu.memref_squeeze %dma_wait3A_33 : memref<1x1x128xi32, #tpu.memory_space<hbm>> -> memref<128xi32, #tpu.memory_space<hbm>>
    %dma_wait3A_35 = arith.constant 0 : i32
    %dma_wait3A_36 = tpu.memref_slice %arg2[%add3A, %dma_wait3A_31, %dma_wait3A_35] : memref<32x80x128xi32, #tpu.memory_space<hbm>> -> memref<1x1x128xi32, #tpu.memory_space<hbm>>
    %dma_wait3A_37 = tpu.memref_squeeze %dma_wait3A_36 : memref<1x1x128xi32, #tpu.memory_space<hbm>> -> memref<128xi32, #tpu.memory_space<hbm>>
    tpu.wait_dma2 semaphore(%arg8 : memref<!tpu.dma_semaphore, #tpu.memory_space<semaphore_mem>>) src(%dma_wait3A_37 : memref<128xi32, #tpu.memory_space<hbm>>) dst(%arg5 : memref<128xi32, #tpu.memory_space<vmem>>)
    %mul3A_38 = arith.constant 10240 : i32
    %mul3A_39 = arith.muli %add3A, %mul3A_38 : i32
    %multiple_of3A = tpu.assume_multiple %mul3A_39, 8 : i32
    "tpu.region"() ({
      %run_scoped3A = tpu.sem_alloc : memref<!tpu.dma_semaphore, #tpu.memory_space<semaphore_mem>>
      %dma_start3A_40 = tpu.memref_slice %arg3[%multiple_of3A] : memref<327680xf32, #tpu.memory_space<hbm>> -> memref<10240xf32, #tpu.memory_space<hbm>>
      %dma_start3A_41 = tpu.memref_slice %arg3[%multiple_of3A] : memref<327680xf32, #tpu.memory_space<hbm>> -> memref<10240xf32, #tpu.memory_space<hbm>>
      tpu.enqueue_dma source(%arg6 : memref<10240xf32, #tpu.memory_space<vmem>>) target(%dma_start3A_41 : memref<10240xf32, #tpu.memory_space<hbm>>) target_semaphore(%run_scoped3A : memref<!tpu.dma_semaphore, #tpu.memory_space<semaphore_mem>>)
      %dma_wait3A_42 = tpu.memref_slice %arg3[%multiple_of3A] : memref<327680xf32, #tpu.memory_space<hbm>> -> memref<10240xf32, #tpu.memory_space<hbm>>
      %dma_wait3A_43 = tpu.memref_slice %arg3[%multiple_of3A] : memref<327680xf32, #tpu.memory_space<hbm>> -> memref<10240xf32, #tpu.memory_space<hbm>>
      tpu.wait_dma2 semaphore(%run_scoped3A : memref<!tpu.dma_semaphore, #tpu.memory_space<semaphore_mem>>) src(%arg6 : memref<10240xf32, #tpu.memory_space<vmem>>) dst(%dma_wait3A_43 : memref<10240xf32, #tpu.memory_space<hbm>>)
      tpu.yield
    }) : () -> ()
    return
  }
}

#map = affine_map<(d0, d1) -> (0, 0)>
#map1 = affine_map<(d0, d1) -> (0, 0, 0)>
module attributes {stable_mosaic.version = 14 : i64} {
  func.func @_agg_body(%arg0: i32, %arg1: i32, %arg2: memref<10240x128xf32, #tpu.memory_space<hbm>>, %arg3: memref<32x80x128xi32, #tpu.memory_space<hbm>>, %arg4: memref<32x80x128xi32, #tpu.memory_space<hbm>>, %arg5: memref<20480x128xf32, #tpu.memory_space<hbm>>, %arg6: memref<128xi32, #tpu.memory_space<vmem>>, %arg7: memref<128xi32, #tpu.memory_space<vmem>>, %arg8: memref<80x128xi32, #tpu.memory_space<vmem>>, %arg9: memref<128x128xf32, #tpu.memory_space<vmem>>, %arg10: memref<128x128xf32, #tpu.memory_space<vmem>>, %arg11: memref<10240x128xf32, #tpu.memory_space<vmem_shared>>, %arg12: memref<!tpu.dma_semaphore, #tpu.memory_space<semaphore_mem>>, %arg13: memref<!tpu.dma_semaphore, #tpu.memory_space<semaphore_mem>>, %arg14: memref<!tpu.dma_semaphore, #tpu.memory_space<semaphore_mem>>, %arg15: memref<!tpu.dma_semaphore, #tpu.memory_space<semaphore_mem>>) attributes {dimension_semantics = [#tpu.dimension_semantics<core_parallel>, #tpu.dimension_semantics<subcore_parallel>], iteration_bounds = array<i64: 2, 16>, scalar_prefetch = 0 : i64, scratch_operands = 10 : i64, tpu.core_type = #tpu.core_type<sc_vector_subcore>, window_params = [{transform_indices = #map}, {transform_indices = #map1}, {transform_indices = #map1}, {transform_indices = #map}]} {
    %mul3A = arith.constant 2 : i32
    %mul3A_0 = arith.muli %arg1, %mul3A : i32
    %add3A = arith.addi %mul3A_0, %arg0 : i32
    "tpu.region"() ({
      %run_scoped3A_231 = tpu.sem_alloc : memref<!tpu.dma_semaphore, #tpu.memory_space<semaphore_mem>>
      %dma_start3A_232 = arith.constant 0 : i32
      %dma_start3A_233 = arith.constant 0 : i32
      %dma_start3A_234 = tpu.memref_slice %arg4[%add3A, %dma_start3A_232, %dma_start3A_233] : memref<32x80x128xi32, #tpu.memory_space<hbm>> -> memref<1x80x128xi32, #tpu.memory_space<hbm>>
      %dma_start3A_235 = tpu.memref_squeeze %dma_start3A_234 : memref<1x80x128xi32, #tpu.memory_space<hbm>> -> memref<80x128xi32, #tpu.memory_space<hbm>>
      %dma_start3A_236 = arith.constant 0 : i32
      %dma_start3A_237 = arith.constant 0 : i32
      %dma_start3A_238 = tpu.memref_slice %arg4[%add3A, %dma_start3A_236, %dma_start3A_237] : memref<32x80x128xi32, #tpu.memory_space<hbm>> -> memref<1x80x128xi32, #tpu.memory_space<hbm>>
      %dma_start3A_239 = tpu.memref_squeeze %dma_start3A_238 : memref<1x80x128xi32, #tpu.memory_space<hbm>> -> memref<80x128xi32, #tpu.memory_space<hbm>>
      tpu.enqueue_dma source(%dma_start3A_239 : memref<80x128xi32, #tpu.memory_space<hbm>>) target(%arg8 : memref<80x128xi32, #tpu.memory_space<vmem>>) target_semaphore(%run_scoped3A_231 : memref<!tpu.dma_semaphore, #tpu.memory_space<semaphore_mem>>)
      %dma_wait3A_240 = arith.constant 0 : i32
      %dma_wait3A_241 = arith.constant 0 : i32
      %dma_wait3A_242 = tpu.memref_slice %arg4[%add3A, %dma_wait3A_240, %dma_wait3A_241] : memref<32x80x128xi32, #tpu.memory_space<hbm>> -> memref<1x80x128xi32, #tpu.memory_space<hbm>>
      %dma_wait3A_243 = tpu.memref_squeeze %dma_wait3A_242 : memref<1x80x128xi32, #tpu.memory_space<hbm>> -> memref<80x128xi32, #tpu.memory_space<hbm>>
      %dma_wait3A_244 = arith.constant 0 : i32
      %dma_wait3A_245 = arith.constant 0 : i32
      %dma_wait3A_246 = tpu.memref_slice %arg4[%add3A, %dma_wait3A_244, %dma_wait3A_245] : memref<32x80x128xi32, #tpu.memory_space<hbm>> -> memref<1x80x128xi32, #tpu.memory_space<hbm>>
      %dma_wait3A_247 = tpu.memref_squeeze %dma_wait3A_246 : memref<1x80x128xi32, #tpu.memory_space<hbm>> -> memref<80x128xi32, #tpu.memory_space<hbm>>
      tpu.wait_dma2 semaphore(%run_scoped3A_231 : memref<!tpu.dma_semaphore, #tpu.memory_space<semaphore_mem>>) src(%dma_wait3A_247 : memref<80x128xi32, #tpu.memory_space<hbm>>) dst(%arg8 : memref<80x128xi32, #tpu.memory_space<vmem>>)
      tpu.yield
    }) : () -> ()
    %scan3A = arith.constant 0 : i32
    %scan3A_1 = arith.constant 0 : i32
    %scan3A_2 = arith.constant 128 : i32
    %scan3A_3 = arith.addi %scan3A_1, %scan3A_2 : i32
    %scan3A_4 = arith.constant 1 : i32
    scf.for %scan3A_231 = %scan3A_1 to %scan3A_3 step %scan3A_4  : i32 {
      %broadcast_in_dim3A = arith.constant 0.000000e+00 : f32
      %broadcast_in_dim3A_232 = vector.broadcast %broadcast_in_dim3A : f32 to vector<16xf32>
      %swap3A = arith.index_cast %scan3A_231 : i32 to index
      %swap3A_233 = arith.constant 0 : index
      %swap3A_234 = tpu.vector_load %arg9[%swap3A, %swap3A_233] {strides = array<i32>} : memref<128x128xf32, #tpu.memory_space<vmem>>, vector<16xf32>,
      tpu.vector_store %arg9[%swap3A, %swap3A_233], %broadcast_in_dim3A_232 {strides = array<i32>} : memref<128x128xf32, #tpu.memory_space<vmem>>, vector<16xf32>,
      %broadcast_in_dim3A_235 = arith.constant 0.000000e+00 : f32
      %broadcast_in_dim3A_236 = vector.broadcast %broadcast_in_dim3A_235 : f32 to vector<16xf32>
      %swap3A_237 = arith.index_cast %scan3A_231 : i32 to index
      %swap3A_238 = arith.constant 16 : index
      %swap3A_239 = tpu.vector_load %arg9[%swap3A_237, %swap3A_238] {strides = array<i32>} : memref<128x128xf32, #tpu.memory_space<vmem>>, vector<16xf32>,
      tpu.vector_store %arg9[%swap3A_237, %swap3A_238], %broadcast_in_dim3A_236 {strides = array<i32>} : memref<128x128xf32, #tpu.memory_space<vmem>>, vector<16xf32>,
      %broadcast_in_dim3A_240 = arith.constant 0.000000e+00 : f32
      %broadcast_in_dim3A_241 = vector.broadcast %broadcast_in_dim3A_240 : f32 to vector<16xf32>
      %swap3A_242 = arith.index_cast %scan3A_231 : i32 to index
      %swap3A_243 = arith.constant 32 : index
      %swap3A_244 = tpu.vector_load %arg9[%swap3A_242, %swap3A_243] {strides = array<i32>} : memref<128x128xf32, #tpu.memory_space<vmem>>, vector<16xf32>,
      tpu.vector_store %arg9[%swap3A_242, %swap3A_243], %broadcast_in_dim3A_241 {strides = array<i32>} : memref<128x128xf32, #tpu.memory_space<vmem>>, vector<16xf32>,
      %broadcast_in_dim3A_245 = arith.constant 0.000000e+00 : f32
      %broadcast_in_dim3A_246 = vector.broadcast %broadcast_in_dim3A_245 : f32 to vector<16xf32>
      %swap3A_247 = arith.index_cast %scan3A_231 : i32 to index
      %swap3A_248 = arith.constant 48 : index
      %swap3A_249 = tpu.vector_load %arg9[%swap3A_247, %swap3A_248] {strides = array<i32>} : memref<128x128xf32, #tpu.memory_space<vmem>>, vector<16xf32>,
      tpu.vector_store %arg9[%swap3A_247, %swap3A_248], %broadcast_in_dim3A_246 {strides = array<i32>} : memref<128x128xf32, #tpu.memory_space<vmem>>, vector<16xf32>,
      %broadcast_in_dim3A_250 = arith.constant 0.000000e+00 : f32
      %broadcast_in_dim3A_251 = vector.broadcast %broadcast_in_dim3A_250 : f32 to vector<16xf32>
      %swap3A_252 = arith.index_cast %scan3A_231 : i32 to index
      %swap3A_253 = arith.constant 64 : index
      %swap3A_254 = tpu.vector_load %arg9[%swap3A_252, %swap3A_253] {strides = array<i32>} : memref<128x128xf32, #tpu.memory_space<vmem>>, vector<16xf32>,
      tpu.vector_store %arg9[%swap3A_252, %swap3A_253], %broadcast_in_dim3A_251 {strides = array<i32>} : memref<128x128xf32, #tpu.memory_space<vmem>>, vector<16xf32>,
      %broadcast_in_dim3A_255 = arith.constant 0.000000e+00 : f32
      %broadcast_in_dim3A_256 = vector.broadcast %broadcast_in_dim3A_255 : f32 to vector<16xf32>
      %swap3A_257 = arith.index_cast %scan3A_231 : i32 to index
      %swap3A_258 = arith.constant 80 : index
      %swap3A_259 = tpu.vector_load %arg9[%swap3A_257, %swap3A_258] {strides = array<i32>} : memref<128x128xf32, #tpu.memory_space<vmem>>, vector<16xf32>,
      tpu.vector_store %arg9[%swap3A_257, %swap3A_258], %broadcast_in_dim3A_256 {strides = array<i32>} : memref<128x128xf32, #tpu.memory_space<vmem>>, vector<16xf32>,
      %broadcast_in_dim3A_260 = arith.constant 0.000000e+00 : f32
      %broadcast_in_dim3A_261 = vector.broadcast %broadcast_in_dim3A_260 : f32 to vector<16xf32>
      %swap3A_262 = arith.index_cast %scan3A_231 : i32 to index
      %swap3A_263 = arith.constant 96 : index
      %swap3A_264 = tpu.vector_load %arg9[%swap3A_262, %swap3A_263] {strides = array<i32>} : memref<128x128xf32, #tpu.memory_space<vmem>>, vector<16xf32>,
      tpu.vector_store %arg9[%swap3A_262, %swap3A_263], %broadcast_in_dim3A_261 {strides = array<i32>} : memref<128x128xf32, #tpu.memory_space<vmem>>, vector<16xf32>,
      %broadcast_in_dim3A_265 = arith.constant 0.000000e+00 : f32
      %broadcast_in_dim3A_266 = vector.broadcast %broadcast_in_dim3A_265 : f32 to vector<16xf32>
      %swap3A_267 = arith.index_cast %scan3A_231 : i32 to index
      %swap3A_268 = arith.constant 112 : index
      %swap3A_269 = tpu.vector_load %arg9[%swap3A_267, %swap3A_268] {strides = array<i32>} : memref<128x128xf32, #tpu.memory_space<vmem>>, vector<16xf32>,
      tpu.vector_store %arg9[%swap3A_267, %swap3A_268], %broadcast_in_dim3A_266 {strides = array<i32>} : memref<128x128xf32, #tpu.memory_space<vmem>>, vector<16xf32>,
    }
    %scan3A_5 = arith.constant 128 : i32
    %mul3A_6 = arith.constant 640 : i32
    %mul3A_7 = arith.muli %arg1, %mul3A_6 : i32
    %add3A_8 = arith.constant 0 : i32
    %add3A_9 = arith.addi %mul3A_7, %add3A_8 : i32
    %multiple_of3A = tpu.assume_multiple %add3A_9, 8 : i32
    %dma_start3A = arith.constant 0 : i32
    %dma_start3A_10 = tpu.memref_slice %arg11[%multiple_of3A, %dma_start3A] : memref<10240x128xf32, #tpu.memory_space<vmem_shared>> -> memref<128x128xf32, #tpu.memory_space<vmem_shared>>
    %dma_start3A_11 = arith.constant 0 : i32
    %dma_start3A_12 = tpu.memref_slice %arg11[%multiple_of3A, %dma_start3A_11] : memref<10240x128xf32, #tpu.memory_space<vmem_shared>> -> memref<128x128xf32, #tpu.memory_space<vmem_shared>>
    tpu.enqueue_dma source(%arg9 : memref<128x128xf32, #tpu.memory_space<vmem>>) target(%dma_start3A_12 : memref<128x128xf32, #tpu.memory_space<vmem_shared>>) target_semaphore(%arg13 : memref<!tpu.dma_semaphore, #tpu.memory_space<semaphore_mem>>)
    %mul3A_13 = arith.constant 640 : i32
    %mul3A_14 = arith.muli %arg1, %mul3A_13 : i32
    %add3A_15 = arith.constant 128 : i32
    %add3A_16 = arith.addi %mul3A_14, %add3A_15 : i32
    %multiple_of3A_17 = tpu.assume_multiple %add3A_16, 8 : i32
    %dma_start3A_18 = arith.constant 0 : i32
    %dma_start3A_19 = tpu.memref_slice %arg11[%multiple_of3A_17, %dma_start3A_18] : memref<10240x128xf32, #tpu.memory_space<vmem_shared>> -> memref<128x128xf32, #tpu.memory_space<vmem_shared>>
    %dma_start3A_20 = arith.constant 0 : i32
    %dma_start3A_21 = tpu.memref_slice %arg11[%multiple_of3A_17, %dma_start3A_20] : memref<10240x128xf32, #tpu.memory_space<vmem_shared>> -> memref<128x128xf32, #tpu.memory_space<vmem_shared>>
    tpu.enqueue_dma source(%arg9 : memref<128x128xf32, #tpu.memory_space<vmem>>) target(%dma_start3A_21 : memref<128x128xf32, #tpu.memory_space<vmem_shared>>) target_semaphore(%arg13 : memref<!tpu.dma_semaphore, #tpu.memory_space<semaphore_mem>>)
    %mul3A_22 = arith.constant 640 : i32
    %mul3A_23 = arith.muli %arg1, %mul3A_22 : i32
    %add3A_24 = arith.constant 256 : i32
    %add3A_25 = arith.addi %mul3A_23, %add3A_24 : i32
    %multiple_of3A_26 = tpu.assume_multiple %add3A_25, 8 : i32
    %dma_start3A_27 = arith.constant 0 : i32
    %dma_start3A_28 = tpu.memref_slice %arg11[%multiple_of3A_26, %dma_start3A_27] : memref<10240x128xf32, #tpu.memory_space<vmem_shared>> -> memref<128x128xf32, #tpu.memory_space<vmem_shared>>
    %dma_start3A_29 = arith.constant 0 : i32
    %dma_start3A_30 = tpu.memref_slice %arg11[%multiple_of3A_26, %dma_start3A_29] : memref<10240x128xf32, #tpu.memory_space<vmem_shared>> -> memref<128x128xf32, #tpu.memory_space<vmem_shared>>
    tpu.enqueue_dma source(%arg9 : memref<128x128xf32, #tpu.memory_space<vmem>>) target(%dma_start3A_30 : memref<128x128xf32, #tpu.memory_space<vmem_shared>>) target_semaphore(%arg13 : memref<!tpu.dma_semaphore, #tpu.memory_space<semaphore_mem>>)
    %mul3A_31 = arith.constant 640 : i32
    %mul3A_32 = arith.muli %arg1, %mul3A_31 : i32
    %add3A_33 = arith.constant 384 : i32
    %add3A_34 = arith.addi %mul3A_32, %add3A_33 : i32
    %multiple_of3A_35 = tpu.assume_multiple %add3A_34, 8 : i32
    %dma_start3A_36 = arith.constant 0 : i32
    %dma_start3A_37 = tpu.memref_slice %arg11[%multiple_of3A_35, %dma_start3A_36] : memref<10240x128xf32, #tpu.memory_space<vmem_shared>> -> memref<128x128xf32, #tpu.memory_space<vmem_shared>>
    %dma_start3A_38 = arith.constant 0 : i32
    %dma_start3A_39 = tpu.memref_slice %arg11[%multiple_of3A_35, %dma_start3A_38] : memref<10240x128xf32, #tpu.memory_space<vmem_shared>> -> memref<128x128xf32, #tpu.memory_space<vmem_shared>>
    tpu.enqueue_dma source(%arg9 : memref<128x128xf32, #tpu.memory_space<vmem>>) target(%dma_start3A_39 : memref<128x128xf32, #tpu.memory_space<vmem_shared>>) target_semaphore(%arg13 : memref<!tpu.dma_semaphore, #tpu.memory_space<semaphore_mem>>)
    %mul3A_40 = arith.constant 640 : i32
    %mul3A_41 = arith.muli %arg1, %mul3A_40 : i32
    %add3A_42 = arith.constant 512 : i32
    %add3A_43 = arith.addi %mul3A_41, %add3A_42 : i32
    %multiple_of3A_44 = tpu.assume_multiple %add3A_43, 8 : i32
    %dma_start3A_45 = arith.constant 0 : i32
    %dma_start3A_46 = tpu.memref_slice %arg11[%multiple_of3A_44, %dma_start3A_45] : memref<10240x128xf32, #tpu.memory_space<vmem_shared>> -> memref<128x128xf32, #tpu.memory_space<vmem_shared>>
    %dma_start3A_47 = arith.constant 0 : i32
    %dma_start3A_48 = tpu.memref_slice %arg11[%multiple_of3A_44, %dma_start3A_47] : memref<10240x128xf32, #tpu.memory_space<vmem_shared>> -> memref<128x128xf32, #tpu.memory_space<vmem_shared>>
    tpu.enqueue_dma source(%arg9 : memref<128x128xf32, #tpu.memory_space<vmem>>) target(%dma_start3A_48 : memref<128x128xf32, #tpu.memory_space<vmem_shared>>) target_semaphore(%arg13 : memref<!tpu.dma_semaphore, #tpu.memory_space<semaphore_mem>>)
    %mul3A_49 = arith.constant 640 : i32
    %mul3A_50 = arith.muli %arg1, %mul3A_49 : i32
    %multiple_of3A_51 = tpu.assume_multiple %mul3A_50, 8 : i32
    %dma_wait3A = arith.constant 0 : i32
    %dma_wait3A_52 = tpu.memref_slice %arg11[%multiple_of3A_51, %dma_wait3A] : memref<10240x128xf32, #tpu.memory_space<vmem_shared>> -> memref<128x128xf32, #tpu.memory_space<vmem_shared>>
    %dma_wait3A_53 = arith.constant 0 : i32
    %dma_wait3A_54 = tpu.memref_slice %arg11[%multiple_of3A_51, %dma_wait3A_53] : memref<10240x128xf32, #tpu.memory_space<vmem_shared>> -> memref<128x128xf32, #tpu.memory_space<vmem_shared>>
    tpu.wait_dma2 semaphore(%arg13 : memref<!tpu.dma_semaphore, #tpu.memory_space<semaphore_mem>>) src(%arg9 : memref<128x128xf32, #tpu.memory_space<vmem>>) dst(%dma_wait3A_54 : memref<128x128xf32, #tpu.memory_space<vmem_shared>>)
    %mul3A_55 = arith.constant 640 : i32
    %mul3A_56 = arith.muli %arg1, %mul3A_55 : i32
    %multiple_of3A_57 = tpu.assume_multiple %mul3A_56, 8 : i32
    %dma_wait3A_58 = arith.constant 0 : i32
    %dma_wait3A_59 = tpu.memref_slice %arg11[%multiple_of3A_57, %dma_wait3A_58] : memref<10240x128xf32, #tpu.memory_space<vmem_shared>> -> memref<128x128xf32, #tpu.memory_space<vmem_shared>>
    %dma_wait3A_60 = arith.constant 0 : i32
    %dma_wait3A_61 = tpu.memref_slice %arg11[%multiple_of3A_57, %dma_wait3A_60] : memref<10240x128xf32, #tpu.memory_space<vmem_shared>> -> memref<128x128xf32, #tpu.memory_space<vmem_shared>>
    tpu.wait_dma2 semaphore(%arg13 : memref<!tpu.dma_semaphore, #tpu.memory_space<semaphore_mem>>) src(%arg9 : memref<128x128xf32, #tpu.memory_space<vmem>>) dst(%dma_wait3A_61 : memref<128x128xf32, #tpu.memory_space<vmem_shared>>)
    %mul3A_62 = arith.constant 640 : i32
    %mul3A_63 = arith.muli %arg1, %mul3A_62 : i32
    %multiple_of3A_64 = tpu.assume_multiple %mul3A_63, 8 : i32
    %dma_wait3A_65 = arith.constant 0 : i32
    %dma_wait3A_66 = tpu.memref_slice %arg11[%multiple_of3A_64, %dma_wait3A_65] : memref<10240x128xf32, #tpu.memory_space<vmem_shared>> -> memref<128x128xf32, #tpu.memory_space<vmem_shared>>
    %dma_wait3A_67 = arith.constant 0 : i32
    %dma_wait3A_68 = tpu.memref_slice %arg11[%multiple_of3A_64, %dma_wait3A_67] : memref<10240x128xf32, #tpu.memory_space<vmem_shared>> -> memref<128x128xf32, #tpu.memory_space<vmem_shared>>
    tpu.wait_dma2 semaphore(%arg13 : memref<!tpu.dma_semaphore, #tpu.memory_space<semaphore_mem>>) src(%arg9 : memref<128x128xf32, #tpu.memory_space<vmem>>) dst(%dma_wait3A_68 : memref<128x128xf32, #tpu.memory_space<vmem_shared>>)
    %mul3A_69 = arith.constant 640 : i32
    %mul3A_70 = arith.muli %arg1, %mul3A_69 : i32
    %multiple_of3A_71 = tpu.assume_multiple %mul3A_70, 8 : i32
    %dma_wait3A_72 = arith.constant 0 : i32
    %dma_wait3A_73 = tpu.memref_slice %arg11[%multiple_of3A_71, %dma_wait3A_72] : memref<10240x128xf32, #tpu.memory_space<vmem_shared>> -> memref<128x128xf32, #tpu.memory_space<vmem_shared>>
    %dma_wait3A_74 = arith.constant 0 : i32
    %dma_wait3A_75 = tpu.memref_slice %arg11[%multiple_of3A_71, %dma_wait3A_74] : memref<10240x128xf32, #tpu.memory_space<vmem_shared>> -> memref<128x128xf32, #tpu.memory_space<vmem_shared>>
    tpu.wait_dma2 semaphore(%arg13 : memref<!tpu.dma_semaphore, #tpu.memory_space<semaphore_mem>>) src(%arg9 : memref<128x128xf32, #tpu.memory_space<vmem>>) dst(%dma_wait3A_75 : memref<128x128xf32, #tpu.memory_space<vmem_shared>>)
    %mul3A_76 = arith.constant 640 : i32
    %mul3A_77 = arith.muli %arg1, %mul3A_76 : i32
    %multiple_of3A_78 = tpu.assume_multiple %mul3A_77, 8 : i32
    %dma_wait3A_79 = arith.constant 0 : i32
    %dma_wait3A_80 = tpu.memref_slice %arg11[%multiple_of3A_78, %dma_wait3A_79] : memref<10240x128xf32, #tpu.memory_space<vmem_shared>> -> memref<128x128xf32, #tpu.memory_space<vmem_shared>>
    %dma_wait3A_81 = arith.constant 0 : i32
    %dma_wait3A_82 = tpu.memref_slice %arg11[%multiple_of3A_78, %dma_wait3A_81] : memref<10240x128xf32, #tpu.memory_space<vmem_shared>> -> memref<128x128xf32, #tpu.memory_space<vmem_shared>>
    tpu.wait_dma2 semaphore(%arg13 : memref<!tpu.dma_semaphore, #tpu.memory_space<semaphore_mem>>) src(%arg9 : memref<128x128xf32, #tpu.memory_space<vmem>>) dst(%dma_wait3A_82 : memref<128x128xf32, #tpu.memory_space<vmem_shared>>)
    %barrier3A = arith.constant 0 : index
    tpu.barrier barrier_id(%barrier3A)
    %run_scoped3A = arith.constant 0 : i32
    "tpu.region"() ({
      %run_scoped3A_231 = tpu.sem_alloc : memref<!tpu.dma_semaphore, #tpu.memory_space<semaphore_mem>>
      %dma_start3A_232 = arith.constant 0 : i32
      %dma_start3A_233 = tpu.memref_slice %arg3[%add3A, %run_scoped3A, %dma_start3A_232] : memref<32x80x128xi32, #tpu.memory_space<hbm>> -> memref<1x1x128xi32, #tpu.memory_space<hbm>>
      %dma_start3A_234 = tpu.memref_squeeze %dma_start3A_233 : memref<1x1x128xi32, #tpu.memory_space<hbm>> -> memref<128xi32, #tpu.memory_space<hbm>>
      %dma_start3A_235 = arith.constant 0 : i32
      %dma_start3A_236 = tpu.memref_slice %arg3[%add3A, %run_scoped3A, %dma_start3A_235] : memref<32x80x128xi32, #tpu.memory_space<hbm>> -> memref<1x1x128xi32, #tpu.memory_space<hbm>>
      %dma_start3A_237 = tpu.memref_squeeze %dma_start3A_236 : memref<1x1x128xi32, #tpu.memory_space<hbm>> -> memref<128xi32, #tpu.memory_space<hbm>>
      tpu.enqueue_dma source(%dma_start3A_237 : memref<128xi32, #tpu.memory_space<hbm>>) target(%arg6 : memref<128xi32, #tpu.memory_space<vmem>>) target_semaphore(%run_scoped3A_231 : memref<!tpu.dma_semaphore, #tpu.memory_space<semaphore_mem>>)
      %dma_wait3A_238 = arith.constant 0 : i32
      %dma_wait3A_239 = tpu.memref_slice %arg3[%add3A, %run_scoped3A, %dma_wait3A_238] : memref<32x80x128xi32, #tpu.memory_space<hbm>> -> memref<1x1x128xi32, #tpu.memory_space<hbm>>
      %dma_wait3A_240 = tpu.memref_squeeze %dma_wait3A_239 : memref<1x1x128xi32, #tpu.memory_space<hbm>> -> memref<128xi32, #tpu.memory_space<hbm>>
      %dma_wait3A_241 = arith.constant 0 : i32
      %dma_wait3A_242 = tpu.memref_slice %arg3[%add3A, %run_scoped3A, %dma_wait3A_241] : memref<32x80x128xi32, #tpu.memory_space<hbm>> -> memref<1x1x128xi32, #tpu.memory_space<hbm>>
      %dma_wait3A_243 = tpu.memref_squeeze %dma_wait3A_242 : memref<1x1x128xi32, #tpu.memory_space<hbm>> -> memref<128xi32, #tpu.memory_space<hbm>>
      tpu.wait_dma2 semaphore(%run_scoped3A_231 : memref<!tpu.dma_semaphore, #tpu.memory_space<semaphore_mem>>) src(%dma_wait3A_243 : memref<128xi32, #tpu.memory_space<hbm>>) dst(%arg6 : memref<128xi32, #tpu.memory_space<vmem>>)
      tpu.yield
    }) : () -> ()
    %dma_start3A_83 = arith.constant 0 : i32
    %dma_start3A_84 = arith.constant 0 : i32
    %dma_start3A_85 = tpu.memref_slice %arg2[%dma_start3A_83, %dma_start3A_84] : memref<10240x128xf32, #tpu.memory_space<hbm>> -> memref<10240x128xf32, #tpu.memory_space<hbm>>
    tpu.enqueue_indirect_dma source(%dma_start3A_85 : memref<10240x128xf32, #tpu.memory_space<hbm>>) target(%arg9 : memref<128x128xf32, #tpu.memory_space<vmem>>) offsets(%arg6 : memref<128xi32, #tpu.memory_space<vmem>>) semaphore(%arg12 : memref<!tpu.dma_semaphore, #tpu.memory_space<semaphore_mem>>)
    %dma_start3A_86 = arith.constant 1 : i32
    %dma_start3A_87 = arith.constant 0 : i32
    %dma_start3A_88 = tpu.memref_slice %arg3[%add3A, %dma_start3A_86, %dma_start3A_87] : memref<32x80x128xi32, #tpu.memory_space<hbm>> -> memref<1x1x128xi32, #tpu.memory_space<hbm>>
    %dma_start3A_89 = tpu.memref_squeeze %dma_start3A_88 : memref<1x1x128xi32, #tpu.memory_space<hbm>> -> memref<128xi32, #tpu.memory_space<hbm>>
    %dma_start3A_90 = arith.constant 0 : i32
    %dma_start3A_91 = tpu.memref_slice %arg3[%add3A, %dma_start3A_86, %dma_start3A_90] : memref<32x80x128xi32, #tpu.memory_space<hbm>> -> memref<1x1x128xi32, #tpu.memory_space<hbm>>
    %dma_start3A_92 = tpu.memref_squeeze %dma_start3A_91 : memref<1x1x128xi32, #tpu.memory_space<hbm>> -> memref<128xi32, #tpu.memory_space<hbm>>
    tpu.enqueue_dma source(%dma_start3A_92 : memref<128xi32, #tpu.memory_space<hbm>>) target(%arg7 : memref<128xi32, #tpu.memory_space<vmem>>) target_semaphore(%arg15 : memref<!tpu.dma_semaphore, #tpu.memory_space<semaphore_mem>>)
    %scan3A_93 = arith.constant 0 : i32
    %scan3A_94 = arith.constant 0 : i32
    %scan3A_95 = arith.constant 40 : i32
    %scan3A_96 = arith.addi %scan3A_94, %scan3A_95 : i32
    %scan3A_97 = arith.constant 1 : i32
    scf.for %scan3A_231 = %scan3A_94 to %scan3A_96 step %scan3A_97  : i32 {
      %mul3A_232 = arith.constant 2 : i32
      %mul3A_233 = arith.muli %scan3A_231, %mul3A_232 : i32
      %add3A_234 = arith.constant 0 : i32
      %add3A_235 = arith.addi %mul3A_233, %add3A_234 : i32
      %dma_wait3A_236 = arith.constant 0 : i32
      %dma_wait3A_237 = tpu.memref_slice %arg3[%add3A, %add3A_235, %dma_wait3A_236] : memref<32x80x128xi32, #tpu.memory_space<hbm>> -> memref<1x1x128xi32, #tpu.memory_space<hbm>>
      %dma_wait3A_238 = tpu.memref_squeeze %dma_wait3A_237 : memref<1x1x128xi32, #tpu.memory_space<hbm>> -> memref<128xi32, #tpu.memory_space<hbm>>
      %dma_wait3A_239 = arith.constant 0 : i32
      %dma_wait3A_240 = tpu.memref_slice %arg3[%add3A, %add3A_235, %dma_wait3A_239] : memref<32x80x128xi32, #tpu.memory_space<hbm>> -> memref<1x1x128xi32, #tpu.memory_space<hbm>>
      %dma_wait3A_241 = tpu.memref_squeeze %dma_wait3A_240 : memref<1x1x128xi32, #tpu.memory_space<hbm>> -> memref<128xi32, #tpu.memory_space<hbm>>
      tpu.wait_dma2 semaphore(%arg15 : memref<!tpu.dma_semaphore, #tpu.memory_space<semaphore_mem>>) src(%dma_wait3A_241 : memref<128xi32, #tpu.memory_space<hbm>>) dst(%arg7 : memref<128xi32, #tpu.memory_space<vmem>>)
      %dma_start3A_242 = arith.constant 0 : i32
      %dma_start3A_243 = arith.constant 0 : i32
      %dma_start3A_244 = tpu.memref_slice %arg2[%dma_start3A_242, %dma_start3A_243] : memref<10240x128xf32, #tpu.memory_space<hbm>> -> memref<10240x128xf32, #tpu.memory_space<hbm>>
      tpu.enqueue_indirect_dma source(%dma_start3A_244 : memref<10240x128xf32, #tpu.memory_space<hbm>>) target(%arg10 : memref<128x128xf32, #tpu.memory_space<vmem>>) offsets(%arg7 : memref<128xi32, #tpu.memory_space<vmem>>) semaphore(%arg13 : memref<!tpu.dma_semaphore, #tpu.memory_space<semaphore_mem>>)
      %dma_wait3A_245 = arith.constant 0 : i32
      %dma_wait3A_246 = arith.constant 0 : i32
      %dma_wait3A_247 = tpu.memref_slice %arg2[%dma_wait3A_245, %dma_wait3A_246] : memref<10240x128xf32, #tpu.memory_space<hbm>> -> memref<10240x128xf32, #tpu.memory_space<hbm>>
      tpu.wait_indirect_dma semaphore(%arg12 : memref<!tpu.dma_semaphore, #tpu.memory_space<semaphore_mem>>) src(%dma_wait3A_247 : memref<10240x128xf32, #tpu.memory_space<hbm>>) dst(%arg9 : memref<128x128xf32, #tpu.memory_space<vmem>>)
      "tpu.region"() ({
        %run_scoped3A_283 = tpu.sem_alloc : memref<!tpu.dma_semaphore, #tpu.memory_space<semaphore_mem>>
        %dma_start3A_284 = arith.constant 0 : i32
        %dma_start3A_285 = tpu.memref_slice %arg8[%add3A_235, %dma_start3A_284] : memref<80x128xi32, #tpu.memory_space<vmem>> -> memref<1x128xi32, #tpu.memory_space<vmem>>
        %dma_start3A_286 = tpu.memref_squeeze %dma_start3A_285 : memref<1x128xi32, #tpu.memory_space<vmem>> -> memref<128xi32, #tpu.memory_space<vmem>>
        %dma_start3A_287 = arith.constant 0 : i32
        %dma_start3A_288 = arith.constant 0 : i32
        %dma_start3A_289 = tpu.memref_slice %arg11[%dma_start3A_287, %dma_start3A_288] : memref<10240x128xf32, #tpu.memory_space<vmem_shared>> -> memref<10240x128xf32, #tpu.memory_space<vmem_shared>>
        tpu.enqueue_indirect_dma source(%arg9 : memref<128x128xf32, #tpu.memory_space<vmem>>) target(%dma_start3A_289 : memref<10240x128xf32, #tpu.memory_space<vmem_shared>>) offsets(%dma_start3A_286 : memref<128xi32, #tpu.memory_space<vmem>>) semaphore(%run_scoped3A_283 : memref<!tpu.dma_semaphore, #tpu.memory_space<semaphore_mem>>) {add = true}
        %dma_wait3A_290 = arith.constant 0 : i32
        %dma_wait3A_291 = tpu.memref_slice %arg8[%add3A_235, %dma_wait3A_290] : memref<80x128xi32, #tpu.memory_space<vmem>> -> memref<1x128xi32, #tpu.memory_space<vmem>>
        %dma_wait3A_292 = tpu.memref_squeeze %dma_wait3A_291 : memref<1x128xi32, #tpu.memory_space<vmem>> -> memref<128xi32, #tpu.memory_space<vmem>>
        %dma_wait3A_293 = arith.constant 0 : i32
        %dma_wait3A_294 = arith.constant 0 : i32
        %dma_wait3A_295 = tpu.memref_slice %arg11[%dma_wait3A_293, %dma_wait3A_294] : memref<10240x128xf32, #tpu.memory_space<vmem_shared>> -> memref<10240x128xf32, #tpu.memory_space<vmem_shared>>
        tpu.wait_indirect_dma semaphore(%run_scoped3A_283 : memref<!tpu.dma_semaphore, #tpu.memory_space<semaphore_mem>>) src(%arg9 : memref<128x128xf32, #tpu.memory_space<vmem>>) dst(%dma_wait3A_295 : memref<10240x128xf32, #tpu.memory_space<vmem_shared>>)
        tpu.yield
      }) : () -> ()
      %add3A_248 = arith.constant 2 : i32
      %add3A_249 = arith.addi %add3A_235, %add3A_248 : i32
      %min3A = arith.constant 79 : i32
      %min3A_250 = arith.minsi %add3A_249, %min3A : i32
      %dma_start3A_251 = arith.constant 0 : i32
      %dma_start3A_252 = tpu.memref_slice %arg3[%add3A, %min3A_250, %dma_start3A_251] : memref<32x80x128xi32, #tpu.memory_space<hbm>> -> memref<1x1x128xi32, #tpu.memory_space<hbm>>
      %dma_start3A_253 = tpu.memref_squeeze %dma_start3A_252 : memref<1x1x128xi32, #tpu.memory_space<hbm>> -> memref<128xi32, #tpu.memory_space<hbm>>
      %dma_start3A_254 = arith.constant 0 : i32
      %dma_start3A_255 = tpu.memref_slice %arg3[%add3A, %min3A_250, %dma_start3A_254] : memref<32x80x128xi32, #tpu.memory_space<hbm>> -> memref<1x1x128xi32, #tpu.memory_space<hbm>>
      %dma_start3A_256 = tpu.memref_squeeze %dma_start3A_255 : memref<1x1x128xi32, #tpu.memory_space<hbm>> -> memref<128xi32, #tpu.memory_space<hbm>>
      tpu.enqueue_dma source(%dma_start3A_256 : memref<128xi32, #tpu.memory_space<hbm>>) target(%arg6 : memref<128xi32, #tpu.memory_space<vmem>>) target_semaphore(%arg14 : memref<!tpu.dma_semaphore, #tpu.memory_space<semaphore_mem>>)
      %mul3A_257 = arith.constant 2 : i32
      %mul3A_258 = arith.muli %scan3A_231, %mul3A_257 : i32
      %add3A_259 = arith.constant 1 : i32
      %add3A_260 = arith.addi %mul3A_258, %add3A_259 : i32
      %dma_wait3A_261 = arith.constant 0 : i32
      %dma_wait3A_262 = tpu.memref_slice %arg3[%add3A, %add3A_260, %dma_wait3A_261] : memref<32x80x128xi32, #tpu.memory_space<hbm>> -> memref<1x1x128xi32, #tpu.memory_space<hbm>>
      %dma_wait3A_263 = tpu.memref_squeeze %dma_wait3A_262 : memref<1x1x128xi32, #tpu.memory_space<hbm>> -> memref<128xi32, #tpu.memory_space<hbm>>
      %dma_wait3A_264 = arith.constant 0 : i32
      %dma_wait3A_265 = tpu.memref_slice %arg3[%add3A, %add3A_260, %dma_wait3A_264] : memref<32x80x128xi32, #tpu.memory_space<hbm>> -> memref<1x1x128xi32, #tpu.memory_space<hbm>>
      %dma_wait3A_266 = tpu.memref_squeeze %dma_wait3A_265 : memref<1x1x128xi32, #tpu.memory_space<hbm>> -> memref<128xi32, #tpu.memory_space<hbm>>
      tpu.wait_dma2 semaphore(%arg14 : memref<!tpu.dma_semaphore, #tpu.memory_space<semaphore_mem>>) src(%dma_wait3A_266 : memref<128xi32, #tpu.memory_space<hbm>>) dst(%arg6 : memref<128xi32, #tpu.memory_space<vmem>>)
      %dma_start3A_267 = arith.constant 0 : i32
      %dma_start3A_268 = arith.constant 0 : i32
      %dma_start3A_269 = tpu.memref_slice %arg2[%dma_start3A_267, %dma_start3A_268] : memref<10240x128xf32, #tpu.memory_space<hbm>> -> memref<10240x128xf32, #tpu.memory_space<hbm>>
      tpu.enqueue_indirect_dma source(%dma_start3A_269 : memref<10240x128xf32, #tpu.memory_space<hbm>>) target(%arg9 : memref<128x128xf32, #tpu.memory_space<vmem>>) offsets(%arg6 : memref<128xi32, #tpu.memory_space<vmem>>) semaphore(%arg12 : memref<!tpu.dma_semaphore, #tpu.memory_space<semaphore_mem>>)
      %dma_wait3A_270 = arith.constant 0 : i32
      %dma_wait3A_271 = arith.constant 0 : i32
      %dma_wait3A_272 = tpu.memref_slice %arg2[%dma_wait3A_270, %dma_wait3A_271] : memref<10240x128xf32, #tpu.memory_space<hbm>> -> memref<10240x128xf32, #tpu.memory_space<hbm>>
      tpu.wait_indirect_dma semaphore(%arg13 : memref<!tpu.dma_semaphore, #tpu.memory_space<semaphore_mem>>) src(%dma_wait3A_272 : memref<10240x128xf32, #tpu.memory_space<hbm>>) dst(%arg10 : memref<128x128xf32, #tpu.memory_space<vmem>>)
      "tpu.region"() ({
        %run_scoped3A_283 = tpu.sem_alloc : memref<!tpu.dma_semaphore, #tpu.memory_space<semaphore_mem>>
        %dma_start3A_284 = arith.constant 0 : i32
        %dma_start3A_285 = tpu.memref_slice %arg8[%add3A_260, %dma_start3A_284] : memref<80x128xi32, #tpu.memory_space<vmem>> -> memref<1x128xi32, #tpu.memory_space<vmem>>
        %dma_start3A_286 = tpu.memref_squeeze %dma_start3A_285 : memref<1x128xi32, #tpu.memory_space<vmem>> -> memref<128xi32, #tpu.memory_space<vmem>>
        %dma_start3A_287 = arith.constant 0 : i32
        %dma_start3A_288 = arith.constant 0 : i32
        %dma_start3A_289 = tpu.memref_slice %arg11[%dma_start3A_287, %dma_start3A_288] : memref<10240x128xf32, #tpu.memory_space<vmem_shared>> -> memref<10240x128xf32, #tpu.memory_space<vmem_shared>>
        tpu.enqueue_indirect_dma source(%arg10 : memref<128x128xf32, #tpu.memory_space<vmem>>) target(%dma_start3A_289 : memref<10240x128xf32, #tpu.memory_space<vmem_shared>>) offsets(%dma_start3A_286 : memref<128xi32, #tpu.memory_space<vmem>>) semaphore(%run_scoped3A_283 : memref<!tpu.dma_semaphore, #tpu.memory_space<semaphore_mem>>) {add = true}
        %dma_wait3A_290 = arith.constant 0 : i32
        %dma_wait3A_291 = tpu.memref_slice %arg8[%add3A_260, %dma_wait3A_290] : memref<80x128xi32, #tpu.memory_space<vmem>> -> memref<1x128xi32, #tpu.memory_space<vmem>>
        %dma_wait3A_292 = tpu.memref_squeeze %dma_wait3A_291 : memref<1x128xi32, #tpu.memory_space<vmem>> -> memref<128xi32, #tpu.memory_space<vmem>>
        %dma_wait3A_293 = arith.constant 0 : i32
        %dma_wait3A_294 = arith.constant 0 : i32
        %dma_wait3A_295 = tpu.memref_slice %arg11[%dma_wait3A_293, %dma_wait3A_294] : memref<10240x128xf32, #tpu.memory_space<vmem_shared>> -> memref<10240x128xf32, #tpu.memory_space<vmem_shared>>
        tpu.wait_indirect_dma semaphore(%run_scoped3A_283 : memref<!tpu.dma_semaphore, #tpu.memory_space<semaphore_mem>>) src(%arg10 : memref<128x128xf32, #tpu.memory_space<vmem>>) dst(%dma_wait3A_295 : memref<10240x128xf32, #tpu.memory_space<vmem_shared>>)
        tpu.yield
      }) : () -> ()
      %add3A_273 = arith.constant 2 : i32
      %add3A_274 = arith.addi %add3A_260, %add3A_273 : i32
      %min3A_275 = arith.constant 79 : i32
      %min3A_276 = arith.minsi %add3A_274, %min3A_275 : i32
      %dma_start3A_277 = arith.constant 0 : i32
      %dma_start3A_278 = tpu.memref_slice %arg3[%add3A, %min3A_276, %dma_start3A_277] : memref<32x80x128xi32, #tpu.memory_space<hbm>> -> memref<1x1x128xi32, #tpu.memory_space<hbm>>
      %dma_start3A_279 = tpu.memref_squeeze %dma_start3A_278 : memref<1x1x128xi32, #tpu.memory_space<hbm>> -> memref<128xi32, #tpu.memory_space<hbm>>
      %dma_start3A_280 = arith.constant 0 : i32
      %dma_start3A_281 = tpu.memref_slice %arg3[%add3A, %min3A_276, %dma_start3A_280] : memref<32x80x128xi32, #tpu.memory_space<hbm>> -> memref<1x1x128xi32, #tpu.memory_space<hbm>>
      %dma_start3A_282 = tpu.memref_squeeze %dma_start3A_281 : memref<1x1x128xi32, #tpu.memory_space<hbm>> -> memref<128xi32, #tpu.memory_space<hbm>>
      tpu.enqueue_dma source(%dma_start3A_282 : memref<128xi32, #tpu.memory_space<hbm>>) target(%arg7 : memref<128xi32, #tpu.memory_space<vmem>>) target_semaphore(%arg15 : memref<!tpu.dma_semaphore, #tpu.memory_space<semaphore_mem>>)
    }
    %scan3A_98 = arith.constant 40 : i32
    %dma_wait3A_99 = arith.constant 0 : i32
    %dma_wait3A_100 = arith.constant 0 : i32
    %dma_wait3A_101 = tpu.memref_slice %arg2[%dma_wait3A_99, %dma_wait3A_100] : memref<10240x128xf32, #tpu.memory_space<hbm>> -> memref<10240x128xf32, #tpu.memory_space<hbm>>
    tpu.wait_indirect_dma semaphore(%arg12 : memref<!tpu.dma_semaphore, #tpu.memory_space<semaphore_mem>>) src(%dma_wait3A_101 : memref<10240x128xf32, #tpu.memory_space<hbm>>) dst(%arg9 : memref<128x128xf32, #tpu.memory_space<vmem>>)
    %dma_wait3A_102 = arith.constant 0 : i32
    %dma_wait3A_103 = arith.constant 0 : i32
    %dma_wait3A_104 = tpu.memref_slice %arg3[%add3A, %dma_wait3A_102, %dma_wait3A_103] : memref<32x80x128xi32, #tpu.memory_space<hbm>> -> memref<1x1x128xi32, #tpu.memory_space<hbm>>
    %dma_wait3A_105 = tpu.memref_squeeze %dma_wait3A_104 : memref<1x1x128xi32, #tpu.memory_space<hbm>> -> memref<128xi32, #tpu.memory_space<hbm>>
    %dma_wait3A_106 = arith.constant 0 : i32
    %dma_wait3A_107 = tpu.memref_slice %arg3[%add3A, %dma_wait3A_102, %dma_wait3A_106] : memref<32x80x128xi32, #tpu.memory_space<hbm>> -> memref<1x1x128xi32, #tpu.memory_space<hbm>>
    %dma_wait3A_108 = tpu.memref_squeeze %dma_wait3A_107 : memref<1x1x128xi32, #tpu.memory_space<hbm>> -> memref<128xi32, #tpu.memory_space<hbm>>
    tpu.wait_dma2 semaphore(%arg15 : memref<!tpu.dma_semaphore, #tpu.memory_space<semaphore_mem>>) src(%dma_wait3A_108 : memref<128xi32, #tpu.memory_space<hbm>>) dst(%arg7 : memref<128xi32, #tpu.memory_space<vmem>>)
    %barrier3A_109 = arith.constant 0 : index
    tpu.barrier barrier_id(%barrier3A_109)
    %mul3A_110 = arith.constant 10240 : i32
    %mul3A_111 = arith.muli %arg0, %mul3A_110 : i32
    %mul3A_112 = arith.constant 640 : i32
    %mul3A_113 = arith.muli %arg1, %mul3A_112 : i32
    %add3A_114 = arith.addi %mul3A_111, %mul3A_113 : i32
    %add3A_115 = arith.constant 0 : i32
    %add3A_116 = arith.addi %add3A_114, %add3A_115 : i32
    %multiple_of3A_117 = tpu.assume_multiple %add3A_116, 8 : i32
    %mul3A_118 = arith.constant 640 : i32
    %mul3A_119 = arith.muli %arg1, %mul3A_118 : i32
    %add3A_120 = arith.constant 0 : i32
    %add3A_121 = arith.addi %mul3A_119, %add3A_120 : i32
    %multiple_of3A_122 = tpu.assume_multiple %add3A_121, 8 : i32
    "tpu.region"() ({
      %run_scoped3A_231 = tpu.sem_alloc : memref<!tpu.dma_semaphore, #tpu.memory_space<semaphore_mem>>
      %dma_start3A_232 = arith.constant 0 : i32
      %dma_start3A_233 = tpu.memref_slice %arg11[%multiple_of3A_122, %dma_start3A_232] : memref<10240x128xf32, #tpu.memory_space<vmem_shared>> -> memref<128x128xf32, #tpu.memory_space<vmem_shared>>
      %dma_start3A_234 = arith.constant 0 : i32
      %dma_start3A_235 = tpu.memref_slice %arg11[%multiple_of3A_122, %dma_start3A_234] : memref<10240x128xf32, #tpu.memory_space<vmem_shared>> -> memref<128x128xf32, #tpu.memory_space<vmem_shared>>
      tpu.enqueue_dma source(%dma_start3A_235 : memref<128x128xf32, #tpu.memory_space<vmem_shared>>) target(%arg9 : memref<128x128xf32, #tpu.memory_space<vmem>>) target_semaphore(%run_scoped3A_231 : memref<!tpu.dma_semaphore, #tpu.memory_space<semaphore_mem>>)
      %dma_wait3A_236 = arith.constant 0 : i32
      %dma_wait3A_237 = tpu.memref_slice %arg11[%multiple_of3A_122, %dma_wait3A_236] : memref<10240x128xf32, #tpu.memory_space<vmem_shared>> -> memref<128x128xf32, #tpu.memory_space<vmem_shared>>
      %dma_wait3A_238 = arith.constant 0 : i32
      %dma_wait3A_239 = tpu.memref_slice %arg11[%multiple_of3A_122, %dma_wait3A_238] : memref<10240x128xf32, #tpu.memory_space<vmem_shared>> -> memref<128x128xf32, #tpu.memory_space<vmem_shared>>
      tpu.wait_dma2 semaphore(%run_scoped3A_231 : memref<!tpu.dma_semaphore, #tpu.memory_space<semaphore_mem>>) src(%dma_wait3A_239 : memref<128x128xf32, #tpu.memory_space<vmem_shared>>) dst(%arg9 : memref<128x128xf32, #tpu.memory_space<vmem>>)
      tpu.yield
    }) : () -> ()
    %dma_start3A_123 = arith.constant 0 : i32
    %dma_start3A_124 = tpu.memref_slice %arg5[%multiple_of3A_117, %dma_start3A_123] : memref<20480x128xf32, #tpu.memory_space<hbm>> -> memref<128x128xf32, #tpu.memory_space<hbm>>
    %dma_start3A_125 = arith.constant 0 : i32
    %dma_start3A_126 = tpu.memref_slice %arg5[%multiple_of3A_117, %dma_start3A_125] : memref<20480x128xf32, #tpu.memory_space<hbm>> -> memref<128x128xf32, #tpu.memory_space<hbm>>
    tpu.enqueue_dma source(%arg9 : memref<128x128xf32, #tpu.memory_space<vmem>>) target(%dma_start3A_126 : memref<128x128xf32, #tpu.memory_space<hbm>>) target_semaphore(%arg14 : memref<!tpu.dma_semaphore, #tpu.memory_space<semaphore_mem>>)
    %mul3A_127 = arith.constant 10240 : i32
    %mul3A_128 = arith.muli %arg0, %mul3A_127 : i32
    %mul3A_129 = arith.constant 640 : i32
    %mul3A_130 = arith.muli %arg1, %mul3A_129 : i32
    %add3A_131 = arith.addi %mul3A_128, %mul3A_130 : i32
    %add3A_132 = arith.constant 128 : i32
    %add3A_133 = arith.addi %add3A_131, %add3A_132 : i32
    %multiple_of3A_134 = tpu.assume_multiple %add3A_133, 8 : i32
    %mul3A_135 = arith.constant 640 : i32
    %mul3A_136 = arith.muli %arg1, %mul3A_135 : i32
    %add3A_137 = arith.constant 128 : i32
    %add3A_138 = arith.addi %mul3A_136, %add3A_137 : i32
    %multiple_of3A_139 = tpu.assume_multiple %add3A_138, 8 : i32
    "tpu.region"() ({
      %run_scoped3A_231 = tpu.sem_alloc : memref<!tpu.dma_semaphore, #tpu.memory_space<semaphore_mem>>
      %dma_start3A_232 = arith.constant 0 : i32
      %dma_start3A_233 = tpu.memref_slice %arg11[%multiple_of3A_139, %dma_start3A_232] : memref<10240x128xf32, #tpu.memory_space<vmem_shared>> -> memref<128x128xf32, #tpu.memory_space<vmem_shared>>
      %dma_start3A_234 = arith.constant 0 : i32
      %dma_start3A_235 = tpu.memref_slice %arg11[%multiple_of3A_139, %dma_start3A_234] : memref<10240x128xf32, #tpu.memory_space<vmem_shared>> -> memref<128x128xf32, #tpu.memory_space<vmem_shared>>
      tpu.enqueue_dma source(%dma_start3A_235 : memref<128x128xf32, #tpu.memory_space<vmem_shared>>) target(%arg10 : memref<128x128xf32, #tpu.memory_space<vmem>>) target_semaphore(%run_scoped3A_231 : memref<!tpu.dma_semaphore, #tpu.memory_space<semaphore_mem>>)
      %dma_wait3A_236 = arith.constant 0 : i32
      %dma_wait3A_237 = tpu.memref_slice %arg11[%multiple_of3A_139, %dma_wait3A_236] : memref<10240x128xf32, #tpu.memory_space<vmem_shared>> -> memref<128x128xf32, #tpu.memory_space<vmem_shared>>
      %dma_wait3A_238 = arith.constant 0 : i32
      %dma_wait3A_239 = tpu.memref_slice %arg11[%multiple_of3A_139, %dma_wait3A_238] : memref<10240x128xf32, #tpu.memory_space<vmem_shared>> -> memref<128x128xf32, #tpu.memory_space<vmem_shared>>
      tpu.wait_dma2 semaphore(%run_scoped3A_231 : memref<!tpu.dma_semaphore, #tpu.memory_space<semaphore_mem>>) src(%dma_wait3A_239 : memref<128x128xf32, #tpu.memory_space<vmem_shared>>) dst(%arg10 : memref<128x128xf32, #tpu.memory_space<vmem>>)
      tpu.yield
    }) : () -> ()
    %dma_start3A_140 = arith.constant 0 : i32
    %dma_start3A_141 = tpu.memref_slice %arg5[%multiple_of3A_134, %dma_start3A_140] : memref<20480x128xf32, #tpu.memory_space<hbm>> -> memref<128x128xf32, #tpu.memory_space<hbm>>
    %dma_start3A_142 = arith.constant 0 : i32
    %dma_start3A_143 = tpu.memref_slice %arg5[%multiple_of3A_134, %dma_start3A_142] : memref<20480x128xf32, #tpu.memory_space<hbm>> -> memref<128x128xf32, #tpu.memory_space<hbm>>
    tpu.enqueue_dma source(%arg10 : memref<128x128xf32, #tpu.memory_space<vmem>>) target(%dma_start3A_143 : memref<128x128xf32, #tpu.memory_space<hbm>>) target_semaphore(%arg15 : memref<!tpu.dma_semaphore, #tpu.memory_space<semaphore_mem>>)
    %mul3A_144 = arith.constant 10240 : i32
    %mul3A_145 = arith.muli %arg0, %mul3A_144 : i32
    %mul3A_146 = arith.constant 640 : i32
    %mul3A_147 = arith.muli %arg1, %mul3A_146 : i32
    %add3A_148 = arith.addi %mul3A_145, %mul3A_147 : i32
    %add3A_149 = arith.constant 256 : i32
    %add3A_150 = arith.addi %add3A_148, %add3A_149 : i32
    %multiple_of3A_151 = tpu.assume_multiple %add3A_150, 8 : i32
    %dma_wait3A_152 = arith.constant 0 : i32
    %dma_wait3A_153 = tpu.memref_slice %arg5[%multiple_of3A_151, %dma_wait3A_152] : memref<20480x128xf32, #tpu.memory_space<hbm>> -> memref<128x128xf32, #tpu.memory_space<hbm>>
    %dma_wait3A_154 = arith.constant 0 : i32
    %dma_wait3A_155 = tpu.memref_slice %arg5[%multiple_of3A_151, %dma_wait3A_154] : memref<20480x128xf32, #tpu.memory_space<hbm>> -> memref<128x128xf32, #tpu.memory_space<hbm>>
    tpu.wait_dma2 semaphore(%arg14 : memref<!tpu.dma_semaphore, #tpu.memory_space<semaphore_mem>>) src(%arg9 : memref<128x128xf32, #tpu.memory_space<vmem>>) dst(%dma_wait3A_155 : memref<128x128xf32, #tpu.memory_space<hbm>>)
    %mul3A_156 = arith.constant 640 : i32
    %mul3A_157 = arith.muli %arg1, %mul3A_156 : i32
    %add3A_158 = arith.constant 256 : i32
    %add3A_159 = arith.addi %mul3A_157, %add3A_158 : i32
    %multiple_of3A_160 = tpu.assume_multiple %add3A_159, 8 : i32
    "tpu.region"() ({
      %run_scoped3A_231 = tpu.sem_alloc : memref<!tpu.dma_semaphore, #tpu.memory_space<semaphore_mem>>
      %dma_start3A_232 = arith.constant 0 : i32
      %dma_start3A_233 = tpu.memref_slice %arg11[%multiple_of3A_160, %dma_start3A_232] : memref<10240x128xf32, #tpu.memory_space<vmem_shared>> -> memref<128x128xf32, #tpu.memory_space<vmem_shared>>
      %dma_start3A_234 = arith.constant 0 : i32
      %dma_start3A_235 = tpu.memref_slice %arg11[%multiple_of3A_160, %dma_start3A_234] : memref<10240x128xf32, #tpu.memory_space<vmem_shared>> -> memref<128x128xf32, #tpu.memory_space<vmem_shared>>
      tpu.enqueue_dma source(%dma_start3A_235 : memref<128x128xf32, #tpu.memory_space<vmem_shared>>) target(%arg9 : memref<128x128xf32, #tpu.memory_space<vmem>>) target_semaphore(%run_scoped3A_231 : memref<!tpu.dma_semaphore, #tpu.memory_space<semaphore_mem>>)
      %dma_wait3A_236 = arith.constant 0 : i32
      %dma_wait3A_237 = tpu.memref_slice %arg11[%multiple_of3A_160, %dma_wait3A_236] : memref<10240x128xf32, #tpu.memory_space<vmem_shared>> -> memref<128x128xf32, #tpu.memory_space<vmem_shared>>
      %dma_wait3A_238 = arith.constant 0 : i32
      %dma_wait3A_239 = tpu.memref_slice %arg11[%multiple_of3A_160, %dma_wait3A_238] : memref<10240x128xf32, #tpu.memory_space<vmem_shared>> -> memref<128x128xf32, #tpu.memory_space<vmem_shared>>
      tpu.wait_dma2 semaphore(%run_scoped3A_231 : memref<!tpu.dma_semaphore, #tpu.memory_space<semaphore_mem>>) src(%dma_wait3A_239 : memref<128x128xf32, #tpu.memory_space<vmem_shared>>) dst(%arg9 : memref<128x128xf32, #tpu.memory_space<vmem>>)
      tpu.yield
    }) : () -> ()
    %dma_start3A_161 = arith.constant 0 : i32
    %dma_start3A_162 = tpu.memref_slice %arg5[%multiple_of3A_151, %dma_start3A_161] : memref<20480x128xf32, #tpu.memory_space<hbm>> -> memref<128x128xf32, #tpu.memory_space<hbm>>
    %dma_start3A_163 = arith.constant 0 : i32
    %dma_start3A_164 = tpu.memref_slice %arg5[%multiple_of3A_151, %dma_start3A_163] : memref<20480x128xf32, #tpu.memory_space<hbm>> -> memref<128x128xf32, #tpu.memory_space<hbm>>
    tpu.enqueue_dma source(%arg9 : memref<128x128xf32, #tpu.memory_space<vmem>>) target(%dma_start3A_164 : memref<128x128xf32, #tpu.memory_space<hbm>>) target_semaphore(%arg14 : memref<!tpu.dma_semaphore, #tpu.memory_space<semaphore_mem>>)
    %mul3A_165 = arith.constant 10240 : i32
    %mul3A_166 = arith.muli %arg0, %mul3A_165 : i32
    %mul3A_167 = arith.constant 640 : i32
    %mul3A_168 = arith.muli %arg1, %mul3A_167 : i32
    %add3A_169 = arith.addi %mul3A_166, %mul3A_168 : i32
    %add3A_170 = arith.constant 384 : i32
    %add3A_171 = arith.addi %add3A_169, %add3A_170 : i32
    %multiple_of3A_172 = tpu.assume_multiple %add3A_171, 8 : i32
    %dma_wait3A_173 = arith.constant 0 : i32
    %dma_wait3A_174 = tpu.memref_slice %arg5[%multiple_of3A_172, %dma_wait3A_173] : memref<20480x128xf32, #tpu.memory_space<hbm>> -> memref<128x128xf32, #tpu.memory_space<hbm>>
    %dma_wait3A_175 = arith.constant 0 : i32
    %dma_wait3A_176 = tpu.memref_slice %arg5[%multiple_of3A_172, %dma_wait3A_175] : memref<20480x128xf32, #tpu.memory_space<hbm>> -> memref<128x128xf32, #tpu.memory_space<hbm>>
    tpu.wait_dma2 semaphore(%arg15 : memref<!tpu.dma_semaphore, #tpu.memory_space<semaphore_mem>>) src(%arg10 : memref<128x128xf32, #tpu.memory_space<vmem>>) dst(%dma_wait3A_176 : memref<128x128xf32, #tpu.memory_space<hbm>>)
    %mul3A_177 = arith.constant 640 : i32
    %mul3A_178 = arith.muli %arg1, %mul3A_177 : i32
    %add3A_179 = arith.constant 384 : i32
    %add3A_180 = arith.addi %mul3A_178, %add3A_179 : i32
    %multiple_of3A_181 = tpu.assume_multiple %add3A_180, 8 : i32
    "tpu.region"() ({
      %run_scoped3A_231 = tpu.sem_alloc : memref<!tpu.dma_semaphore, #tpu.memory_space<semaphore_mem>>
      %dma_start3A_232 = arith.constant 0 : i32
      %dma_start3A_233 = tpu.memref_slice %arg11[%multiple_of3A_181, %dma_start3A_232] : memref<10240x128xf32, #tpu.memory_space<vmem_shared>> -> memref<128x128xf32, #tpu.memory_space<vmem_shared>>
      %dma_start3A_234 = arith.constant 0 : i32
      %dma_start3A_235 = tpu.memref_slice %arg11[%multiple_of3A_181, %dma_start3A_234] : memref<10240x128xf32, #tpu.memory_space<vmem_shared>> -> memref<128x128xf32, #tpu.memory_space<vmem_shared>>
      tpu.enqueue_dma source(%dma_start3A_235 : memref<128x128xf32, #tpu.memory_space<vmem_shared>>) target(%arg10 : memref<128x128xf32, #tpu.memory_space<vmem>>) target_semaphore(%run_scoped3A_231 : memref<!tpu.dma_semaphore, #tpu.memory_space<semaphore_mem>>)
      %dma_wait3A_236 = arith.constant 0 : i32
      %dma_wait3A_237 = tpu.memref_slice %arg11[%multiple_of3A_181, %dma_wait3A_236] : memref<10240x128xf32, #tpu.memory_space<vmem_shared>> -> memref<128x128xf32, #tpu.memory_space<vmem_shared>>
      %dma_wait3A_238 = arith.constant 0 : i32
      %dma_wait3A_239 = tpu.memref_slice %arg11[%multiple_of3A_181, %dma_wait3A_238] : memref<10240x128xf32, #tpu.memory_space<vmem_shared>> -> memref<128x128xf32, #tpu.memory_space<vmem_shared>>
      tpu.wait_dma2 semaphore(%run_scoped3A_231 : memref<!tpu.dma_semaphore, #tpu.memory_space<semaphore_mem>>) src(%dma_wait3A_239 : memref<128x128xf32, #tpu.memory_space<vmem_shared>>) dst(%arg10 : memref<128x128xf32, #tpu.memory_space<vmem>>)
      tpu.yield
    }) : () -> ()
    %dma_start3A_182 = arith.constant 0 : i32
    %dma_start3A_183 = tpu.memref_slice %arg5[%multiple_of3A_172, %dma_start3A_182] : memref<20480x128xf32, #tpu.memory_space<hbm>> -> memref<128x128xf32, #tpu.memory_space<hbm>>
    %dma_start3A_184 = arith.constant 0 : i32
    %dma_start3A_185 = tpu.memref_slice %arg5[%multiple_of3A_172, %dma_start3A_184] : memref<20480x128xf32, #tpu.memory_space<hbm>> -> memref<128x128xf32, #tpu.memory_space<hbm>>
    tpu.enqueue_dma source(%arg10 : memref<128x128xf32, #tpu.memory_space<vmem>>) target(%dma_start3A_185 : memref<128x128xf32, #tpu.memory_space<hbm>>) target_semaphore(%arg15 : memref<!tpu.dma_semaphore, #tpu.memory_space<semaphore_mem>>)
    %mul3A_186 = arith.constant 10240 : i32
    %mul3A_187 = arith.muli %arg0, %mul3A_186 : i32
    %mul3A_188 = arith.constant 640 : i32
    %mul3A_189 = arith.muli %arg1, %mul3A_188 : i32
    %add3A_190 = arith.addi %mul3A_187, %mul3A_189 : i32
    %add3A_191 = arith.constant 512 : i32
    %add3A_192 = arith.addi %add3A_190, %add3A_191 : i32
    %multiple_of3A_193 = tpu.assume_multiple %add3A_192, 8 : i32
    %dma_wait3A_194 = arith.constant 0 : i32
    %dma_wait3A_195 = tpu.memref_slice %arg5[%multiple_of3A_193, %dma_wait3A_194] : memref<20480x128xf32, #tpu.memory_space<hbm>> -> memref<128x128xf32, #tpu.memory_space<hbm>>
    %dma_wait3A_196 = arith.constant 0 : i32
    %dma_wait3A_197 = tpu.memref_slice %arg5[%multiple_of3A_193, %dma_wait3A_196] : memref<20480x128xf32, #tpu.memory_space<hbm>> -> memref<128x128xf32, #tpu.memory_space<hbm>>
    tpu.wait_dma2 semaphore(%arg14 : memref<!tpu.dma_semaphore, #tpu.memory_space<semaphore_mem>>) src(%arg9 : memref<128x128xf32, #tpu.memory_space<vmem>>) dst(%dma_wait3A_197 : memref<128x128xf32, #tpu.memory_space<hbm>>)
    %mul3A_198 = arith.constant 640 : i32
    %mul3A_199 = arith.muli %arg1, %mul3A_198 : i32
    %add3A_200 = arith.constant 512 : i32
    %add3A_201 = arith.addi %mul3A_199, %add3A_200 : i32
    %multiple_of3A_202 = tpu.assume_multiple %add3A_201, 8 : i32
    "tpu.region"() ({
      %run_scoped3A_231 = tpu.sem_alloc : memref<!tpu.dma_semaphore, #tpu.memory_space<semaphore_mem>>
      %dma_start3A_232 = arith.constant 0 : i32
      %dma_start3A_233 = tpu.memref_slice %arg11[%multiple_of3A_202, %dma_start3A_232] : memref<10240x128xf32, #tpu.memory_space<vmem_shared>> -> memref<128x128xf32, #tpu.memory_space<vmem_shared>>
      %dma_start3A_234 = arith.constant 0 : i32
      %dma_start3A_235 = tpu.memref_slice %arg11[%multiple_of3A_202, %dma_start3A_234] : memref<10240x128xf32, #tpu.memory_space<vmem_shared>> -> memref<128x128xf32, #tpu.memory_space<vmem_shared>>
      tpu.enqueue_dma source(%dma_start3A_235 : memref<128x128xf32, #tpu.memory_space<vmem_shared>>) target(%arg9 : memref<128x128xf32, #tpu.memory_space<vmem>>) target_semaphore(%run_scoped3A_231 : memref<!tpu.dma_semaphore, #tpu.memory_space<semaphore_mem>>)
      %dma_wait3A_236 = arith.constant 0 : i32
      %dma_wait3A_237 = tpu.memref_slice %arg11[%multiple_of3A_202, %dma_wait3A_236] : memref<10240x128xf32, #tpu.memory_space<vmem_shared>> -> memref<128x128xf32, #tpu.memory_space<vmem_shared>>
      %dma_wait3A_238 = arith.constant 0 : i32
      %dma_wait3A_239 = tpu.memref_slice %arg11[%multiple_of3A_202, %dma_wait3A_238] : memref<10240x128xf32, #tpu.memory_space<vmem_shared>> -> memref<128x128xf32, #tpu.memory_space<vmem_shared>>
      tpu.wait_dma2 semaphore(%run_scoped3A_231 : memref<!tpu.dma_semaphore, #tpu.memory_space<semaphore_mem>>) src(%dma_wait3A_239 : memref<128x128xf32, #tpu.memory_space<vmem_shared>>) dst(%arg9 : memref<128x128xf32, #tpu.memory_space<vmem>>)
      tpu.yield
    }) : () -> ()
    %dma_start3A_203 = arith.constant 0 : i32
    %dma_start3A_204 = tpu.memref_slice %arg5[%multiple_of3A_193, %dma_start3A_203] : memref<20480x128xf32, #tpu.memory_space<hbm>> -> memref<128x128xf32, #tpu.memory_space<hbm>>
    %dma_start3A_205 = arith.constant 0 : i32
    %dma_start3A_206 = tpu.memref_slice %arg5[%multiple_of3A_193, %dma_start3A_205] : memref<20480x128xf32, #tpu.memory_space<hbm>> -> memref<128x128xf32, #tpu.memory_space<hbm>>
    tpu.enqueue_dma source(%arg9 : memref<128x128xf32, #tpu.memory_space<vmem>>) target(%dma_start3A_206 : memref<128x128xf32, #tpu.memory_space<hbm>>) target_semaphore(%arg14 : memref<!tpu.dma_semaphore, #tpu.memory_space<semaphore_mem>>)
    %mul3A_207 = arith.constant 10240 : i32
    %mul3A_208 = arith.muli %arg0, %mul3A_207 : i32
    %mul3A_209 = arith.constant 640 : i32
    %mul3A_210 = arith.muli %arg1, %mul3A_209 : i32
    %add3A_211 = arith.addi %mul3A_208, %mul3A_210 : i32
    %add3A_212 = arith.constant 384 : i32
    %add3A_213 = arith.addi %add3A_211, %add3A_212 : i32
    %multiple_of3A_214 = tpu.assume_multiple %add3A_213, 8 : i32
    %dma_wait3A_215 = arith.constant 0 : i32
    %dma_wait3A_216 = tpu.memref_slice %arg5[%multiple_of3A_214, %dma_wait3A_215] : memref<20480x128xf32, #tpu.memory_space<hbm>> -> memref<128x128xf32, #tpu.memory_space<hbm>>
    %dma_wait3A_217 = arith.constant 0 : i32
    %dma_wait3A_218 = tpu.memref_slice %arg5[%multiple_of3A_214, %dma_wait3A_217] : memref<20480x128xf32, #tpu.memory_space<hbm>> -> memref<128x128xf32, #tpu.memory_space<hbm>>
    tpu.wait_dma2 semaphore(%arg15 : memref<!tpu.dma_semaphore, #tpu.memory_space<semaphore_mem>>) src(%arg10 : memref<128x128xf32, #tpu.memory_space<vmem>>) dst(%dma_wait3A_218 : memref<128x128xf32, #tpu.memory_space<hbm>>)
    %mul3A_219 = arith.constant 10240 : i32
    %mul3A_220 = arith.muli %arg0, %mul3A_219 : i32
    %mul3A_221 = arith.constant 640 : i32
    %mul3A_222 = arith.muli %arg1, %mul3A_221 : i32
    %add3A_223 = arith.addi %mul3A_220, %mul3A_222 : i32
    %add3A_224 = arith.constant 512 : i32
    %add3A_225 = arith.addi %add3A_223, %add3A_224 : i32
    %multiple_of3A_226 = tpu.assume_multiple %add3A_225, 8 : i32
    %dma_wait3A_227 = arith.constant 0 : i32
    %dma_wait3A_228 = tpu.memref_slice %arg5[%multiple_of3A_226, %dma_wait3A_227] : memref<20480x128xf32, #tpu.memory_space<hbm>> -> memref<128x128xf32, #tpu.memory_space<hbm>>
    %dma_wait3A_229 = arith.constant 0 : i32
    %dma_wait3A_230 = tpu.memref_slice %arg5[%multiple_of3A_226, %dma_wait3A_229] : memref<20480x128xf32, #tpu.memory_space<hbm>> -> memref<128x128xf32, #tpu.memory_space<hbm>>
    tpu.wait_dma2 semaphore(%arg14 : memref<!tpu.dma_semaphore, #tpu.memory_space<semaphore_mem>>) src(%arg9 : memref<128x128xf32, #tpu.memory_space<vmem>>) dst(%dma_wait3A_230 : memref<128x128xf32, #tpu.memory_space<hbm>>)
    return
  }
}

#map = affine_map<(d0, d1) -> (0, 0)>
#map1 = affine_map<(d0, d1) -> (0, 0, 0)>
module attributes {stable_mosaic.version = 14 : i64} {
  func.func @_agg_body(%arg0: i32, %arg1: i32, %arg2: memref<10240x128xf32, #tpu.memory_space<hbm>>, %arg3: memref<32x80x128xi32, #tpu.memory_space<hbm>>, %arg4: memref<32x80x128xi32, #tpu.memory_space<hbm>>, %arg5: memref<20480x128xf32, #tpu.memory_space<hbm>>, %arg6: memref<128xi32, #tpu.memory_space<vmem>>, %arg7: memref<128xi32, #tpu.memory_space<vmem>>, %arg8: memref<80x128xi32, #tpu.memory_space<vmem>>, %arg9: memref<128x128xf32, #tpu.memory_space<vmem>>, %arg10: memref<128x128xf32, #tpu.memory_space<vmem>>, %arg11: memref<10240x128xf32, #tpu.memory_space<vmem_shared>>, %arg12: memref<!tpu.dma_semaphore, #tpu.memory_space<semaphore_mem>>, %arg13: memref<!tpu.dma_semaphore, #tpu.memory_space<semaphore_mem>>, %arg14: memref<!tpu.dma_semaphore, #tpu.memory_space<semaphore_mem>>, %arg15: memref<!tpu.dma_semaphore, #tpu.memory_space<semaphore_mem>>) attributes {dimension_semantics = [#tpu.dimension_semantics<core_parallel>, #tpu.dimension_semantics<subcore_parallel>], iteration_bounds = array<i64: 2, 16>, scalar_prefetch = 0 : i64, scratch_operands = 10 : i64, tpu.core_type = #tpu.core_type<sc_vector_subcore>, window_params = [{transform_indices = #map}, {transform_indices = #map1}, {transform_indices = #map1}, {transform_indices = #map}]} {
    %mul3A = arith.constant 2 : i32
    %mul3A_0 = arith.muli %arg1, %mul3A : i32
    %add3A = arith.addi %mul3A_0, %arg0 : i32
    "tpu.region"() ({
      %run_scoped3A_231 = tpu.sem_alloc : memref<!tpu.dma_semaphore, #tpu.memory_space<semaphore_mem>>
      %dma_start3A_232 = arith.constant 0 : i32
      %dma_start3A_233 = arith.constant 0 : i32
      %dma_start3A_234 = tpu.memref_slice %arg4[%add3A, %dma_start3A_232, %dma_start3A_233] : memref<32x80x128xi32, #tpu.memory_space<hbm>> -> memref<1x80x128xi32, #tpu.memory_space<hbm>>
      %dma_start3A_235 = tpu.memref_squeeze %dma_start3A_234 : memref<1x80x128xi32, #tpu.memory_space<hbm>> -> memref<80x128xi32, #tpu.memory_space<hbm>>
      %dma_start3A_236 = arith.constant 0 : i32
      %dma_start3A_237 = arith.constant 0 : i32
      %dma_start3A_238 = tpu.memref_slice %arg4[%add3A, %dma_start3A_236, %dma_start3A_237] : memref<32x80x128xi32, #tpu.memory_space<hbm>> -> memref<1x80x128xi32, #tpu.memory_space<hbm>>
      %dma_start3A_239 = tpu.memref_squeeze %dma_start3A_238 : memref<1x80x128xi32, #tpu.memory_space<hbm>> -> memref<80x128xi32, #tpu.memory_space<hbm>>
      tpu.enqueue_dma source(%dma_start3A_239 : memref<80x128xi32, #tpu.memory_space<hbm>>) target(%arg8 : memref<80x128xi32, #tpu.memory_space<vmem>>) target_semaphore(%run_scoped3A_231 : memref<!tpu.dma_semaphore, #tpu.memory_space<semaphore_mem>>)
      %dma_wait3A_240 = arith.constant 0 : i32
      %dma_wait3A_241 = arith.constant 0 : i32
      %dma_wait3A_242 = tpu.memref_slice %arg4[%add3A, %dma_wait3A_240, %dma_wait3A_241] : memref<32x80x128xi32, #tpu.memory_space<hbm>> -> memref<1x80x128xi32, #tpu.memory_space<hbm>>
      %dma_wait3A_243 = tpu.memref_squeeze %dma_wait3A_242 : memref<1x80x128xi32, #tpu.memory_space<hbm>> -> memref<80x128xi32, #tpu.memory_space<hbm>>
      %dma_wait3A_244 = arith.constant 0 : i32
      %dma_wait3A_245 = arith.constant 0 : i32
      %dma_wait3A_246 = tpu.memref_slice %arg4[%add3A, %dma_wait3A_244, %dma_wait3A_245] : memref<32x80x128xi32, #tpu.memory_space<hbm>> -> memref<1x80x128xi32, #tpu.memory_space<hbm>>
      %dma_wait3A_247 = tpu.memref_squeeze %dma_wait3A_246 : memref<1x80x128xi32, #tpu.memory_space<hbm>> -> memref<80x128xi32, #tpu.memory_space<hbm>>
      tpu.wait_dma2 semaphore(%run_scoped3A_231 : memref<!tpu.dma_semaphore, #tpu.memory_space<semaphore_mem>>) src(%dma_wait3A_247 : memref<80x128xi32, #tpu.memory_space<hbm>>) dst(%arg8 : memref<80x128xi32, #tpu.memory_space<vmem>>)
      tpu.yield
    }) : () -> ()
    %scan3A = arith.constant 0 : i32
    %scan3A_1 = arith.constant 0 : i32
    %scan3A_2 = arith.constant 128 : i32
    %scan3A_3 = arith.addi %scan3A_1, %scan3A_2 : i32
    %scan3A_4 = arith.constant 1 : i32
    scf.for %scan3A_231 = %scan3A_1 to %scan3A_3 step %scan3A_4  : i32 {
      %broadcast_in_dim3A = arith.constant 0.000000e+00 : f32
      %broadcast_in_dim3A_232 = vector.broadcast %broadcast_in_dim3A : f32 to vector<16xf32>
      %swap3A = arith.index_cast %scan3A_231 : i32 to index
      %swap3A_233 = arith.constant 0 : index
      %swap3A_234 = tpu.vector_load %arg9[%swap3A, %swap3A_233] {strides = array<i32>} : memref<128x128xf32, #tpu.memory_space<vmem>>, vector<16xf32>,
      tpu.vector_store %arg9[%swap3A, %swap3A_233], %broadcast_in_dim3A_232 {strides = array<i32>} : memref<128x128xf32, #tpu.memory_space<vmem>>, vector<16xf32>,
      %broadcast_in_dim3A_235 = arith.constant 0.000000e+00 : f32
      %broadcast_in_dim3A_236 = vector.broadcast %broadcast_in_dim3A_235 : f32 to vector<16xf32>
      %swap3A_237 = arith.index_cast %scan3A_231 : i32 to index
      %swap3A_238 = arith.constant 16 : index
      %swap3A_239 = tpu.vector_load %arg9[%swap3A_237, %swap3A_238] {strides = array<i32>} : memref<128x128xf32, #tpu.memory_space<vmem>>, vector<16xf32>,
      tpu.vector_store %arg9[%swap3A_237, %swap3A_238], %broadcast_in_dim3A_236 {strides = array<i32>} : memref<128x128xf32, #tpu.memory_space<vmem>>, vector<16xf32>,
      %broadcast_in_dim3A_240 = arith.constant 0.000000e+00 : f32
      %broadcast_in_dim3A_241 = vector.broadcast %broadcast_in_dim3A_240 : f32 to vector<16xf32>
      %swap3A_242 = arith.index_cast %scan3A_231 : i32 to index
      %swap3A_243 = arith.constant 32 : index
      %swap3A_244 = tpu.vector_load %arg9[%swap3A_242, %swap3A_243] {strides = array<i32>} : memref<128x128xf32, #tpu.memory_space<vmem>>, vector<16xf32>,
      tpu.vector_store %arg9[%swap3A_242, %swap3A_243], %broadcast_in_dim3A_241 {strides = array<i32>} : memref<128x128xf32, #tpu.memory_space<vmem>>, vector<16xf32>,
      %broadcast_in_dim3A_245 = arith.constant 0.000000e+00 : f32
      %broadcast_in_dim3A_246 = vector.broadcast %broadcast_in_dim3A_245 : f32 to vector<16xf32>
      %swap3A_247 = arith.index_cast %scan3A_231 : i32 to index
      %swap3A_248 = arith.constant 48 : index
      %swap3A_249 = tpu.vector_load %arg9[%swap3A_247, %swap3A_248] {strides = array<i32>} : memref<128x128xf32, #tpu.memory_space<vmem>>, vector<16xf32>,
      tpu.vector_store %arg9[%swap3A_247, %swap3A_248], %broadcast_in_dim3A_246 {strides = array<i32>} : memref<128x128xf32, #tpu.memory_space<vmem>>, vector<16xf32>,
      %broadcast_in_dim3A_250 = arith.constant 0.000000e+00 : f32
      %broadcast_in_dim3A_251 = vector.broadcast %broadcast_in_dim3A_250 : f32 to vector<16xf32>
      %swap3A_252 = arith.index_cast %scan3A_231 : i32 to index
      %swap3A_253 = arith.constant 64 : index
      %swap3A_254 = tpu.vector_load %arg9[%swap3A_252, %swap3A_253] {strides = array<i32>} : memref<128x128xf32, #tpu.memory_space<vmem>>, vector<16xf32>,
      tpu.vector_store %arg9[%swap3A_252, %swap3A_253], %broadcast_in_dim3A_251 {strides = array<i32>} : memref<128x128xf32, #tpu.memory_space<vmem>>, vector<16xf32>,
      %broadcast_in_dim3A_255 = arith.constant 0.000000e+00 : f32
      %broadcast_in_dim3A_256 = vector.broadcast %broadcast_in_dim3A_255 : f32 to vector<16xf32>
      %swap3A_257 = arith.index_cast %scan3A_231 : i32 to index
      %swap3A_258 = arith.constant 80 : index
      %swap3A_259 = tpu.vector_load %arg9[%swap3A_257, %swap3A_258] {strides = array<i32>} : memref<128x128xf32, #tpu.memory_space<vmem>>, vector<16xf32>,
      tpu.vector_store %arg9[%swap3A_257, %swap3A_258], %broadcast_in_dim3A_256 {strides = array<i32>} : memref<128x128xf32, #tpu.memory_space<vmem>>, vector<16xf32>,
      %broadcast_in_dim3A_260 = arith.constant 0.000000e+00 : f32
      %broadcast_in_dim3A_261 = vector.broadcast %broadcast_in_dim3A_260 : f32 to vector<16xf32>
      %swap3A_262 = arith.index_cast %scan3A_231 : i32 to index
      %swap3A_263 = arith.constant 96 : index
      %swap3A_264 = tpu.vector_load %arg9[%swap3A_262, %swap3A_263] {strides = array<i32>} : memref<128x128xf32, #tpu.memory_space<vmem>>, vector<16xf32>,
      tpu.vector_store %arg9[%swap3A_262, %swap3A_263], %broadcast_in_dim3A_261 {strides = array<i32>} : memref<128x128xf32, #tpu.memory_space<vmem>>, vector<16xf32>,
      %broadcast_in_dim3A_265 = arith.constant 0.000000e+00 : f32
      %broadcast_in_dim3A_266 = vector.broadcast %broadcast_in_dim3A_265 : f32 to vector<16xf32>
      %swap3A_267 = arith.index_cast %scan3A_231 : i32 to index
      %swap3A_268 = arith.constant 112 : index
      %swap3A_269 = tpu.vector_load %arg9[%swap3A_267, %swap3A_268] {strides = array<i32>} : memref<128x128xf32, #tpu.memory_space<vmem>>, vector<16xf32>,
      tpu.vector_store %arg9[%swap3A_267, %swap3A_268], %broadcast_in_dim3A_266 {strides = array<i32>} : memref<128x128xf32, #tpu.memory_space<vmem>>, vector<16xf32>,
    }
    %scan3A_5 = arith.constant 128 : i32
    %mul3A_6 = arith.constant 640 : i32
    %mul3A_7 = arith.muli %arg1, %mul3A_6 : i32
    %add3A_8 = arith.constant 0 : i32
    %add3A_9 = arith.addi %mul3A_7, %add3A_8 : i32
    %multiple_of3A = tpu.assume_multiple %add3A_9, 8 : i32
    %dma_start3A = arith.constant 0 : i32
    %dma_start3A_10 = tpu.memref_slice %arg11[%multiple_of3A, %dma_start3A] : memref<10240x128xf32, #tpu.memory_space<vmem_shared>> -> memref<128x128xf32, #tpu.memory_space<vmem_shared>>
    %dma_start3A_11 = arith.constant 0 : i32
    %dma_start3A_12 = tpu.memref_slice %arg11[%multiple_of3A, %dma_start3A_11] : memref<10240x128xf32, #tpu.memory_space<vmem_shared>> -> memref<128x128xf32, #tpu.memory_space<vmem_shared>>
    tpu.enqueue_dma source(%arg9 : memref<128x128xf32, #tpu.memory_space<vmem>>) target(%dma_start3A_12 : memref<128x128xf32, #tpu.memory_space<vmem_shared>>) target_semaphore(%arg13 : memref<!tpu.dma_semaphore, #tpu.memory_space<semaphore_mem>>)
    %mul3A_13 = arith.constant 640 : i32
    %mul3A_14 = arith.muli %arg1, %mul3A_13 : i32
    %add3A_15 = arith.constant 128 : i32
    %add3A_16 = arith.addi %mul3A_14, %add3A_15 : i32
    %multiple_of3A_17 = tpu.assume_multiple %add3A_16, 8 : i32
    %dma_start3A_18 = arith.constant 0 : i32
    %dma_start3A_19 = tpu.memref_slice %arg11[%multiple_of3A_17, %dma_start3A_18] : memref<10240x128xf32, #tpu.memory_space<vmem_shared>> -> memref<128x128xf32, #tpu.memory_space<vmem_shared>>
    %dma_start3A_20 = arith.constant 0 : i32
    %dma_start3A_21 = tpu.memref_slice %arg11[%multiple_of3A_17, %dma_start3A_20] : memref<10240x128xf32, #tpu.memory_space<vmem_shared>> -> memref<128x128xf32, #tpu.memory_space<vmem_shared>>
    tpu.enqueue_dma source(%arg9 : memref<128x128xf32, #tpu.memory_space<vmem>>) target(%dma_start3A_21 : memref<128x128xf32, #tpu.memory_space<vmem_shared>>) target_semaphore(%arg13 : memref<!tpu.dma_semaphore, #tpu.memory_space<semaphore_mem>>)
    %mul3A_22 = arith.constant 640 : i32
    %mul3A_23 = arith.muli %arg1, %mul3A_22 : i32
    %add3A_24 = arith.constant 256 : i32
    %add3A_25 = arith.addi %mul3A_23, %add3A_24 : i32
    %multiple_of3A_26 = tpu.assume_multiple %add3A_25, 8 : i32
    %dma_start3A_27 = arith.constant 0 : i32
    %dma_start3A_28 = tpu.memref_slice %arg11[%multiple_of3A_26, %dma_start3A_27] : memref<10240x128xf32, #tpu.memory_space<vmem_shared>> -> memref<128x128xf32, #tpu.memory_space<vmem_shared>>
    %dma_start3A_29 = arith.constant 0 : i32
    %dma_start3A_30 = tpu.memref_slice %arg11[%multiple_of3A_26, %dma_start3A_29] : memref<10240x128xf32, #tpu.memory_space<vmem_shared>> -> memref<128x128xf32, #tpu.memory_space<vmem_shared>>
    tpu.enqueue_dma source(%arg9 : memref<128x128xf32, #tpu.memory_space<vmem>>) target(%dma_start3A_30 : memref<128x128xf32, #tpu.memory_space<vmem_shared>>) target_semaphore(%arg13 : memref<!tpu.dma_semaphore, #tpu.memory_space<semaphore_mem>>)
    %mul3A_31 = arith.constant 640 : i32
    %mul3A_32 = arith.muli %arg1, %mul3A_31 : i32
    %add3A_33 = arith.constant 384 : i32
    %add3A_34 = arith.addi %mul3A_32, %add3A_33 : i32
    %multiple_of3A_35 = tpu.assume_multiple %add3A_34, 8 : i32
    %dma_start3A_36 = arith.constant 0 : i32
    %dma_start3A_37 = tpu.memref_slice %arg11[%multiple_of3A_35, %dma_start3A_36] : memref<10240x128xf32, #tpu.memory_space<vmem_shared>> -> memref<128x128xf32, #tpu.memory_space<vmem_shared>>
    %dma_start3A_38 = arith.constant 0 : i32
    %dma_start3A_39 = tpu.memref_slice %arg11[%multiple_of3A_35, %dma_start3A_38] : memref<10240x128xf32, #tpu.memory_space<vmem_shared>> -> memref<128x128xf32, #tpu.memory_space<vmem_shared>>
    tpu.enqueue_dma source(%arg9 : memref<128x128xf32, #tpu.memory_space<vmem>>) target(%dma_start3A_39 : memref<128x128xf32, #tpu.memory_space<vmem_shared>>) target_semaphore(%arg13 : memref<!tpu.dma_semaphore, #tpu.memory_space<semaphore_mem>>)
    %mul3A_40 = arith.constant 640 : i32
    %mul3A_41 = arith.muli %arg1, %mul3A_40 : i32
    %add3A_42 = arith.constant 512 : i32
    %add3A_43 = arith.addi %mul3A_41, %add3A_42 : i32
    %multiple_of3A_44 = tpu.assume_multiple %add3A_43, 8 : i32
    %dma_start3A_45 = arith.constant 0 : i32
    %dma_start3A_46 = tpu.memref_slice %arg11[%multiple_of3A_44, %dma_start3A_45] : memref<10240x128xf32, #tpu.memory_space<vmem_shared>> -> memref<128x128xf32, #tpu.memory_space<vmem_shared>>
    %dma_start3A_47 = arith.constant 0 : i32
    %dma_start3A_48 = tpu.memref_slice %arg11[%multiple_of3A_44, %dma_start3A_47] : memref<10240x128xf32, #tpu.memory_space<vmem_shared>> -> memref<128x128xf32, #tpu.memory_space<vmem_shared>>
    tpu.enqueue_dma source(%arg9 : memref<128x128xf32, #tpu.memory_space<vmem>>) target(%dma_start3A_48 : memref<128x128xf32, #tpu.memory_space<vmem_shared>>) target_semaphore(%arg13 : memref<!tpu.dma_semaphore, #tpu.memory_space<semaphore_mem>>)
    %mul3A_49 = arith.constant 640 : i32
    %mul3A_50 = arith.muli %arg1, %mul3A_49 : i32
    %multiple_of3A_51 = tpu.assume_multiple %mul3A_50, 8 : i32
    %dma_wait3A = arith.constant 0 : i32
    %dma_wait3A_52 = tpu.memref_slice %arg11[%multiple_of3A_51, %dma_wait3A] : memref<10240x128xf32, #tpu.memory_space<vmem_shared>> -> memref<128x128xf32, #tpu.memory_space<vmem_shared>>
    %dma_wait3A_53 = arith.constant 0 : i32
    %dma_wait3A_54 = tpu.memref_slice %arg11[%multiple_of3A_51, %dma_wait3A_53] : memref<10240x128xf32, #tpu.memory_space<vmem_shared>> -> memref<128x128xf32, #tpu.memory_space<vmem_shared>>
    tpu.wait_dma2 semaphore(%arg13 : memref<!tpu.dma_semaphore, #tpu.memory_space<semaphore_mem>>) src(%arg9 : memref<128x128xf32, #tpu.memory_space<vmem>>) dst(%dma_wait3A_54 : memref<128x128xf32, #tpu.memory_space<vmem_shared>>)
    %mul3A_55 = arith.constant 640 : i32
    %mul3A_56 = arith.muli %arg1, %mul3A_55 : i32
    %multiple_of3A_57 = tpu.assume_multiple %mul3A_56, 8 : i32
    %dma_wait3A_58 = arith.constant 0 : i32
    %dma_wait3A_59 = tpu.memref_slice %arg11[%multiple_of3A_57, %dma_wait3A_58] : memref<10240x128xf32, #tpu.memory_space<vmem_shared>> -> memref<128x128xf32, #tpu.memory_space<vmem_shared>>
    %dma_wait3A_60 = arith.constant 0 : i32
    %dma_wait3A_61 = tpu.memref_slice %arg11[%multiple_of3A_57, %dma_wait3A_60] : memref<10240x128xf32, #tpu.memory_space<vmem_shared>> -> memref<128x128xf32, #tpu.memory_space<vmem_shared>>
    tpu.wait_dma2 semaphore(%arg13 : memref<!tpu.dma_semaphore, #tpu.memory_space<semaphore_mem>>) src(%arg9 : memref<128x128xf32, #tpu.memory_space<vmem>>) dst(%dma_wait3A_61 : memref<128x128xf32, #tpu.memory_space<vmem_shared>>)
    %mul3A_62 = arith.constant 640 : i32
    %mul3A_63 = arith.muli %arg1, %mul3A_62 : i32
    %multiple_of3A_64 = tpu.assume_multiple %mul3A_63, 8 : i32
    %dma_wait3A_65 = arith.constant 0 : i32
    %dma_wait3A_66 = tpu.memref_slice %arg11[%multiple_of3A_64, %dma_wait3A_65] : memref<10240x128xf32, #tpu.memory_space<vmem_shared>> -> memref<128x128xf32, #tpu.memory_space<vmem_shared>>
    %dma_wait3A_67 = arith.constant 0 : i32
    %dma_wait3A_68 = tpu.memref_slice %arg11[%multiple_of3A_64, %dma_wait3A_67] : memref<10240x128xf32, #tpu.memory_space<vmem_shared>> -> memref<128x128xf32, #tpu.memory_space<vmem_shared>>
    tpu.wait_dma2 semaphore(%arg13 : memref<!tpu.dma_semaphore, #tpu.memory_space<semaphore_mem>>) src(%arg9 : memref<128x128xf32, #tpu.memory_space<vmem>>) dst(%dma_wait3A_68 : memref<128x128xf32, #tpu.memory_space<vmem_shared>>)
    %mul3A_69 = arith.constant 640 : i32
    %mul3A_70 = arith.muli %arg1, %mul3A_69 : i32
    %multiple_of3A_71 = tpu.assume_multiple %mul3A_70, 8 : i32
    %dma_wait3A_72 = arith.constant 0 : i32
    %dma_wait3A_73 = tpu.memref_slice %arg11[%multiple_of3A_71, %dma_wait3A_72] : memref<10240x128xf32, #tpu.memory_space<vmem_shared>> -> memref<128x128xf32, #tpu.memory_space<vmem_shared>>
    %dma_wait3A_74 = arith.constant 0 : i32
    %dma_wait3A_75 = tpu.memref_slice %arg11[%multiple_of3A_71, %dma_wait3A_74] : memref<10240x128xf32, #tpu.memory_space<vmem_shared>> -> memref<128x128xf32, #tpu.memory_space<vmem_shared>>
    tpu.wait_dma2 semaphore(%arg13 : memref<!tpu.dma_semaphore, #tpu.memory_space<semaphore_mem>>) src(%arg9 : memref<128x128xf32, #tpu.memory_space<vmem>>) dst(%dma_wait3A_75 : memref<128x128xf32, #tpu.memory_space<vmem_shared>>)
    %mul3A_76 = arith.constant 640 : i32
    %mul3A_77 = arith.muli %arg1, %mul3A_76 : i32
    %multiple_of3A_78 = tpu.assume_multiple %mul3A_77, 8 : i32
    %dma_wait3A_79 = arith.constant 0 : i32
    %dma_wait3A_80 = tpu.memref_slice %arg11[%multiple_of3A_78, %dma_wait3A_79] : memref<10240x128xf32, #tpu.memory_space<vmem_shared>> -> memref<128x128xf32, #tpu.memory_space<vmem_shared>>
    %dma_wait3A_81 = arith.constant 0 : i32
    %dma_wait3A_82 = tpu.memref_slice %arg11[%multiple_of3A_78, %dma_wait3A_81] : memref<10240x128xf32, #tpu.memory_space<vmem_shared>> -> memref<128x128xf32, #tpu.memory_space<vmem_shared>>
    tpu.wait_dma2 semaphore(%arg13 : memref<!tpu.dma_semaphore, #tpu.memory_space<semaphore_mem>>) src(%arg9 : memref<128x128xf32, #tpu.memory_space<vmem>>) dst(%dma_wait3A_82 : memref<128x128xf32, #tpu.memory_space<vmem_shared>>)
    %barrier3A = arith.constant 0 : index
    tpu.barrier barrier_id(%barrier3A)
    %run_scoped3A = arith.constant 0 : i32
    "tpu.region"() ({
      %run_scoped3A_231 = tpu.sem_alloc : memref<!tpu.dma_semaphore, #tpu.memory_space<semaphore_mem>>
      %dma_start3A_232 = arith.constant 0 : i32
      %dma_start3A_233 = tpu.memref_slice %arg3[%add3A, %run_scoped3A, %dma_start3A_232] : memref<32x80x128xi32, #tpu.memory_space<hbm>> -> memref<1x1x128xi32, #tpu.memory_space<hbm>>
      %dma_start3A_234 = tpu.memref_squeeze %dma_start3A_233 : memref<1x1x128xi32, #tpu.memory_space<hbm>> -> memref<128xi32, #tpu.memory_space<hbm>>
      %dma_start3A_235 = arith.constant 0 : i32
      %dma_start3A_236 = tpu.memref_slice %arg3[%add3A, %run_scoped3A, %dma_start3A_235] : memref<32x80x128xi32, #tpu.memory_space<hbm>> -> memref<1x1x128xi32, #tpu.memory_space<hbm>>
      %dma_start3A_237 = tpu.memref_squeeze %dma_start3A_236 : memref<1x1x128xi32, #tpu.memory_space<hbm>> -> memref<128xi32, #tpu.memory_space<hbm>>
      tpu.enqueue_dma source(%dma_start3A_237 : memref<128xi32, #tpu.memory_space<hbm>>) target(%arg6 : memref<128xi32, #tpu.memory_space<vmem>>) target_semaphore(%run_scoped3A_231 : memref<!tpu.dma_semaphore, #tpu.memory_space<semaphore_mem>>)
      %dma_wait3A_238 = arith.constant 0 : i32
      %dma_wait3A_239 = tpu.memref_slice %arg3[%add3A, %run_scoped3A, %dma_wait3A_238] : memref<32x80x128xi32, #tpu.memory_space<hbm>> -> memref<1x1x128xi32, #tpu.memory_space<hbm>>
      %dma_wait3A_240 = tpu.memref_squeeze %dma_wait3A_239 : memref<1x1x128xi32, #tpu.memory_space<hbm>> -> memref<128xi32, #tpu.memory_space<hbm>>
      %dma_wait3A_241 = arith.constant 0 : i32
      %dma_wait3A_242 = tpu.memref_slice %arg3[%add3A, %run_scoped3A, %dma_wait3A_241] : memref<32x80x128xi32, #tpu.memory_space<hbm>> -> memref<1x1x128xi32, #tpu.memory_space<hbm>>
      %dma_wait3A_243 = tpu.memref_squeeze %dma_wait3A_242 : memref<1x1x128xi32, #tpu.memory_space<hbm>> -> memref<128xi32, #tpu.memory_space<hbm>>
      tpu.wait_dma2 semaphore(%run_scoped3A_231 : memref<!tpu.dma_semaphore, #tpu.memory_space<semaphore_mem>>) src(%dma_wait3A_243 : memref<128xi32, #tpu.memory_space<hbm>>) dst(%arg6 : memref<128xi32, #tpu.memory_space<vmem>>)
      tpu.yield
    }) : () -> ()
    %dma_start3A_83 = arith.constant 0 : i32
    %dma_start3A_84 = arith.constant 0 : i32
    %dma_start3A_85 = tpu.memref_slice %arg2[%dma_start3A_83, %dma_start3A_84] : memref<10240x128xf32, #tpu.memory_space<hbm>> -> memref<10240x128xf32, #tpu.memory_space<hbm>>
    tpu.enqueue_indirect_dma source(%dma_start3A_85 : memref<10240x128xf32, #tpu.memory_space<hbm>>) target(%arg9 : memref<128x128xf32, #tpu.memory_space<vmem>>) offsets(%arg6 : memref<128xi32, #tpu.memory_space<vmem>>) semaphore(%arg12 : memref<!tpu.dma_semaphore, #tpu.memory_space<semaphore_mem>>)
    %dma_start3A_86 = arith.constant 1 : i32
    %dma_start3A_87 = arith.constant 0 : i32
    %dma_start3A_88 = tpu.memref_slice %arg3[%add3A, %dma_start3A_86, %dma_start3A_87] : memref<32x80x128xi32, #tpu.memory_space<hbm>> -> memref<1x1x128xi32, #tpu.memory_space<hbm>>
    %dma_start3A_89 = tpu.memref_squeeze %dma_start3A_88 : memref<1x1x128xi32, #tpu.memory_space<hbm>> -> memref<128xi32, #tpu.memory_space<hbm>>
    %dma_start3A_90 = arith.constant 0 : i32
    %dma_start3A_91 = tpu.memref_slice %arg3[%add3A, %dma_start3A_86, %dma_start3A_90] : memref<32x80x128xi32, #tpu.memory_space<hbm>> -> memref<1x1x128xi32, #tpu.memory_space<hbm>>
    %dma_start3A_92 = tpu.memref_squeeze %dma_start3A_91 : memref<1x1x128xi32, #tpu.memory_space<hbm>> -> memref<128xi32, #tpu.memory_space<hbm>>
    tpu.enqueue_dma source(%dma_start3A_92 : memref<128xi32, #tpu.memory_space<hbm>>) target(%arg7 : memref<128xi32, #tpu.memory_space<vmem>>) target_semaphore(%arg15 : memref<!tpu.dma_semaphore, #tpu.memory_space<semaphore_mem>>)
    %scan3A_93 = arith.constant 0 : i32
    %scan3A_94 = arith.constant 0 : i32
    %scan3A_95 = arith.constant 40 : i32
    %scan3A_96 = arith.addi %scan3A_94, %scan3A_95 : i32
    %scan3A_97 = arith.constant 1 : i32
    scf.for %scan3A_231 = %scan3A_94 to %scan3A_96 step %scan3A_97  : i32 {
      %mul3A_232 = arith.constant 2 : i32
      %mul3A_233 = arith.muli %scan3A_231, %mul3A_232 : i32
      %add3A_234 = arith.constant 0 : i32
      %add3A_235 = arith.addi %mul3A_233, %add3A_234 : i32
      %dma_wait3A_236 = arith.constant 0 : i32
      %dma_wait3A_237 = tpu.memref_slice %arg3[%add3A, %add3A_235, %dma_wait3A_236] : memref<32x80x128xi32, #tpu.memory_space<hbm>> -> memref<1x1x128xi32, #tpu.memory_space<hbm>>
      %dma_wait3A_238 = tpu.memref_squeeze %dma_wait3A_237 : memref<1x1x128xi32, #tpu.memory_space<hbm>> -> memref<128xi32, #tpu.memory_space<hbm>>
      %dma_wait3A_239 = arith.constant 0 : i32
      %dma_wait3A_240 = tpu.memref_slice %arg3[%add3A, %add3A_235, %dma_wait3A_239] : memref<32x80x128xi32, #tpu.memory_space<hbm>> -> memref<1x1x128xi32, #tpu.memory_space<hbm>>
      %dma_wait3A_241 = tpu.memref_squeeze %dma_wait3A_240 : memref<1x1x128xi32, #tpu.memory_space<hbm>> -> memref<128xi32, #tpu.memory_space<hbm>>
      tpu.wait_dma2 semaphore(%arg15 : memref<!tpu.dma_semaphore, #tpu.memory_space<semaphore_mem>>) src(%dma_wait3A_241 : memref<128xi32, #tpu.memory_space<hbm>>) dst(%arg7 : memref<128xi32, #tpu.memory_space<vmem>>)
      %dma_start3A_242 = arith.constant 0 : i32
      %dma_start3A_243 = arith.constant 0 : i32
      %dma_start3A_244 = tpu.memref_slice %arg2[%dma_start3A_242, %dma_start3A_243] : memref<10240x128xf32, #tpu.memory_space<hbm>> -> memref<10240x128xf32, #tpu.memory_space<hbm>>
      tpu.enqueue_indirect_dma source(%dma_start3A_244 : memref<10240x128xf32, #tpu.memory_space<hbm>>) target(%arg10 : memref<128x128xf32, #tpu.memory_space<vmem>>) offsets(%arg7 : memref<128xi32, #tpu.memory_space<vmem>>) semaphore(%arg13 : memref<!tpu.dma_semaphore, #tpu.memory_space<semaphore_mem>>)
      %dma_wait3A_245 = arith.constant 0 : i32
      %dma_wait3A_246 = arith.constant 0 : i32
      %dma_wait3A_247 = tpu.memref_slice %arg2[%dma_wait3A_245, %dma_wait3A_246] : memref<10240x128xf32, #tpu.memory_space<hbm>> -> memref<10240x128xf32, #tpu.memory_space<hbm>>
      tpu.wait_indirect_dma semaphore(%arg12 : memref<!tpu.dma_semaphore, #tpu.memory_space<semaphore_mem>>) src(%dma_wait3A_247 : memref<10240x128xf32, #tpu.memory_space<hbm>>) dst(%arg9 : memref<128x128xf32, #tpu.memory_space<vmem>>)
      "tpu.region"() ({
        %run_scoped3A_283 = tpu.sem_alloc : memref<!tpu.dma_semaphore, #tpu.memory_space<semaphore_mem>>
        %dma_start3A_284 = arith.constant 0 : i32
        %dma_start3A_285 = tpu.memref_slice %arg8[%add3A_235, %dma_start3A_284] : memref<80x128xi32, #tpu.memory_space<vmem>> -> memref<1x128xi32, #tpu.memory_space<vmem>>
        %dma_start3A_286 = tpu.memref_squeeze %dma_start3A_285 : memref<1x128xi32, #tpu.memory_space<vmem>> -> memref<128xi32, #tpu.memory_space<vmem>>
        %dma_start3A_287 = arith.constant 0 : i32
        %dma_start3A_288 = arith.constant 0 : i32
        %dma_start3A_289 = tpu.memref_slice %arg11[%dma_start3A_287, %dma_start3A_288] : memref<10240x128xf32, #tpu.memory_space<vmem_shared>> -> memref<10240x128xf32, #tpu.memory_space<vmem_shared>>
        tpu.enqueue_indirect_dma source(%arg9 : memref<128x128xf32, #tpu.memory_space<vmem>>) target(%dma_start3A_289 : memref<10240x128xf32, #tpu.memory_space<vmem_shared>>) offsets(%dma_start3A_286 : memref<128xi32, #tpu.memory_space<vmem>>) semaphore(%run_scoped3A_283 : memref<!tpu.dma_semaphore, #tpu.memory_space<semaphore_mem>>) {add = true}
        %dma_wait3A_290 = arith.constant 0 : i32
        %dma_wait3A_291 = tpu.memref_slice %arg8[%add3A_235, %dma_wait3A_290] : memref<80x128xi32, #tpu.memory_space<vmem>> -> memref<1x128xi32, #tpu.memory_space<vmem>>
        %dma_wait3A_292 = tpu.memref_squeeze %dma_wait3A_291 : memref<1x128xi32, #tpu.memory_space<vmem>> -> memref<128xi32, #tpu.memory_space<vmem>>
        %dma_wait3A_293 = arith.constant 0 : i32
        %dma_wait3A_294 = arith.constant 0 : i32
        %dma_wait3A_295 = tpu.memref_slice %arg11[%dma_wait3A_293, %dma_wait3A_294] : memref<10240x128xf32, #tpu.memory_space<vmem_shared>> -> memref<10240x128xf32, #tpu.memory_space<vmem_shared>>
        tpu.wait_indirect_dma semaphore(%run_scoped3A_283 : memref<!tpu.dma_semaphore, #tpu.memory_space<semaphore_mem>>) src(%arg9 : memref<128x128xf32, #tpu.memory_space<vmem>>) dst(%dma_wait3A_295 : memref<10240x128xf32, #tpu.memory_space<vmem_shared>>)
        tpu.yield
      }) : () -> ()
      %add3A_248 = arith.constant 2 : i32
      %add3A_249 = arith.addi %add3A_235, %add3A_248 : i32
      %min3A = arith.constant 79 : i32
      %min3A_250 = arith.minsi %add3A_249, %min3A : i32
      %dma_start3A_251 = arith.constant 0 : i32
      %dma_start3A_252 = tpu.memref_slice %arg3[%add3A, %min3A_250, %dma_start3A_251] : memref<32x80x128xi32, #tpu.memory_space<hbm>> -> memref<1x1x128xi32, #tpu.memory_space<hbm>>
      %dma_start3A_253 = tpu.memref_squeeze %dma_start3A_252 : memref<1x1x128xi32, #tpu.memory_space<hbm>> -> memref<128xi32, #tpu.memory_space<hbm>>
      %dma_start3A_254 = arith.constant 0 : i32
      %dma_start3A_255 = tpu.memref_slice %arg3[%add3A, %min3A_250, %dma_start3A_254] : memref<32x80x128xi32, #tpu.memory_space<hbm>> -> memref<1x1x128xi32, #tpu.memory_space<hbm>>
      %dma_start3A_256 = tpu.memref_squeeze %dma_start3A_255 : memref<1x1x128xi32, #tpu.memory_space<hbm>> -> memref<128xi32, #tpu.memory_space<hbm>>
      tpu.enqueue_dma source(%dma_start3A_256 : memref<128xi32, #tpu.memory_space<hbm>>) target(%arg6 : memref<128xi32, #tpu.memory_space<vmem>>) target_semaphore(%arg14 : memref<!tpu.dma_semaphore, #tpu.memory_space<semaphore_mem>>)
      %mul3A_257 = arith.constant 2 : i32
      %mul3A_258 = arith.muli %scan3A_231, %mul3A_257 : i32
      %add3A_259 = arith.constant 1 : i32
      %add3A_260 = arith.addi %mul3A_258, %add3A_259 : i32
      %dma_wait3A_261 = arith.constant 0 : i32
      %dma_wait3A_262 = tpu.memref_slice %arg3[%add3A, %add3A_260, %dma_wait3A_261] : memref<32x80x128xi32, #tpu.memory_space<hbm>> -> memref<1x1x128xi32, #tpu.memory_space<hbm>>
      %dma_wait3A_263 = tpu.memref_squeeze %dma_wait3A_262 : memref<1x1x128xi32, #tpu.memory_space<hbm>> -> memref<128xi32, #tpu.memory_space<hbm>>
      %dma_wait3A_264 = arith.constant 0 : i32
      %dma_wait3A_265 = tpu.memref_slice %arg3[%add3A, %add3A_260, %dma_wait3A_264] : memref<32x80x128xi32, #tpu.memory_space<hbm>> -> memref<1x1x128xi32, #tpu.memory_space<hbm>>
      %dma_wait3A_266 = tpu.memref_squeeze %dma_wait3A_265 : memref<1x1x128xi32, #tpu.memory_space<hbm>> -> memref<128xi32, #tpu.memory_space<hbm>>
      tpu.wait_dma2 semaphore(%arg14 : memref<!tpu.dma_semaphore, #tpu.memory_space<semaphore_mem>>) src(%dma_wait3A_266 : memref<128xi32, #tpu.memory_space<hbm>>) dst(%arg6 : memref<128xi32, #tpu.memory_space<vmem>>)
      %dma_start3A_267 = arith.constant 0 : i32
      %dma_start3A_268 = arith.constant 0 : i32
      %dma_start3A_269 = tpu.memref_slice %arg2[%dma_start3A_267, %dma_start3A_268] : memref<10240x128xf32, #tpu.memory_space<hbm>> -> memref<10240x128xf32, #tpu.memory_space<hbm>>
      tpu.enqueue_indirect_dma source(%dma_start3A_269 : memref<10240x128xf32, #tpu.memory_space<hbm>>) target(%arg9 : memref<128x128xf32, #tpu.memory_space<vmem>>) offsets(%arg6 : memref<128xi32, #tpu.memory_space<vmem>>) semaphore(%arg12 : memref<!tpu.dma_semaphore, #tpu.memory_space<semaphore_mem>>)
      %dma_wait3A_270 = arith.constant 0 : i32
      %dma_wait3A_271 = arith.constant 0 : i32
      %dma_wait3A_272 = tpu.memref_slice %arg2[%dma_wait3A_270, %dma_wait3A_271] : memref<10240x128xf32, #tpu.memory_space<hbm>> -> memref<10240x128xf32, #tpu.memory_space<hbm>>
      tpu.wait_indirect_dma semaphore(%arg13 : memref<!tpu.dma_semaphore, #tpu.memory_space<semaphore_mem>>) src(%dma_wait3A_272 : memref<10240x128xf32, #tpu.memory_space<hbm>>) dst(%arg10 : memref<128x128xf32, #tpu.memory_space<vmem>>)
      "tpu.region"() ({
        %run_scoped3A_283 = tpu.sem_alloc : memref<!tpu.dma_semaphore, #tpu.memory_space<semaphore_mem>>
        %dma_start3A_284 = arith.constant 0 : i32
        %dma_start3A_285 = tpu.memref_slice %arg8[%add3A_260, %dma_start3A_284] : memref<80x128xi32, #tpu.memory_space<vmem>> -> memref<1x128xi32, #tpu.memory_space<vmem>>
        %dma_start3A_286 = tpu.memref_squeeze %dma_start3A_285 : memref<1x128xi32, #tpu.memory_space<vmem>> -> memref<128xi32, #tpu.memory_space<vmem>>
        %dma_start3A_287 = arith.constant 0 : i32
        %dma_start3A_288 = arith.constant 0 : i32
        %dma_start3A_289 = tpu.memref_slice %arg11[%dma_start3A_287, %dma_start3A_288] : memref<10240x128xf32, #tpu.memory_space<vmem_shared>> -> memref<10240x128xf32, #tpu.memory_space<vmem_shared>>
        tpu.enqueue_indirect_dma source(%arg10 : memref<128x128xf32, #tpu.memory_space<vmem>>) target(%dma_start3A_289 : memref<10240x128xf32, #tpu.memory_space<vmem_shared>>) offsets(%dma_start3A_286 : memref<128xi32, #tpu.memory_space<vmem>>) semaphore(%run_scoped3A_283 : memref<!tpu.dma_semaphore, #tpu.memory_space<semaphore_mem>>) {add = true}
        %dma_wait3A_290 = arith.constant 0 : i32
        %dma_wait3A_291 = tpu.memref_slice %arg8[%add3A_260, %dma_wait3A_290] : memref<80x128xi32, #tpu.memory_space<vmem>> -> memref<1x128xi32, #tpu.memory_space<vmem>>
        %dma_wait3A_292 = tpu.memref_squeeze %dma_wait3A_291 : memref<1x128xi32, #tpu.memory_space<vmem>> -> memref<128xi32, #tpu.memory_space<vmem>>
        %dma_wait3A_293 = arith.constant 0 : i32
        %dma_wait3A_294 = arith.constant 0 : i32
        %dma_wait3A_295 = tpu.memref_slice %arg11[%dma_wait3A_293, %dma_wait3A_294] : memref<10240x128xf32, #tpu.memory_space<vmem_shared>> -> memref<10240x128xf32, #tpu.memory_space<vmem_shared>>
        tpu.wait_indirect_dma semaphore(%run_scoped3A_283 : memref<!tpu.dma_semaphore, #tpu.memory_space<semaphore_mem>>) src(%arg10 : memref<128x128xf32, #tpu.memory_space<vmem>>) dst(%dma_wait3A_295 : memref<10240x128xf32, #tpu.memory_space<vmem_shared>>)
        tpu.yield
      }) : () -> ()
      %add3A_273 = arith.constant 2 : i32
      %add3A_274 = arith.addi %add3A_260, %add3A_273 : i32
      %min3A_275 = arith.constant 79 : i32
      %min3A_276 = arith.minsi %add3A_274, %min3A_275 : i32
      %dma_start3A_277 = arith.constant 0 : i32
      %dma_start3A_278 = tpu.memref_slice %arg3[%add3A, %min3A_276, %dma_start3A_277] : memref<32x80x128xi32, #tpu.memory_space<hbm>> -> memref<1x1x128xi32, #tpu.memory_space<hbm>>
      %dma_start3A_279 = tpu.memref_squeeze %dma_start3A_278 : memref<1x1x128xi32, #tpu.memory_space<hbm>> -> memref<128xi32, #tpu.memory_space<hbm>>
      %dma_start3A_280 = arith.constant 0 : i32
      %dma_start3A_281 = tpu.memref_slice %arg3[%add3A, %min3A_276, %dma_start3A_280] : memref<32x80x128xi32, #tpu.memory_space<hbm>> -> memref<1x1x128xi32, #tpu.memory_space<hbm>>
      %dma_start3A_282 = tpu.memref_squeeze %dma_start3A_281 : memref<1x1x128xi32, #tpu.memory_space<hbm>> -> memref<128xi32, #tpu.memory_space<hbm>>
      tpu.enqueue_dma source(%dma_start3A_282 : memref<128xi32, #tpu.memory_space<hbm>>) target(%arg7 : memref<128xi32, #tpu.memory_space<vmem>>) target_semaphore(%arg15 : memref<!tpu.dma_semaphore, #tpu.memory_space<semaphore_mem>>)
    }
    %scan3A_98 = arith.constant 40 : i32
    %dma_wait3A_99 = arith.constant 0 : i32
    %dma_wait3A_100 = arith.constant 0 : i32
    %dma_wait3A_101 = tpu.memref_slice %arg2[%dma_wait3A_99, %dma_wait3A_100] : memref<10240x128xf32, #tpu.memory_space<hbm>> -> memref<10240x128xf32, #tpu.memory_space<hbm>>
    tpu.wait_indirect_dma semaphore(%arg12 : memref<!tpu.dma_semaphore, #tpu.memory_space<semaphore_mem>>) src(%dma_wait3A_101 : memref<10240x128xf32, #tpu.memory_space<hbm>>) dst(%arg9 : memref<128x128xf32, #tpu.memory_space<vmem>>)
    %dma_wait3A_102 = arith.constant 0 : i32
    %dma_wait3A_103 = arith.constant 0 : i32
    %dma_wait3A_104 = tpu.memref_slice %arg3[%add3A, %dma_wait3A_102, %dma_wait3A_103] : memref<32x80x128xi32, #tpu.memory_space<hbm>> -> memref<1x1x128xi32, #tpu.memory_space<hbm>>
    %dma_wait3A_105 = tpu.memref_squeeze %dma_wait3A_104 : memref<1x1x128xi32, #tpu.memory_space<hbm>> -> memref<128xi32, #tpu.memory_space<hbm>>
    %dma_wait3A_106 = arith.constant 0 : i32
    %dma_wait3A_107 = tpu.memref_slice %arg3[%add3A, %dma_wait3A_102, %dma_wait3A_106] : memref<32x80x128xi32, #tpu.memory_space<hbm>> -> memref<1x1x128xi32, #tpu.memory_space<hbm>>
    %dma_wait3A_108 = tpu.memref_squeeze %dma_wait3A_107 : memref<1x1x128xi32, #tpu.memory_space<hbm>> -> memref<128xi32, #tpu.memory_space<hbm>>
    tpu.wait_dma2 semaphore(%arg15 : memref<!tpu.dma_semaphore, #tpu.memory_space<semaphore_mem>>) src(%dma_wait3A_108 : memref<128xi32, #tpu.memory_space<hbm>>) dst(%arg7 : memref<128xi32, #tpu.memory_space<vmem>>)
    %barrier3A_109 = arith.constant 0 : index
    tpu.barrier barrier_id(%barrier3A_109)
    %mul3A_110 = arith.constant 10240 : i32
    %mul3A_111 = arith.muli %arg0, %mul3A_110 : i32
    %mul3A_112 = arith.constant 640 : i32
    %mul3A_113 = arith.muli %arg1, %mul3A_112 : i32
    %add3A_114 = arith.addi %mul3A_111, %mul3A_113 : i32
    %add3A_115 = arith.constant 0 : i32
    %add3A_116 = arith.addi %add3A_114, %add3A_115 : i32
    %multiple_of3A_117 = tpu.assume_multiple %add3A_116, 8 : i32
    %mul3A_118 = arith.constant 640 : i32
    %mul3A_119 = arith.muli %arg1, %mul3A_118 : i32
    %add3A_120 = arith.constant 0 : i32
    %add3A_121 = arith.addi %mul3A_119, %add3A_120 : i32
    %multiple_of3A_122 = tpu.assume_multiple %add3A_121, 8 : i32
    "tpu.region"() ({
      %run_scoped3A_231 = tpu.sem_alloc : memref<!tpu.dma_semaphore, #tpu.memory_space<semaphore_mem>>
      %dma_start3A_232 = arith.constant 0 : i32
      %dma_start3A_233 = tpu.memref_slice %arg11[%multiple_of3A_122, %dma_start3A_232] : memref<10240x128xf32, #tpu.memory_space<vmem_shared>> -> memref<128x128xf32, #tpu.memory_space<vmem_shared>>
      %dma_start3A_234 = arith.constant 0 : i32
      %dma_start3A_235 = tpu.memref_slice %arg11[%multiple_of3A_122, %dma_start3A_234] : memref<10240x128xf32, #tpu.memory_space<vmem_shared>> -> memref<128x128xf32, #tpu.memory_space<vmem_shared>>
      tpu.enqueue_dma source(%dma_start3A_235 : memref<128x128xf32, #tpu.memory_space<vmem_shared>>) target(%arg9 : memref<128x128xf32, #tpu.memory_space<vmem>>) target_semaphore(%run_scoped3A_231 : memref<!tpu.dma_semaphore, #tpu.memory_space<semaphore_mem>>)
      %dma_wait3A_236 = arith.constant 0 : i32
      %dma_wait3A_237 = tpu.memref_slice %arg11[%multiple_of3A_122, %dma_wait3A_236] : memref<10240x128xf32, #tpu.memory_space<vmem_shared>> -> memref<128x128xf32, #tpu.memory_space<vmem_shared>>
      %dma_wait3A_238 = arith.constant 0 : i32
      %dma_wait3A_239 = tpu.memref_slice %arg11[%multiple_of3A_122, %dma_wait3A_238] : memref<10240x128xf32, #tpu.memory_space<vmem_shared>> -> memref<128x128xf32, #tpu.memory_space<vmem_shared>>
      tpu.wait_dma2 semaphore(%run_scoped3A_231 : memref<!tpu.dma_semaphore, #tpu.memory_space<semaphore_mem>>) src(%dma_wait3A_239 : memref<128x128xf32, #tpu.memory_space<vmem_shared>>) dst(%arg9 : memref<128x128xf32, #tpu.memory_space<vmem>>)
      tpu.yield
    }) : () -> ()
    %dma_start3A_123 = arith.constant 0 : i32
    %dma_start3A_124 = tpu.memref_slice %arg5[%multiple_of3A_117, %dma_start3A_123] : memref<20480x128xf32, #tpu.memory_space<hbm>> -> memref<128x128xf32, #tpu.memory_space<hbm>>
    %dma_start3A_125 = arith.constant 0 : i32
    %dma_start3A_126 = tpu.memref_slice %arg5[%multiple_of3A_117, %dma_start3A_125] : memref<20480x128xf32, #tpu.memory_space<hbm>> -> memref<128x128xf32, #tpu.memory_space<hbm>>
    tpu.enqueue_dma source(%arg9 : memref<128x128xf32, #tpu.memory_space<vmem>>) target(%dma_start3A_126 : memref<128x128xf32, #tpu.memory_space<hbm>>) target_semaphore(%arg14 : memref<!tpu.dma_semaphore, #tpu.memory_space<semaphore_mem>>)
    %mul3A_127 = arith.constant 10240 : i32
    %mul3A_128 = arith.muli %arg0, %mul3A_127 : i32
    %mul3A_129 = arith.constant 640 : i32
    %mul3A_130 = arith.muli %arg1, %mul3A_129 : i32
    %add3A_131 = arith.addi %mul3A_128, %mul3A_130 : i32
    %add3A_132 = arith.constant 128 : i32
    %add3A_133 = arith.addi %add3A_131, %add3A_132 : i32
    %multiple_of3A_134 = tpu.assume_multiple %add3A_133, 8 : i32
    %mul3A_135 = arith.constant 640 : i32
    %mul3A_136 = arith.muli %arg1, %mul3A_135 : i32
    %add3A_137 = arith.constant 128 : i32
    %add3A_138 = arith.addi %mul3A_136, %add3A_137 : i32
    %multiple_of3A_139 = tpu.assume_multiple %add3A_138, 8 : i32
    "tpu.region"() ({
      %run_scoped3A_231 = tpu.sem_alloc : memref<!tpu.dma_semaphore, #tpu.memory_space<semaphore_mem>>
      %dma_start3A_232 = arith.constant 0 : i32
      %dma_start3A_233 = tpu.memref_slice %arg11[%multiple_of3A_139, %dma_start3A_232] : memref<10240x128xf32, #tpu.memory_space<vmem_shared>> -> memref<128x128xf32, #tpu.memory_space<vmem_shared>>
      %dma_start3A_234 = arith.constant 0 : i32
      %dma_start3A_235 = tpu.memref_slice %arg11[%multiple_of3A_139, %dma_start3A_234] : memref<10240x128xf32, #tpu.memory_space<vmem_shared>> -> memref<128x128xf32, #tpu.memory_space<vmem_shared>>
      tpu.enqueue_dma source(%dma_start3A_235 : memref<128x128xf32, #tpu.memory_space<vmem_shared>>) target(%arg10 : memref<128x128xf32, #tpu.memory_space<vmem>>) target_semaphore(%run_scoped3A_231 : memref<!tpu.dma_semaphore, #tpu.memory_space<semaphore_mem>>)
      %dma_wait3A_236 = arith.constant 0 : i32
      %dma_wait3A_237 = tpu.memref_slice %arg11[%multiple_of3A_139, %dma_wait3A_236] : memref<10240x128xf32, #tpu.memory_space<vmem_shared>> -> memref<128x128xf32, #tpu.memory_space<vmem_shared>>
      %dma_wait3A_238 = arith.constant 0 : i32
      %dma_wait3A_239 = tpu.memref_slice %arg11[%multiple_of3A_139, %dma_wait3A_238] : memref<10240x128xf32, #tpu.memory_space<vmem_shared>> -> memref<128x128xf32, #tpu.memory_space<vmem_shared>>
      tpu.wait_dma2 semaphore(%run_scoped3A_231 : memref<!tpu.dma_semaphore, #tpu.memory_space<semaphore_mem>>) src(%dma_wait3A_239 : memref<128x128xf32, #tpu.memory_space<vmem_shared>>) dst(%arg10 : memref<128x128xf32, #tpu.memory_space<vmem>>)
      tpu.yield
    }) : () -> ()
    %dma_start3A_140 = arith.constant 0 : i32
    %dma_start3A_141 = tpu.memref_slice %arg5[%multiple_of3A_134, %dma_start3A_140] : memref<20480x128xf32, #tpu.memory_space<hbm>> -> memref<128x128xf32, #tpu.memory_space<hbm>>
    %dma_start3A_142 = arith.constant 0 : i32
    %dma_start3A_143 = tpu.memref_slice %arg5[%multiple_of3A_134, %dma_start3A_142] : memref<20480x128xf32, #tpu.memory_space<hbm>> -> memref<128x128xf32, #tpu.memory_space<hbm>>
    tpu.enqueue_dma source(%arg10 : memref<128x128xf32, #tpu.memory_space<vmem>>) target(%dma_start3A_143 : memref<128x128xf32, #tpu.memory_space<hbm>>) target_semaphore(%arg15 : memref<!tpu.dma_semaphore, #tpu.memory_space<semaphore_mem>>)
    %mul3A_144 = arith.constant 10240 : i32
    %mul3A_145 = arith.muli %arg0, %mul3A_144 : i32
    %mul3A_146 = arith.constant 640 : i32
    %mul3A_147 = arith.muli %arg1, %mul3A_146 : i32
    %add3A_148 = arith.addi %mul3A_145, %mul3A_147 : i32
    %add3A_149 = arith.constant 256 : i32
    %add3A_150 = arith.addi %add3A_148, %add3A_149 : i32
    %multiple_of3A_151 = tpu.assume_multiple %add3A_150, 8 : i32
    %dma_wait3A_152 = arith.constant 0 : i32
    %dma_wait3A_153 = tpu.memref_slice %arg5[%multiple_of3A_151, %dma_wait3A_152] : memref<20480x128xf32, #tpu.memory_space<hbm>> -> memref<128x128xf32, #tpu.memory_space<hbm>>
    %dma_wait3A_154 = arith.constant 0 : i32
    %dma_wait3A_155 = tpu.memref_slice %arg5[%multiple_of3A_151, %dma_wait3A_154] : memref<20480x128xf32, #tpu.memory_space<hbm>> -> memref<128x128xf32, #tpu.memory_space<hbm>>
    tpu.wait_dma2 semaphore(%arg14 : memref<!tpu.dma_semaphore, #tpu.memory_space<semaphore_mem>>) src(%arg9 : memref<128x128xf32, #tpu.memory_space<vmem>>) dst(%dma_wait3A_155 : memref<128x128xf32, #tpu.memory_space<hbm>>)
    %mul3A_156 = arith.constant 640 : i32
    %mul3A_157 = arith.muli %arg1, %mul3A_156 : i32
    %add3A_158 = arith.constant 256 : i32
    %add3A_159 = arith.addi %mul3A_157, %add3A_158 : i32
    %multiple_of3A_160 = tpu.assume_multiple %add3A_159, 8 : i32
    "tpu.region"() ({
      %run_scoped3A_231 = tpu.sem_alloc : memref<!tpu.dma_semaphore, #tpu.memory_space<semaphore_mem>>
      %dma_start3A_232 = arith.constant 0 : i32
      %dma_start3A_233 = tpu.memref_slice %arg11[%multiple_of3A_160, %dma_start3A_232] : memref<10240x128xf32, #tpu.memory_space<vmem_shared>> -> memref<128x128xf32, #tpu.memory_space<vmem_shared>>
      %dma_start3A_234 = arith.constant 0 : i32
      %dma_start3A_235 = tpu.memref_slice %arg11[%multiple_of3A_160, %dma_start3A_234] : memref<10240x128xf32, #tpu.memory_space<vmem_shared>> -> memref<128x128xf32, #tpu.memory_space<vmem_shared>>
      tpu.enqueue_dma source(%dma_start3A_235 : memref<128x128xf32, #tpu.memory_space<vmem_shared>>) target(%arg9 : memref<128x128xf32, #tpu.memory_space<vmem>>) target_semaphore(%run_scoped3A_231 : memref<!tpu.dma_semaphore, #tpu.memory_space<semaphore_mem>>)
      %dma_wait3A_236 = arith.constant 0 : i32
      %dma_wait3A_237 = tpu.memref_slice %arg11[%multiple_of3A_160, %dma_wait3A_236] : memref<10240x128xf32, #tpu.memory_space<vmem_shared>> -> memref<128x128xf32, #tpu.memory_space<vmem_shared>>
      %dma_wait3A_238 = arith.constant 0 : i32
      %dma_wait3A_239 = tpu.memref_slice %arg11[%multiple_of3A_160, %dma_wait3A_238] : memref<10240x128xf32, #tpu.memory_space<vmem_shared>> -> memref<128x128xf32, #tpu.memory_space<vmem_shared>>
      tpu.wait_dma2 semaphore(%run_scoped3A_231 : memref<!tpu.dma_semaphore, #tpu.memory_space<semaphore_mem>>) src(%dma_wait3A_239 : memref<128x128xf32, #tpu.memory_space<vmem_shared>>) dst(%arg9 : memref<128x128xf32, #tpu.memory_space<vmem>>)
      tpu.yield
    }) : () -> ()
    %dma_start3A_161 = arith.constant 0 : i32
    %dma_start3A_162 = tpu.memref_slice %arg5[%multiple_of3A_151, %dma_start3A_161] : memref<20480x128xf32, #tpu.memory_space<hbm>> -> memref<128x128xf32, #tpu.memory_space<hbm>>
    %dma_start3A_163 = arith.constant 0 : i32
    %dma_start3A_164 = tpu.memref_slice %arg5[%multiple_of3A_151, %dma_start3A_163] : memref<20480x128xf32, #tpu.memory_space<hbm>> -> memref<128x128xf32, #tpu.memory_space<hbm>>
    tpu.enqueue_dma source(%arg9 : memref<128x128xf32, #tpu.memory_space<vmem>>) target(%dma_start3A_164 : memref<128x128xf32, #tpu.memory_space<hbm>>) target_semaphore(%arg14 : memref<!tpu.dma_semaphore, #tpu.memory_space<semaphore_mem>>)
    %mul3A_165 = arith.constant 10240 : i32
    %mul3A_166 = arith.muli %arg0, %mul3A_165 : i32
    %mul3A_167 = arith.constant 640 : i32
    %mul3A_168 = arith.muli %arg1, %mul3A_167 : i32
    %add3A_169 = arith.addi %mul3A_166, %mul3A_168 : i32
    %add3A_170 = arith.constant 384 : i32
    %add3A_171 = arith.addi %add3A_169, %add3A_170 : i32
    %multiple_of3A_172 = tpu.assume_multiple %add3A_171, 8 : i32
    %dma_wait3A_173 = arith.constant 0 : i32
    %dma_wait3A_174 = tpu.memref_slice %arg5[%multiple_of3A_172, %dma_wait3A_173] : memref<20480x128xf32, #tpu.memory_space<hbm>> -> memref<128x128xf32, #tpu.memory_space<hbm>>
    %dma_wait3A_175 = arith.constant 0 : i32
    %dma_wait3A_176 = tpu.memref_slice %arg5[%multiple_of3A_172, %dma_wait3A_175] : memref<20480x128xf32, #tpu.memory_space<hbm>> -> memref<128x128xf32, #tpu.memory_space<hbm>>
    tpu.wait_dma2 semaphore(%arg15 : memref<!tpu.dma_semaphore, #tpu.memory_space<semaphore_mem>>) src(%arg10 : memref<128x128xf32, #tpu.memory_space<vmem>>) dst(%dma_wait3A_176 : memref<128x128xf32, #tpu.memory_space<hbm>>)
    %mul3A_177 = arith.constant 640 : i32
    %mul3A_178 = arith.muli %arg1, %mul3A_177 : i32
    %add3A_179 = arith.constant 384 : i32
    %add3A_180 = arith.addi %mul3A_178, %add3A_179 : i32
    %multiple_of3A_181 = tpu.assume_multiple %add3A_180, 8 : i32
    "tpu.region"() ({
      %run_scoped3A_231 = tpu.sem_alloc : memref<!tpu.dma_semaphore, #tpu.memory_space<semaphore_mem>>
      %dma_start3A_232 = arith.constant 0 : i32
      %dma_start3A_233 = tpu.memref_slice %arg11[%multiple_of3A_181, %dma_start3A_232] : memref<10240x128xf32, #tpu.memory_space<vmem_shared>> -> memref<128x128xf32, #tpu.memory_space<vmem_shared>>
      %dma_start3A_234 = arith.constant 0 : i32
      %dma_start3A_235 = tpu.memref_slice %arg11[%multiple_of3A_181, %dma_start3A_234] : memref<10240x128xf32, #tpu.memory_space<vmem_shared>> -> memref<128x128xf32, #tpu.memory_space<vmem_shared>>
      tpu.enqueue_dma source(%dma_start3A_235 : memref<128x128xf32, #tpu.memory_space<vmem_shared>>) target(%arg10 : memref<128x128xf32, #tpu.memory_space<vmem>>) target_semaphore(%run_scoped3A_231 : memref<!tpu.dma_semaphore, #tpu.memory_space<semaphore_mem>>)
      %dma_wait3A_236 = arith.constant 0 : i32
      %dma_wait3A_237 = tpu.memref_slice %arg11[%multiple_of3A_181, %dma_wait3A_236] : memref<10240x128xf32, #tpu.memory_space<vmem_shared>> -> memref<128x128xf32, #tpu.memory_space<vmem_shared>>
      %dma_wait3A_238 = arith.constant 0 : i32
      %dma_wait3A_239 = tpu.memref_slice %arg11[%multiple_of3A_181, %dma_wait3A_238] : memref<10240x128xf32, #tpu.memory_space<vmem_shared>> -> memref<128x128xf32, #tpu.memory_space<vmem_shared>>
      tpu.wait_dma2 semaphore(%run_scoped3A_231 : memref<!tpu.dma_semaphore, #tpu.memory_space<semaphore_mem>>) src(%dma_wait3A_239 : memref<128x128xf32, #tpu.memory_space<vmem_shared>>) dst(%arg10 : memref<128x128xf32, #tpu.memory_space<vmem>>)
      tpu.yield
    }) : () -> ()
    %dma_start3A_182 = arith.constant 0 : i32
    %dma_start3A_183 = tpu.memref_slice %arg5[%multiple_of3A_172, %dma_start3A_182] : memref<20480x128xf32, #tpu.memory_space<hbm>> -> memref<128x128xf32, #tpu.memory_space<hbm>>
    %dma_start3A_184 = arith.constant 0 : i32
    %dma_start3A_185 = tpu.memref_slice %arg5[%multiple_of3A_172, %dma_start3A_184] : memref<20480x128xf32, #tpu.memory_space<hbm>> -> memref<128x128xf32, #tpu.memory_space<hbm>>
    tpu.enqueue_dma source(%arg10 : memref<128x128xf32, #tpu.memory_space<vmem>>) target(%dma_start3A_185 : memref<128x128xf32, #tpu.memory_space<hbm>>) target_semaphore(%arg15 : memref<!tpu.dma_semaphore, #tpu.memory_space<semaphore_mem>>)
    %mul3A_186 = arith.constant 10240 : i32
    %mul3A_187 = arith.muli %arg0, %mul3A_186 : i32
    %mul3A_188 = arith.constant 640 : i32
    %mul3A_189 = arith.muli %arg1, %mul3A_188 : i32
    %add3A_190 = arith.addi %mul3A_187, %mul3A_189 : i32
    %add3A_191 = arith.constant 512 : i32
    %add3A_192 = arith.addi %add3A_190, %add3A_191 : i32
    %multiple_of3A_193 = tpu.assume_multiple %add3A_192, 8 : i32
    %dma_wait3A_194 = arith.constant 0 : i32
    %dma_wait3A_195 = tpu.memref_slice %arg5[%multiple_of3A_193, %dma_wait3A_194] : memref<20480x128xf32, #tpu.memory_space<hbm>> -> memref<128x128xf32, #tpu.memory_space<hbm>>
    %dma_wait3A_196 = arith.constant 0 : i32
    %dma_wait3A_197 = tpu.memref_slice %arg5[%multiple_of3A_193, %dma_wait3A_196] : memref<20480x128xf32, #tpu.memory_space<hbm>> -> memref<128x128xf32, #tpu.memory_space<hbm>>
    tpu.wait_dma2 semaphore(%arg14 : memref<!tpu.dma_semaphore, #tpu.memory_space<semaphore_mem>>) src(%arg9 : memref<128x128xf32, #tpu.memory_space<vmem>>) dst(%dma_wait3A_197 : memref<128x128xf32, #tpu.memory_space<hbm>>)
    %mul3A_198 = arith.constant 640 : i32
    %mul3A_199 = arith.muli %arg1, %mul3A_198 : i32
    %add3A_200 = arith.constant 512 : i32
    %add3A_201 = arith.addi %mul3A_199, %add3A_200 : i32
    %multiple_of3A_202 = tpu.assume_multiple %add3A_201, 8 : i32
    "tpu.region"() ({
      %run_scoped3A_231 = tpu.sem_alloc : memref<!tpu.dma_semaphore, #tpu.memory_space<semaphore_mem>>
      %dma_start3A_232 = arith.constant 0 : i32
      %dma_start3A_233 = tpu.memref_slice %arg11[%multiple_of3A_202, %dma_start3A_232] : memref<10240x128xf32, #tpu.memory_space<vmem_shared>> -> memref<128x128xf32, #tpu.memory_space<vmem_shared>>
      %dma_start3A_234 = arith.constant 0 : i32
      %dma_start3A_235 = tpu.memref_slice %arg11[%multiple_of3A_202, %dma_start3A_234] : memref<10240x128xf32, #tpu.memory_space<vmem_shared>> -> memref<128x128xf32, #tpu.memory_space<vmem_shared>>
      tpu.enqueue_dma source(%dma_start3A_235 : memref<128x128xf32, #tpu.memory_space<vmem_shared>>) target(%arg9 : memref<128x128xf32, #tpu.memory_space<vmem>>) target_semaphore(%run_scoped3A_231 : memref<!tpu.dma_semaphore, #tpu.memory_space<semaphore_mem>>)
      %dma_wait3A_236 = arith.constant 0 : i32
      %dma_wait3A_237 = tpu.memref_slice %arg11[%multiple_of3A_202, %dma_wait3A_236] : memref<10240x128xf32, #tpu.memory_space<vmem_shared>> -> memref<128x128xf32, #tpu.memory_space<vmem_shared>>
      %dma_wait3A_238 = arith.constant 0 : i32
      %dma_wait3A_239 = tpu.memref_slice %arg11[%multiple_of3A_202, %dma_wait3A_238] : memref<10240x128xf32, #tpu.memory_space<vmem_shared>> -> memref<128x128xf32, #tpu.memory_space<vmem_shared>>
      tpu.wait_dma2 semaphore(%run_scoped3A_231 : memref<!tpu.dma_semaphore, #tpu.memory_space<semaphore_mem>>) src(%dma_wait3A_239 : memref<128x128xf32, #tpu.memory_space<vmem_shared>>) dst(%arg9 : memref<128x128xf32, #tpu.memory_space<vmem>>)
      tpu.yield
    }) : () -> ()
    %dma_start3A_203 = arith.constant 0 : i32
    %dma_start3A_204 = tpu.memref_slice %arg5[%multiple_of3A_193, %dma_start3A_203] : memref<20480x128xf32, #tpu.memory_space<hbm>> -> memref<128x128xf32, #tpu.memory_space<hbm>>
    %dma_start3A_205 = arith.constant 0 : i32
    %dma_start3A_206 = tpu.memref_slice %arg5[%multiple_of3A_193, %dma_start3A_205] : memref<20480x128xf32, #tpu.memory_space<hbm>> -> memref<128x128xf32, #tpu.memory_space<hbm>>
    tpu.enqueue_dma source(%arg9 : memref<128x128xf32, #tpu.memory_space<vmem>>) target(%dma_start3A_206 : memref<128x128xf32, #tpu.memory_space<hbm>>) target_semaphore(%arg14 : memref<!tpu.dma_semaphore, #tpu.memory_space<semaphore_mem>>)
    %mul3A_207 = arith.constant 10240 : i32
    %mul3A_208 = arith.muli %arg0, %mul3A_207 : i32
    %mul3A_209 = arith.constant 640 : i32
    %mul3A_210 = arith.muli %arg1, %mul3A_209 : i32
    %add3A_211 = arith.addi %mul3A_208, %mul3A_210 : i32
    %add3A_212 = arith.constant 384 : i32
    %add3A_213 = arith.addi %add3A_211, %add3A_212 : i32
    %multiple_of3A_214 = tpu.assume_multiple %add3A_213, 8 : i32
    %dma_wait3A_215 = arith.constant 0 : i32
    %dma_wait3A_216 = tpu.memref_slice %arg5[%multiple_of3A_214, %dma_wait3A_215] : memref<20480x128xf32, #tpu.memory_space<hbm>> -> memref<128x128xf32, #tpu.memory_space<hbm>>
    %dma_wait3A_217 = arith.constant 0 : i32
    %dma_wait3A_218 = tpu.memref_slice %arg5[%multiple_of3A_214, %dma_wait3A_217] : memref<20480x128xf32, #tpu.memory_space<hbm>> -> memref<128x128xf32, #tpu.memory_space<hbm>>
    tpu.wait_dma2 semaphore(%arg15 : memref<!tpu.dma_semaphore, #tpu.memory_space<semaphore_mem>>) src(%arg10 : memref<128x128xf32, #tpu.memory_space<vmem>>) dst(%dma_wait3A_218 : memref<128x128xf32, #tpu.memory_space<hbm>>)
    %mul3A_219 = arith.constant 10240 : i32
    %mul3A_220 = arith.muli %arg0, %mul3A_219 : i32
    %mul3A_221 = arith.constant 640 : i32
    %mul3A_222 = arith.muli %arg1, %mul3A_221 : i32
    %add3A_223 = arith.addi %mul3A_220, %mul3A_222 : i32
    %add3A_224 = arith.constant 512 : i32
    %add3A_225 = arith.addi %add3A_223, %add3A_224 : i32
    %multiple_of3A_226 = tpu.assume_multiple %add3A_225, 8 : i32
    %dma_wait3A_227 = arith.constant 0 : i32
    %dma_wait3A_228 = tpu.memref_slice %arg5[%multiple_of3A_226, %dma_wait3A_227] : memref<20480x128xf32, #tpu.memory_space<hbm>> -> memref<128x128xf32, #tpu.memory_space<hbm>>
    %dma_wait3A_229 = arith.constant 0 : i32
    %dma_wait3A_230 = tpu.memref_slice %arg5[%multiple_of3A_226, %dma_wait3A_229] : memref<20480x128xf32, #tpu.memory_space<hbm>> -> memref<128x128xf32, #tpu.memory_space<hbm>>
    tpu.wait_dma2 semaphore(%arg14 : memref<!tpu.dma_semaphore, #tpu.memory_space<semaphore_mem>>) src(%arg9 : memref<128x128xf32, #tpu.memory_space<vmem>>) dst(%dma_wait3A_230 : memref<128x128xf32, #tpu.memory_space<hbm>>)
    return
  }
}

#map = affine_map<(d0, d1) -> (0, 0)>
#map1 = affine_map<(d0, d1) -> (0, 0, 0)>
module attributes {stable_mosaic.version = 14 : i64} {
  func.func @_agg_body(%arg0: i32, %arg1: i32, %arg2: memref<10240x128xf32, #tpu.memory_space<hbm>>, %arg3: memref<32x80x128xi32, #tpu.memory_space<hbm>>, %arg4: memref<32x80x128xi32, #tpu.memory_space<hbm>>, %arg5: memref<20480x128xf32, #tpu.memory_space<hbm>>, %arg6: memref<128xi32, #tpu.memory_space<vmem>>, %arg7: memref<128xi32, #tpu.memory_space<vmem>>, %arg8: memref<80x128xi32, #tpu.memory_space<vmem>>, %arg9: memref<128x128xf32, #tpu.memory_space<vmem>>, %arg10: memref<128x128xf32, #tpu.memory_space<vmem>>, %arg11: memref<10240x128xf32, #tpu.memory_space<vmem_shared>>, %arg12: memref<!tpu.dma_semaphore, #tpu.memory_space<semaphore_mem>>, %arg13: memref<!tpu.dma_semaphore, #tpu.memory_space<semaphore_mem>>, %arg14: memref<!tpu.dma_semaphore, #tpu.memory_space<semaphore_mem>>, %arg15: memref<!tpu.dma_semaphore, #tpu.memory_space<semaphore_mem>>) attributes {dimension_semantics = [#tpu.dimension_semantics<core_parallel>, #tpu.dimension_semantics<subcore_parallel>], iteration_bounds = array<i64: 2, 16>, scalar_prefetch = 0 : i64, scratch_operands = 10 : i64, tpu.core_type = #tpu.core_type<sc_vector_subcore>, window_params = [{transform_indices = #map}, {transform_indices = #map1}, {transform_indices = #map1}, {transform_indices = #map}]} {
    %mul3A = arith.constant 2 : i32
    %mul3A_0 = arith.muli %arg1, %mul3A : i32
    %add3A = arith.addi %mul3A_0, %arg0 : i32
    "tpu.region"() ({
      %run_scoped3A_231 = tpu.sem_alloc : memref<!tpu.dma_semaphore, #tpu.memory_space<semaphore_mem>>
      %dma_start3A_232 = arith.constant 0 : i32
      %dma_start3A_233 = arith.constant 0 : i32
      %dma_start3A_234 = tpu.memref_slice %arg4[%add3A, %dma_start3A_232, %dma_start3A_233] : memref<32x80x128xi32, #tpu.memory_space<hbm>> -> memref<1x80x128xi32, #tpu.memory_space<hbm>>
      %dma_start3A_235 = tpu.memref_squeeze %dma_start3A_234 : memref<1x80x128xi32, #tpu.memory_space<hbm>> -> memref<80x128xi32, #tpu.memory_space<hbm>>
      %dma_start3A_236 = arith.constant 0 : i32
      %dma_start3A_237 = arith.constant 0 : i32
      %dma_start3A_238 = tpu.memref_slice %arg4[%add3A, %dma_start3A_236, %dma_start3A_237] : memref<32x80x128xi32, #tpu.memory_space<hbm>> -> memref<1x80x128xi32, #tpu.memory_space<hbm>>
      %dma_start3A_239 = tpu.memref_squeeze %dma_start3A_238 : memref<1x80x128xi32, #tpu.memory_space<hbm>> -> memref<80x128xi32, #tpu.memory_space<hbm>>
      tpu.enqueue_dma source(%dma_start3A_239 : memref<80x128xi32, #tpu.memory_space<hbm>>) target(%arg8 : memref<80x128xi32, #tpu.memory_space<vmem>>) target_semaphore(%run_scoped3A_231 : memref<!tpu.dma_semaphore, #tpu.memory_space<semaphore_mem>>)
      %dma_wait3A_240 = arith.constant 0 : i32
      %dma_wait3A_241 = arith.constant 0 : i32
      %dma_wait3A_242 = tpu.memref_slice %arg4[%add3A, %dma_wait3A_240, %dma_wait3A_241] : memref<32x80x128xi32, #tpu.memory_space<hbm>> -> memref<1x80x128xi32, #tpu.memory_space<hbm>>
      %dma_wait3A_243 = tpu.memref_squeeze %dma_wait3A_242 : memref<1x80x128xi32, #tpu.memory_space<hbm>> -> memref<80x128xi32, #tpu.memory_space<hbm>>
      %dma_wait3A_244 = arith.constant 0 : i32
      %dma_wait3A_245 = arith.constant 0 : i32
      %dma_wait3A_246 = tpu.memref_slice %arg4[%add3A, %dma_wait3A_244, %dma_wait3A_245] : memref<32x80x128xi32, #tpu.memory_space<hbm>> -> memref<1x80x128xi32, #tpu.memory_space<hbm>>
      %dma_wait3A_247 = tpu.memref_squeeze %dma_wait3A_246 : memref<1x80x128xi32, #tpu.memory_space<hbm>> -> memref<80x128xi32, #tpu.memory_space<hbm>>
      tpu.wait_dma2 semaphore(%run_scoped3A_231 : memref<!tpu.dma_semaphore, #tpu.memory_space<semaphore_mem>>) src(%dma_wait3A_247 : memref<80x128xi32, #tpu.memory_space<hbm>>) dst(%arg8 : memref<80x128xi32, #tpu.memory_space<vmem>>)
      tpu.yield
    }) : () -> ()
    %scan3A = arith.constant 0 : i32
    %scan3A_1 = arith.constant 0 : i32
    %scan3A_2 = arith.constant 128 : i32
    %scan3A_3 = arith.addi %scan3A_1, %scan3A_2 : i32
    %scan3A_4 = arith.constant 1 : i32
    scf.for %scan3A_231 = %scan3A_1 to %scan3A_3 step %scan3A_4  : i32 {
      %broadcast_in_dim3A = arith.constant 0.000000e+00 : f32
      %broadcast_in_dim3A_232 = vector.broadcast %broadcast_in_dim3A : f32 to vector<16xf32>
      %swap3A = arith.index_cast %scan3A_231 : i32 to index
      %swap3A_233 = arith.constant 0 : index
      %swap3A_234 = tpu.vector_load %arg9[%swap3A, %swap3A_233] {strides = array<i32>} : memref<128x128xf32, #tpu.memory_space<vmem>>, vector<16xf32>,
      tpu.vector_store %arg9[%swap3A, %swap3A_233], %broadcast_in_dim3A_232 {strides = array<i32>} : memref<128x128xf32, #tpu.memory_space<vmem>>, vector<16xf32>,
      %broadcast_in_dim3A_235 = arith.constant 0.000000e+00 : f32
      %broadcast_in_dim3A_236 = vector.broadcast %broadcast_in_dim3A_235 : f32 to vector<16xf32>
      %swap3A_237 = arith.index_cast %scan3A_231 : i32 to index
      %swap3A_238 = arith.constant 16 : index
      %swap3A_239 = tpu.vector_load %arg9[%swap3A_237, %swap3A_238] {strides = array<i32>} : memref<128x128xf32, #tpu.memory_space<vmem>>, vector<16xf32>,
      tpu.vector_store %arg9[%swap3A_237, %swap3A_238], %broadcast_in_dim3A_236 {strides = array<i32>} : memref<128x128xf32, #tpu.memory_space<vmem>>, vector<16xf32>,
      %broadcast_in_dim3A_240 = arith.constant 0.000000e+00 : f32
      %broadcast_in_dim3A_241 = vector.broadcast %broadcast_in_dim3A_240 : f32 to vector<16xf32>
      %swap3A_242 = arith.index_cast %scan3A_231 : i32 to index
      %swap3A_243 = arith.constant 32 : index
      %swap3A_244 = tpu.vector_load %arg9[%swap3A_242, %swap3A_243] {strides = array<i32>} : memref<128x128xf32, #tpu.memory_space<vmem>>, vector<16xf32>,
      tpu.vector_store %arg9[%swap3A_242, %swap3A_243], %broadcast_in_dim3A_241 {strides = array<i32>} : memref<128x128xf32, #tpu.memory_space<vmem>>, vector<16xf32>,
      %broadcast_in_dim3A_245 = arith.constant 0.000000e+00 : f32
      %broadcast_in_dim3A_246 = vector.broadcast %broadcast_in_dim3A_245 : f32 to vector<16xf32>
      %swap3A_247 = arith.index_cast %scan3A_231 : i32 to index
      %swap3A_248 = arith.constant 48 : index
      %swap3A_249 = tpu.vector_load %arg9[%swap3A_247, %swap3A_248] {strides = array<i32>} : memref<128x128xf32, #tpu.memory_space<vmem>>, vector<16xf32>,
      tpu.vector_store %arg9[%swap3A_247, %swap3A_248], %broadcast_in_dim3A_246 {strides = array<i32>} : memref<128x128xf32, #tpu.memory_space<vmem>>, vector<16xf32>,
      %broadcast_in_dim3A_250 = arith.constant 0.000000e+00 : f32
      %broadcast_in_dim3A_251 = vector.broadcast %broadcast_in_dim3A_250 : f32 to vector<16xf32>
      %swap3A_252 = arith.index_cast %scan3A_231 : i32 to index
      %swap3A_253 = arith.constant 64 : index
      %swap3A_254 = tpu.vector_load %arg9[%swap3A_252, %swap3A_253] {strides = array<i32>} : memref<128x128xf32, #tpu.memory_space<vmem>>, vector<16xf32>,
      tpu.vector_store %arg9[%swap3A_252, %swap3A_253], %broadcast_in_dim3A_251 {strides = array<i32>} : memref<128x128xf32, #tpu.memory_space<vmem>>, vector<16xf32>,
      %broadcast_in_dim3A_255 = arith.constant 0.000000e+00 : f32
      %broadcast_in_dim3A_256 = vector.broadcast %broadcast_in_dim3A_255 : f32 to vector<16xf32>
      %swap3A_257 = arith.index_cast %scan3A_231 : i32 to index
      %swap3A_258 = arith.constant 80 : index
      %swap3A_259 = tpu.vector_load %arg9[%swap3A_257, %swap3A_258] {strides = array<i32>} : memref<128x128xf32, #tpu.memory_space<vmem>>, vector<16xf32>,
      tpu.vector_store %arg9[%swap3A_257, %swap3A_258], %broadcast_in_dim3A_256 {strides = array<i32>} : memref<128x128xf32, #tpu.memory_space<vmem>>, vector<16xf32>,
      %broadcast_in_dim3A_260 = arith.constant 0.000000e+00 : f32
      %broadcast_in_dim3A_261 = vector.broadcast %broadcast_in_dim3A_260 : f32 to vector<16xf32>
      %swap3A_262 = arith.index_cast %scan3A_231 : i32 to index
      %swap3A_263 = arith.constant 96 : index
      %swap3A_264 = tpu.vector_load %arg9[%swap3A_262, %swap3A_263] {strides = array<i32>} : memref<128x128xf32, #tpu.memory_space<vmem>>, vector<16xf32>,
      tpu.vector_store %arg9[%swap3A_262, %swap3A_263], %broadcast_in_dim3A_261 {strides = array<i32>} : memref<128x128xf32, #tpu.memory_space<vmem>>, vector<16xf32>,
      %broadcast_in_dim3A_265 = arith.constant 0.000000e+00 : f32
      %broadcast_in_dim3A_266 = vector.broadcast %broadcast_in_dim3A_265 : f32 to vector<16xf32>
      %swap3A_267 = arith.index_cast %scan3A_231 : i32 to index
      %swap3A_268 = arith.constant 112 : index
      %swap3A_269 = tpu.vector_load %arg9[%swap3A_267, %swap3A_268] {strides = array<i32>} : memref<128x128xf32, #tpu.memory_space<vmem>>, vector<16xf32>,
      tpu.vector_store %arg9[%swap3A_267, %swap3A_268], %broadcast_in_dim3A_266 {strides = array<i32>} : memref<128x128xf32, #tpu.memory_space<vmem>>, vector<16xf32>,
    }
    %scan3A_5 = arith.constant 128 : i32
    %mul3A_6 = arith.constant 640 : i32
    %mul3A_7 = arith.muli %arg1, %mul3A_6 : i32
    %add3A_8 = arith.constant 0 : i32
    %add3A_9 = arith.addi %mul3A_7, %add3A_8 : i32
    %multiple_of3A = tpu.assume_multiple %add3A_9, 8 : i32
    %dma_start3A = arith.constant 0 : i32
    %dma_start3A_10 = tpu.memref_slice %arg11[%multiple_of3A, %dma_start3A] : memref<10240x128xf32, #tpu.memory_space<vmem_shared>> -> memref<128x128xf32, #tpu.memory_space<vmem_shared>>
    %dma_start3A_11 = arith.constant 0 : i32
    %dma_start3A_12 = tpu.memref_slice %arg11[%multiple_of3A, %dma_start3A_11] : memref<10240x128xf32, #tpu.memory_space<vmem_shared>> -> memref<128x128xf32, #tpu.memory_space<vmem_shared>>
    tpu.enqueue_dma source(%arg9 : memref<128x128xf32, #tpu.memory_space<vmem>>) target(%dma_start3A_12 : memref<128x128xf32, #tpu.memory_space<vmem_shared>>) target_semaphore(%arg13 : memref<!tpu.dma_semaphore, #tpu.memory_space<semaphore_mem>>)
    %mul3A_13 = arith.constant 640 : i32
    %mul3A_14 = arith.muli %arg1, %mul3A_13 : i32
    %add3A_15 = arith.constant 128 : i32
    %add3A_16 = arith.addi %mul3A_14, %add3A_15 : i32
    %multiple_of3A_17 = tpu.assume_multiple %add3A_16, 8 : i32
    %dma_start3A_18 = arith.constant 0 : i32
    %dma_start3A_19 = tpu.memref_slice %arg11[%multiple_of3A_17, %dma_start3A_18] : memref<10240x128xf32, #tpu.memory_space<vmem_shared>> -> memref<128x128xf32, #tpu.memory_space<vmem_shared>>
    %dma_start3A_20 = arith.constant 0 : i32
    %dma_start3A_21 = tpu.memref_slice %arg11[%multiple_of3A_17, %dma_start3A_20] : memref<10240x128xf32, #tpu.memory_space<vmem_shared>> -> memref<128x128xf32, #tpu.memory_space<vmem_shared>>
    tpu.enqueue_dma source(%arg9 : memref<128x128xf32, #tpu.memory_space<vmem>>) target(%dma_start3A_21 : memref<128x128xf32, #tpu.memory_space<vmem_shared>>) target_semaphore(%arg13 : memref<!tpu.dma_semaphore, #tpu.memory_space<semaphore_mem>>)
    %mul3A_22 = arith.constant 640 : i32
    %mul3A_23 = arith.muli %arg1, %mul3A_22 : i32
    %add3A_24 = arith.constant 256 : i32
    %add3A_25 = arith.addi %mul3A_23, %add3A_24 : i32
    %multiple_of3A_26 = tpu.assume_multiple %add3A_25, 8 : i32
    %dma_start3A_27 = arith.constant 0 : i32
    %dma_start3A_28 = tpu.memref_slice %arg11[%multiple_of3A_26, %dma_start3A_27] : memref<10240x128xf32, #tpu.memory_space<vmem_shared>> -> memref<128x128xf32, #tpu.memory_space<vmem_shared>>
    %dma_start3A_29 = arith.constant 0 : i32
    %dma_start3A_30 = tpu.memref_slice %arg11[%multiple_of3A_26, %dma_start3A_29] : memref<10240x128xf32, #tpu.memory_space<vmem_shared>> -> memref<128x128xf32, #tpu.memory_space<vmem_shared>>
    tpu.enqueue_dma source(%arg9 : memref<128x128xf32, #tpu.memory_space<vmem>>) target(%dma_start3A_30 : memref<128x128xf32, #tpu.memory_space<vmem_shared>>) target_semaphore(%arg13 : memref<!tpu.dma_semaphore, #tpu.memory_space<semaphore_mem>>)
    %mul3A_31 = arith.constant 640 : i32
    %mul3A_32 = arith.muli %arg1, %mul3A_31 : i32
    %add3A_33 = arith.constant 384 : i32
    %add3A_34 = arith.addi %mul3A_32, %add3A_33 : i32
    %multiple_of3A_35 = tpu.assume_multiple %add3A_34, 8 : i32
    %dma_start3A_36 = arith.constant 0 : i32
    %dma_start3A_37 = tpu.memref_slice %arg11[%multiple_of3A_35, %dma_start3A_36] : memref<10240x128xf32, #tpu.memory_space<vmem_shared>> -> memref<128x128xf32, #tpu.memory_space<vmem_shared>>
    %dma_start3A_38 = arith.constant 0 : i32
    %dma_start3A_39 = tpu.memref_slice %arg11[%multiple_of3A_35, %dma_start3A_38] : memref<10240x128xf32, #tpu.memory_space<vmem_shared>> -> memref<128x128xf32, #tpu.memory_space<vmem_shared>>
    tpu.enqueue_dma source(%arg9 : memref<128x128xf32, #tpu.memory_space<vmem>>) target(%dma_start3A_39 : memref<128x128xf32, #tpu.memory_space<vmem_shared>>) target_semaphore(%arg13 : memref<!tpu.dma_semaphore, #tpu.memory_space<semaphore_mem>>)
    %mul3A_40 = arith.constant 640 : i32
    %mul3A_41 = arith.muli %arg1, %mul3A_40 : i32
    %add3A_42 = arith.constant 512 : i32
    %add3A_43 = arith.addi %mul3A_41, %add3A_42 : i32
    %multiple_of3A_44 = tpu.assume_multiple %add3A_43, 8 : i32
    %dma_start3A_45 = arith.constant 0 : i32
    %dma_start3A_46 = tpu.memref_slice %arg11[%multiple_of3A_44, %dma_start3A_45] : memref<10240x128xf32, #tpu.memory_space<vmem_shared>> -> memref<128x128xf32, #tpu.memory_space<vmem_shared>>
    %dma_start3A_47 = arith.constant 0 : i32
    %dma_start3A_48 = tpu.memref_slice %arg11[%multiple_of3A_44, %dma_start3A_47] : memref<10240x128xf32, #tpu.memory_space<vmem_shared>> -> memref<128x128xf32, #tpu.memory_space<vmem_shared>>
    tpu.enqueue_dma source(%arg9 : memref<128x128xf32, #tpu.memory_space<vmem>>) target(%dma_start3A_48 : memref<128x128xf32, #tpu.memory_space<vmem_shared>>) target_semaphore(%arg13 : memref<!tpu.dma_semaphore, #tpu.memory_space<semaphore_mem>>)
    %mul3A_49 = arith.constant 640 : i32
    %mul3A_50 = arith.muli %arg1, %mul3A_49 : i32
    %multiple_of3A_51 = tpu.assume_multiple %mul3A_50, 8 : i32
    %dma_wait3A = arith.constant 0 : i32
    %dma_wait3A_52 = tpu.memref_slice %arg11[%multiple_of3A_51, %dma_wait3A] : memref<10240x128xf32, #tpu.memory_space<vmem_shared>> -> memref<128x128xf32, #tpu.memory_space<vmem_shared>>
    %dma_wait3A_53 = arith.constant 0 : i32
    %dma_wait3A_54 = tpu.memref_slice %arg11[%multiple_of3A_51, %dma_wait3A_53] : memref<10240x128xf32, #tpu.memory_space<vmem_shared>> -> memref<128x128xf32, #tpu.memory_space<vmem_shared>>
    tpu.wait_dma2 semaphore(%arg13 : memref<!tpu.dma_semaphore, #tpu.memory_space<semaphore_mem>>) src(%arg9 : memref<128x128xf32, #tpu.memory_space<vmem>>) dst(%dma_wait3A_54 : memref<128x128xf32, #tpu.memory_space<vmem_shared>>)
    %mul3A_55 = arith.constant 640 : i32
    %mul3A_56 = arith.muli %arg1, %mul3A_55 : i32
    %multiple_of3A_57 = tpu.assume_multiple %mul3A_56, 8 : i32
    %dma_wait3A_58 = arith.constant 0 : i32
    %dma_wait3A_59 = tpu.memref_slice %arg11[%multiple_of3A_57, %dma_wait3A_58] : memref<10240x128xf32, #tpu.memory_space<vmem_shared>> -> memref<128x128xf32, #tpu.memory_space<vmem_shared>>
    %dma_wait3A_60 = arith.constant 0 : i32
    %dma_wait3A_61 = tpu.memref_slice %arg11[%multiple_of3A_57, %dma_wait3A_60] : memref<10240x128xf32, #tpu.memory_space<vmem_shared>> -> memref<128x128xf32, #tpu.memory_space<vmem_shared>>
    tpu.wait_dma2 semaphore(%arg13 : memref<!tpu.dma_semaphore, #tpu.memory_space<semaphore_mem>>) src(%arg9 : memref<128x128xf32, #tpu.memory_space<vmem>>) dst(%dma_wait3A_61 : memref<128x128xf32, #tpu.memory_space<vmem_shared>>)
    %mul3A_62 = arith.constant 640 : i32
    %mul3A_63 = arith.muli %arg1, %mul3A_62 : i32
    %multiple_of3A_64 = tpu.assume_multiple %mul3A_63, 8 : i32
    %dma_wait3A_65 = arith.constant 0 : i32
    %dma_wait3A_66 = tpu.memref_slice %arg11[%multiple_of3A_64, %dma_wait3A_65] : memref<10240x128xf32, #tpu.memory_space<vmem_shared>> -> memref<128x128xf32, #tpu.memory_space<vmem_shared>>
    %dma_wait3A_67 = arith.constant 0 : i32
    %dma_wait3A_68 = tpu.memref_slice %arg11[%multiple_of3A_64, %dma_wait3A_67] : memref<10240x128xf32, #tpu.memory_space<vmem_shared>> -> memref<128x128xf32, #tpu.memory_space<vmem_shared>>
    tpu.wait_dma2 semaphore(%arg13 : memref<!tpu.dma_semaphore, #tpu.memory_space<semaphore_mem>>) src(%arg9 : memref<128x128xf32, #tpu.memory_space<vmem>>) dst(%dma_wait3A_68 : memref<128x128xf32, #tpu.memory_space<vmem_shared>>)
    %mul3A_69 = arith.constant 640 : i32
    %mul3A_70 = arith.muli %arg1, %mul3A_69 : i32
    %multiple_of3A_71 = tpu.assume_multiple %mul3A_70, 8 : i32
    %dma_wait3A_72 = arith.constant 0 : i32
    %dma_wait3A_73 = tpu.memref_slice %arg11[%multiple_of3A_71, %dma_wait3A_72] : memref<10240x128xf32, #tpu.memory_space<vmem_shared>> -> memref<128x128xf32, #tpu.memory_space<vmem_shared>>
    %dma_wait3A_74 = arith.constant 0 : i32
    %dma_wait3A_75 = tpu.memref_slice %arg11[%multiple_of3A_71, %dma_wait3A_74] : memref<10240x128xf32, #tpu.memory_space<vmem_shared>> -> memref<128x128xf32, #tpu.memory_space<vmem_shared>>
    tpu.wait_dma2 semaphore(%arg13 : memref<!tpu.dma_semaphore, #tpu.memory_space<semaphore_mem>>) src(%arg9 : memref<128x128xf32, #tpu.memory_space<vmem>>) dst(%dma_wait3A_75 : memref<128x128xf32, #tpu.memory_space<vmem_shared>>)
    %mul3A_76 = arith.constant 640 : i32
    %mul3A_77 = arith.muli %arg1, %mul3A_76 : i32
    %multiple_of3A_78 = tpu.assume_multiple %mul3A_77, 8 : i32
    %dma_wait3A_79 = arith.constant 0 : i32
    %dma_wait3A_80 = tpu.memref_slice %arg11[%multiple_of3A_78, %dma_wait3A_79] : memref<10240x128xf32, #tpu.memory_space<vmem_shared>> -> memref<128x128xf32, #tpu.memory_space<vmem_shared>>
    %dma_wait3A_81 = arith.constant 0 : i32
    %dma_wait3A_82 = tpu.memref_slice %arg11[%multiple_of3A_78, %dma_wait3A_81] : memref<10240x128xf32, #tpu.memory_space<vmem_shared>> -> memref<128x128xf32, #tpu.memory_space<vmem_shared>>
    tpu.wait_dma2 semaphore(%arg13 : memref<!tpu.dma_semaphore, #tpu.memory_space<semaphore_mem>>) src(%arg9 : memref<128x128xf32, #tpu.memory_space<vmem>>) dst(%dma_wait3A_82 : memref<128x128xf32, #tpu.memory_space<vmem_shared>>)
    %barrier3A = arith.constant 0 : index
    tpu.barrier barrier_id(%barrier3A)
    %run_scoped3A = arith.constant 0 : i32
    "tpu.region"() ({
      %run_scoped3A_231 = tpu.sem_alloc : memref<!tpu.dma_semaphore, #tpu.memory_space<semaphore_mem>>
      %dma_start3A_232 = arith.constant 0 : i32
      %dma_start3A_233 = tpu.memref_slice %arg3[%add3A, %run_scoped3A, %dma_start3A_232] : memref<32x80x128xi32, #tpu.memory_space<hbm>> -> memref<1x1x128xi32, #tpu.memory_space<hbm>>
      %dma_start3A_234 = tpu.memref_squeeze %dma_start3A_233 : memref<1x1x128xi32, #tpu.memory_space<hbm>> -> memref<128xi32, #tpu.memory_space<hbm>>
      %dma_start3A_235 = arith.constant 0 : i32
      %dma_start3A_236 = tpu.memref_slice %arg3[%add3A, %run_scoped3A, %dma_start3A_235] : memref<32x80x128xi32, #tpu.memory_space<hbm>> -> memref<1x1x128xi32, #tpu.memory_space<hbm>>
      %dma_start3A_237 = tpu.memref_squeeze %dma_start3A_236 : memref<1x1x128xi32, #tpu.memory_space<hbm>> -> memref<128xi32, #tpu.memory_space<hbm>>
      tpu.enqueue_dma source(%dma_start3A_237 : memref<128xi32, #tpu.memory_space<hbm>>) target(%arg6 : memref<128xi32, #tpu.memory_space<vmem>>) target_semaphore(%run_scoped3A_231 : memref<!tpu.dma_semaphore, #tpu.memory_space<semaphore_mem>>)
      %dma_wait3A_238 = arith.constant 0 : i32
      %dma_wait3A_239 = tpu.memref_slice %arg3[%add3A, %run_scoped3A, %dma_wait3A_238] : memref<32x80x128xi32, #tpu.memory_space<hbm>> -> memref<1x1x128xi32, #tpu.memory_space<hbm>>
      %dma_wait3A_240 = tpu.memref_squeeze %dma_wait3A_239 : memref<1x1x128xi32, #tpu.memory_space<hbm>> -> memref<128xi32, #tpu.memory_space<hbm>>
      %dma_wait3A_241 = arith.constant 0 : i32
      %dma_wait3A_242 = tpu.memref_slice %arg3[%add3A, %run_scoped3A, %dma_wait3A_241] : memref<32x80x128xi32, #tpu.memory_space<hbm>> -> memref<1x1x128xi32, #tpu.memory_space<hbm>>
      %dma_wait3A_243 = tpu.memref_squeeze %dma_wait3A_242 : memref<1x1x128xi32, #tpu.memory_space<hbm>> -> memref<128xi32, #tpu.memory_space<hbm>>
      tpu.wait_dma2 semaphore(%run_scoped3A_231 : memref<!tpu.dma_semaphore, #tpu.memory_space<semaphore_mem>>) src(%dma_wait3A_243 : memref<128xi32, #tpu.memory_space<hbm>>) dst(%arg6 : memref<128xi32, #tpu.memory_space<vmem>>)
      tpu.yield
    }) : () -> ()
    %dma_start3A_83 = arith.constant 0 : i32
    %dma_start3A_84 = arith.constant 0 : i32
    %dma_start3A_85 = tpu.memref_slice %arg2[%dma_start3A_83, %dma_start3A_84] : memref<10240x128xf32, #tpu.memory_space<hbm>> -> memref<10240x128xf32, #tpu.memory_space<hbm>>
    tpu.enqueue_indirect_dma source(%dma_start3A_85 : memref<10240x128xf32, #tpu.memory_space<hbm>>) target(%arg9 : memref<128x128xf32, #tpu.memory_space<vmem>>) offsets(%arg6 : memref<128xi32, #tpu.memory_space<vmem>>) semaphore(%arg12 : memref<!tpu.dma_semaphore, #tpu.memory_space<semaphore_mem>>)
    %dma_start3A_86 = arith.constant 1 : i32
    %dma_start3A_87 = arith.constant 0 : i32
    %dma_start3A_88 = tpu.memref_slice %arg3[%add3A, %dma_start3A_86, %dma_start3A_87] : memref<32x80x128xi32, #tpu.memory_space<hbm>> -> memref<1x1x128xi32, #tpu.memory_space<hbm>>
    %dma_start3A_89 = tpu.memref_squeeze %dma_start3A_88 : memref<1x1x128xi32, #tpu.memory_space<hbm>> -> memref<128xi32, #tpu.memory_space<hbm>>
    %dma_start3A_90 = arith.constant 0 : i32
    %dma_start3A_91 = tpu.memref_slice %arg3[%add3A, %dma_start3A_86, %dma_start3A_90] : memref<32x80x128xi32, #tpu.memory_space<hbm>> -> memref<1x1x128xi32, #tpu.memory_space<hbm>>
    %dma_start3A_92 = tpu.memref_squeeze %dma_start3A_91 : memref<1x1x128xi32, #tpu.memory_space<hbm>> -> memref<128xi32, #tpu.memory_space<hbm>>
    tpu.enqueue_dma source(%dma_start3A_92 : memref<128xi32, #tpu.memory_space<hbm>>) target(%arg7 : memref<128xi32, #tpu.memory_space<vmem>>) target_semaphore(%arg15 : memref<!tpu.dma_semaphore, #tpu.memory_space<semaphore_mem>>)
    %scan3A_93 = arith.constant 0 : i32
    %scan3A_94 = arith.constant 0 : i32
    %scan3A_95 = arith.constant 40 : i32
    %scan3A_96 = arith.addi %scan3A_94, %scan3A_95 : i32
    %scan3A_97 = arith.constant 1 : i32
    scf.for %scan3A_231 = %scan3A_94 to %scan3A_96 step %scan3A_97  : i32 {
      %mul3A_232 = arith.constant 2 : i32
      %mul3A_233 = arith.muli %scan3A_231, %mul3A_232 : i32
      %add3A_234 = arith.constant 0 : i32
      %add3A_235 = arith.addi %mul3A_233, %add3A_234 : i32
      %dma_wait3A_236 = arith.constant 0 : i32
      %dma_wait3A_237 = tpu.memref_slice %arg3[%add3A, %add3A_235, %dma_wait3A_236] : memref<32x80x128xi32, #tpu.memory_space<hbm>> -> memref<1x1x128xi32, #tpu.memory_space<hbm>>
      %dma_wait3A_238 = tpu.memref_squeeze %dma_wait3A_237 : memref<1x1x128xi32, #tpu.memory_space<hbm>> -> memref<128xi32, #tpu.memory_space<hbm>>
      %dma_wait3A_239 = arith.constant 0 : i32
      %dma_wait3A_240 = tpu.memref_slice %arg3[%add3A, %add3A_235, %dma_wait3A_239] : memref<32x80x128xi32, #tpu.memory_space<hbm>> -> memref<1x1x128xi32, #tpu.memory_space<hbm>>
      %dma_wait3A_241 = tpu.memref_squeeze %dma_wait3A_240 : memref<1x1x128xi32, #tpu.memory_space<hbm>> -> memref<128xi32, #tpu.memory_space<hbm>>
      tpu.wait_dma2 semaphore(%arg15 : memref<!tpu.dma_semaphore, #tpu.memory_space<semaphore_mem>>) src(%dma_wait3A_241 : memref<128xi32, #tpu.memory_space<hbm>>) dst(%arg7 : memref<128xi32, #tpu.memory_space<vmem>>)
      %dma_start3A_242 = arith.constant 0 : i32
      %dma_start3A_243 = arith.constant 0 : i32
      %dma_start3A_244 = tpu.memref_slice %arg2[%dma_start3A_242, %dma_start3A_243] : memref<10240x128xf32, #tpu.memory_space<hbm>> -> memref<10240x128xf32, #tpu.memory_space<hbm>>
      tpu.enqueue_indirect_dma source(%dma_start3A_244 : memref<10240x128xf32, #tpu.memory_space<hbm>>) target(%arg10 : memref<128x128xf32, #tpu.memory_space<vmem>>) offsets(%arg7 : memref<128xi32, #tpu.memory_space<vmem>>) semaphore(%arg13 : memref<!tpu.dma_semaphore, #tpu.memory_space<semaphore_mem>>)
      %dma_wait3A_245 = arith.constant 0 : i32
      %dma_wait3A_246 = arith.constant 0 : i32
      %dma_wait3A_247 = tpu.memref_slice %arg2[%dma_wait3A_245, %dma_wait3A_246] : memref<10240x128xf32, #tpu.memory_space<hbm>> -> memref<10240x128xf32, #tpu.memory_space<hbm>>
      tpu.wait_indirect_dma semaphore(%arg12 : memref<!tpu.dma_semaphore, #tpu.memory_space<semaphore_mem>>) src(%dma_wait3A_247 : memref<10240x128xf32, #tpu.memory_space<hbm>>) dst(%arg9 : memref<128x128xf32, #tpu.memory_space<vmem>>)
      "tpu.region"() ({
        %run_scoped3A_283 = tpu.sem_alloc : memref<!tpu.dma_semaphore, #tpu.memory_space<semaphore_mem>>
        %dma_start3A_284 = arith.constant 0 : i32
        %dma_start3A_285 = tpu.memref_slice %arg8[%add3A_235, %dma_start3A_284] : memref<80x128xi32, #tpu.memory_space<vmem>> -> memref<1x128xi32, #tpu.memory_space<vmem>>
        %dma_start3A_286 = tpu.memref_squeeze %dma_start3A_285 : memref<1x128xi32, #tpu.memory_space<vmem>> -> memref<128xi32, #tpu.memory_space<vmem>>
        %dma_start3A_287 = arith.constant 0 : i32
        %dma_start3A_288 = arith.constant 0 : i32
        %dma_start3A_289 = tpu.memref_slice %arg11[%dma_start3A_287, %dma_start3A_288] : memref<10240x128xf32, #tpu.memory_space<vmem_shared>> -> memref<10240x128xf32, #tpu.memory_space<vmem_shared>>
        tpu.enqueue_indirect_dma source(%arg9 : memref<128x128xf32, #tpu.memory_space<vmem>>) target(%dma_start3A_289 : memref<10240x128xf32, #tpu.memory_space<vmem_shared>>) offsets(%dma_start3A_286 : memref<128xi32, #tpu.memory_space<vmem>>) semaphore(%run_scoped3A_283 : memref<!tpu.dma_semaphore, #tpu.memory_space<semaphore_mem>>) {add = true}
        %dma_wait3A_290 = arith.constant 0 : i32
        %dma_wait3A_291 = tpu.memref_slice %arg8[%add3A_235, %dma_wait3A_290] : memref<80x128xi32, #tpu.memory_space<vmem>> -> memref<1x128xi32, #tpu.memory_space<vmem>>
        %dma_wait3A_292 = tpu.memref_squeeze %dma_wait3A_291 : memref<1x128xi32, #tpu.memory_space<vmem>> -> memref<128xi32, #tpu.memory_space<vmem>>
        %dma_wait3A_293 = arith.constant 0 : i32
        %dma_wait3A_294 = arith.constant 0 : i32
        %dma_wait3A_295 = tpu.memref_slice %arg11[%dma_wait3A_293, %dma_wait3A_294] : memref<10240x128xf32, #tpu.memory_space<vmem_shared>> -> memref<10240x128xf32, #tpu.memory_space<vmem_shared>>
        tpu.wait_indirect_dma semaphore(%run_scoped3A_283 : memref<!tpu.dma_semaphore, #tpu.memory_space<semaphore_mem>>) src(%arg9 : memref<128x128xf32, #tpu.memory_space<vmem>>) dst(%dma_wait3A_295 : memref<10240x128xf32, #tpu.memory_space<vmem_shared>>)
        tpu.yield
      }) : () -> ()
      %add3A_248 = arith.constant 2 : i32
      %add3A_249 = arith.addi %add3A_235, %add3A_248 : i32
      %min3A = arith.constant 79 : i32
      %min3A_250 = arith.minsi %add3A_249, %min3A : i32
      %dma_start3A_251 = arith.constant 0 : i32
      %dma_start3A_252 = tpu.memref_slice %arg3[%add3A, %min3A_250, %dma_start3A_251] : memref<32x80x128xi32, #tpu.memory_space<hbm>> -> memref<1x1x128xi32, #tpu.memory_space<hbm>>
      %dma_start3A_253 = tpu.memref_squeeze %dma_start3A_252 : memref<1x1x128xi32, #tpu.memory_space<hbm>> -> memref<128xi32, #tpu.memory_space<hbm>>
      %dma_start3A_254 = arith.constant 0 : i32
      %dma_start3A_255 = tpu.memref_slice %arg3[%add3A, %min3A_250, %dma_start3A_254] : memref<32x80x128xi32, #tpu.memory_space<hbm>> -> memref<1x1x128xi32, #tpu.memory_space<hbm>>
      %dma_start3A_256 = tpu.memref_squeeze %dma_start3A_255 : memref<1x1x128xi32, #tpu.memory_space<hbm>> -> memref<128xi32, #tpu.memory_space<hbm>>
      tpu.enqueue_dma source(%dma_start3A_256 : memref<128xi32, #tpu.memory_space<hbm>>) target(%arg6 : memref<128xi32, #tpu.memory_space<vmem>>) target_semaphore(%arg14 : memref<!tpu.dma_semaphore, #tpu.memory_space<semaphore_mem>>)
      %mul3A_257 = arith.constant 2 : i32
      %mul3A_258 = arith.muli %scan3A_231, %mul3A_257 : i32
      %add3A_259 = arith.constant 1 : i32
      %add3A_260 = arith.addi %mul3A_258, %add3A_259 : i32
      %dma_wait3A_261 = arith.constant 0 : i32
      %dma_wait3A_262 = tpu.memref_slice %arg3[%add3A, %add3A_260, %dma_wait3A_261] : memref<32x80x128xi32, #tpu.memory_space<hbm>> -> memref<1x1x128xi32, #tpu.memory_space<hbm>>
      %dma_wait3A_263 = tpu.memref_squeeze %dma_wait3A_262 : memref<1x1x128xi32, #tpu.memory_space<hbm>> -> memref<128xi32, #tpu.memory_space<hbm>>
      %dma_wait3A_264 = arith.constant 0 : i32
      %dma_wait3A_265 = tpu.memref_slice %arg3[%add3A, %add3A_260, %dma_wait3A_264] : memref<32x80x128xi32, #tpu.memory_space<hbm>> -> memref<1x1x128xi32, #tpu.memory_space<hbm>>
      %dma_wait3A_266 = tpu.memref_squeeze %dma_wait3A_265 : memref<1x1x128xi32, #tpu.memory_space<hbm>> -> memref<128xi32, #tpu.memory_space<hbm>>
      tpu.wait_dma2 semaphore(%arg14 : memref<!tpu.dma_semaphore, #tpu.memory_space<semaphore_mem>>) src(%dma_wait3A_266 : memref<128xi32, #tpu.memory_space<hbm>>) dst(%arg6 : memref<128xi32, #tpu.memory_space<vmem>>)
      %dma_start3A_267 = arith.constant 0 : i32
      %dma_start3A_268 = arith.constant 0 : i32
      %dma_start3A_269 = tpu.memref_slice %arg2[%dma_start3A_267, %dma_start3A_268] : memref<10240x128xf32, #tpu.memory_space<hbm>> -> memref<10240x128xf32, #tpu.memory_space<hbm>>
      tpu.enqueue_indirect_dma source(%dma_start3A_269 : memref<10240x128xf32, #tpu.memory_space<hbm>>) target(%arg9 : memref<128x128xf32, #tpu.memory_space<vmem>>) offsets(%arg6 : memref<128xi32, #tpu.memory_space<vmem>>) semaphore(%arg12 : memref<!tpu.dma_semaphore, #tpu.memory_space<semaphore_mem>>)
      %dma_wait3A_270 = arith.constant 0 : i32
      %dma_wait3A_271 = arith.constant 0 : i32
      %dma_wait3A_272 = tpu.memref_slice %arg2[%dma_wait3A_270, %dma_wait3A_271] : memref<10240x128xf32, #tpu.memory_space<hbm>> -> memref<10240x128xf32, #tpu.memory_space<hbm>>
      tpu.wait_indirect_dma semaphore(%arg13 : memref<!tpu.dma_semaphore, #tpu.memory_space<semaphore_mem>>) src(%dma_wait3A_272 : memref<10240x128xf32, #tpu.memory_space<hbm>>) dst(%arg10 : memref<128x128xf32, #tpu.memory_space<vmem>>)
      "tpu.region"() ({
        %run_scoped3A_283 = tpu.sem_alloc : memref<!tpu.dma_semaphore, #tpu.memory_space<semaphore_mem>>
        %dma_start3A_284 = arith.constant 0 : i32
        %dma_start3A_285 = tpu.memref_slice %arg8[%add3A_260, %dma_start3A_284] : memref<80x128xi32, #tpu.memory_space<vmem>> -> memref<1x128xi32, #tpu.memory_space<vmem>>
        %dma_start3A_286 = tpu.memref_squeeze %dma_start3A_285 : memref<1x128xi32, #tpu.memory_space<vmem>> -> memref<128xi32, #tpu.memory_space<vmem>>
        %dma_start3A_287 = arith.constant 0 : i32
        %dma_start3A_288 = arith.constant 0 : i32
        %dma_start3A_289 = tpu.memref_slice %arg11[%dma_start3A_287, %dma_start3A_288] : memref<10240x128xf32, #tpu.memory_space<vmem_shared>> -> memref<10240x128xf32, #tpu.memory_space<vmem_shared>>
        tpu.enqueue_indirect_dma source(%arg10 : memref<128x128xf32, #tpu.memory_space<vmem>>) target(%dma_start3A_289 : memref<10240x128xf32, #tpu.memory_space<vmem_shared>>) offsets(%dma_start3A_286 : memref<128xi32, #tpu.memory_space<vmem>>) semaphore(%run_scoped3A_283 : memref<!tpu.dma_semaphore, #tpu.memory_space<semaphore_mem>>) {add = true}
        %dma_wait3A_290 = arith.constant 0 : i32
        %dma_wait3A_291 = tpu.memref_slice %arg8[%add3A_260, %dma_wait3A_290] : memref<80x128xi32, #tpu.memory_space<vmem>> -> memref<1x128xi32, #tpu.memory_space<vmem>>
        %dma_wait3A_292 = tpu.memref_squeeze %dma_wait3A_291 : memref<1x128xi32, #tpu.memory_space<vmem>> -> memref<128xi32, #tpu.memory_space<vmem>>
        %dma_wait3A_293 = arith.constant 0 : i32
        %dma_wait3A_294 = arith.constant 0 : i32
        %dma_wait3A_295 = tpu.memref_slice %arg11[%dma_wait3A_293, %dma_wait3A_294] : memref<10240x128xf32, #tpu.memory_space<vmem_shared>> -> memref<10240x128xf32, #tpu.memory_space<vmem_shared>>
        tpu.wait_indirect_dma semaphore(%run_scoped3A_283 : memref<!tpu.dma_semaphore, #tpu.memory_space<semaphore_mem>>) src(%arg10 : memref<128x128xf32, #tpu.memory_space<vmem>>) dst(%dma_wait3A_295 : memref<10240x128xf32, #tpu.memory_space<vmem_shared>>)
        tpu.yield
      }) : () -> ()
      %add3A_273 = arith.constant 2 : i32
      %add3A_274 = arith.addi %add3A_260, %add3A_273 : i32
      %min3A_275 = arith.constant 79 : i32
      %min3A_276 = arith.minsi %add3A_274, %min3A_275 : i32
      %dma_start3A_277 = arith.constant 0 : i32
      %dma_start3A_278 = tpu.memref_slice %arg3[%add3A, %min3A_276, %dma_start3A_277] : memref<32x80x128xi32, #tpu.memory_space<hbm>> -> memref<1x1x128xi32, #tpu.memory_space<hbm>>
      %dma_start3A_279 = tpu.memref_squeeze %dma_start3A_278 : memref<1x1x128xi32, #tpu.memory_space<hbm>> -> memref<128xi32, #tpu.memory_space<hbm>>
      %dma_start3A_280 = arith.constant 0 : i32
      %dma_start3A_281 = tpu.memref_slice %arg3[%add3A, %min3A_276, %dma_start3A_280] : memref<32x80x128xi32, #tpu.memory_space<hbm>> -> memref<1x1x128xi32, #tpu.memory_space<hbm>>
      %dma_start3A_282 = tpu.memref_squeeze %dma_start3A_281 : memref<1x1x128xi32, #tpu.memory_space<hbm>> -> memref<128xi32, #tpu.memory_space<hbm>>
      tpu.enqueue_dma source(%dma_start3A_282 : memref<128xi32, #tpu.memory_space<hbm>>) target(%arg7 : memref<128xi32, #tpu.memory_space<vmem>>) target_semaphore(%arg15 : memref<!tpu.dma_semaphore, #tpu.memory_space<semaphore_mem>>)
    }
    %scan3A_98 = arith.constant 40 : i32
    %dma_wait3A_99 = arith.constant 0 : i32
    %dma_wait3A_100 = arith.constant 0 : i32
    %dma_wait3A_101 = tpu.memref_slice %arg2[%dma_wait3A_99, %dma_wait3A_100] : memref<10240x128xf32, #tpu.memory_space<hbm>> -> memref<10240x128xf32, #tpu.memory_space<hbm>>
    tpu.wait_indirect_dma semaphore(%arg12 : memref<!tpu.dma_semaphore, #tpu.memory_space<semaphore_mem>>) src(%dma_wait3A_101 : memref<10240x128xf32, #tpu.memory_space<hbm>>) dst(%arg9 : memref<128x128xf32, #tpu.memory_space<vmem>>)
    %dma_wait3A_102 = arith.constant 0 : i32
    %dma_wait3A_103 = arith.constant 0 : i32
    %dma_wait3A_104 = tpu.memref_slice %arg3[%add3A, %dma_wait3A_102, %dma_wait3A_103] : memref<32x80x128xi32, #tpu.memory_space<hbm>> -> memref<1x1x128xi32, #tpu.memory_space<hbm>>
    %dma_wait3A_105 = tpu.memref_squeeze %dma_wait3A_104 : memref<1x1x128xi32, #tpu.memory_space<hbm>> -> memref<128xi32, #tpu.memory_space<hbm>>
    %dma_wait3A_106 = arith.constant 0 : i32
    %dma_wait3A_107 = tpu.memref_slice %arg3[%add3A, %dma_wait3A_102, %dma_wait3A_106] : memref<32x80x128xi32, #tpu.memory_space<hbm>> -> memref<1x1x128xi32, #tpu.memory_space<hbm>>
    %dma_wait3A_108 = tpu.memref_squeeze %dma_wait3A_107 : memref<1x1x128xi32, #tpu.memory_space<hbm>> -> memref<128xi32, #tpu.memory_space<hbm>>
    tpu.wait_dma2 semaphore(%arg15 : memref<!tpu.dma_semaphore, #tpu.memory_space<semaphore_mem>>) src(%dma_wait3A_108 : memref<128xi32, #tpu.memory_space<hbm>>) dst(%arg7 : memref<128xi32, #tpu.memory_space<vmem>>)
    %barrier3A_109 = arith.constant 0 : index
    tpu.barrier barrier_id(%barrier3A_109)
    %mul3A_110 = arith.constant 10240 : i32
    %mul3A_111 = arith.muli %arg0, %mul3A_110 : i32
    %mul3A_112 = arith.constant 640 : i32
    %mul3A_113 = arith.muli %arg1, %mul3A_112 : i32
    %add3A_114 = arith.addi %mul3A_111, %mul3A_113 : i32
    %add3A_115 = arith.constant 0 : i32
    %add3A_116 = arith.addi %add3A_114, %add3A_115 : i32
    %multiple_of3A_117 = tpu.assume_multiple %add3A_116, 8 : i32
    %mul3A_118 = arith.constant 640 : i32
    %mul3A_119 = arith.muli %arg1, %mul3A_118 : i32
    %add3A_120 = arith.constant 0 : i32
    %add3A_121 = arith.addi %mul3A_119, %add3A_120 : i32
    %multiple_of3A_122 = tpu.assume_multiple %add3A_121, 8 : i32
    "tpu.region"() ({
      %run_scoped3A_231 = tpu.sem_alloc : memref<!tpu.dma_semaphore, #tpu.memory_space<semaphore_mem>>
      %dma_start3A_232 = arith.constant 0 : i32
      %dma_start3A_233 = tpu.memref_slice %arg11[%multiple_of3A_122, %dma_start3A_232] : memref<10240x128xf32, #tpu.memory_space<vmem_shared>> -> memref<128x128xf32, #tpu.memory_space<vmem_shared>>
      %dma_start3A_234 = arith.constant 0 : i32
      %dma_start3A_235 = tpu.memref_slice %arg11[%multiple_of3A_122, %dma_start3A_234] : memref<10240x128xf32, #tpu.memory_space<vmem_shared>> -> memref<128x128xf32, #tpu.memory_space<vmem_shared>>
      tpu.enqueue_dma source(%dma_start3A_235 : memref<128x128xf32, #tpu.memory_space<vmem_shared>>) target(%arg9 : memref<128x128xf32, #tpu.memory_space<vmem>>) target_semaphore(%run_scoped3A_231 : memref<!tpu.dma_semaphore, #tpu.memory_space<semaphore_mem>>)
      %dma_wait3A_236 = arith.constant 0 : i32
      %dma_wait3A_237 = tpu.memref_slice %arg11[%multiple_of3A_122, %dma_wait3A_236] : memref<10240x128xf32, #tpu.memory_space<vmem_shared>> -> memref<128x128xf32, #tpu.memory_space<vmem_shared>>
      %dma_wait3A_238 = arith.constant 0 : i32
      %dma_wait3A_239 = tpu.memref_slice %arg11[%multiple_of3A_122, %dma_wait3A_238] : memref<10240x128xf32, #tpu.memory_space<vmem_shared>> -> memref<128x128xf32, #tpu.memory_space<vmem_shared>>
      tpu.wait_dma2 semaphore(%run_scoped3A_231 : memref<!tpu.dma_semaphore, #tpu.memory_space<semaphore_mem>>) src(%dma_wait3A_239 : memref<128x128xf32, #tpu.memory_space<vmem_shared>>) dst(%arg9 : memref<128x128xf32, #tpu.memory_space<vmem>>)
      tpu.yield
    }) : () -> ()
    %dma_start3A_123 = arith.constant 0 : i32
    %dma_start3A_124 = tpu.memref_slice %arg5[%multiple_of3A_117, %dma_start3A_123] : memref<20480x128xf32, #tpu.memory_space<hbm>> -> memref<128x128xf32, #tpu.memory_space<hbm>>
    %dma_start3A_125 = arith.constant 0 : i32
    %dma_start3A_126 = tpu.memref_slice %arg5[%multiple_of3A_117, %dma_start3A_125] : memref<20480x128xf32, #tpu.memory_space<hbm>> -> memref<128x128xf32, #tpu.memory_space<hbm>>
    tpu.enqueue_dma source(%arg9 : memref<128x128xf32, #tpu.memory_space<vmem>>) target(%dma_start3A_126 : memref<128x128xf32, #tpu.memory_space<hbm>>) target_semaphore(%arg14 : memref<!tpu.dma_semaphore, #tpu.memory_space<semaphore_mem>>)
    %mul3A_127 = arith.constant 10240 : i32
    %mul3A_128 = arith.muli %arg0, %mul3A_127 : i32
    %mul3A_129 = arith.constant 640 : i32
    %mul3A_130 = arith.muli %arg1, %mul3A_129 : i32
    %add3A_131 = arith.addi %mul3A_128, %mul3A_130 : i32
    %add3A_132 = arith.constant 128 : i32
    %add3A_133 = arith.addi %add3A_131, %add3A_132 : i32
    %multiple_of3A_134 = tpu.assume_multiple %add3A_133, 8 : i32
    %mul3A_135 = arith.constant 640 : i32
    %mul3A_136 = arith.muli %arg1, %mul3A_135 : i32
    %add3A_137 = arith.constant 128 : i32
    %add3A_138 = arith.addi %mul3A_136, %add3A_137 : i32
    %multiple_of3A_139 = tpu.assume_multiple %add3A_138, 8 : i32
    "tpu.region"() ({
      %run_scoped3A_231 = tpu.sem_alloc : memref<!tpu.dma_semaphore, #tpu.memory_space<semaphore_mem>>
      %dma_start3A_232 = arith.constant 0 : i32
      %dma_start3A_233 = tpu.memref_slice %arg11[%multiple_of3A_139, %dma_start3A_232] : memref<10240x128xf32, #tpu.memory_space<vmem_shared>> -> memref<128x128xf32, #tpu.memory_space<vmem_shared>>
      %dma_start3A_234 = arith.constant 0 : i32
      %dma_start3A_235 = tpu.memref_slice %arg11[%multiple_of3A_139, %dma_start3A_234] : memref<10240x128xf32, #tpu.memory_space<vmem_shared>> -> memref<128x128xf32, #tpu.memory_space<vmem_shared>>
      tpu.enqueue_dma source(%dma_start3A_235 : memref<128x128xf32, #tpu.memory_space<vmem_shared>>) target(%arg10 : memref<128x128xf32, #tpu.memory_space<vmem>>) target_semaphore(%run_scoped3A_231 : memref<!tpu.dma_semaphore, #tpu.memory_space<semaphore_mem>>)
      %dma_wait3A_236 = arith.constant 0 : i32
      %dma_wait3A_237 = tpu.memref_slice %arg11[%multiple_of3A_139, %dma_wait3A_236] : memref<10240x128xf32, #tpu.memory_space<vmem_shared>> -> memref<128x128xf32, #tpu.memory_space<vmem_shared>>
      %dma_wait3A_238 = arith.constant 0 : i32
      %dma_wait3A_239 = tpu.memref_slice %arg11[%multiple_of3A_139, %dma_wait3A_238] : memref<10240x128xf32, #tpu.memory_space<vmem_shared>> -> memref<128x128xf32, #tpu.memory_space<vmem_shared>>
      tpu.wait_dma2 semaphore(%run_scoped3A_231 : memref<!tpu.dma_semaphore, #tpu.memory_space<semaphore_mem>>) src(%dma_wait3A_239 : memref<128x128xf32, #tpu.memory_space<vmem_shared>>) dst(%arg10 : memref<128x128xf32, #tpu.memory_space<vmem>>)
      tpu.yield
    }) : () -> ()
    %dma_start3A_140 = arith.constant 0 : i32
    %dma_start3A_141 = tpu.memref_slice %arg5[%multiple_of3A_134, %dma_start3A_140] : memref<20480x128xf32, #tpu.memory_space<hbm>> -> memref<128x128xf32, #tpu.memory_space<hbm>>
    %dma_start3A_142 = arith.constant 0 : i32
    %dma_start3A_143 = tpu.memref_slice %arg5[%multiple_of3A_134, %dma_start3A_142] : memref<20480x128xf32, #tpu.memory_space<hbm>> -> memref<128x128xf32, #tpu.memory_space<hbm>>
    tpu.enqueue_dma source(%arg10 : memref<128x128xf32, #tpu.memory_space<vmem>>) target(%dma_start3A_143 : memref<128x128xf32, #tpu.memory_space<hbm>>) target_semaphore(%arg15 : memref<!tpu.dma_semaphore, #tpu.memory_space<semaphore_mem>>)
    %mul3A_144 = arith.constant 10240 : i32
    %mul3A_145 = arith.muli %arg0, %mul3A_144 : i32
    %mul3A_146 = arith.constant 640 : i32
    %mul3A_147 = arith.muli %arg1, %mul3A_146 : i32
    %add3A_148 = arith.addi %mul3A_145, %mul3A_147 : i32
    %add3A_149 = arith.constant 256 : i32
    %add3A_150 = arith.addi %add3A_148, %add3A_149 : i32
    %multiple_of3A_151 = tpu.assume_multiple %add3A_150, 8 : i32
    %dma_wait3A_152 = arith.constant 0 : i32
    %dma_wait3A_153 = tpu.memref_slice %arg5[%multiple_of3A_151, %dma_wait3A_152] : memref<20480x128xf32, #tpu.memory_space<hbm>> -> memref<128x128xf32, #tpu.memory_space<hbm>>
    %dma_wait3A_154 = arith.constant 0 : i32
    %dma_wait3A_155 = tpu.memref_slice %arg5[%multiple_of3A_151, %dma_wait3A_154] : memref<20480x128xf32, #tpu.memory_space<hbm>> -> memref<128x128xf32, #tpu.memory_space<hbm>>
    tpu.wait_dma2 semaphore(%arg14 : memref<!tpu.dma_semaphore, #tpu.memory_space<semaphore_mem>>) src(%arg9 : memref<128x128xf32, #tpu.memory_space<vmem>>) dst(%dma_wait3A_155 : memref<128x128xf32, #tpu.memory_space<hbm>>)
    %mul3A_156 = arith.constant 640 : i32
    %mul3A_157 = arith.muli %arg1, %mul3A_156 : i32
    %add3A_158 = arith.constant 256 : i32
    %add3A_159 = arith.addi %mul3A_157, %add3A_158 : i32
    %multiple_of3A_160 = tpu.assume_multiple %add3A_159, 8 : i32
    "tpu.region"() ({
      %run_scoped3A_231 = tpu.sem_alloc : memref<!tpu.dma_semaphore, #tpu.memory_space<semaphore_mem>>
      %dma_start3A_232 = arith.constant 0 : i32
      %dma_start3A_233 = tpu.memref_slice %arg11[%multiple_of3A_160, %dma_start3A_232] : memref<10240x128xf32, #tpu.memory_space<vmem_shared>> -> memref<128x128xf32, #tpu.memory_space<vmem_shared>>
      %dma_start3A_234 = arith.constant 0 : i32
      %dma_start3A_235 = tpu.memref_slice %arg11[%multiple_of3A_160, %dma_start3A_234] : memref<10240x128xf32, #tpu.memory_space<vmem_shared>> -> memref<128x128xf32, #tpu.memory_space<vmem_shared>>
      tpu.enqueue_dma source(%dma_start3A_235 : memref<128x128xf32, #tpu.memory_space<vmem_shared>>) target(%arg9 : memref<128x128xf32, #tpu.memory_space<vmem>>) target_semaphore(%run_scoped3A_231 : memref<!tpu.dma_semaphore, #tpu.memory_space<semaphore_mem>>)
      %dma_wait3A_236 = arith.constant 0 : i32
      %dma_wait3A_237 = tpu.memref_slice %arg11[%multiple_of3A_160, %dma_wait3A_236] : memref<10240x128xf32, #tpu.memory_space<vmem_shared>> -> memref<128x128xf32, #tpu.memory_space<vmem_shared>>
      %dma_wait3A_238 = arith.constant 0 : i32
      %dma_wait3A_239 = tpu.memref_slice %arg11[%multiple_of3A_160, %dma_wait3A_238] : memref<10240x128xf32, #tpu.memory_space<vmem_shared>> -> memref<128x128xf32, #tpu.memory_space<vmem_shared>>
      tpu.wait_dma2 semaphore(%run_scoped3A_231 : memref<!tpu.dma_semaphore, #tpu.memory_space<semaphore_mem>>) src(%dma_wait3A_239 : memref<128x128xf32, #tpu.memory_space<vmem_shared>>) dst(%arg9 : memref<128x128xf32, #tpu.memory_space<vmem>>)
      tpu.yield
    }) : () -> ()
    %dma_start3A_161 = arith.constant 0 : i32
    %dma_start3A_162 = tpu.memref_slice %arg5[%multiple_of3A_151, %dma_start3A_161] : memref<20480x128xf32, #tpu.memory_space<hbm>> -> memref<128x128xf32, #tpu.memory_space<hbm>>
    %dma_start3A_163 = arith.constant 0 : i32
    %dma_start3A_164 = tpu.memref_slice %arg5[%multiple_of3A_151, %dma_start3A_163] : memref<20480x128xf32, #tpu.memory_space<hbm>> -> memref<128x128xf32, #tpu.memory_space<hbm>>
    tpu.enqueue_dma source(%arg9 : memref<128x128xf32, #tpu.memory_space<vmem>>) target(%dma_start3A_164 : memref<128x128xf32, #tpu.memory_space<hbm>>) target_semaphore(%arg14 : memref<!tpu.dma_semaphore, #tpu.memory_space<semaphore_mem>>)
    %mul3A_165 = arith.constant 10240 : i32
    %mul3A_166 = arith.muli %arg0, %mul3A_165 : i32
    %mul3A_167 = arith.constant 640 : i32
    %mul3A_168 = arith.muli %arg1, %mul3A_167 : i32
    %add3A_169 = arith.addi %mul3A_166, %mul3A_168 : i32
    %add3A_170 = arith.constant 384 : i32
    %add3A_171 = arith.addi %add3A_169, %add3A_170 : i32
    %multiple_of3A_172 = tpu.assume_multiple %add3A_171, 8 : i32
    %dma_wait3A_173 = arith.constant 0 : i32
    %dma_wait3A_174 = tpu.memref_slice %arg5[%multiple_of3A_172, %dma_wait3A_173] : memref<20480x128xf32, #tpu.memory_space<hbm>> -> memref<128x128xf32, #tpu.memory_space<hbm>>
    %dma_wait3A_175 = arith.constant 0 : i32
    %dma_wait3A_176 = tpu.memref_slice %arg5[%multiple_of3A_172, %dma_wait3A_175] : memref<20480x128xf32, #tpu.memory_space<hbm>> -> memref<128x128xf32, #tpu.memory_space<hbm>>
    tpu.wait_dma2 semaphore(%arg15 : memref<!tpu.dma_semaphore, #tpu.memory_space<semaphore_mem>>) src(%arg10 : memref<128x128xf32, #tpu.memory_space<vmem>>) dst(%dma_wait3A_176 : memref<128x128xf32, #tpu.memory_space<hbm>>)
    %mul3A_177 = arith.constant 640 : i32
    %mul3A_178 = arith.muli %arg1, %mul3A_177 : i32
    %add3A_179 = arith.constant 384 : i32
    %add3A_180 = arith.addi %mul3A_178, %add3A_179 : i32
    %multiple_of3A_181 = tpu.assume_multiple %add3A_180, 8 : i32
    "tpu.region"() ({
      %run_scoped3A_231 = tpu.sem_alloc : memref<!tpu.dma_semaphore, #tpu.memory_space<semaphore_mem>>
      %dma_start3A_232 = arith.constant 0 : i32
      %dma_start3A_233 = tpu.memref_slice %arg11[%multiple_of3A_181, %dma_start3A_232] : memref<10240x128xf32, #tpu.memory_space<vmem_shared>> -> memref<128x128xf32, #tpu.memory_space<vmem_shared>>
      %dma_start3A_234 = arith.constant 0 : i32
      %dma_start3A_235 = tpu.memref_slice %arg11[%multiple_of3A_181, %dma_start3A_234] : memref<10240x128xf32, #tpu.memory_space<vmem_shared>> -> memref<128x128xf32, #tpu.memory_space<vmem_shared>>
      tpu.enqueue_dma source(%dma_start3A_235 : memref<128x128xf32, #tpu.memory_space<vmem_shared>>) target(%arg10 : memref<128x128xf32, #tpu.memory_space<vmem>>) target_semaphore(%run_scoped3A_231 : memref<!tpu.dma_semaphore, #tpu.memory_space<semaphore_mem>>)
      %dma_wait3A_236 = arith.constant 0 : i32
      %dma_wait3A_237 = tpu.memref_slice %arg11[%multiple_of3A_181, %dma_wait3A_236] : memref<10240x128xf32, #tpu.memory_space<vmem_shared>> -> memref<128x128xf32, #tpu.memory_space<vmem_shared>>
      %dma_wait3A_238 = arith.constant 0 : i32
      %dma_wait3A_239 = tpu.memref_slice %arg11[%multiple_of3A_181, %dma_wait3A_238] : memref<10240x128xf32, #tpu.memory_space<vmem_shared>> -> memref<128x128xf32, #tpu.memory_space<vmem_shared>>
      tpu.wait_dma2 semaphore(%run_scoped3A_231 : memref<!tpu.dma_semaphore, #tpu.memory_space<semaphore_mem>>) src(%dma_wait3A_239 : memref<128x128xf32, #tpu.memory_space<vmem_shared>>) dst(%arg10 : memref<128x128xf32, #tpu.memory_space<vmem>>)
      tpu.yield
    }) : () -> ()
    %dma_start3A_182 = arith.constant 0 : i32
    %dma_start3A_183 = tpu.memref_slice %arg5[%multiple_of3A_172, %dma_start3A_182] : memref<20480x128xf32, #tpu.memory_space<hbm>> -> memref<128x128xf32, #tpu.memory_space<hbm>>
    %dma_start3A_184 = arith.constant 0 : i32
    %dma_start3A_185 = tpu.memref_slice %arg5[%multiple_of3A_172, %dma_start3A_184] : memref<20480x128xf32, #tpu.memory_space<hbm>> -> memref<128x128xf32, #tpu.memory_space<hbm>>
    tpu.enqueue_dma source(%arg10 : memref<128x128xf32, #tpu.memory_space<vmem>>) target(%dma_start3A_185 : memref<128x128xf32, #tpu.memory_space<hbm>>) target_semaphore(%arg15 : memref<!tpu.dma_semaphore, #tpu.memory_space<semaphore_mem>>)
    %mul3A_186 = arith.constant 10240 : i32
    %mul3A_187 = arith.muli %arg0, %mul3A_186 : i32
    %mul3A_188 = arith.constant 640 : i32
    %mul3A_189 = arith.muli %arg1, %mul3A_188 : i32
    %add3A_190 = arith.addi %mul3A_187, %mul3A_189 : i32
    %add3A_191 = arith.constant 512 : i32
    %add3A_192 = arith.addi %add3A_190, %add3A_191 : i32
    %multiple_of3A_193 = tpu.assume_multiple %add3A_192, 8 : i32
    %dma_wait3A_194 = arith.constant 0 : i32
    %dma_wait3A_195 = tpu.memref_slice %arg5[%multiple_of3A_193, %dma_wait3A_194] : memref<20480x128xf32, #tpu.memory_space<hbm>> -> memref<128x128xf32, #tpu.memory_space<hbm>>
    %dma_wait3A_196 = arith.constant 0 : i32
    %dma_wait3A_197 = tpu.memref_slice %arg5[%multiple_of3A_193, %dma_wait3A_196] : memref<20480x128xf32, #tpu.memory_space<hbm>> -> memref<128x128xf32, #tpu.memory_space<hbm>>
    tpu.wait_dma2 semaphore(%arg14 : memref<!tpu.dma_semaphore, #tpu.memory_space<semaphore_mem>>) src(%arg9 : memref<128x128xf32, #tpu.memory_space<vmem>>) dst(%dma_wait3A_197 : memref<128x128xf32, #tpu.memory_space<hbm>>)
    %mul3A_198 = arith.constant 640 : i32
    %mul3A_199 = arith.muli %arg1, %mul3A_198 : i32
    %add3A_200 = arith.constant 512 : i32
    %add3A_201 = arith.addi %mul3A_199, %add3A_200 : i32
    %multiple_of3A_202 = tpu.assume_multiple %add3A_201, 8 : i32
    "tpu.region"() ({
      %run_scoped3A_231 = tpu.sem_alloc : memref<!tpu.dma_semaphore, #tpu.memory_space<semaphore_mem>>
      %dma_start3A_232 = arith.constant 0 : i32
      %dma_start3A_233 = tpu.memref_slice %arg11[%multiple_of3A_202, %dma_start3A_232] : memref<10240x128xf32, #tpu.memory_space<vmem_shared>> -> memref<128x128xf32, #tpu.memory_space<vmem_shared>>
      %dma_start3A_234 = arith.constant 0 : i32
      %dma_start3A_235 = tpu.memref_slice %arg11[%multiple_of3A_202, %dma_start3A_234] : memref<10240x128xf32, #tpu.memory_space<vmem_shared>> -> memref<128x128xf32, #tpu.memory_space<vmem_shared>>
      tpu.enqueue_dma source(%dma_start3A_235 : memref<128x128xf32, #tpu.memory_space<vmem_shared>>) target(%arg9 : memref<128x128xf32, #tpu.memory_space<vmem>>) target_semaphore(%run_scoped3A_231 : memref<!tpu.dma_semaphore, #tpu.memory_space<semaphore_mem>>)
      %dma_wait3A_236 = arith.constant 0 : i32
      %dma_wait3A_237 = tpu.memref_slice %arg11[%multiple_of3A_202, %dma_wait3A_236] : memref<10240x128xf32, #tpu.memory_space<vmem_shared>> -> memref<128x128xf32, #tpu.memory_space<vmem_shared>>
      %dma_wait3A_238 = arith.constant 0 : i32
      %dma_wait3A_239 = tpu.memref_slice %arg11[%multiple_of3A_202, %dma_wait3A_238] : memref<10240x128xf32, #tpu.memory_space<vmem_shared>> -> memref<128x128xf32, #tpu.memory_space<vmem_shared>>
      tpu.wait_dma2 semaphore(%run_scoped3A_231 : memref<!tpu.dma_semaphore, #tpu.memory_space<semaphore_mem>>) src(%dma_wait3A_239 : memref<128x128xf32, #tpu.memory_space<vmem_shared>>) dst(%arg9 : memref<128x128xf32, #tpu.memory_space<vmem>>)
      tpu.yield
    }) : () -> ()
    %dma_start3A_203 = arith.constant 0 : i32
    %dma_start3A_204 = tpu.memref_slice %arg5[%multiple_of3A_193, %dma_start3A_203] : memref<20480x128xf32, #tpu.memory_space<hbm>> -> memref<128x128xf32, #tpu.memory_space<hbm>>
    %dma_start3A_205 = arith.constant 0 : i32
    %dma_start3A_206 = tpu.memref_slice %arg5[%multiple_of3A_193, %dma_start3A_205] : memref<20480x128xf32, #tpu.memory_space<hbm>> -> memref<128x128xf32, #tpu.memory_space<hbm>>
    tpu.enqueue_dma source(%arg9 : memref<128x128xf32, #tpu.memory_space<vmem>>) target(%dma_start3A_206 : memref<128x128xf32, #tpu.memory_space<hbm>>) target_semaphore(%arg14 : memref<!tpu.dma_semaphore, #tpu.memory_space<semaphore_mem>>)
    %mul3A_207 = arith.constant 10240 : i32
    %mul3A_208 = arith.muli %arg0, %mul3A_207 : i32
    %mul3A_209 = arith.constant 640 : i32
    %mul3A_210 = arith.muli %arg1, %mul3A_209 : i32
    %add3A_211 = arith.addi %mul3A_208, %mul3A_210 : i32
    %add3A_212 = arith.constant 384 : i32
    %add3A_213 = arith.addi %add3A_211, %add3A_212 : i32
    %multiple_of3A_214 = tpu.assume_multiple %add3A_213, 8 : i32
    %dma_wait3A_215 = arith.constant 0 : i32
    %dma_wait3A_216 = tpu.memref_slice %arg5[%multiple_of3A_214, %dma_wait3A_215] : memref<20480x128xf32, #tpu.memory_space<hbm>> -> memref<128x128xf32, #tpu.memory_space<hbm>>
    %dma_wait3A_217 = arith.constant 0 : i32
    %dma_wait3A_218 = tpu.memref_slice %arg5[%multiple_of3A_214, %dma_wait3A_217] : memref<20480x128xf32, #tpu.memory_space<hbm>> -> memref<128x128xf32, #tpu.memory_space<hbm>>
    tpu.wait_dma2 semaphore(%arg15 : memref<!tpu.dma_semaphore, #tpu.memory_space<semaphore_mem>>) src(%arg10 : memref<128x128xf32, #tpu.memory_space<vmem>>) dst(%dma_wait3A_218 : memref<128x128xf32, #tpu.memory_space<hbm>>)
    %mul3A_219 = arith.constant 10240 : i32
    %mul3A_220 = arith.muli %arg0, %mul3A_219 : i32
    %mul3A_221 = arith.constant 640 : i32
    %mul3A_222 = arith.muli %arg1, %mul3A_221 : i32
    %add3A_223 = arith.addi %mul3A_220, %mul3A_222 : i32
    %add3A_224 = arith.constant 512 : i32
    %add3A_225 = arith.addi %add3A_223, %add3A_224 : i32
    %multiple_of3A_226 = tpu.assume_multiple %add3A_225, 8 : i32
    %dma_wait3A_227 = arith.constant 0 : i32
    %dma_wait3A_228 = tpu.memref_slice %arg5[%multiple_of3A_226, %dma_wait3A_227] : memref<20480x128xf32, #tpu.memory_space<hbm>> -> memref<128x128xf32, #tpu.memory_space<hbm>>
    %dma_wait3A_229 = arith.constant 0 : i32
    %dma_wait3A_230 = tpu.memref_slice %arg5[%multiple_of3A_226, %dma_wait3A_229] : memref<20480x128xf32, #tpu.memory_space<hbm>> -> memref<128x128xf32, #tpu.memory_space<hbm>>
    tpu.wait_dma2 semaphore(%arg14 : memref<!tpu.dma_semaphore, #tpu.memory_space<semaphore_mem>>) src(%arg9 : memref<128x128xf32, #tpu.memory_space<vmem>>) dst(%dma_wait3A_230 : memref<128x128xf32, #tpu.memory_space<hbm>>)
    return
  }
}

module attributes {stable_mosaic.version = 14 : i64} {
  func.func @_tch_body(%arg0: i32, %arg1: memref<512x128xf32, #tpu.memory_space<vmem>>, %arg2: memref<128x128xf32, #tpu.memory_space<vmem>>, %arg3: memref<512x128xf32, #tpu.memory_space<vmem>>) attributes {dimension_semantics = [#tpu.dimension_semantics<arbitrary>], iteration_bounds = array<i64: 20>, scalar_prefetch = 0 : i64, scratch_operands = 0 : i64, tpu.core_type = #tpu.core_type<tc>, window_params = [{transform_indices = @transform_0, window_bounds = array<i64: 512, 128>}, {pipeline_mode = #tpu.pipeline_mode<synchronous>, transform_indices = @transform_1, window_bounds = array<i64: 128, 128>}, {transform_indices = @transform_2, window_bounds = array<i64: 512, 128>}]} {
    %get3A = arith.constant 0 : index
    %get3A_0 = arith.constant 0 : index
    %get3A_1 = vector.load %arg1[%get3A, %get3A_0] : memref<512x128xf32, #tpu.memory_space<vmem>>, vector<512x128xf32>
    %get3A_2 = arith.constant 0 : index
    %get3A_3 = arith.constant 0 : index
    %get3A_4 = vector.load %arg2[%get3A_2, %get3A_3] : memref<128x128xf32, #tpu.memory_space<vmem>>, vector<128x128xf32>
    %dot_general3A = arith.constant dense<0.000000e+00> : vector<512x128xf32>
    %dot_general3A_5 = tpu.matmul %get3A_1, %get3A_4, %dot_general3A {dimension_numbers = #tpu.dot_dimension_numbers<[1], [0], [0], [1], [0, 0, 1, 1], [], []>, transpose_lhs_hint = false} : vector<512x128xf32>, vector<128x128xf32>, vector<512x128xf32> -> vector<512x128xf32>
    %swap3A = arith.constant 0 : index
    %swap3A_6 = arith.constant 0 : index
    %swap3A_7 = vector.load %arg3[%swap3A, %swap3A_6] : memref<512x128xf32, #tpu.memory_space<vmem>>, vector<512x128xf32>
    tpu.vector_store %arg3[%swap3A, %swap3A_6], %dot_general3A_5 {strides = array<i32>} : memref<512x128xf32, #tpu.memory_space<vmem>>, vector<512x128xf32>,
    return
  }
  func.func @transform_0(%arg0: i32) -> (i32, i32) {
    %c0_i32 = arith.constant 0 : i32
    %c0_i32_0 = arith.constant 0 : i32
    return %arg0, %c0_i32 : i32, i32
  }
  func.func @transform_1(%arg0: i32) -> (i32, i32) {
    %c0_i32 = arith.constant 0 : i32
    %c0_i32_0 = arith.constant 0 : i32
    %c0_i32_1 = arith.constant 0 : i32
    return %c0_i32, %c0_i32_0 : i32, i32
  }
  func.func @transform_2(%arg0: i32) -> (i32, i32) {
    %c0_i32 = arith.constant 0 : i32
    %c0_i32_0 = arith.constant 0 : i32
    return %arg0, %c0_i32 : i32, i32
  }
}

module attributes {stable_mosaic.version = 14 : i64} {
  func.func @_tc_mid_body(%arg0: i32, %arg1: memref<512x128xf32, #tpu.memory_space<vmem>>, %arg2: memref<512x128xf32, #tpu.memory_space<vmem>>, %arg3: memref<512x128xf32, #tpu.memory_space<vmem>>, %arg4: memref<512x128xf32, #tpu.memory_space<vmem>>, %arg5: memref<1x128xf32, #tpu.memory_space<vmem>>, %arg6: memref<128x128xf32, #tpu.memory_space<vmem>>, %arg7: memref<512x128xf32, #tpu.memory_space<vmem>>) attributes {dimension_semantics = [#tpu.dimension_semantics<arbitrary>], iteration_bounds = array<i64: 20>, scalar_prefetch = 0 : i64, scratch_operands = 0 : i64, tpu.core_type = #tpu.core_type<tc>, window_params = [{transform_indices = @transform_0, window_bounds = array<i64: 512, 128>}, {transform_indices = @transform_1, window_bounds = array<i64: 512, 128>}, {transform_indices = @transform_2, window_bounds = array<i64: 512, 128>}, {transform_indices = @transform_3, window_bounds = array<i64: 512, 128>}, {pipeline_mode = #tpu.pipeline_mode<synchronous>, transform_indices = @transform_4, window_bounds = array<i64: 1, 128>}, {pipeline_mode = #tpu.pipeline_mode<synchronous>, transform_indices = @transform_5, window_bounds = array<i64: 128, 128>}, {transform_indices = @transform_6, window_bounds = array<i64: 512, 128>}]} {
    %get3A = arith.constant 0 : index
    %get3A_0 = arith.constant 0 : index
    %get3A_1 = vector.load %arg1[%get3A, %get3A_0] : memref<512x128xf32, #tpu.memory_space<vmem>>, vector<512x128xf32>
    %get3A_2 = arith.constant 0 : index
    %get3A_3 = arith.constant 0 : index
    %get3A_4 = vector.load %arg2[%get3A_2, %get3A_3] : memref<512x128xf32, #tpu.memory_space<vmem>>, vector<512x128xf32>
    %add3A = arith.addf %get3A_1, %get3A_4 : vector<512x128xf32>
    %get3A_5 = arith.constant 0 : index
    %get3A_6 = arith.constant 0 : index
    %get3A_7 = vector.load %arg3[%get3A_5, %get3A_6] : memref<512x128xf32, #tpu.memory_space<vmem>>, vector<512x128xf32>
    %add3A_8 = arith.addf %add3A, %get3A_7 : vector<512x128xf32>
    %get3A_9 = arith.constant 0 : index
    %get3A_10 = arith.constant 0 : index
    %get3A_11 = vector.load %arg4[%get3A_9, %get3A_10] : memref<512x128xf32, #tpu.memory_space<vmem>>, vector<512x128xf32>
    %mul3A = arith.mulf %add3A_8, %get3A_11 : vector<512x128xf32>
    %get3A_12 = arith.constant 0 : index
    %get3A_13 = arith.constant 0 : index
    %get3A_14 = vector.load %arg5[%get3A_12, %get3A_13] : memref<1x128xf32, #tpu.memory_space<vmem>>, vector<1x128xf32>
    %add3A_15 = vector.broadcast %get3A_14 : vector<1x128xf32> to vector<512x128xf32>
    %add3A_16 = arith.addf %mul3A, %add3A_15 : vector<512x128xf32>
    %max3A = arith.constant 0.000000e+00 : f32
    %max3A_17 = vector.broadcast %max3A : f32 to vector<512x128xf32>
    %max3A_18 = arith.maximumf %add3A_16, %max3A_17 : vector<512x128xf32>
    %get3A_19 = arith.constant 0 : index
    %get3A_20 = arith.constant 0 : index
    %get3A_21 = vector.load %arg6[%get3A_19, %get3A_20] : memref<128x128xf32, #tpu.memory_space<vmem>>, vector<128x128xf32>
    %dot_general3A = arith.constant dense<0.000000e+00> : vector<512x128xf32>
    %dot_general3A_22 = tpu.matmul %max3A_18, %get3A_21, %dot_general3A {dimension_numbers = #tpu.dot_dimension_numbers<[1], [0], [0], [1], [0, 0, 1, 1], [], []>, transpose_lhs_hint = false} : vector<512x128xf32>, vector<128x128xf32>, vector<512x128xf32> -> vector<512x128xf32>
    %get3A_23 = arith.constant 0 : index
    %get3A_24 = arith.constant 0 : index
    %get3A_25 = vector.load %arg4[%get3A_23, %get3A_24] : memref<512x128xf32, #tpu.memory_space<vmem>>, vector<512x128xf32>
    %mul3A_26 = arith.mulf %dot_general3A_22, %get3A_25 : vector<512x128xf32>
    %swap3A = arith.constant 0 : index
    %swap3A_27 = arith.constant 0 : index
    %swap3A_28 = vector.load %arg7[%swap3A, %swap3A_27] : memref<512x128xf32, #tpu.memory_space<vmem>>, vector<512x128xf32>
    tpu.vector_store %arg7[%swap3A, %swap3A_27], %mul3A_26 {strides = array<i32>} : memref<512x128xf32, #tpu.memory_space<vmem>>, vector<512x128xf32>,
    return
  }
  func.func @transform_0(%arg0: i32) -> (i32, i32) {
    %c0_i32 = arith.constant 0 : i32
    %c0_i32_0 = arith.constant 0 : i32
    return %arg0, %c0_i32 : i32, i32
  }
  func.func @transform_1(%arg0: i32) -> (i32, i32) {
    %add3A = arith.constant 20 : i32
    %add3A_0 = arith.addi %arg0, %add3A : i32
    %c0_i32 = arith.constant 0 : i32
    %c0_i32_1 = arith.constant 0 : i32
    return %add3A_0, %c0_i32 : i32, i32
  }
  func.func @transform_2(%arg0: i32) -> (i32, i32) {
    %c0_i32 = arith.constant 0 : i32
    %c0_i32_0 = arith.constant 0 : i32
    return %arg0, %c0_i32 : i32, i32
  }
  func.func @transform_3(%arg0: i32) -> (i32, i32) {
    %c0_i32 = arith.constant 0 : i32
    %c0_i32_0 = arith.constant 0 : i32
    return %arg0, %c0_i32 : i32, i32
  }
  func.func @transform_4(%arg0: i32) -> (i32, i32) {
    %c0_i32 = arith.constant 0 : i32
    %c0_i32_0 = arith.constant 0 : i32
    %c0_i32_1 = arith.constant 0 : i32
    return %c0_i32, %c0_i32_0 : i32, i32
  }
  func.func @transform_5(%arg0: i32) -> (i32, i32) {
    %c0_i32 = arith.constant 0 : i32
    %c0_i32_0 = arith.constant 0 : i32
    %c0_i32_1 = arith.constant 0 : i32
    return %c0_i32, %c0_i32_0 : i32, i32
  }
  func.func @transform_6(%arg0: i32) -> (i32, i32) {
    %c0_i32 = arith.constant 0 : i32
    %c0_i32_0 = arith.constant 0 : i32
    return %arg0, %c0_i32 : i32, i32
  }
}

module attributes {stable_mosaic.version = 14 : i64} {
  func.func @_tc_fin_body(%arg0: i32, %arg1: memref<512x128xf32, #tpu.memory_space<vmem>>, %arg2: memref<512x128xf32, #tpu.memory_space<vmem>>, %arg3: memref<512x128xf32, #tpu.memory_space<vmem>>, %arg4: memref<512x128xf32, #tpu.memory_space<vmem>>, %arg5: memref<1x128xf32, #tpu.memory_space<vmem>>, %arg6: memref<128x64xf32, #tpu.memory_space<vmem>>, %arg7: memref<1x64xf32, #tpu.memory_space<vmem>>, %arg8: memref<512x64xf32, #tpu.memory_space<vmem>>) attributes {dimension_semantics = [#tpu.dimension_semantics<arbitrary>], iteration_bounds = array<i64: 20>, scalar_prefetch = 0 : i64, scratch_operands = 0 : i64, tpu.core_type = #tpu.core_type<tc>, window_params = [{transform_indices = @transform_0, window_bounds = array<i64: 512, 128>}, {transform_indices = @transform_1, window_bounds = array<i64: 512, 128>}, {transform_indices = @transform_2, window_bounds = array<i64: 512, 128>}, {transform_indices = @transform_3, window_bounds = array<i64: 512, 128>}, {pipeline_mode = #tpu.pipeline_mode<synchronous>, transform_indices = @transform_4, window_bounds = array<i64: 1, 128>}, {pipeline_mode = #tpu.pipeline_mode<synchronous>, transform_indices = @transform_5, window_bounds = array<i64: 128, 64>}, {pipeline_mode = #tpu.pipeline_mode<synchronous>, transform_indices = @transform_6, window_bounds = array<i64: 1, 64>}, {transform_indices = @transform_7, window_bounds = array<i64: 512, 64>}]} {
    %get3A = arith.constant 0 : index
    %get3A_0 = arith.constant 0 : index
    %get3A_1 = vector.load %arg1[%get3A, %get3A_0] : memref<512x128xf32, #tpu.memory_space<vmem>>, vector<512x128xf32>
    %get3A_2 = arith.constant 0 : index
    %get3A_3 = arith.constant 0 : index
    %get3A_4 = vector.load %arg2[%get3A_2, %get3A_3] : memref<512x128xf32, #tpu.memory_space<vmem>>, vector<512x128xf32>
    %add3A = arith.addf %get3A_1, %get3A_4 : vector<512x128xf32>
    %get3A_5 = arith.constant 0 : index
    %get3A_6 = arith.constant 0 : index
    %get3A_7 = vector.load %arg3[%get3A_5, %get3A_6] : memref<512x128xf32, #tpu.memory_space<vmem>>, vector<512x128xf32>
    %add3A_8 = arith.addf %add3A, %get3A_7 : vector<512x128xf32>
    %get3A_9 = arith.constant 0 : index
    %get3A_10 = arith.constant 0 : index
    %get3A_11 = vector.load %arg4[%get3A_9, %get3A_10] : memref<512x128xf32, #tpu.memory_space<vmem>>, vector<512x128xf32>
    %mul3A = arith.mulf %add3A_8, %get3A_11 : vector<512x128xf32>
    %get3A_12 = arith.constant 0 : index
    %get3A_13 = arith.constant 0 : index
    %get3A_14 = vector.load %arg5[%get3A_12, %get3A_13] : memref<1x128xf32, #tpu.memory_space<vmem>>, vector<1x128xf32>
    %add3A_15 = vector.broadcast %get3A_14 : vector<1x128xf32> to vector<512x128xf32>
    %add3A_16 = arith.addf %mul3A, %add3A_15 : vector<512x128xf32>
    %max3A = arith.constant 0.000000e+00 : f32
    %max3A_17 = vector.broadcast %max3A : f32 to vector<512x128xf32>
    %max3A_18 = arith.maximumf %add3A_16, %max3A_17 : vector<512x128xf32>
    %get3A_19 = arith.constant 0 : index
    %get3A_20 = arith.constant 0 : index
    %get3A_21 = vector.load %arg6[%get3A_19, %get3A_20] : memref<128x64xf32, #tpu.memory_space<vmem>>, vector<128x64xf32>
    %dot_general3A = arith.constant dense<0.000000e+00> : vector<512x64xf32>
    %dot_general3A_22 = tpu.matmul %max3A_18, %get3A_21, %dot_general3A {dimension_numbers = #tpu.dot_dimension_numbers<[1], [0], [0], [1], [0, 0, 1, 1], [], []>, transpose_lhs_hint = false} : vector<512x128xf32>, vector<128x64xf32>, vector<512x64xf32> -> vector<512x64xf32>
    %get3A_23 = arith.constant 0 : index
    %get3A_24 = arith.constant 0 : index
    %get3A_25 = vector.load %arg7[%get3A_23, %get3A_24] : memref<1x64xf32, #tpu.memory_space<vmem>>, vector<1x64xf32>
    %add3A_26 = vector.broadcast %get3A_25 : vector<1x64xf32> to vector<512x64xf32>
    %add3A_27 = arith.addf %dot_general3A_22, %add3A_26 : vector<512x64xf32>
    %swap3A = arith.constant 0 : index
    %swap3A_28 = arith.constant 0 : index
    %swap3A_29 = vector.load %arg8[%swap3A, %swap3A_28] : memref<512x64xf32, #tpu.memory_space<vmem>>, vector<512x64xf32>
    tpu.vector_store %arg8[%swap3A, %swap3A_28], %add3A_27 {strides = array<i32>} : memref<512x64xf32, #tpu.memory_space<vmem>>, vector<512x64xf32>,
    return
  }
  func.func @transform_0(%arg0: i32) -> (i32, i32) {
    %c0_i32 = arith.constant 0 : i32
    %c0_i32_0 = arith.constant 0 : i32
    return %arg0, %c0_i32 : i32, i32
  }
  func.func @transform_1(%arg0: i32) -> (i32, i32) {
    %add3A = arith.constant 20 : i32
    %add3A_0 = arith.addi %arg0, %add3A : i32
    %c0_i32 = arith.constant 0 : i32
    %c0_i32_1 = arith.constant 0 : i32
    return %add3A_0, %c0_i32 : i32, i32
  }
  func.func @transform_2(%arg0: i32) -> (i32, i32) {
    %c0_i32 = arith.constant 0 : i32
    %c0_i32_0 = arith.constant 0 : i32
    return %arg0, %c0_i32 : i32, i32
  }
  func.func @transform_3(%arg0: i32) -> (i32, i32) {
    %c0_i32 = arith.constant 0 : i32
    %c0_i32_0 = arith.constant 0 : i32
    return %arg0, %c0_i32 : i32, i32
  }
  func.func @transform_4(%arg0: i32) -> (i32, i32) {
    %c0_i32 = arith.constant 0 : i32
    %c0_i32_0 = arith.constant 0 : i32
    %c0_i32_1 = arith.constant 0 : i32
    return %c0_i32, %c0_i32_0 : i32, i32
  }
  func.func @transform_5(%arg0: i32) -> (i32, i32) {
    %c0_i32 = arith.constant 0 : i32
    %c0_i32_0 = arith.constant 0 : i32
    %c0_i32_1 = arith.constant 0 : i32
    return %c0_i32, %c0_i32_0 : i32, i32
  }
  func.func @transform_6(%arg0: i32) -> (i32, i32) {
    %c0_i32 = arith.constant 0 : i32
    %c0_i32_0 = arith.constant 0 : i32
    %c0_i32_1 = arith.constant 0 : i32
    return %c0_i32, %c0_i32_0 : i32, i32
  }
  func.func @transform_7(%arg0: i32) -> (i32, i32) {
    %c0_i32 = arith.constant 0 : i32
    %c0_i32_0 = arith.constant 0 : i32
    return %arg0, %c0_i32 : i32, i32
  }
}

module attributes {stable_mosaic.version = 14 : i64} {
  func.func @_tca_body(%arg0: i32, %arg1: memref<32x8x128xf32, #tpu.memory_space<vmem>>, %arg2: memref<1024x128xf32, #tpu.memory_space<vmem>>, %arg3: memref<1024x128xf32, #tpu.memory_space<vmem>>, %arg4: memref<1024x128xf32, #tpu.memory_space<vmem>>) attributes {dimension_semantics = [#tpu.dimension_semantics<arbitrary>], iteration_bounds = array<i64: 10>, scalar_prefetch = 0 : i64, scratch_operands = 0 : i64, tpu.core_type = #tpu.core_type<tc>, window_params = [{transform_indices = @transform_0, window_bounds = array<i64: 32, 8, 128>}, {transform_indices = @transform_1, window_bounds = array<i64: 1024, 128>}, {transform_indices = @transform_2, window_bounds = array<i64: 1024, 128>}, {transform_indices = @transform_3, window_bounds = array<i64: 1024, 128>}]} {
    %get3A = arith.constant 0 : index
    %get3A_0 = arith.constant 0 : index
    %get3A_1 = arith.constant 0 : index
    %get3A_2 = vector.load %arg1[%get3A, %get3A_0, %get3A_1] : memref<32x8x128xf32, #tpu.memory_space<vmem>>, vector<32x8x128xf32>
    %reduce_sum3A = arith.constant dense<0.000000e+00> : vector<8x128xf32>
    %reduce_sum3A_3 = vector.multi_reduction <add>, %get3A_2, %reduce_sum3A [0] : vector<32x8x128xf32> to vector<8x128xf32>
    %add3A = arith.constant 1.000000e+00 : f32
    %add3A_4 = vector.broadcast %add3A : f32 to vector<8x128xf32>
    %add3A_5 = arith.addf %reduce_sum3A_3, %add3A_4 : vector<8x128xf32>
    %rsqrt3A = math.rsqrt %add3A_5 : vector<8x128xf32>
    %broadcast_in_dim3A = arith.constant 1.000000e+00 : f32
    %broadcast_in_dim3A_6 = vector.broadcast %broadcast_in_dim3A : f32 to vector<1x128xf32>
    %slice3A = vector.extract_strided_slice %rsqrt3A {offsets = [0, 0], sizes = [1, 128], strides = [1, 1]} : vector<8x128xf32> to vector<1x128xf32>
    %dot_general3A = arith.constant dense<0.000000e+00> : vector<128x128xf32>
    %dot_general3A_7 = tpu.matmul %slice3A, %broadcast_in_dim3A_6, %dot_general3A {dimension_numbers = #tpu.dot_dimension_numbers<[0], [0], [1], [1], [0, 1, 1, 1], [], []>, transpose_lhs_hint = false} : vector<1x128xf32>, vector<1x128xf32>, vector<128x128xf32> -> vector<128x128xf32>
    %slice3A_8 = vector.extract_strided_slice %rsqrt3A {offsets = [1, 0], sizes = [1, 128], strides = [1, 1]} : vector<8x128xf32> to vector<1x128xf32>
    %dot_general3A_9 = arith.constant dense<0.000000e+00> : vector<128x128xf32>
    %dot_general3A_10 = tpu.matmul %slice3A_8, %broadcast_in_dim3A_6, %dot_general3A_9 {dimension_numbers = #tpu.dot_dimension_numbers<[0], [0], [1], [1], [0, 1, 1, 1], [], []>, transpose_lhs_hint = false} : vector<1x128xf32>, vector<1x128xf32>, vector<128x128xf32> -> vector<128x128xf32>
    %slice3A_11 = vector.extract_strided_slice %rsqrt3A {offsets = [2, 0], sizes = [1, 128], strides = [1, 1]} : vector<8x128xf32> to vector<1x128xf32>
    %dot_general3A_12 = arith.constant dense<0.000000e+00> : vector<128x128xf32>
    %dot_general3A_13 = tpu.matmul %slice3A_11, %broadcast_in_dim3A_6, %dot_general3A_12 {dimension_numbers = #tpu.dot_dimension_numbers<[0], [0], [1], [1], [0, 1, 1, 1], [], []>, transpose_lhs_hint = false} : vector<1x128xf32>, vector<1x128xf32>, vector<128x128xf32> -> vector<128x128xf32>
    %slice3A_14 = vector.extract_strided_slice %rsqrt3A {offsets = [3, 0], sizes = [1, 128], strides = [1, 1]} : vector<8x128xf32> to vector<1x128xf32>
    %dot_general3A_15 = arith.constant dense<0.000000e+00> : vector<128x128xf32>
    %dot_general3A_16 = tpu.matmul %slice3A_14, %broadcast_in_dim3A_6, %dot_general3A_15 {dimension_numbers = #tpu.dot_dimension_numbers<[0], [0], [1], [1], [0, 1, 1, 1], [], []>, transpose_lhs_hint = false} : vector<1x128xf32>, vector<1x128xf32>, vector<128x128xf32> -> vector<128x128xf32>
    %slice3A_17 = vector.extract_strided_slice %rsqrt3A {offsets = [4, 0], sizes = [1, 128], strides = [1, 1]} : vector<8x128xf32> to vector<1x128xf32>
    %dot_general3A_18 = arith.constant dense<0.000000e+00> : vector<128x128xf32>
    %dot_general3A_19 = tpu.matmul %slice3A_17, %broadcast_in_dim3A_6, %dot_general3A_18 {dimension_numbers = #tpu.dot_dimension_numbers<[0], [0], [1], [1], [0, 1, 1, 1], [], []>, transpose_lhs_hint = false} : vector<1x128xf32>, vector<1x128xf32>, vector<128x128xf32> -> vector<128x128xf32>
    %slice3A_20 = vector.extract_strided_slice %rsqrt3A {offsets = [5, 0], sizes = [1, 128], strides = [1, 1]} : vector<8x128xf32> to vector<1x128xf32>
    %dot_general3A_21 = arith.constant dense<0.000000e+00> : vector<128x128xf32>
    %dot_general3A_22 = tpu.matmul %slice3A_20, %broadcast_in_dim3A_6, %dot_general3A_21 {dimension_numbers = #tpu.dot_dimension_numbers<[0], [0], [1], [1], [0, 1, 1, 1], [], []>, transpose_lhs_hint = false} : vector<1x128xf32>, vector<1x128xf32>, vector<128x128xf32> -> vector<128x128xf32>
    %slice3A_23 = vector.extract_strided_slice %rsqrt3A {offsets = [6, 0], sizes = [1, 128], strides = [1, 1]} : vector<8x128xf32> to vector<1x128xf32>
    %dot_general3A_24 = arith.constant dense<0.000000e+00> : vector<128x128xf32>
    %dot_general3A_25 = tpu.matmul %slice3A_23, %broadcast_in_dim3A_6, %dot_general3A_24 {dimension_numbers = #tpu.dot_dimension_numbers<[0], [0], [1], [1], [0, 1, 1, 1], [], []>, transpose_lhs_hint = false} : vector<1x128xf32>, vector<1x128xf32>, vector<128x128xf32> -> vector<128x128xf32>
    %slice3A_26 = vector.extract_strided_slice %rsqrt3A {offsets = [7, 0], sizes = [1, 128], strides = [1, 1]} : vector<8x128xf32> to vector<1x128xf32>
    %dot_general3A_27 = arith.constant dense<0.000000e+00> : vector<128x128xf32>
    %dot_general3A_28 = tpu.matmul %slice3A_26, %broadcast_in_dim3A_6, %dot_general3A_27 {dimension_numbers = #tpu.dot_dimension_numbers<[0], [0], [1], [1], [0, 1, 1, 1], [], []>, transpose_lhs_hint = false} : vector<1x128xf32>, vector<1x128xf32>, vector<128x128xf32> -> vector<128x128xf32>
    %concatenate3A = tpu.concatenate %dot_general3A_7, %dot_general3A_10, %dot_general3A_13, %dot_general3A_16, %dot_general3A_19, %dot_general3A_22, %dot_general3A_25, %dot_general3A_28 in 0 : vector<128x128xf32>, vector<128x128xf32>, vector<128x128xf32>, vector<128x128xf32>, vector<128x128xf32>, vector<128x128xf32>, vector<128x128xf32>, vector<128x128xf32> -> vector<1024x128xf32>
    %swap3A = arith.constant 0 : index
    %swap3A_29 = arith.constant 0 : index
    %swap3A_30 = vector.load %arg3[%swap3A, %swap3A_29] : memref<1024x128xf32, #tpu.memory_space<vmem>>, vector<1024x128xf32>
    tpu.vector_store %arg3[%swap3A, %swap3A_29], %concatenate3A {strides = array<i32>} : memref<1024x128xf32, #tpu.memory_space<vmem>>, vector<1024x128xf32>,
    %get3A_31 = arith.constant 0 : index
    %get3A_32 = arith.constant 0 : index
    %get3A_33 = vector.load %arg2[%get3A_31, %get3A_32] : memref<1024x128xf32, #tpu.memory_space<vmem>>, vector<1024x128xf32>
    %mul3A = arith.mulf %get3A_33, %concatenate3A : vector<1024x128xf32>
    %swap3A_34 = arith.constant 0 : index
    %swap3A_35 = arith.constant 0 : index
    %swap3A_36 = vector.load %arg4[%swap3A_34, %swap3A_35] : memref<1024x128xf32, #tpu.memory_space<vmem>>, vector<1024x128xf32>
    tpu.vector_store %arg4[%swap3A_34, %swap3A_35], %mul3A {strides = array<i32>} : memref<1024x128xf32, #tpu.memory_space<vmem>>, vector<1024x128xf32>,
    return
  }
  func.func @transform_0(%arg0: i32) -> (i32, i32, i32) {
    %c0_i32 = arith.constant 0 : i32
    %c0_i32_0 = arith.constant 0 : i32
    %c0_i32_1 = arith.constant 0 : i32
    return %c0_i32, %arg0, %c0_i32_0 : i32, i32, i32
  }
  func.func @transform_1(%arg0: i32) -> (i32, i32) {
    %c0_i32 = arith.constant 0 : i32
    %c0_i32_0 = arith.constant 0 : i32
    return %arg0, %c0_i32 : i32, i32
  }
  func.func @transform_2(%arg0: i32) -> (i32, i32) {
    %c0_i32 = arith.constant 0 : i32
    %c0_i32_0 = arith.constant 0 : i32
    return %arg0, %c0_i32 : i32, i32
  }
  func.func @transform_3(%arg0: i32) -> (i32, i32) {
    %c0_i32 = arith.constant 0 : i32
    %c0_i32_0 = arith.constant 0 : i32
    return %arg0, %c0_i32 : i32, i32
  }
}

</mosaic_0001>

<sc_bundles>
// kernel: kernel.11.cloned.1.call-start
scs
__scs_entry_jumppad:
0x0: {  	(pc) =	sbr.rel $0x88, $3  }
0x1: {  	(tag) =	ssettag $0x0;
	lr =	simm.s32 $0x1  }
0x2: {  	[smem:$0x3F97] =	sst lr;
	_ =	strace $0xD0000000  }
0x3: {  	_ = 	snop  }
0x4: {  	_ = 	snop  }
0x5: {  	_ = 	snop  }
0x6: {  	_ = 	snop  }
0x7: {  	_ = 	snop  }
__scs_overlays_trampoline_lowered:
0x8: {  	[smem:$0x3FA6] =	sst s0  }
0x9: {  	[smem:$0x3FA7] =	sst s1  }
0xa: {  	[smem:$0x3FA8] =	sst s2  }
0xb: {  	[smem:$0x3FA9] =	sst s3  }
0xc: {  	[smem:$0x3FAA] =	sst s4  }
0xd: {  	[smem:$0x3FAB] =	sst s5  }
0xe: {  	[smem:$0x3FAC] =	sst s6  }
0xf: {  	[smem:$0x3FAD] =	sst s7  }
0x10: {  	[smem:$0x3FAE] =	sst s8  }
0x11: {  	[smem:$0x3FAF] =	sst s9;
	s0 =	simm.s32 @!p0 $0x0  }
0x12: {  	s1 =	sld [smem:$0x3F95];
	s0 =	simm.s32 @p0 $0x1  }
0x13: {  	[smem:$0x3FB0] =	sst s0;
	s0 =	simm.s32 @!p1 $0x0  }
0x14: {  	s2 =	sld [smem:$0x3F94];
	s0 =	simm.s32 @p1 $0x1  }
0x15: {  	[smem:$0x3FB1] =	sst s0;
	s0 =	simm.s32 @!p2 $0x0  }
0x16: {  	s3 =	sld [smem:$0x3FDB];
	s0 =	simm.s32 @p2 $0x1  }
0x17: {  	s4 =	simm.s32 $0x1BF5;
	[smem:$0x3FB3] =	sst s0  }
0x18: {  	s0 =	sld [smem:$0x3F96];
	_ =	swait.ge [sflag:s4], $0x0  }
0x19: {  	s7 =	sld [smem:$0x3F97]  }
0x1a: {  	s8 =	sadd.s32 $0xFFFFE003, lr  }
0x1b: {  	s9 =	sadd.s32 $0xFFFFFEF7, lr;
	s5 =	simm.s32 $0xFFFFFFFF;
	p2 =	slt.u32 s8, $0xFFFFF086  }
0x1c: {  	p1 =	slt.u32 s9, $0xF7A;
	s5 =	simm.s32 @!p2 $0x0  }
0x1d: {  	s5 =	simm.s32 @p1 $0x1;
	p0 =	seq.s32 s7, s2  }
0x1e: {  	s7 =	smul.u32 @!p0 $0xF7A, s2;
	p2 =	seq.s32 @!p0 s5, $0x0  }
0x1f: {  	s9 =	smul.u32 $0xF7A, s1;
	s8 =	simm.s32 @!p0 $0x1BF5;
	p2 =	por !p2, p0  }
0x20: {  	[sflag:s8] =	ssyncset.s32 @!p0 $0xFFFFF086;
	s6 =	sadd.s32 @!p0 s3, s7;
	s7 =	simm.s32 @!p0 $0x108  }
0x21: {  	s3 =	sadd.s32 s3, s9;
	s6 =	sadd.s32 @!p0 $0x88, s6;
	s7 =	simm.s32 @p2 $0x1082  }
0x22: {  	[simem:s7], [sflag:s8] =	dma.local @!p0 [hbm:s6], $0xF7A  }
0x23: {  	s9 =	sor.u32 $0xD0000000, s2;
	s6 =	simm.s32 $0x108;
	_ =	swait.ge @!p0 [sflag:s8], $0x0  }
0x24: {  	s3 =	sadd.s32 $0x88, s3;
	s6 =	simm.s32 @!p1 $0x1082;
	[sflag:s4] =	ssyncset.s32 $0xFFFFF086  }
0x25: {  	[simem:s6], [sflag:s4] =	dma.local [hbm:s3], $0xF7A  }
0x26: {  	[smem:$0x3F97] =	sst s1;
	(tag) =	ssettag s2;
	_ =	strace s9  }
0x27: {  	s1 =	sld [smem:$0x3FA7]  }
0x28: {  	s2 =	sld [smem:$0x3FA8]  }
0x29: {  	s4 =	sld [smem:$0x3FAA]  }
0x2a: {  	p0 =	seq.s32 s5, $0x0;
	s5 =	sld [smem:$0x3FAB]  }
0x2b: {  	s6 =	sld [smem:$0x3FAC]  }
0x2c: {  	s7 =	sld [smem:$0x3FAD]  }
0x2d: {  	s3 =	simm.s32 $0x108;
	s8 =	sld [smem:$0x3FAE]  }
0x2e: {  	s3 =	simm.s32 @!p0 $0x1082;
	s9 =	sld [smem:$0x3FAF]  }
0x2f: {  	lr =	sadd.s32 s0, s3;
	s0 =	sld [smem:$0x3FA6]  }
0x30: {  	s3 =	sld [smem:$0x3FA9]  }
0x31: {  	[smem:$0x3FB2] =	sst s10  }
0x32: {  	s10 =	sld [smem:$0x3FB0];
	_ =	sdelay $0x3  }
0x33: {  	p0 =	seq.s32 s10, $0x1;
	s10 =	sld [smem:$0x3FB2];
	_ =	sdelay $0x3  }
0x34: {  	[smem:$0x3FB2] =	sst s10  }
0x35: {  	s10 =	sld [smem:$0x3FB1];
	_ =	sdelay $0x3  }
0x36: {  	p1 =	seq.s32 s10, $0x1;
	s10 =	sld [smem:$0x3FB2];
	_ =	sdelay $0x3  }
0x37: {  	[smem:$0x3FB2] =	sst s10  }
0x38: {  	s10 =	sld [smem:$0x3FB3]  }
0x39: {  	_ = 	snop;
	(pc) =	sbr.ind lr, $3  }
0x3a: {  	_ = 	snop  }
0x3b: {  	_ = 	snop  }
0x3c: {  	p2 =	seq.s32 s10, $0x1;
	s10 =	sld [smem:$0x3FB2]  }
0x3d: {  	_ =	shalt  }
0x3e: {  	_ =	shalt  }
0x3f: {  	_ =	shalt  }
0x40: {  	_ =	shalt  }
0x41: {  	_ =	shalt  }
0x42: {  	_ =	shalt  }
0x43: {  	_ =	shalt  }
0x44: {  	_ =	shalt  }
0x45: {  	_ =	shalt  }
0x46: {  	_ =	shalt  }
0x47: {  	_ =	shalt  }
0x48: {  	_ =	shalt  }
0x49: {  	_ =	shalt  }
0x4a: {  	_ =	shalt  }
0x4b: {  	_ =	shalt  }
0x4c: {  	_ =	shalt  }
0x4d: {  	_ =	shalt  }
0x4e: {  	_ =	shalt  }
0x4f: {  	_ =	shalt  }
0x50: {  	_ =	shalt  }
0x51: {  	_ =	shalt  }
0x52: {  	_ =	shalt  }
0x53: {  	_ =	shalt  }
0x54: {  	_ =	shalt  }
0x55: {  	_ =	shalt  }
0x56: {  	_ =	shalt  }
0x57: {  	_ =	shalt  }
0x58: {  	_ =	shalt  }
0x59: {  	_ =	shalt  }
0x5a: {  	_ =	shalt  }
0x5b: {  	_ =	shalt  }
0x5c: {  	_ =	shalt  }
0x5d: {  	_ =	shalt  }
0x5e: {  	_ =	shalt  }
0x5f: {  	_ =	shalt  }
0x60: {  	_ =	shalt  }
0x61: {  	_ =	shalt  }
0x62: {  	_ =	shalt  }
0x63: {  	_ =	shalt  }
0x64: {  	_ =	shalt  }
0x65: {  	_ =	shalt  }
0x66: {  	_ =	shalt  }
0x67: {  	_ =	shalt  }
0x68: {  	_ =	shalt  }
0x69: {  	_ =	shalt  }
0x6a: {  	_ =	shalt  }
0x6b: {  	_ =	shalt  }
0x6c: {  	_ =	shalt  }
0x6d: {  	_ =	shalt  }
0x6e: {  	_ =	shalt  }
0x6f: {  	_ =	shalt  }
0x70: {  	_ =	shalt  }
0x71: {  	_ =	shalt  }
0x72: {  	_ =	shalt  }
0x73: {  	_ =	shalt  }
0x74: {  	_ =	shalt  }
0x75: {  	_ =	shalt  }
0x76: {  	_ =	shalt  }
0x77: {  	_ =	shalt  }
0x78: {  	_ =	shalt  }
0x79: {  	_ =	shalt  }
0x7a: {  	_ =	shalt  }
0x7b: {  	_ =	shalt  }
0x7c: {  	_ =	shalt  }
0x7d: {  	_ =	shalt  }
0x7e: {  	_ =	shalt  }
0x7f: {  	_ =	shalt  }
0x80: {  	_ =	shalt  }
0x81: {  	_ =	shalt  }
0x82: {  	_ =	shalt  }
0x83: {  	_ =	shalt  }
0x84: {  	_ =	shalt  }
0x85: {  	_ =	shalt  }
0x86: {  	_ =	shalt  }
0x87: {  	_ =	shalt  }
.Lfunc_end0:
.L_simem_size_0:
called_computation_lowered:
.L_overlay_start_0:
0x88: {  	s2 =	sld [smem:$0x3FD9]  }
0x89: {  	s3 =	sld [smem:$0x3FFE];
	_ =	sdelay $0x1  }
0x8a: {  	s1 =	srdreg.scid  }
0x8b: {  	s0 =	sand.u32 $0x1, s1  }
0x8c: {  	s16 =	sshll.u32 s0, $0xA;
	s2 =	sadd.s32 s3, s2  }
0x8d: {  	s2 =	sadd.s32 s2, s16  }
0x8e: {  	[smem:$0x3FBE] =	sst s2  }
0x8f: {  	_ = 	snop  }
0x90: {  	(tm) =	ssettm $0x1  }
0x91: {  	s17 =	sld [smem:$0x3FFB];
	_ =	sdelay $0x3  }
0x92: {  	_ =	strace s17  }
0x93: {  	s2 =	sld [smem:$0x3FFC];
	_ =	sdelay $0x3  }
0x94: {  	_ =	strace s2  }
0x95: {  	s2 =	sld [smem:$0x3FFD];
	_ =	sdelay $0x3  }
0x96: {  	_ =	strace s2  }
0x97: {  	_ =	strace $0x8FFFFFFF  }
0x98: {  	s18 =	sld [smem:$0x3FDB];
	_ =	sdelay $0x1  }
0x99: {  	s19 =	simm.s32 $_scs_section_size  }
0x9a: {  	s4 =	simm.s32 $_size__tile_overlayer_lowered;
	s5 =	simm.s32 $_tile_overlayer_lowered  }
0x9b: {  	s22 =	simm.s32 $0x1BFF;
	s21 =	sshll.u32 s5, $0x1;
	s2 =	sadd.s32 s19, s18  }
0x9c: {  	s6 =	simm.s32 $0x0;
	s20 =	sshll.u32 s4, $0x1;
	s4 =	sadd.s32 s21, s2  }
0x9d: {  	[timem:s6], [sflag:s22] =	dma.local [hbm:s4], s20  }
0x9e: {  	_ =	swait.ge [sflag:s22], s20  }
0x9f: {  	s3 =	ssub.s32 $0x0, s20;
	[sflag:s22] =	ssyncset.done $0x0  }
0xa0: {  	[sflag:s22] =	ssyncadd.s32 s3;
	_ =	sdelay $0x1  }
0xa1: {  	s23 =	simm.s32 $0x1B8B  }
0xa2: {  	_ =	swait.ge [sflag:s23], $0x1  }
0xa3: {  	[sflag:s23] =	ssyncset.done $0x0  }
0xa4: {  	s25 =	simm.s32 $0x1B8E;
	s24 =	sld [smem:$0x3FFE];
	[sflag:s23] =	ssyncadd.s32 $0xFFFFFFFF  }
0xa5: {  	s26 =	simm.s32 $execute0_lowered;
	[smem:$0x3FD2] =	sst s25  }
0xa6: {  	s4 =	sshll.u32 s26, $0x1;
	_ =	strace $0x80000046;
	[dreg:$0x1] =	wrdreg $0xFFFFFFFF  }
0xa7: {  	s28 =	simm.s32 $_size_execute0_lowered;
	s2 =	sadd.s32 s2, s4;
	[dreg:$0x0] =	wrdreg $0x0  }
0xa8: {  	s4 =	sshll.u32 s28, $0x1;
	[dreg:$0x2] =	wrdreg s2  }
0xa9: {  	[dreg:$0x3] =	wrdreg s4  }
0xaa: {  	[dreg:$0x4] =	wrdreg $0xC0  }
0xab: {  	_ =	task [dreg:s6], $0x5FFFF  }
0xac: {  	[dreg:$0x1] =	wrdreg $0xFFFFFFFF  }
0xad: {  	[dreg:$0x0] =	wrdreg $0x60  }
0xae: {  	[dreg:$0x2] =	wrdreg s24  }
0xaf: {  	[dreg:$0x3] =	wrdreg $0x9  }
0xb0: {  	_ =	task.clear_ibuf [dreg:s6], $0x4FFFF;
	_ =	strace $0x90000046  }
0xb1: {  	s29 =	simm.s32 $0x9;
	_ =	strace $0x80000048  }
0xb2: {  	_ =	swait.ge [sflag:s29], $0x1  }
0xb3: {  	[sflag:s29] =	ssyncadd.s32 $0xFFFFFFFF  }
0xb4: {  	_ =	strace $0x90000048  }
0xb5: {  	_ =	sfence  }
0xb6: {  	s30 =	sld [smem:$0x0];
	_ =	sdelay $0x2  }
0xb7: {  	s31 =	sshll.u32 s1, $0xD;
	s1 =	sshrl.u32 s1, $0x2  }
0xb8: {  	s3 =	sand.u32 $0x4000, s31;
	s1 =	sadd.s32 s1, s30  }
0xb9: {  	s0 =	sor.u32 s3, s0;
	s1 =	sshll.u32 s1, $0x11  }
0xba: {  	s0 =	sor.u32 s1, s0  }
0xbb: {  	s0 =	sadd.s32 $0x8F2B, s0  }
0xbc: {  	[sflag:s0] =	ssyncadd.remote.s32 $0x1  }
0xbd: {  	_ =	sfence.sel $0xFFFF  }
0xbe: {  	[dreg:$0x0] =	wrdreg $0xFFFFFFFF;
	(pc) =	sbr.abs _section_cstart, $3  }
0xbf: {  	[dreg:$0x1] =	wrdreg $0xFFFFFFFF  }
0xc0: {  	_ =	task.clear_ibuf [dreg:s6], $0x2FFFF;
	_ =	strace $0x9FFFFFFF  }
0xc1: {  	(tm) =	ssettm $0x7FFFFFFF  }
tec
execute0_lowered:
.L_overlay_start_1:
0x0: {  	(tag) =	ssettag $0x1  }
0x1: {  	s1 =	srdreg.scid;
	s0 =	stileid.u32  }
0x2: {  	s5 =	rddreg [dreg:$0x0];
	s2 =	simm.s32 $0x0;
	s11 =	simm.s32 $0x80  }
0x3: {  	s12 =	simm.s32 $0x1;
	s6 =	sand.u32 $0x1, s1;
	s3 =	sshll.u32 s0, $0x1  }
0x4: {  	s13 =	simm.s32 $0x100;
	s14 =	simm.s32 $0x2;
	s3 =	sor.u32 s6, s3  }
0x5: {  	s15 =	simm.s32 $0x3;
	s1 =	rddreg [dreg:$0x1];
	s3 =	smul.u32 $0x2800, s3  }
0x6: {  	s16 =	simm.s32 $0x0;
	[smem:$0x7FF] =	sst s2;
	s4 =	sadd.s32 $0x3800, s5  }
0x7: {  	_ =	strace $0x80000047;
	s6 =	ssub.s32 $0x2, s6;
	s7 =	sshrl.u32 s3, $0x3  }
0x8: {  	s9 =	sshrl.u32 s6, $0x1;
	s8 =	sadd.s32 s7, s5;
	s5 =	sadd.s32 s4, s7  }
0x9: {  	s9 =	ssub.s32 s6, s9;
	s6 =	sadd.s32 $0x10, s5;
	s7 =	sadd.s32 $0xD800, s8  }
0xa: {  	v0 =	vimm.f32 $0.0e+00;
	v1 =	vimm.f32 $1.000000000e+00;
	s8 =	smax.u32 s9, $0x1;
	s9 =	sadd.s32 $0x4F0, s5;
	s10 =	sadd.s32 $0x4E0, s5  }
.LBB2_1:
0xb: {  	s17 =	simm.s32 $0x40;
	s18 =	simm.s32 $0x0  }
.LBB2_2:
0xc: {  	p0 =	sne.s32 s17, $0x9FC0;
	[tilespmem:s18+$0x100] =	vst v0;
	s18 =	smov.u32 s17;
	s17 =	sadd.s32 $0x40, s17  }
.Ltmp0:
0xd: {  	(pc) =	sbr.rel @p0 .LBB2_2-.Ltmp0, $2  }
0xe: {  	_ =	sdelay $0x2  }
0xf: {  	s18 =	sshra.s32 s18, $0x2  }
0x10: {  	[tilespmem:s18+$0x100] =	vst v0  }
0x11: {  	[tilespmem:s2], [sflag:$0x1] =	stream.linear.gather [hbm4b:s5+s2], $0x80, $0x38;
	[tilespmem:$0x2900] =	vst v63  }
0x12: {  	s17 =	simm.s32 $0x180  }
0x13: {  	[tilespmem:s11], [sflag:$0x2] =	stream.linear.gather [hbm4b:s6+s2], $0x80, $0x38;
	[tilespmem:$0x2900] =	vst v63  }
.LBB2_4:
0x14: {  	_ =	swait.ge [sflag:s12], $0x80  }
0x15: {  	[sflag:s12] =	ssyncset.done $0x0  }
0x16: {  	[sflag:s12] =	ssyncadd.s32 $0xFFFFFF80  }
0x17: {  	v2 =	vld [tilespmem:$0x0];
	_ =	sdelay $0x7  }
0x18: {  	[tilespmem:v2+s13+$0x0] =	vst.idx.add.f32.msk $0xffff, v1  }
0x19: {  	v2 =	vld [tilespmem:$0x10];
	_ =	sdelay $0x7  }
0x1a: {  	[tilespmem:v2+s13+$0x0] =	vst.idx.add.f32.msk $0xffff, v1  }
0x1b: {  	v2 =	vld [tilespmem:$0x20];
	_ =	sdelay $0x7  }
0x1c: {  	[tilespmem:v2+s13+$0x0] =	vst.idx.add.f32.msk $0xffff, v1  }
0x1d: {  	v2 =	vld [tilespmem:$0x30];
	_ =	sdelay $0x7  }
0x1e: {  	[tilespmem:v2+s13+$0x0] =	vst.idx.add.f32.msk $0xffff, v1  }
0x1f: {  	v2 =	vld [tilespmem:$0x40];
	_ =	sdelay $0x7  }
0x20: {  	[tilespmem:v2+s13+$0x0] =	vst.idx.add.f32.msk $0xffff, v1  }
0x21: {  	v2 =	vld [tilespmem:$0x50];
	_ =	sdelay $0x7  }
0x22: {  	[tilespmem:v2+s13+$0x0] =	vst.idx.add.f32.msk $0xffff, v1  }
0x23: {  	v2 =	vld [tilespmem:$0x60];
	_ =	sdelay $0x7  }
0x24: {  	[tilespmem:v2+s13+$0x0] =	vst.idx.add.f32.msk $0xffff, v1  }
0x25: {  	v2 =	vld [tilespmem:$0x70];
	_ =	sdelay $0x2  }
0x26: {  	s18 =	sadd.s32 $0xFFFFFF80, s17  }
0x27: {  	s19 =	sand.u32 $0x7C00, s18  }
0x28: {  	s18 =	sand.u32 $0x300, s18;
	s19 =	sadd.s32 s3, s19  }
0x29: {  	s18 =	sor.u32 s18, s19  }
0x2a: {  	s18 =	sshrl.u32 s18, $0x3  }
0x2b: {  	s18 =	sadd.s32 s4, s18;
	[tilespmem:v2+s13+$0x0] =	vst.idx.add.f32.msk $0xffff, v1  }
0x2c: {  	[tilespmem:s2], [sflag:$0x1] =	stream.linear.gather [hbm4b:s18+s2], $0x80, $0x38;
	[tilespmem:$0x2900] =	vst v63  }
0x2d: {  	_ =	swait.ge [sflag:s14], $0x80  }
0x2e: {  	[sflag:s14] =	ssyncset.done $0x0  }
0x2f: {  	[sflag:s14] =	ssyncadd.s32 $0xFFFFFF80  }
0x30: {  	v2 =	vld [tilespmem:$0x80];
	_ =	sdelay $0x7  }
0x31: {  	[tilespmem:v2+s13+$0x0] =	vst.idx.add.f32.msk $0xffff, v1  }
0x32: {  	v2 =	vld [tilespmem:$0x90];
	_ =	sdelay $0x7  }
0x33: {  	[tilespmem:v2+s13+$0x0] =	vst.idx.add.f32.msk $0xffff, v1  }
0x34: {  	v2 =	vld [tilespmem:$0xA0];
	_ =	sdelay $0x7  }
0x35: {  	[tilespmem:v2+s13+$0x0] =	vst.idx.add.f32.msk $0xffff, v1  }
0x36: {  	v2 =	vld [tilespmem:$0xB0];
	_ =	sdelay $0x7  }
0x37: {  	[tilespmem:v2+s13+$0x0] =	vst.idx.add.f32.msk $0xffff, v1  }
0x38: {  	v2 =	vld [tilespmem:$0xC0];
	_ =	sdelay $0x7  }
0x39: {  	[tilespmem:v2+s13+$0x0] =	vst.idx.add.f32.msk $0xffff, v1  }
0x3a: {  	v2 =	vld [tilespmem:$0xD0];
	_ =	sdelay $0x7  }
0x3b: {  	[tilespmem:v2+s13+$0x0] =	vst.idx.add.f32.msk $0xffff, v1  }
0x3c: {  	v2 =	vld [tilespmem:$0xE0];
	_ =	sdelay $0x7  }
0x3d: {  	[tilespmem:v2+s13+$0x0] =	vst.idx.add.f32.msk $0xffff, v1  }
0x3e: {  	v2 =	vld [tilespmem:$0xF0];
	_ =	sdelay $0x3  }
0x3f: {  	s30 =	sand.u32 $0x7C00, s17;
	p0 =	sne.s32 s17, $0x2680  }
.Ltmp1:
0x40: {  	s31 =	sand.u32 $0x380, s17;
	s18 =	sadd.s32 s3, s30;
	(pc) =	sbr.rel @p0 .LBB2_4-.Ltmp1, $4  }
0x41: {  	s18 =	sor.u32 s31, s18  }
0x42: {  	s18 =	sshrl.u32 s18, $0x3  }
0x43: {  	s17 =	sadd.s32 $0x100, s17;
	s18 =	sadd.s32 s4, s18;
	[tilespmem:v2+s13+$0x0] =	vst.idx.add.f32.msk $0xffff, v1  }
0x44: {  	[tilespmem:s11], [sflag:$0x2] =	stream.linear.gather [hbm4b:s18+s2], $0x80, $0x38;
	[tilespmem:$0x2900] =	vst v63  }
0x45: {  	_ =	swait.ge [sflag:s12], $0x80  }
0x46: {  	[sflag:s12] =	ssyncset.done $0x0  }
0x47: {  	[sflag:s12] =	ssyncadd.s32 $0xFFFFFF80  }
0x48: {  	v2 =	vld [tilespmem:$0x0];
	_ =	sdelay $0x7  }
0x49: {  	[tilespmem:v2+s13+$0x0] =	vst.idx.add.f32.msk $0xffff, v1  }
0x4a: {  	v2 =	vld [tilespmem:$0x10];
	_ =	sdelay $0x7  }
0x4b: {  	[tilespmem:v2+s13+$0x0] =	vst.idx.add.f32.msk $0xffff, v1  }
0x4c: {  	v2 =	vld [tilespmem:$0x20];
	_ =	sdelay $0x7  }
0x4d: {  	[tilespmem:v2+s13+$0x0] =	vst.idx.add.f32.msk $0xffff, v1  }
0x4e: {  	v2 =	vld [tilespmem:$0x30];
	_ =	sdelay $0x7  }
0x4f: {  	[tilespmem:v2+s13+$0x0] =	vst.idx.add.f32.msk $0xffff, v1  }
0x50: {  	v2 =	vld [tilespmem:$0x40];
	_ =	sdelay $0x7  }
0x51: {  	[tilespmem:v2+s13+$0x0] =	vst.idx.add.f32.msk $0xffff, v1  }
0x52: {  	v2 =	vld [tilespmem:$0x50];
	_ =	sdelay $0x7  }
0x53: {  	[tilespmem:v2+s13+$0x0] =	vst.idx.add.f32.msk $0xffff, v1  }
0x54: {  	v2 =	vld [tilespmem:$0x60];
	_ =	sdelay $0x7  }
0x55: {  	[tilespmem:v2+s13+$0x0] =	vst.idx.add.f32.msk $0xffff, v1  }
0x56: {  	v2 =	vld [tilespmem:$0x70];
	_ =	sdelay $0x7  }
0x57: {  	[tilespmem:v2+s13+$0x0] =	vst.idx.add.f32.msk $0xffff, v1  }
0x58: {  	[tilespmem:s2], [sflag:$0x1] =	stream.linear.gather [hbm4b:s10+s2], $0x80, $0x38;
	[tilespmem:$0x2900] =	vst v63  }
0x59: {  	_ =	swait.ge [sflag:s14], $0x80  }
0x5a: {  	[sflag:s14] =	ssyncset.done $0x0  }
0x5b: {  	[sflag:s14] =	ssyncadd.s32 $0xFFFFFF80  }
0x5c: {  	v2 =	vld [tilespmem:$0x80];
	_ =	sdelay $0x7  }
0x5d: {  	[tilespmem:v2+s13+$0x0] =	vst.idx.add.f32.msk $0xffff, v1  }
0x5e: {  	v2 =	vld [tilespmem:$0x90];
	_ =	sdelay $0x7  }
0x5f: {  	[tilespmem:v2+s13+$0x0] =	vst.idx.add.f32.msk $0xffff, v1  }
0x60: {  	v2 =	vld [tilespmem:$0xA0];
	_ =	sdelay $0x7  }
0x61: {  	[tilespmem:v2+s13+$0x0] =	vst.idx.add.f32.msk $0xffff, v1  }
0x62: {  	v2 =	vld [tilespmem:$0xB0];
	_ =	sdelay $0x7  }
0x63: {  	[tilespmem:v2+s13+$0x0] =	vst.idx.add.f32.msk $0xffff, v1  }
0x64: {  	v2 =	vld [tilespmem:$0xC0];
	_ =	sdelay $0x7  }
0x65: {  	[tilespmem:v2+s13+$0x0] =	vst.idx.add.f32.msk $0xffff, v1  }
0x66: {  	v2 =	vld [tilespmem:$0xD0];
	_ =	sdelay $0x7  }
0x67: {  	[tilespmem:v2+s13+$0x0] =	vst.idx.add.f32.msk $0xffff, v1  }
0x68: {  	v2 =	vld [tilespmem:$0xE0];
	_ =	sdelay $0x7  }
0x69: {  	[tilespmem:v2+s13+$0x0] =	vst.idx.add.f32.msk $0xffff, v1  }
0x6a: {  	v2 =	vld [tilespmem:$0xF0];
	_ =	sdelay $0x7  }
0x6b: {  	[tilespmem:v2+s13+$0x0] =	vst.idx.add.f32.msk $0xffff, v1  }
0x6c: {  	[tilespmem:s11], [sflag:$0x2] =	stream.linear.gather [hbm4b:s9+s2], $0x80, $0x38;
	[tilespmem:$0x2900] =	vst v63  }
0x6d: {  	_ =	swait.ge [sflag:s12], $0x80  }
0x6e: {  	[sflag:s12] =	ssyncset.done $0x0  }
0x6f: {  	[sflag:s12] =	ssyncadd.s32 $0xFFFFFF80  }
0x70: {  	v2 =	vld [tilespmem:$0x0];
	_ =	sdelay $0x7  }
0x71: {  	[tilespmem:v2+s13+$0x0] =	vst.idx.add.f32.msk $0xffff, v1  }
0x72: {  	v2 =	vld [tilespmem:$0x10];
	_ =	sdelay $0x7  }
0x73: {  	[tilespmem:v2+s13+$0x0] =	vst.idx.add.f32.msk $0xffff, v1  }
0x74: {  	v2 =	vld [tilespmem:$0x20];
	_ =	sdelay $0x7  }
0x75: {  	[tilespmem:v2+s13+$0x0] =	vst.idx.add.f32.msk $0xffff, v1  }
0x76: {  	v2 =	vld [tilespmem:$0x30];
	_ =	sdelay $0x7  }
0x77: {  	[tilespmem:v2+s13+$0x0] =	vst.idx.add.f32.msk $0xffff, v1  }
0x78: {  	v2 =	vld [tilespmem:$0x40];
	_ =	sdelay $0x7  }
0x79: {  	[tilespmem:v2+s13+$0x0] =	vst.idx.add.f32.msk $0xffff, v1  }
0x7a: {  	v2 =	vld [tilespmem:$0x50];
	_ =	sdelay $0x7  }
0x7b: {  	[tilespmem:v2+s13+$0x0] =	vst.idx.add.f32.msk $0xffff, v1  }
0x7c: {  	v2 =	vld [tilespmem:$0x60];
	_ =	sdelay $0x7  }
0x7d: {  	[tilespmem:v2+s13+$0x0] =	vst.idx.add.f32.msk $0xffff, v1  }
0x7e: {  	v2 =	vld [tilespmem:$0x70];
	_ =	sdelay $0x7  }
0x7f: {  	[tilespmem:v2+s13+$0x0] =	vst.idx.add.f32.msk $0xffff, v1  }
0x80: {  	[tilespmem:s2], [sflag:$0x1] =	stream.linear.gather [hbm4b:s9+s2], $0x80, $0x38;
	[tilespmem:$0x2900] =	vst v63  }
0x81: {  	_ =	swait.ge [sflag:s14], $0x80  }
0x82: {  	[sflag:s14] =	ssyncset.done $0x0  }
0x83: {  	[sflag:s14] =	ssyncadd.s32 $0xFFFFFF80  }
0x84: {  	v2 =	vld [tilespmem:$0x80];
	_ =	sdelay $0x7  }
0x85: {  	[tilespmem:v2+s13+$0x0] =	vst.idx.add.f32.msk $0xffff, v1  }
0x86: {  	v2 =	vld [tilespmem:$0x90];
	_ =	sdelay $0x7  }
0x87: {  	[tilespmem:v2+s13+$0x0] =	vst.idx.add.f32.msk $0xffff, v1  }
0x88: {  	v2 =	vld [tilespmem:$0xA0];
	_ =	sdelay $0x7  }
0x89: {  	[tilespmem:v2+s13+$0x0] =	vst.idx.add.f32.msk $0xffff, v1  }
0x8a: {  	v2 =	vld [tilespmem:$0xB0];
	_ =	sdelay $0x7  }
0x8b: {  	[tilespmem:v2+s13+$0x0] =	vst.idx.add.f32.msk $0xffff, v1  }
0x8c: {  	v2 =	vld [tilespmem:$0xC0];
	_ =	sdelay $0x7  }
0x8d: {  	[tilespmem:v2+s13+$0x0] =	vst.idx.add.f32.msk $0xffff, v1  }
0x8e: {  	v2 =	vld [tilespmem:$0xD0];
	_ =	sdelay $0x7  }
0x8f: {  	[tilespmem:v2+s13+$0x0] =	vst.idx.add.f32.msk $0xffff, v1  }
0x90: {  	v2 =	vld [tilespmem:$0xE0];
	_ =	sdelay $0x7  }
0x91: {  	[tilespmem:v2+s13+$0x0] =	vst.idx.add.f32.msk $0xffff, v1  }
0x92: {  	v2 =	vld [tilespmem:$0xF0];
	_ =	sdelay $0x7  }
0x93: {  	[tilespmem:v2+s13+$0x0] =	vst.idx.add.f32.msk $0xffff, v1  }
0x94: {  	[tilespmem:s11], [sflag:$0x2] =	stream.linear.gather [hbm4b:s9+s2], $0x80, $0x38;
	[tilespmem:$0x2900] =	vst v63  }
0x95: {  	_ =	swait.ge [sflag:s12], $0x80  }
0x96: {  	[sflag:s12] =	ssyncset.done $0x0  }
0x97: {  	[sflag:s12] =	ssyncadd.s32 $0xFFFFFF80  }
0x98: {  	s16 =	sadd.s32 $0x1, s16;
	_ =	swait.ge [sflag:s14], $0x80  }
0x99: {  	p0 =	sne.s32 s16, s8;
	[sflag:s14] =	ssyncset.done $0x0  }
.Ltmp2:
0x9a: {  	[sflag:s14] =	ssyncadd.s32 $0xFFFFFF80;
	(pc) =	sbr.rel @p0 .LBB2_1-.Ltmp2, $4  }
0x9b: {  	[hbm4b:s7+s2] =	stream.linear.scatter [tilespmem:s13], [sflag:$0x3], $0x2800, $0x38;
	[tilespmem:$0x2900] =	vst v63  }
0x9c: {  	_ =	swait.ge [sflag:s15], $0x2800  }
0x9d: {  	[sflag:s15] =	ssyncset.done $0x0  }
0x9e: {  	[sflag:s15] =	ssyncadd.s32 $0xFFFFD800  }
0x9f: {  	_ =	sfence.sel $0x180000  }
0xa0: {  	[bflag:$0x0] =	sbarrier.arrive $0xFFFF  }
0xa1: {  	p0 =	sne.s32 s0, $0x0;
	_ =	strace $0x90000047  }
0xa2: {  	s0 =	sadd.s32 @!p0 $0x100000, s1;
	[bflag:$0x2] =	sbarrier.arrive $0xFFFF  }
0xa3: {  	[sflag:s0] =	ssyncadd.tile.s32 @!p0 $0x1;
	_ =	shalt  }
.Lfunc_end2:
_tile_overlayer_lowered:
.L_overlay_start_2:
0xa4: {  	(tag) =	ssettag $0x2  }
0xa5: {  	s0 =	rddreg [dreg:$0x0];
	s2 =	stileid.u32  }
0xa6: {  	s1 =	rddreg [dreg:$0x1];
	p0 =	sne.s32 s2, $0x0  }
0xa7: {  	s3 =	rddreg [dreg:$0x2];
	[bflag:$0x3] =	sbarrier.arrive $0xFFFF;
	s2 =	simm.s32 @!p0 $0x1C03  }
0xa8: {  	[timem:s3], [sflag:s2] =	dma.local @!p0 [hbm:s0], s1  }
0xa9: {  	s0 =	simm.s32 @!p0 $0x3  }
0xaa: {  	_ =	swait.ge @!p0 [sflag:s0], s1  }
0xab: {  	s1 =	ssub.s32 @!p0 $0x0, s1;
	[sflag:s0] =	ssyncset.done @!p0 $0x0  }
0xac: {  	[sflag:s0] =	ssyncadd.s32 @!p0 s1  }
0xad: {  	[bflag:$0x3] =	sbarrier.arrive $0xFFFF  }
0xae: {  	_ =	shalt  }

// kernel: kernel.14.cloned.1.call-start
scs
__scs_entry_jumppad:
0x0: {  	(pc) =	sbr.rel $0x88, $3  }
0x1: {  	(tag) =	ssettag $0x0;
	lr =	simm.s32 $0x1  }
0x2: {  	[smem:$0x3F97] =	sst lr;
	_ =	strace $0xD0000000  }
0x3: {  	_ = 	snop  }
0x4: {  	_ = 	snop  }
0x5: {  	_ = 	snop  }
0x6: {  	_ = 	snop  }
0x7: {  	_ = 	snop  }
__scs_overlays_trampoline_lowered:
0x8: {  	[smem:$0x3FA6] =	sst s0  }
0x9: {  	[smem:$0x3FA7] =	sst s1  }
0xa: {  	[smem:$0x3FA8] =	sst s2  }
0xb: {  	[smem:$0x3FA9] =	sst s3  }
0xc: {  	[smem:$0x3FAA] =	sst s4  }
0xd: {  	[smem:$0x3FAB] =	sst s5  }
0xe: {  	[smem:$0x3FAC] =	sst s6  }
0xf: {  	[smem:$0x3FAD] =	sst s7  }
0x10: {  	[smem:$0x3FAE] =	sst s8  }
0x11: {  	[smem:$0x3FAF] =	sst s9;
	s0 =	simm.s32 @!p0 $0x0  }
0x12: {  	s1 =	sld [smem:$0x3F95];
	s0 =	simm.s32 @p0 $0x1  }
0x13: {  	[smem:$0x3FB0] =	sst s0;
	s0 =	simm.s32 @!p1 $0x0  }
0x14: {  	s2 =	sld [smem:$0x3F94];
	s0 =	simm.s32 @p1 $0x1  }
0x15: {  	[smem:$0x3FB1] =	sst s0;
	s0 =	simm.s32 @!p2 $0x0  }
0x16: {  	s3 =	sld [smem:$0x3FDB];
	s0 =	simm.s32 @p2 $0x1  }
0x17: {  	s4 =	simm.s32 $0x1BF5;
	[smem:$0x3FB3] =	sst s0  }
0x18: {  	s0 =	sld [smem:$0x3F96];
	_ =	swait.ge [sflag:s4], $0x0  }
0x19: {  	s7 =	sld [smem:$0x3F97]  }
0x1a: {  	s8 =	sadd.s32 $0xFFFFE003, lr  }
0x1b: {  	s9 =	sadd.s32 $0xFFFFFEF7, lr;
	s5 =	simm.s32 $0xFFFFFFFF;
	p2 =	slt.u32 s8, $0xFFFFF086  }
0x1c: {  	p1 =	slt.u32 s9, $0xF7A;
	s5 =	simm.s32 @!p2 $0x0  }
0x1d: {  	s5 =	simm.s32 @p1 $0x1;
	p0 =	seq.s32 s7, s2  }
0x1e: {  	s7 =	smul.u32 @!p0 $0xF7A, s2;
	p2 =	seq.s32 @!p0 s5, $0x0  }
0x1f: {  	s9 =	smul.u32 $0xF7A, s1;
	s8 =	simm.s32 @!p0 $0x1BF5;
	p2 =	por !p2, p0  }
0x20: {  	[sflag:s8] =	ssyncset.s32 @!p0 $0xFFFFF086;
	s6 =	sadd.s32 @!p0 s3, s7;
	s7 =	simm.s32 @!p0 $0x108  }
0x21: {  	s3 =	sadd.s32 s3, s9;
	s6 =	sadd.s32 @!p0 $0x88, s6;
	s7 =	simm.s32 @p2 $0x1082  }
0x22: {  	[simem:s7], [sflag:s8] =	dma.local @!p0 [hbm:s6], $0xF7A  }
0x23: {  	s9 =	sor.u32 $0xD0000000, s2;
	s6 =	simm.s32 $0x108;
	_ =	swait.ge @!p0 [sflag:s8], $0x0  }
0x24: {  	s3 =	sadd.s32 $0x88, s3;
	s6 =	simm.s32 @!p1 $0x1082;
	[sflag:s4] =	ssyncset.s32 $0xFFFFF086  }
0x25: {  	[simem:s6], [sflag:s4] =	dma.local [hbm:s3], $0xF7A  }
0x26: {  	[smem:$0x3F97] =	sst s1;
	(tag) =	ssettag s2;
	_ =	strace s9  }
0x27: {  	s1 =	sld [smem:$0x3FA7]  }
0x28: {  	s2 =	sld [smem:$0x3FA8]  }
0x29: {  	s4 =	sld [smem:$0x3FAA]  }
0x2a: {  	p0 =	seq.s32 s5, $0x0;
	s5 =	sld [smem:$0x3FAB]  }
0x2b: {  	s6 =	sld [smem:$0x3FAC]  }
0x2c: {  	s7 =	sld [smem:$0x3FAD]  }
0x2d: {  	s3 =	simm.s32 $0x108;
	s8 =	sld [smem:$0x3FAE]  }
0x2e: {  	s3 =	simm.s32 @!p0 $0x1082;
	s9 =	sld [smem:$0x3FAF]  }
0x2f: {  	lr =	sadd.s32 s0, s3;
	s0 =	sld [smem:$0x3FA6]  }
0x30: {  	s3 =	sld [smem:$0x3FA9]  }
0x31: {  	[smem:$0x3FB2] =	sst s10  }
0x32: {  	s10 =	sld [smem:$0x3FB0];
	_ =	sdelay $0x3  }
0x33: {  	p0 =	seq.s32 s10, $0x1;
	s10 =	sld [smem:$0x3FB2];
	_ =	sdelay $0x3  }
0x34: {  	[smem:$0x3FB2] =	sst s10  }
0x35: {  	s10 =	sld [smem:$0x3FB1];
	_ =	sdelay $0x3  }
0x36: {  	p1 =	seq.s32 s10, $0x1;
	s10 =	sld [smem:$0x3FB2];
	_ =	sdelay $0x3  }
0x37: {  	[smem:$0x3FB2] =	sst s10  }
0x38: {  	s10 =	sld [smem:$0x3FB3]  }
0x39: {  	_ = 	snop;
	(pc) =	sbr.ind lr, $3  }
0x3a: {  	_ = 	snop  }
0x3b: {  	_ = 	snop  }
0x3c: {  	p2 =	seq.s32 s10, $0x1;
	s10 =	sld [smem:$0x3FB2]  }
0x3d: {  	_ =	shalt  }
0x3e: {  	_ =	shalt  }
0x3f: {  	_ =	shalt  }
0x40: {  	_ =	shalt  }
0x41: {  	_ =	shalt  }
0x42: {  	_ =	shalt  }
0x43: {  	_ =	shalt  }
0x44: {  	_ =	shalt  }
0x45: {  	_ =	shalt  }
0x46: {  	_ =	shalt  }
0x47: {  	_ =	shalt  }
0x48: {  	_ =	shalt  }
0x49: {  	_ =	shalt  }
0x4a: {  	_ =	shalt  }
0x4b: {  	_ =	shalt  }
0x4c: {  	_ =	shalt  }
0x4d: {  	_ =	shalt  }
0x4e: {  	_ =	shalt  }
0x4f: {  	_ =	shalt  }
0x50: {  	_ =	shalt  }
0x51: {  	_ =	shalt  }
0x52: {  	_ =	shalt  }
0x53: {  	_ =	shalt  }
0x54: {  	_ =	shalt  }
0x55: {  	_ =	shalt  }
0x56: {  	_ =	shalt  }
0x57: {  	_ =	shalt  }
0x58: {  	_ =	shalt  }
0x59: {  	_ =	shalt  }
0x5a: {  	_ =	shalt  }
0x5b: {  	_ =	shalt  }
0x5c: {  	_ =	shalt  }
0x5d: {  	_ =	shalt  }
0x5e: {  	_ =	shalt  }
0x5f: {  	_ =	shalt  }
0x60: {  	_ =	shalt  }
0x61: {  	_ =	shalt  }
0x62: {  	_ =	shalt  }
0x63: {  	_ =	shalt  }
0x64: {  	_ =	shalt  }
0x65: {  	_ =	shalt  }
0x66: {  	_ =	shalt  }
0x67: {  	_ =	shalt  }
0x68: {  	_ =	shalt  }
0x69: {  	_ =	shalt  }
0x6a: {  	_ =	shalt  }
0x6b: {  	_ =	shalt  }
0x6c: {  	_ =	shalt  }
0x6d: {  	_ =	shalt  }
0x6e: {  	_ =	shalt  }
0x6f: {  	_ =	shalt  }
0x70: {  	_ =	shalt  }
0x71: {  	_ =	shalt  }
0x72: {  	_ =	shalt  }
0x73: {  	_ =	shalt  }
0x74: {  	_ =	shalt  }
0x75: {  	_ =	shalt  }
0x76: {  	_ =	shalt  }
0x77: {  	_ =	shalt  }
0x78: {  	_ =	shalt  }
0x79: {  	_ =	shalt  }
0x7a: {  	_ =	shalt  }
0x7b: {  	_ =	shalt  }
0x7c: {  	_ =	shalt  }
0x7d: {  	_ =	shalt  }
0x7e: {  	_ =	shalt  }
0x7f: {  	_ =	shalt  }
0x80: {  	_ =	shalt  }
0x81: {  	_ =	shalt  }
0x82: {  	_ =	shalt  }
0x83: {  	_ =	shalt  }
0x84: {  	_ =	shalt  }
0x85: {  	_ =	shalt  }
0x86: {  	_ =	shalt  }
0x87: {  	_ =	shalt  }
.Lfunc_end0:
.L_simem_size_0:
called_computation.1_lowered:
.L_overlay_start_0:
0x88: {  	s2 =	sld [smem:$0x3FD9]  }
0x89: {  	s3 =	sld [smem:$0x3FFE];
	_ =	sdelay $0x1  }
0x8a: {  	s1 =	srdreg.scid  }
0x8b: {  	s0 =	sand.u32 $0x1, s1  }
0x8c: {  	s17 =	sshll.u32 s0, $0xA;
	s2 =	sadd.s32 s3, s2  }
0x8d: {  	s2 =	sadd.s32 s2, s17  }
0x8e: {  	[smem:$0x3FBE] =	sst s2  }
0x8f: {  	_ = 	snop  }
0x90: {  	s2 =	sld [smem:$0x3FD0];
	(tm) =	ssettm $0x1  }
0x91: {  	s18 =	sld [smem:$0x3FFB];
	_ =	sdelay $0x3  }
0x92: {  	_ =	strace s18  }
0x93: {  	s3 =	sld [smem:$0x3FFC];
	_ =	sdelay $0x3  }
0x94: {  	_ =	strace s3  }
0x95: {  	s3 =	sld [smem:$0x3FFD];
	_ =	sdelay $0x3  }
0x96: {  	_ =	strace s3  }
0x97: {  	_ =	strace $0x8FFFFFFF  }
0x98: {  	s19 =	sld [smem:$0x3FDB];
	_ =	sdelay $0x1  }
0x99: {  	s4 =	simm.s32 $_scs_section_size  }
0x9a: {  	s5 =	simm.s32 $_size__tile_overlayer_lowered;
	s6 =	simm.s32 $_tile_overlayer_lowered  }
0x9b: {  	s22 =	simm.s32 $0x1BFF;
	s21 =	sshll.u32 s6, $0x1;
	s3 =	sadd.s32 s4, s19  }
0x9c: {  	s7 =	simm.s32 $0x0;
	s20 =	sshll.u32 s5, $0x1;
	s5 =	sadd.s32 s21, s3  }
0x9d: {  	[timem:s7], [sflag:s22] =	dma.local [hbm:s5], s20  }
0x9e: {  	_ =	swait.ge [sflag:s22], s20  }
0x9f: {  	s4 =	ssub.s32 $0x0, s20;
	[sflag:s22] =	ssyncset.done $0x0  }
0xa0: {  	[sflag:s22] =	ssyncadd.s32 s4;
	_ =	sdelay $0x1  }
0xa1: {  	s23 =	simm.s32 $0x1B8B  }
0xa2: {  	_ =	swait.ge [sflag:s23], $0x1  }
0xa3: {  	[sflag:s23] =	ssyncset.done $0x0  }
0xa4: {  	s25 =	simm.s32 $0x1B8E;
	s24 =	sld [smem:$0x3FFE];
	[sflag:s23] =	ssyncadd.s32 $0xFFFFFFFF  }
0xa5: {  	s26 =	simm.s32 $execute0_lowered;
	[smem:$0x3FD2] =	sst s25  }
0xa6: {  	s5 =	sshll.u32 s26, $0x1;
	_ =	strace $0x80000049;
	[dreg:$0x1] =	wrdreg $0xFFFFFFFF  }
0xa7: {  	s28 =	simm.s32 $_size_execute0_lowered;
	s3 =	sadd.s32 s3, s5;
	[dreg:$0x0] =	wrdreg $0x0  }
0xa8: {  	s5 =	sshll.u32 s28, $0x1;
	[dreg:$0x2] =	wrdreg s3  }
0xa9: {  	[dreg:$0x3] =	wrdreg s5  }
0xaa: {  	[dreg:$0x4] =	wrdreg $0xC0  }
0xab: {  	_ =	task [dreg:s7], $0x5FFFF  }
0xac: {  	[dreg:$0x1] =	wrdreg $0xFFFFFFFF  }
0xad: {  	[dreg:$0x0] =	wrdreg $0x60  }
0xae: {  	[dreg:$0x2] =	wrdreg s24  }
0xaf: {  	[dreg:$0x3] =	wrdreg s2  }
0xb0: {  	[dreg:$0x4] =	wrdreg $0xA9000  }
0xb1: {  	[dreg:$0x5] =	wrdreg $0x9  }
0xb2: {  	_ =	task.clear_ibuf [dreg:s7], $0x6FFFF;
	_ =	strace $0x90000049  }
0xb3: {  	s29 =	simm.s32 $0x9;
	_ =	strace $0x8000004B  }
0xb4: {  	_ =	swait.ge [sflag:s29], $0x1  }
0xb5: {  	[sflag:s29] =	ssyncadd.s32 $0xFFFFFFFF  }
0xb6: {  	_ =	strace $0x9000004B  }
0xb7: {  	_ =	sfence  }
0xb8: {  	s30 =	sld [smem:$0x0];
	_ =	sdelay $0x2  }
0xb9: {  	s31 =	sshll.u32 s1, $0xD;
	s1 =	sshrl.u32 s1, $0x2  }
0xba: {  	s3 =	sand.u32 $0x4000, s31;
	s1 =	sadd.s32 s1, s30  }
0xbb: {  	s0 =	sor.u32 s3, s0;
	s1 =	sshll.u32 s1, $0x11  }
0xbc: {  	s0 =	sor.u32 s1, s0  }
0xbd: {  	s0 =	sadd.s32 $0x8F2B, s0  }
0xbe: {  	[sflag:s0] =	ssyncadd.remote.s32 $0x1  }
0xbf: {  	_ =	sfence.sel $0xFFFF  }
0xc0: {  	[dreg:$0x0] =	wrdreg $0xFFFFFFFF;
	(pc) =	sbr.abs _section_cstart, $3  }
0xc1: {  	[dreg:$0x1] =	wrdreg $0xFFFFFFFF  }
0xc2: {  	_ =	task.clear_ibuf [dreg:s7], $0x2FFFF;
	_ =	strace $0x9FFFFFFF  }
0xc3: {  	(tm) =	ssettm $0x7FFFFFFF  }
tec
execute0_lowered:
.L_overlay_start_1:
0x0: {  	(tag) =	ssettag $0x1  }
0x1: {  	s0 =	srdreg.scid;
	s1 =	rddreg [dreg:$0x0]  }
0x2: {  	s6 =	stileid.u32;
	s2 =	rddreg [dreg:$0x1]  }
0x3: {  	s5 =	simm.s32 $0x0;
	s28 =	simm.s32 $0x80;
	s29 =	simm.s32 $0x4  }
0x4: {  	s30 =	simm.s32 $0x6900;
	s31 =	simm.s32 $0x1;
	s7 =	smul.u32 $0x280, s6  }
0x5: {  	s0 =	sand.u32 $0x1, s0;
	s3 =	sshll.u32 s6, $0x1;
	s9 =	smul.u32 $0x50000, s6  }
0x6: {  	[smem:$0x7FF] =	sst s5;
	s4 =	sor.u32 s0, s3;
	s8 =	smul.u32 $0x2800, s0  }
0x7: {  	s6 =	sadd.s32 $0xD800, s1;
	s3 =	rddreg [dreg:$0x2];
	s4 =	smul.u32 $0x2800, s4  }
0x8: {  	_ =	strace $0x8000004A;
	s0 =	ssub.s32 $0x2, s0;
	s20 =	sshrl.u32 s9, $0x2  }
0x9: {  	s21 =	sshrl.u32 s0, $0x1;
	s7 =	sadd.s32 s7, s8;
	s12 =	sshrl.u32 s4, $0x3  }
0xa: {  	s0 =	ssub.s32 s0, s21;
	s7 =	sshll.u32 s7, $0x4;
	s10 =	sadd.s32 s12, s1  }
0xb: {  	s1 =	sadd.s32 s7, s1;
	s7 =	sadd.s32 s20, s3;
	s12 =	sadd.s32 s2, s12  }
0xc: {  	s20 =	smax.u32 s0, $0x1;
	s0 =	simm.s32 $0x0;
	s22 =	sadd.s32 $0x3800, s10  }
0xd: {  	s9 =	sadd.s32 $0x4000, s7;
	s10 =	sadd.s32 $0x8000, s7;
	s11 =	sadd.s32 $0xC000, s7  }
0xe: {  	s13 =	sadd.s32 $0x10000, s7;
	s23 =	sadd.s32 $0x10, s12;
	[dreg:$0x4] =	wrdreg s22  }
0xf: {  	s24 =	sadd.s32 $0x35800, s1;
	s25 =	sadd.s32 $0x36000, s1;
	[dreg:$0x5] =	wrdreg s23  }
0x10: {  	s26 =	sadd.s32 $0x36800, s1;
	s18 =	sadd.s32 $0x37000, s1;
	[dreg:$0x6] =	wrdreg s24  }
0x11: {  	s19 =	sadd.s32 $0x37800, s1;
	s21 =	sadd.s32 $0x4F0, s12;
	[dreg:$0x7] =	wrdreg s25  }
0x12: {  	s1 =	simm.s32 $0x3;
	[dreg:$0x8] =	wrdreg s26;
	s22 =	sadd.s32 $0x4E0, s12  }
0x13: {  	v0 =	vimm.f32 $0.0e+00;
	s24 =	simm.s32 $0x5;
	s25 =	simm.s32 $0x2900;
	s26 =	simm.s32 $0x2  }
.LBB2_1:
0x14: {  	s8 =	rddreg [dreg:$0x4];
	s14 =	simm.s32 $0x100  }
0x15: {  	[tilespmem:s14], [sflag:$0x5] =	stream.linear.gather [hbm4b:s8+s5], $0x2800, $0x38;
	[tilespmem:$0x1E900] =	vst v63  }
0x16: {  	_ =	swait.ge [sflag:s24], $0x2800  }
0x17: {  	[sflag:s24] =	ssyncset.done $0x0  }
0x18: {  	s23 =	simm.s32 $0x200;
	s8 =	simm.s32 $0x0;
	[sflag:s24] =	ssyncadd.s32 $0xFFFFD800  }
.LBB2_2:
0x19: {  	p0 =	sne.s32 s23, $0xFE00;
	[tilespmem:s8+$0x2970] =	vst v0  }
0x1a: {  	[tilespmem:s8+$0x2900] =	vst v0  }
0x1b: {  	[tilespmem:s8+$0x2910] =	vst v0  }
.Ltmp0:
0x1c: {  	[tilespmem:s8+$0x2920] =	vst v0;
	(pc) =	sbr.rel @p0 .LBB2_2-.Ltmp0, $4  }
0x1d: {  	[tilespmem:s8+$0x2930] =	vst v0  }
0x1e: {  	[tilespmem:s8+$0x2940] =	vst v0  }
0x1f: {  	[tilespmem:s8+$0x2950] =	vst v0  }
0x20: {  	[tilespmem:s8+$0x2960] =	vst v0;
	s8 =	sshra.s32 s23, $0x2;
	s23 =	sadd.s32 $0x200, s23  }
0x21: {  	[tilespmem:s8+$0x2970] =	vst v0  }
0x22: {  	[tilespmem:s8+$0x2900] =	vst v0  }
0x23: {  	[tilespmem:s8+$0x2910] =	vst v0  }
0x24: {  	[tilespmem:s8+$0x2920] =	vst v0  }
0x25: {  	[tilespmem:s8+$0x2930] =	vst v0  }
0x26: {  	[tilespmem:s8+$0x2940] =	vst v0  }
0x27: {  	[tilespmem:s8+$0x2950] =	vst v0  }
0x28: {  	[tilespmem:s8+$0x2960] =	vst v0  }
0x29: {  	[spmem:s7] =	stream.linear.scatter [tilespmem:s25], [sflag:$0x2], $0x4000, $0x38;
	[tilespmem:$0x1E900] =	vst v63  }
0x2a: {  	_ = 	snop  }
0x2b: {  	[spmem:s9] =	stream.linear.scatter [tilespmem:s25], [sflag:$0x2], $0x4000, $0x38;
	[tilespmem:$0x1E900] =	vst v63  }
0x2c: {  	_ = 	snop  }
0x2d: {  	[spmem:s10] =	stream.linear.scatter [tilespmem:s25], [sflag:$0x2], $0x4000, $0x38;
	[tilespmem:$0x1E900] =	vst v63  }
0x2e: {  	_ = 	snop  }
0x2f: {  	[spmem:s11] =	stream.linear.scatter [tilespmem:s25], [sflag:$0x2], $0x4000, $0x38;
	[tilespmem:$0x1E900] =	vst v63  }
0x30: {  	_ = 	snop  }
0x31: {  	[spmem:s13] =	stream.linear.scatter [tilespmem:s25], [sflag:$0x2], $0x4000, $0x38;
	[tilespmem:$0x1E900] =	vst v63  }
0x32: {  	_ =	swait.ge [sflag:s26], $0x4000  }
0x33: {  	[sflag:s26] =	ssyncset.done $0x0  }
0x34: {  	[sflag:s26] =	ssyncadd.s32 $0xFFFFC000  }
0x35: {  	_ =	swait.ge [sflag:s26], $0x4000  }
0x36: {  	[sflag:s26] =	ssyncset.done $0x0  }
0x37: {  	[sflag:s26] =	ssyncadd.s32 $0xFFFFC000  }
0x38: {  	_ =	swait.ge [sflag:s26], $0x4000  }
0x39: {  	[sflag:s26] =	ssyncset.done $0x0  }
0x3a: {  	[sflag:s26] =	ssyncadd.s32 $0xFFFFC000  }
0x3b: {  	_ =	swait.ge [sflag:s26], $0x4000  }
0x3c: {  	[sflag:s26] =	ssyncset.done $0x0  }
0x3d: {  	[sflag:s26] =	ssyncadd.s32 $0xFFFFC000  }
0x3e: {  	_ =	swait.ge [sflag:s26], $0x4000  }
0x3f: {  	[sflag:s26] =	ssyncset.done $0x0  }
0x40: {  	[sflag:s26] =	ssyncadd.s32 $0xFFFFC000  }
0x41: {  	[bflag:$0x0] =	sbarrier.arrive $0xFFFF  }
0x42: {  	[tilespmem:s5], [sflag:$0x5] =	stream.linear.gather [hbm4b:s12+s5], $0x80, $0x38;
	[tilespmem:$0x1E900] =	vst v63  }
0x43: {  	_ =	swait.ge [sflag:s24], $0x80  }
0x44: {  	[sflag:s24] =	ssyncset.done $0x0  }
0x45: {  	[sflag:s24] =	ssyncadd.s32 $0xFFFFFF80  }
0x46: {  	[tilespmem:s25], [sflag:$0x1] =	stream.indirect.gather [hbm4b:s6+s28], $0x80, s5, s28, $0xb8;
	[tilespmem:$0x1E900] =	vst v63  }
0x47: {  	s14 =	rddreg [dreg:$0x5]  }
0x48: {  	[tilespmem:s28], [sflag:$0x4] =	stream.linear.gather [hbm4b:s14+s5], $0x80, $0x38;
	[tilespmem:$0x1E900] =	vst v63  }
0x49: {  	_ =	swait.ge [sflag:s29], $0x80  }
0x4a: {  	[sflag:s29] =	ssyncset.done $0x0  }
0x4b: {  	[sflag:s29] =	ssyncadd.s32 $0xFFFFFF80  }
0x4c: {  	[tilespmem:s30], [sflag:$0x2] =	stream.indirect.gather [hbm4b:s6+s28], $0x80, s28, s28, $0xb8;
	[tilespmem:$0x1E900] =	vst v63  }
0x4d: {  	s15 =	simm.s32 $0x100;
	_ =	swait.ge [sflag:s31], $0x4000  }
0x4e: {  	s23 =	sand.u32 $0x7C00, s15;
	s8 =	sand.u32 $0x300, s15;
	[sflag:s31] =	ssyncset.done $0x0  }
0x4f: {  	s23 =	sadd.s32 s4, s23;
	s14 =	simm.s32 $0x100;
	[sflag:s31] =	ssyncadd.s32 $0xFFFFC000  }
0x50: {  	[spmem:s3] =	stream.indirect.scatter.add.f32 [tilespmem:s25], [sflag:$0x5], $0x80, s14, s28, $0xb8;
	[tilespmem:$0x1E900] =	vst v63  }
0x51: {  	s8 =	sor.u32 s8, s23;
	_ =	swait.ge [sflag:s24], $0x4000  }
0x52: {  	s8 =	sshrl.u32 s8, $0x3;
	[sflag:s24] =	ssyncset.done $0x0  }
0x53: {  	s8 =	sadd.s32 s2, s8;
	[sflag:s24] =	ssyncadd.s32 $0xFFFFC000  }
0x54: {  	[tilespmem:s5], [sflag:$0x3] =	stream.linear.gather [hbm4b:s8+s5], $0x80, $0x38;
	[tilespmem:$0x1E900] =	vst v63  }
0x55: {  	_ =	swait.ge [sflag:s1], $0x80  }
0x56: {  	[sflag:s1] =	ssyncset.done $0x0  }
0x57: {  	[sflag:s1] =	ssyncadd.s32 $0xFFFFFF80  }
0x58: {  	[tilespmem:s25], [sflag:$0x1] =	stream.indirect.gather [hbm4b:s6+s28], $0x80, s5, s28, $0xb8;
	[tilespmem:$0x1E900] =	vst v63  }
0x59: {  	s23 =	simm.s32 $0x180;
	_ =	swait.ge [sflag:s26], $0x4000  }
0x5a: {  	s16 =	sand.u32 $0x7C00, s23;
	[sflag:s26] =	ssyncset.done $0x0  }
0x5b: {  	s17 =	sand.u32 $0x380, s23;
	s8 =	sadd.s32 s4, s16;
	[sflag:s26] =	ssyncadd.s32 $0xFFFFC000  }
0x5c: {  	[spmem:s3] =	stream.indirect.scatter.add.f32 [tilespmem:s30], [sflag:$0x5], $0x80, s23, s28, $0xb8;
	[tilespmem:$0x1E900] =	vst v63  }
0x5d: {  	s14 =	sor.u32 s17, s8;
	_ =	swait.ge [sflag:s24], $0x4000  }
0x5e: {  	s8 =	simm.s32 $0x280;
	s14 =	sshrl.u32 s14, $0x3;
	[sflag:s24] =	ssyncset.done $0x0  }
.LBB2_4:
0x5f: {  	[sflag:s24] =	ssyncadd.s32 $0xFFFFC000  }
0x60: {  	s14 =	sadd.s32 s2, s14;
	s23 =	sadd.s32 $0x100, s23;
	s15 =	smov.u32 s8  }
0x61: {  	[tilespmem:s28], [sflag:$0x4] =	stream.linear.gather [hbm4b:s14+s5], $0x80, $0x38;
	[tilespmem:$0x1E900] =	vst v63  }
0x62: {  	p0 =	sne.s32 s8, $0x2680;
	s8 =	sadd.s32 $0x100, s8;
	_ =	swait.ge [sflag:s29], $0x80  }
0x63: {  	[sflag:s29] =	ssyncset.done $0x0  }
0x64: {  	[sflag:s29] =	ssyncadd.s32 $0xFFFFFF80  }
0x65: {  	[tilespmem:s30], [sflag:$0x2] =	stream.indirect.gather [hbm4b:s6+s28], $0x80, s28, s28, $0xb8;
	[tilespmem:$0x1E900] =	vst v63  }
0x66: {  	s14 =	sadd.s32 $0xFFFFFF80, s15;
	_ =	swait.ge [sflag:s31], $0x4000  }
0x67: {  	s16 =	sadd.s32 $0xFFFFFF80, s23;
	s17 =	sand.u32 $0x7C00, s14;
	[sflag:s31] =	ssyncset.done $0x0  }
0x68: {  	s14 =	sand.u32 $0x300, s14;
	s17 =	sadd.s32 s4, s17;
	[sflag:s31] =	ssyncadd.s32 $0xFFFFC000  }
0x69: {  	[spmem:s3] =	stream.indirect.scatter.add.f32 [tilespmem:s25], [sflag:$0x5], $0x80, s16, s28, $0xb8;
	[tilespmem:$0x1E900] =	vst v63  }
0x6a: {  	s14 =	sor.u32 s14, s17;
	_ =	swait.ge [sflag:s24], $0x4000  }
0x6b: {  	s14 =	sshrl.u32 s14, $0x3;
	[sflag:s24] =	ssyncset.done $0x0  }
0x6c: {  	s14 =	sadd.s32 s2, s14;
	[sflag:s24] =	ssyncadd.s32 $0xFFFFC000  }
0x6d: {  	[tilespmem:s5], [sflag:$0x3] =	stream.linear.gather [hbm4b:s14+s5], $0x80, $0x38;
	[tilespmem:$0x1E900] =	vst v63  }
0x6e: {  	_ =	swait.ge [sflag:s1], $0x80  }
0x6f: {  	[sflag:s1] =	ssyncset.done $0x0  }
0x70: {  	[sflag:s1] =	ssyncadd.s32 $0xFFFFFF80  }
0x71: {  	[tilespmem:s25], [sflag:$0x1] =	stream.indirect.gather [hbm4b:s6+s28], $0x80, s5, s28, $0xb8;
	[tilespmem:$0x1E900] =	vst v63  }
0x72: {  	_ =	swait.ge [sflag:s26], $0x4000  }
.Ltmp1:
0x73: {  	s14 =	sand.u32 $0x7C00, s15;
	[sflag:s26] =	ssyncset.done $0x0;
	(pc) =	sbr.rel @p0 .LBB2_4-.Ltmp1, $4  }
0x74: {  	s15 =	sand.u32 $0x380, s15;
	s14 =	sadd.s32 s4, s14;
	[sflag:s26] =	ssyncadd.s32 $0xFFFFC000  }
0x75: {  	[spmem:s3] =	stream.indirect.scatter.add.f32 [tilespmem:s30], [sflag:$0x5], $0x80, s23, s28, $0xb8;
	[tilespmem:$0x1E900] =	vst v63  }
0x76: {  	s14 =	sor.u32 s15, s14;
	_ =	swait.ge [sflag:s24], $0x4000  }
0x77: {  	s14 =	sshrl.u32 s14, $0x3;
	[sflag:s24] =	ssyncset.done $0x0  }
0x78: {  	[sflag:s24] =	ssyncadd.s32 $0xFFFFC000;
	s8 =	sadd.s32 s2, s14  }
0x79: {  	[tilespmem:s28], [sflag:$0x4] =	stream.linear.gather [hbm4b:s8+s5], $0x80, $0x38;
	[tilespmem:$0x1E900] =	vst v63  }
0x7a: {  	_ =	swait.ge [sflag:s29], $0x80  }
0x7b: {  	[sflag:s29] =	ssyncset.done $0x0  }
0x7c: {  	[sflag:s29] =	ssyncadd.s32 $0xFFFFFF80  }
0x7d: {  	[tilespmem:s30], [sflag:$0x2] =	stream.indirect.gather [hbm4b:s6+s28], $0x80, s28, s28, $0xb8;
	[tilespmem:$0x1E900] =	vst v63  }
0x7e: {  	_ =	swait.ge [sflag:s31], $0x4000  }
0x7f: {  	[sflag:s31] =	ssyncset.done $0x0  }
0x80: {  	s17 =	simm.s32 $0x2700;
	[sflag:s31] =	ssyncadd.s32 $0xFFFFC000  }
0x81: {  	[spmem:s3] =	stream.indirect.scatter.add.f32 [tilespmem:s25], [sflag:$0x5], $0x80, s17, s28, $0xb8;
	[tilespmem:$0x1E900] =	vst v63  }
0x82: {  	_ =	swait.ge [sflag:s24], $0x4000  }
0x83: {  	[sflag:s24] =	ssyncset.done $0x0  }
0x84: {  	[sflag:s24] =	ssyncadd.s32 $0xFFFFC000  }
0x85: {  	[tilespmem:s5], [sflag:$0x3] =	stream.linear.gather [hbm4b:s22+s5], $0x80, $0x38;
	[tilespmem:$0x1E900] =	vst v63  }
0x86: {  	_ =	swait.ge [sflag:s1], $0x80  }
0x87: {  	[sflag:s1] =	ssyncset.done $0x0  }
0x88: {  	[sflag:s1] =	ssyncadd.s32 $0xFFFFFF80  }
0x89: {  	[tilespmem:s25], [sflag:$0x1] =	stream.indirect.gather [hbm4b:s6+s28], $0x80, s5, s28, $0xb8;
	[tilespmem:$0x1E900] =	vst v63  }
0x8a: {  	_ =	swait.ge [sflag:s26], $0x4000  }
0x8b: {  	[sflag:s26] =	ssyncset.done $0x0  }
0x8c: {  	s23 =	simm.s32 $0x2780;
	[sflag:s26] =	ssyncadd.s32 $0xFFFFC000  }
0x8d: {  	[spmem:s3] =	stream.indirect.scatter.add.f32 [tilespmem:s30], [sflag:$0x5], $0x80, s23, s28, $0xb8;
	[tilespmem:$0x1E900] =	vst v63  }
0x8e: {  	_ =	swait.ge [sflag:s24], $0x4000  }
0x8f: {  	[sflag:s24] =	ssyncset.done $0x0  }
0x90: {  	[sflag:s24] =	ssyncadd.s32 $0xFFFFC000  }
0x91: {  	[tilespmem:s28], [sflag:$0x4] =	stream.linear.gather [hbm4b:s21+s5], $0x80, $0x38;
	[tilespmem:$0x1E900] =	vst v63  }
0x92: {  	_ =	swait.ge [sflag:s29], $0x80  }
0x93: {  	[sflag:s29] =	ssyncset.done $0x0  }
0x94: {  	[sflag:s29] =	ssyncadd.s32 $0xFFFFFF80  }
0x95: {  	[tilespmem:s30], [sflag:$0x2] =	stream.indirect.gather [hbm4b:s6+s28], $0x80, s28, s28, $0xb8;
	[tilespmem:$0x1E900] =	vst v63  }
0x96: {  	_ =	swait.ge [sflag:s31], $0x4000  }
0x97: {  	[sflag:s31] =	ssyncset.done $0x0  }
0x98: {  	s14 =	simm.s32 $0x2800;
	[sflag:s31] =	ssyncadd.s32 $0xFFFFC000  }
0x99: {  	[spmem:s3] =	stream.indirect.scatter.add.f32 [tilespmem:s25], [sflag:$0x5], $0x80, s14, s28, $0xb8;
	[tilespmem:$0x1E900] =	vst v63  }
0x9a: {  	_ =	swait.ge [sflag:s24], $0x4000  }
0x9b: {  	[sflag:s24] =	ssyncset.done $0x0  }
0x9c: {  	[sflag:s24] =	ssyncadd.s32 $0xFFFFC000  }
0x9d: {  	[tilespmem:s5], [sflag:$0x3] =	stream.linear.gather [hbm4b:s21+s5], $0x80, $0x38;
	[tilespmem:$0x1E900] =	vst v63  }
0x9e: {  	_ =	swait.ge [sflag:s1], $0x80  }
0x9f: {  	[sflag:s1] =	ssyncset.done $0x0  }
0xa0: {  	[sflag:s1] =	ssyncadd.s32 $0xFFFFFF80  }
0xa1: {  	[tilespmem:s25], [sflag:$0x1] =	stream.indirect.gather [hbm4b:s6+s28], $0x80, s5, s28, $0xb8;
	[tilespmem:$0x1E900] =	vst v63  }
0xa2: {  	_ =	swait.ge [sflag:s26], $0x4000  }
0xa3: {  	[sflag:s26] =	ssyncset.done $0x0  }
0xa4: {  	s15 =	simm.s32 $0x2880;
	[sflag:s26] =	ssyncadd.s32 $0xFFFFC000  }
0xa5: {  	[spmem:s3] =	stream.indirect.scatter.add.f32 [tilespmem:s30], [sflag:$0x5], $0x80, s15, s28, $0xb8;
	[tilespmem:$0x1E900] =	vst v63  }
0xa6: {  	_ =	swait.ge [sflag:s24], $0x4000  }
0xa7: {  	[sflag:s24] =	ssyncset.done $0x0  }
0xa8: {  	[sflag:s24] =	ssyncadd.s32 $0xFFFFC000  }
0xa9: {  	[tilespmem:s28], [sflag:$0x4] =	stream.linear.gather [hbm4b:s21+s5], $0x80, $0x38;
	[tilespmem:$0x1E900] =	vst v63  }
0xaa: {  	_ =	swait.ge [sflag:s31], $0x4000  }
0xab: {  	[sflag:s31] =	ssyncset.done $0x0  }
0xac: {  	[sflag:s31] =	ssyncadd.s32 $0xFFFFC000  }
0xad: {  	_ =	swait.ge [sflag:s29], $0x80  }
0xae: {  	[sflag:s29] =	ssyncset.done $0x0  }
0xaf: {  	[sflag:s29] =	ssyncadd.s32 $0xFFFFFF80  }
0xb0: {  	[bflag:$0x0] =	sbarrier.arrive $0xFFFF  }
0xb1: {  	[tilespmem:s25], [sflag:$0x5] =	stream.linear.gather [spmem:s7], $0x4000, $0x38;
	[tilespmem:$0x1E900] =	vst v63  }
0xb2: {  	_ =	swait.ge [sflag:s24], $0x4000  }
0xb3: {  	[sflag:s24] =	ssyncset.done $0x0  }
0xb4: {  	s16 =	rddreg [dreg:$0x6];
	[sflag:s24] =	ssyncadd.s32 $0xFFFFC000  }
0xb5: {  	[hbm4b:s16+s5] =	stream.linear.scatter [tilespmem:s25], [sflag:$0x3], $0x4000, $0x38;
	[tilespmem:$0x1E900] =	vst v63  }
0xb6: {  	_ = 	snop  }
0xb7: {  	[tilespmem:s30], [sflag:$0x5] =	stream.linear.gather [spmem:s9], $0x4000, $0x38;
	[tilespmem:$0x1E900] =	vst v63  }
0xb8: {  	_ =	swait.ge [sflag:s24], $0x4000  }
0xb9: {  	[sflag:s24] =	ssyncset.done $0x0  }
0xba: {  	s17 =	rddreg [dreg:$0x7];
	[sflag:s24] =	ssyncadd.s32 $0xFFFFC000  }
0xbb: {  	[hbm4b:s17+s5] =	stream.linear.scatter [tilespmem:s30], [sflag:$0x4], $0x4000, $0x38;
	[tilespmem:$0x1E900] =	vst v63  }
0xbc: {  	_ =	swait.ge [sflag:s1], $0x4000  }
0xbd: {  	[sflag:s1] =	ssyncset.done $0x0  }
0xbe: {  	[sflag:s1] =	ssyncadd.s32 $0xFFFFC000  }
0xbf: {  	[tilespmem:s25], [sflag:$0x5] =	stream.linear.gather [spmem:s10], $0x4000, $0x38;
	[tilespmem:$0x1E900] =	vst v63  }
0xc0: {  	_ =	swait.ge [sflag:s24], $0x4000  }
0xc1: {  	[sflag:s24] =	ssyncset.done $0x0  }
0xc2: {  	s23 =	rddreg [dreg:$0x8];
	[sflag:s24] =	ssyncadd.s32 $0xFFFFC000  }
0xc3: {  	[hbm4b:s23+s5] =	stream.linear.scatter [tilespmem:s25], [sflag:$0x3], $0x4000, $0x38;
	[tilespmem:$0x1E900] =	vst v63  }
0xc4: {  	_ =	swait.ge [sflag:s29], $0x4000  }
0xc5: {  	[sflag:s29] =	ssyncset.done $0x0  }
0xc6: {  	[sflag:s29] =	ssyncadd.s32 $0xFFFFC000  }
0xc7: {  	[tilespmem:s30], [sflag:$0x5] =	stream.linear.gather [spmem:s11], $0x4000, $0x38;
	[tilespmem:$0x1E900] =	vst v63  }
0xc8: {  	_ =	swait.ge [sflag:s24], $0x4000  }
0xc9: {  	[sflag:s24] =	ssyncset.done $0x0  }
0xca: {  	[sflag:s24] =	ssyncadd.s32 $0xFFFFC000  }
0xcb: {  	[hbm4b:s18+s5] =	stream.linear.scatter [tilespmem:s30], [sflag:$0x4], $0x4000, $0x38;
	[tilespmem:$0x1E900] =	vst v63  }
0xcc: {  	_ =	swait.ge [sflag:s1], $0x4000  }
0xcd: {  	[sflag:s1] =	ssyncset.done $0x0  }
0xce: {  	[sflag:s1] =	ssyncadd.s32 $0xFFFFC000  }
0xcf: {  	[tilespmem:s25], [sflag:$0x5] =	stream.linear.gather [spmem:s13], $0x4000, $0x38;
	[tilespmem:$0x1E900] =	vst v63  }
0xd0: {  	_ =	swait.ge [sflag:s24], $0x4000  }
0xd1: {  	[sflag:s24] =	ssyncset.done $0x0  }
0xd2: {  	s0 =	sadd.s32 $0x1, s0;
	[sflag:s24] =	ssyncadd.s32 $0xFFFFC000  }
0xd3: {  	[hbm4b:s19+s5] =	stream.linear.scatter [tilespmem:s25], [sflag:$0x3], $0x4000, $0x38;
	[tilespmem:$0x1E900] =	vst v63  }
0xd4: {  	p0 =	sne.s32 s0, s20;
	_ =	swait.ge [sflag:s29], $0x4000  }
.Ltmp2:
0xd5: {  	[sflag:s29] =	ssyncset.done $0x0;
	(pc) =	sbr.rel @p0 .LBB2_1-.Ltmp2, $4  }
0xd6: {  	[sflag:s29] =	ssyncadd.s32 $0xFFFFC000  }
0xd7: {  	_ =	swait.ge [sflag:s1], $0x4000  }
0xd8: {  	[sflag:s1] =	ssyncset.done $0x0  }
0xd9: {  	[sflag:s1] =	ssyncadd.s32 $0xFFFFC000  }
0xda: {  	_ =	sfence.sel $0x180000  }
0xdb: {  	[bflag:$0x0] =	sbarrier.arrive $0xFFFF  }
0xdc: {  	_ =	strace $0x9000004A  }
0xdd: {  	s0 =	stileid.u32;
	[bflag:$0x2] =	sbarrier.arrive $0xFFFF  }
0xde: {  	p0 =	sne.s32 s0, $0x0;
	s0 =	rddreg [dreg:$0x3]  }
0xdf: {  	s0 =	sadd.s32 @!p0 $0x100000, s0  }
0xe0: {  	[sflag:s0] =	ssyncadd.tile.s32 @!p0 $0x1;
	_ =	shalt  }
.Lfunc_end2:
_tile_overlayer_lowered:
.L_overlay_start_2:
0xe1: {  	(tag) =	ssettag $0x2  }
0xe2: {  	s0 =	rddreg [dreg:$0x0];
	s2 =	stileid.u32  }
0xe3: {  	s1 =	rddreg [dreg:$0x1];
	p0 =	sne.s32 s2, $0x0  }
0xe4: {  	s3 =	rddreg [dreg:$0x2];
	[bflag:$0x3] =	sbarrier.arrive $0xFFFF;
	s2 =	simm.s32 @!p0 $0x1C05  }
0xe5: {  	[timem:s3], [sflag:s2] =	dma.local @!p0 [hbm:s0], s1  }
0xe6: {  	s0 =	simm.s32 @!p0 $0x5  }
0xe7: {  	_ =	swait.ge @!p0 [sflag:s0], s1  }
0xe8: {  	s1 =	ssub.s32 @!p0 $0x0, s1;
	[sflag:s0] =	ssyncset.done @!p0 $0x0  }
0xe9: {  	[sflag:s0] =	ssyncadd.s32 @!p0 s1  }
0xea: {  	[bflag:$0x3] =	sbarrier.arrive $0xFFFF  }
0xeb: {  	_ =	shalt  }

// kernel: kernel.17.cloned.1.call-start
scs
__scs_entry_jumppad:
0x0: {  	(pc) =	sbr.rel $0x88, $3  }
0x1: {  	(tag) =	ssettag $0x0;
	lr =	simm.s32 $0x1  }
0x2: {  	[smem:$0x3F97] =	sst lr;
	_ =	strace $0xD0000000  }
0x3: {  	_ = 	snop  }
0x4: {  	_ = 	snop  }
0x5: {  	_ = 	snop  }
0x6: {  	_ = 	snop  }
0x7: {  	_ = 	snop  }
__scs_overlays_trampoline_lowered:
0x8: {  	[smem:$0x3FA6] =	sst s0  }
0x9: {  	[smem:$0x3FA7] =	sst s1  }
0xa: {  	[smem:$0x3FA8] =	sst s2  }
0xb: {  	[smem:$0x3FA9] =	sst s3  }
0xc: {  	[smem:$0x3FAA] =	sst s4  }
0xd: {  	[smem:$0x3FAB] =	sst s5  }
0xe: {  	[smem:$0x3FAC] =	sst s6  }
0xf: {  	[smem:$0x3FAD] =	sst s7  }
0x10: {  	[smem:$0x3FAE] =	sst s8  }
0x11: {  	[smem:$0x3FAF] =	sst s9;
	s0 =	simm.s32 @!p0 $0x0  }
0x12: {  	s1 =	sld [smem:$0x3F95];
	s0 =	simm.s32 @p0 $0x1  }
0x13: {  	[smem:$0x3FB0] =	sst s0;
	s0 =	simm.s32 @!p1 $0x0  }
0x14: {  	s2 =	sld [smem:$0x3F94];
	s0 =	simm.s32 @p1 $0x1  }
0x15: {  	[smem:$0x3FB1] =	sst s0;
	s0 =	simm.s32 @!p2 $0x0  }
0x16: {  	s3 =	sld [smem:$0x3FDB];
	s0 =	simm.s32 @p2 $0x1  }
0x17: {  	s4 =	simm.s32 $0x1BF5;
	[smem:$0x3FB3] =	sst s0  }
0x18: {  	s0 =	sld [smem:$0x3F96];
	_ =	swait.ge [sflag:s4], $0x0  }
0x19: {  	s7 =	sld [smem:$0x3F97]  }
0x1a: {  	s8 =	sadd.s32 $0xFFFFE003, lr  }
0x1b: {  	s9 =	sadd.s32 $0xFFFFFEF7, lr;
	s5 =	simm.s32 $0xFFFFFFFF;
	p2 =	slt.u32 s8, $0xFFFFF086  }
0x1c: {  	p1 =	slt.u32 s9, $0xF7A;
	s5 =	simm.s32 @!p2 $0x0  }
0x1d: {  	s5 =	simm.s32 @p1 $0x1;
	p0 =	seq.s32 s7, s2  }
0x1e: {  	s7 =	smul.u32 @!p0 $0xF7A, s2;
	p2 =	seq.s32 @!p0 s5, $0x0  }
0x1f: {  	s9 =	smul.u32 $0xF7A, s1;
	s8 =	simm.s32 @!p0 $0x1BF5;
	p2 =	por !p2, p0  }
0x20: {  	[sflag:s8] =	ssyncset.s32 @!p0 $0xFFFFF086;
	s6 =	sadd.s32 @!p0 s3, s7;
	s7 =	simm.s32 @!p0 $0x108  }
0x21: {  	s3 =	sadd.s32 s3, s9;
	s6 =	sadd.s32 @!p0 $0x88, s6;
	s7 =	simm.s32 @p2 $0x1082  }
0x22: {  	[simem:s7], [sflag:s8] =	dma.local @!p0 [hbm:s6], $0xF7A  }
0x23: {  	s9 =	sor.u32 $0xD0000000, s2;
	s6 =	simm.s32 $0x108;
	_ =	swait.ge @!p0 [sflag:s8], $0x0  }
0x24: {  	s3 =	sadd.s32 $0x88, s3;
	s6 =	simm.s32 @!p1 $0x1082;
	[sflag:s4] =	ssyncset.s32 $0xFFFFF086  }
0x25: {  	[simem:s6], [sflag:s4] =	dma.local [hbm:s3], $0xF7A  }
0x26: {  	[smem:$0x3F97] =	sst s1;
	(tag) =	ssettag s2;
	_ =	strace s9  }
0x27: {  	s1 =	sld [smem:$0x3FA7]  }
0x28: {  	s2 =	sld [smem:$0x3FA8]  }
0x29: {  	s4 =	sld [smem:$0x3FAA]  }
0x2a: {  	p0 =	seq.s32 s5, $0x0;
	s5 =	sld [smem:$0x3FAB]  }
0x2b: {  	s6 =	sld [smem:$0x3FAC]  }
0x2c: {  	s7 =	sld [smem:$0x3FAD]  }
0x2d: {  	s3 =	simm.s32 $0x108;
	s8 =	sld [smem:$0x3FAE]  }
0x2e: {  	s3 =	simm.s32 @!p0 $0x1082;
	s9 =	sld [smem:$0x3FAF]  }
0x2f: {  	lr =	sadd.s32 s0, s3;
	s0 =	sld [smem:$0x3FA6]  }
0x30: {  	s3 =	sld [smem:$0x3FA9]  }
0x31: {  	[smem:$0x3FB2] =	sst s10  }
0x32: {  	s10 =	sld [smem:$0x3FB0];
	_ =	sdelay $0x3  }
0x33: {  	p0 =	seq.s32 s10, $0x1;
	s10 =	sld [smem:$0x3FB2];
	_ =	sdelay $0x3  }
0x34: {  	[smem:$0x3FB2] =	sst s10  }
0x35: {  	s10 =	sld [smem:$0x3FB1];
	_ =	sdelay $0x3  }
0x36: {  	p1 =	seq.s32 s10, $0x1;
	s10 =	sld [smem:$0x3FB2];
	_ =	sdelay $0x3  }
0x37: {  	[smem:$0x3FB2] =	sst s10  }
0x38: {  	s10 =	sld [smem:$0x3FB3]  }
0x39: {  	_ = 	snop;
	(pc) =	sbr.ind lr, $3  }
0x3a: {  	_ = 	snop  }
0x3b: {  	_ = 	snop  }
0x3c: {  	p2 =	seq.s32 s10, $0x1;
	s10 =	sld [smem:$0x3FB2]  }
0x3d: {  	_ =	shalt  }
0x3e: {  	_ =	shalt  }
0x3f: {  	_ =	shalt  }
0x40: {  	_ =	shalt  }
0x41: {  	_ =	shalt  }
0x42: {  	_ =	shalt  }
0x43: {  	_ =	shalt  }
0x44: {  	_ =	shalt  }
0x45: {  	_ =	shalt  }
0x46: {  	_ =	shalt  }
0x47: {  	_ =	shalt  }
0x48: {  	_ =	shalt  }
0x49: {  	_ =	shalt  }
0x4a: {  	_ =	shalt  }
0x4b: {  	_ =	shalt  }
0x4c: {  	_ =	shalt  }
0x4d: {  	_ =	shalt  }
0x4e: {  	_ =	shalt  }
0x4f: {  	_ =	shalt  }
0x50: {  	_ =	shalt  }
0x51: {  	_ =	shalt  }
0x52: {  	_ =	shalt  }
0x53: {  	_ =	shalt  }
0x54: {  	_ =	shalt  }
0x55: {  	_ =	shalt  }
0x56: {  	_ =	shalt  }
0x57: {  	_ =	shalt  }
0x58: {  	_ =	shalt  }
0x59: {  	_ =	shalt  }
0x5a: {  	_ =	shalt  }
0x5b: {  	_ =	shalt  }
0x5c: {  	_ =	shalt  }
0x5d: {  	_ =	shalt  }
0x5e: {  	_ =	shalt  }
0x5f: {  	_ =	shalt  }
0x60: {  	_ =	shalt  }
0x61: {  	_ =	shalt  }
0x62: {  	_ =	shalt  }
0x63: {  	_ =	shalt  }
0x64: {  	_ =	shalt  }
0x65: {  	_ =	shalt  }
0x66: {  	_ =	shalt  }
0x67: {  	_ =	shalt  }
0x68: {  	_ =	shalt  }
0x69: {  	_ =	shalt  }
0x6a: {  	_ =	shalt  }
0x6b: {  	_ =	shalt  }
0x6c: {  	_ =	shalt  }
0x6d: {  	_ =	shalt  }
0x6e: {  	_ =	shalt  }
0x6f: {  	_ =	shalt  }
0x70: {  	_ =	shalt  }
0x71: {  	_ =	shalt  }
0x72: {  	_ =	shalt  }
0x73: {  	_ =	shalt  }
0x74: {  	_ =	shalt  }
0x75: {  	_ =	shalt  }
0x76: {  	_ =	shalt  }
0x77: {  	_ =	shalt  }
0x78: {  	_ =	shalt  }
0x79: {  	_ =	shalt  }
0x7a: {  	_ =	shalt  }
0x7b: {  	_ =	shalt  }
0x7c: {  	_ =	shalt  }
0x7d: {  	_ =	shalt  }
0x7e: {  	_ =	shalt  }
0x7f: {  	_ =	shalt  }
0x80: {  	_ =	shalt  }
0x81: {  	_ =	shalt  }
0x82: {  	_ =	shalt  }
0x83: {  	_ =	shalt  }
0x84: {  	_ =	shalt  }
0x85: {  	_ =	shalt  }
0x86: {  	_ =	shalt  }
0x87: {  	_ =	shalt  }
.Lfunc_end0:
.L_simem_size_0:
called_computation.2_lowered:
.L_overlay_start_0:
0x88: {  	s2 =	sld [smem:$0x3FD9]  }
0x89: {  	s3 =	sld [smem:$0x3FFE];
	_ =	sdelay $0x1  }
0x8a: {  	s1 =	srdreg.scid  }
0x8b: {  	s0 =	sand.u32 $0x1, s1  }
0x8c: {  	s17 =	sshll.u32 s0, $0xA;
	s2 =	sadd.s32 s3, s2  }
0x8d: {  	s2 =	sadd.s32 s2, s17  }
0x8e: {  	[smem:$0x3FBE] =	sst s2  }
0x8f: {  	_ = 	snop  }
0x90: {  	s2 =	sld [smem:$0x3FD0];
	(tm) =	ssettm $0x1  }
0x91: {  	s18 =	sld [smem:$0x3FFB];
	_ =	sdelay $0x3  }
0x92: {  	_ =	strace s18  }
0x93: {  	s3 =	sld [smem:$0x3FFC];
	_ =	sdelay $0x3  }
0x94: {  	_ =	strace s3  }
0x95: {  	s3 =	sld [smem:$0x3FFD];
	_ =	sdelay $0x3  }
0x96: {  	_ =	strace s3  }
0x97: {  	_ =	strace $0x8FFFFFFF  }
0x98: {  	s19 =	sld [smem:$0x3FDB];
	_ =	sdelay $0x1  }
0x99: {  	s4 =	simm.s32 $_scs_section_size  }
0x9a: {  	s5 =	simm.s32 $_size__tile_overlayer_lowered;
	s6 =	simm.s32 $_tile_overlayer_lowered  }
0x9b: {  	s22 =	simm.s32 $0x1BFF;
	s21 =	sshll.u32 s6, $0x1;
	s3 =	sadd.s32 s4, s19  }
0x9c: {  	s7 =	simm.s32 $0x0;
	s20 =	sshll.u32 s5, $0x1;
	s5 =	sadd.s32 s21, s3  }
0x9d: {  	[timem:s7], [sflag:s22] =	dma.local [hbm:s5], s20  }
0x9e: {  	_ =	swait.ge [sflag:s22], s20  }
0x9f: {  	s4 =	ssub.s32 $0x0, s20;
	[sflag:s22] =	ssyncset.done $0x0  }
0xa0: {  	[sflag:s22] =	ssyncadd.s32 s4;
	_ =	sdelay $0x1  }
0xa1: {  	s23 =	simm.s32 $0x1B8B  }
0xa2: {  	_ =	swait.ge [sflag:s23], $0x1  }
0xa3: {  	[sflag:s23] =	ssyncset.done $0x0  }
0xa4: {  	s25 =	simm.s32 $0x1B8E;
	s24 =	sld [smem:$0x3FFE];
	[sflag:s23] =	ssyncadd.s32 $0xFFFFFFFF  }
0xa5: {  	s26 =	simm.s32 $execute0_lowered;
	[smem:$0x3FD2] =	sst s25  }
0xa6: {  	s5 =	sshll.u32 s26, $0x1;
	_ =	strace $0x8000004C;
	[dreg:$0x1] =	wrdreg $0xFFFFFFFF  }
0xa7: {  	s28 =	simm.s32 $_size_execute0_lowered;
	s3 =	sadd.s32 s3, s5;
	[dreg:$0x0] =	wrdreg $0x0  }
0xa8: {  	s5 =	sshll.u32 s28, $0x1;
	[dreg:$0x2] =	wrdreg s3  }
0xa9: {  	[dreg:$0x3] =	wrdreg s5  }
0xaa: {  	[dreg:$0x4] =	wrdreg $0xC0  }
0xab: {  	_ =	task [dreg:s7], $0x5FFFF  }
0xac: {  	[dreg:$0x1] =	wrdreg $0xFFFFFFFF  }
0xad: {  	[dreg:$0x0] =	wrdreg $0x60  }
0xae: {  	[dreg:$0x2] =	wrdreg s24  }
0xaf: {  	[dreg:$0x3] =	wrdreg s2  }
0xb0: {  	[dreg:$0x4] =	wrdreg $0xA9000  }
0xb1: {  	[dreg:$0x5] =	wrdreg $0x9  }
0xb2: {  	_ =	task.clear_ibuf [dreg:s7], $0x6FFFF;
	_ =	strace $0x9000004C  }
0xb3: {  	s29 =	simm.s32 $0x9;
	_ =	strace $0x8000004E  }
0xb4: {  	_ =	swait.ge [sflag:s29], $0x1  }
0xb5: {  	[sflag:s29] =	ssyncadd.s32 $0xFFFFFFFF  }
0xb6: {  	_ =	strace $0x9000004E  }
0xb7: {  	_ =	sfence  }
0xb8: {  	s30 =	sld [smem:$0x0];
	_ =	sdelay $0x2  }
0xb9: {  	s31 =	sshll.u32 s1, $0xD;
	s1 =	sshrl.u32 s1, $0x2  }
0xba: {  	s3 =	sand.u32 $0x4000, s31;
	s1 =	sadd.s32 s1, s30  }
0xbb: {  	s0 =	sor.u32 s3, s0;
	s1 =	sshll.u32 s1, $0x11  }
0xbc: {  	s0 =	sor.u32 s1, s0  }
0xbd: {  	s0 =	sadd.s32 $0x8F2B, s0  }
0xbe: {  	[sflag:s0] =	ssyncadd.remote.s32 $0x1  }
0xbf: {  	_ =	sfence.sel $0xFFFF  }
0xc0: {  	[dreg:$0x0] =	wrdreg $0xFFFFFFFF;
	(pc) =	sbr.abs _section_cstart, $3  }
0xc1: {  	[dreg:$0x1] =	wrdreg $0xFFFFFFFF  }
0xc2: {  	_ =	task.clear_ibuf [dreg:s7], $0x2FFFF;
	_ =	strace $0x9FFFFFFF  }
0xc3: {  	(tm) =	ssettm $0x7FFFFFFF  }
tec
execute0_lowered:
.L_overlay_start_1:
0x0: {  	(tag) =	ssettag $0x1  }
0x1: {  	s0 =	srdreg.scid;
	s1 =	rddreg [dreg:$0x0]  }
0x2: {  	s6 =	stileid.u32;
	s2 =	rddreg [dreg:$0x1]  }
0x3: {  	s5 =	simm.s32 $0x0;
	s28 =	simm.s32 $0x80;
	s29 =	simm.s32 $0x4  }
0x4: {  	s30 =	simm.s32 $0x6900;
	s31 =	simm.s32 $0x1;
	s7 =	smul.u32 $0x280, s6  }
0x5: {  	s0 =	sand.u32 $0x1, s0;
	s3 =	sshll.u32 s6, $0x1;
	s9 =	smul.u32 $0x50000, s6  }
0x6: {  	[smem:$0x7FF] =	sst s5;
	s4 =	sor.u32 s0, s3;
	s8 =	smul.u32 $0x2800, s0  }
0x7: {  	s6 =	sadd.s32 $0xD800, s1;
	s3 =	rddreg [dreg:$0x2];
	s4 =	smul.u32 $0x2800, s4  }
0x8: {  	_ =	strace $0x8000004D;
	s0 =	ssub.s32 $0x2, s0;
	s20 =	sshrl.u32 s9, $0x2  }
0x9: {  	s21 =	sshrl.u32 s0, $0x1;
	s7 =	sadd.s32 s7, s8;
	s12 =	sshrl.u32 s4, $0x3  }
0xa: {  	s0 =	ssub.s32 s0, s21;
	s7 =	sshll.u32 s7, $0x4;
	s10 =	sadd.s32 s12, s1  }
0xb: {  	s1 =	sadd.s32 s7, s1;
	s7 =	sadd.s32 s20, s3;
	s12 =	sadd.s32 s2, s12  }
0xc: {  	s20 =	smax.u32 s0, $0x1;
	s0 =	simm.s32 $0x0;
	s22 =	sadd.s32 $0x3800, s10  }
0xd: {  	s9 =	sadd.s32 $0x4000, s7;
	s10 =	sadd.s32 $0x8000, s7;
	s11 =	sadd.s32 $0xC000, s7  }
0xe: {  	s13 =	sadd.s32 $0x10000, s7;
	s23 =	sadd.s32 $0x10, s12;
	[dreg:$0x4] =	wrdreg s22  }
0xf: {  	s24 =	sadd.s32 $0x35800, s1;
	s25 =	sadd.s32 $0x36000, s1;
	[dreg:$0x5] =	wrdreg s23  }
0x10: {  	s26 =	sadd.s32 $0x36800, s1;
	s18 =	sadd.s32 $0x37000, s1;
	[dreg:$0x6] =	wrdreg s24  }
0x11: {  	s19 =	sadd.s32 $0x37800, s1;
	s21 =	sadd.s32 $0x4F0, s12;
	[dreg:$0x7] =	wrdreg s25  }
0x12: {  	s1 =	simm.s32 $0x3;
	[dreg:$0x8] =	wrdreg s26;
	s22 =	sadd.s32 $0x4E0, s12  }
0x13: {  	v0 =	vimm.f32 $0.0e+00;
	s24 =	simm.s32 $0x5;
	s25 =	simm.s32 $0x2900;
	s26 =	simm.s32 $0x2  }
.LBB2_1:
0x14: {  	s8 =	rddreg [dreg:$0x4];
	s14 =	simm.s32 $0x100  }
0x15: {  	[tilespmem:s14], [sflag:$0x5] =	stream.linear.gather [hbm4b:s8+s5], $0x2800, $0x38;
	[tilespmem:$0x1E900] =	vst v63  }
0x16: {  	_ =	swait.ge [sflag:s24], $0x2800  }
0x17: {  	[sflag:s24] =	ssyncset.done $0x0  }
0x18: {  	s23 =	simm.s32 $0x200;
	s8 =	simm.s32 $0x0;
	[sflag:s24] =	ssyncadd.s32 $0xFFFFD800  }
.LBB2_2:
0x19: {  	p0 =	sne.s32 s23, $0xFE00;
	[tilespmem:s8+$0x2970] =	vst v0  }
0x1a: {  	[tilespmem:s8+$0x2900] =	vst v0  }
0x1b: {  	[tilespmem:s8+$0x2910] =	vst v0  }
.Ltmp0:
0x1c: {  	[tilespmem:s8+$0x2920] =	vst v0;
	(pc) =	sbr.rel @p0 .LBB2_2-.Ltmp0, $4  }
0x1d: {  	[tilespmem:s8+$0x2930] =	vst v0  }
0x1e: {  	[tilespmem:s8+$0x2940] =	vst v0  }
0x1f: {  	[tilespmem:s8+$0x2950] =	vst v0  }
0x20: {  	[tilespmem:s8+$0x2960] =	vst v0;
	s8 =	sshra.s32 s23, $0x2;
	s23 =	sadd.s32 $0x200, s23  }
0x21: {  	[tilespmem:s8+$0x2970] =	vst v0  }
0x22: {  	[tilespmem:s8+$0x2900] =	vst v0  }
0x23: {  	[tilespmem:s8+$0x2910] =	vst v0  }
0x24: {  	[tilespmem:s8+$0x2920] =	vst v0  }
0x25: {  	[tilespmem:s8+$0x2930] =	vst v0  }
0x26: {  	[tilespmem:s8+$0x2940] =	vst v0  }
0x27: {  	[tilespmem:s8+$0x2950] =	vst v0  }
0x28: {  	[tilespmem:s8+$0x2960] =	vst v0  }
0x29: {  	[spmem:s7] =	stream.linear.scatter [tilespmem:s25], [sflag:$0x2], $0x4000, $0x38;
	[tilespmem:$0x1E900] =	vst v63  }
0x2a: {  	_ = 	snop  }
0x2b: {  	[spmem:s9] =	stream.linear.scatter [tilespmem:s25], [sflag:$0x2], $0x4000, $0x38;
	[tilespmem:$0x1E900] =	vst v63  }
0x2c: {  	_ = 	snop  }
0x2d: {  	[spmem:s10] =	stream.linear.scatter [tilespmem:s25], [sflag:$0x2], $0x4000, $0x38;
	[tilespmem:$0x1E900] =	vst v63  }
0x2e: {  	_ = 	snop  }
0x2f: {  	[spmem:s11] =	stream.linear.scatter [tilespmem:s25], [sflag:$0x2], $0x4000, $0x38;
	[tilespmem:$0x1E900] =	vst v63  }
0x30: {  	_ = 	snop  }
0x31: {  	[spmem:s13] =	stream.linear.scatter [tilespmem:s25], [sflag:$0x2], $0x4000, $0x38;
	[tilespmem:$0x1E900] =	vst v63  }
0x32: {  	_ =	swait.ge [sflag:s26], $0x4000  }
0x33: {  	[sflag:s26] =	ssyncset.done $0x0  }
0x34: {  	[sflag:s26] =	ssyncadd.s32 $0xFFFFC000  }
0x35: {  	_ =	swait.ge [sflag:s26], $0x4000  }
0x36: {  	[sflag:s26] =	ssyncset.done $0x0  }
0x37: {  	[sflag:s26] =	ssyncadd.s32 $0xFFFFC000  }
0x38: {  	_ =	swait.ge [sflag:s26], $0x4000  }
0x39: {  	[sflag:s26] =	ssyncset.done $0x0  }
0x3a: {  	[sflag:s26] =	ssyncadd.s32 $0xFFFFC000  }
0x3b: {  	_ =	swait.ge [sflag:s26], $0x4000  }
0x3c: {  	[sflag:s26] =	ssyncset.done $0x0  }
0x3d: {  	[sflag:s26] =	ssyncadd.s32 $0xFFFFC000  }
0x3e: {  	_ =	swait.ge [sflag:s26], $0x4000  }
0x3f: {  	[sflag:s26] =	ssyncset.done $0x0  }
0x40: {  	[sflag:s26] =	ssyncadd.s32 $0xFFFFC000  }
0x41: {  	[bflag:$0x0] =	sbarrier.arrive $0xFFFF  }
0x42: {  	[tilespmem:s5], [sflag:$0x5] =	stream.linear.gather [hbm4b:s12+s5], $0x80, $0x38;
	[tilespmem:$0x1E900] =	vst v63  }
0x43: {  	_ =	swait.ge [sflag:s24], $0x80  }
0x44: {  	[sflag:s24] =	ssyncset.done $0x0  }
0x45: {  	[sflag:s24] =	ssyncadd.s32 $0xFFFFFF80  }
0x46: {  	[tilespmem:s25], [sflag:$0x1] =	stream.indirect.gather [hbm4b:s6+s28], $0x80, s5, s28, $0xb8;
	[tilespmem:$0x1E900] =	vst v63  }
0x47: {  	s14 =	rddreg [dreg:$0x5]  }
0x48: {  	[tilespmem:s28], [sflag:$0x4] =	stream.linear.gather [hbm4b:s14+s5], $0x80, $0x38;
	[tilespmem:$0x1E900] =	vst v63  }
0x49: {  	_ =	swait.ge [sflag:s29], $0x80  }
0x4a: {  	[sflag:s29] =	ssyncset.done $0x0  }
0x4b: {  	[sflag:s29] =	ssyncadd.s32 $0xFFFFFF80  }
0x4c: {  	[tilespmem:s30], [sflag:$0x2] =	stream.indirect.gather [hbm4b:s6+s28], $0x80, s28, s28, $0xb8;
	[tilespmem:$0x1E900] =	vst v63  }
0x4d: {  	s15 =	simm.s32 $0x100;
	_ =	swait.ge [sflag:s31], $0x4000  }
0x4e: {  	s23 =	sand.u32 $0x7C00, s15;
	s8 =	sand.u32 $0x300, s15;
	[sflag:s31] =	ssyncset.done $0x0  }
0x4f: {  	s23 =	sadd.s32 s4, s23;
	s14 =	simm.s32 $0x100;
	[sflag:s31] =	ssyncadd.s32 $0xFFFFC000  }
0x50: {  	[spmem:s3] =	stream.indirect.scatter.add.f32 [tilespmem:s25], [sflag:$0x5], $0x80, s14, s28, $0xb8;
	[tilespmem:$0x1E900] =	vst v63  }
0x51: {  	s8 =	sor.u32 s8, s23;
	_ =	swait.ge [sflag:s24], $0x4000  }
0x52: {  	s8 =	sshrl.u32 s8, $0x3;
	[sflag:s24] =	ssyncset.done $0x0  }
0x53: {  	s8 =	sadd.s32 s2, s8;
	[sflag:s24] =	ssyncadd.s32 $0xFFFFC000  }
0x54: {  	[tilespmem:s5], [sflag:$0x3] =	stream.linear.gather [hbm4b:s8+s5], $0x80, $0x38;
	[tilespmem:$0x1E900] =	vst v63  }
0x55: {  	_ =	swait.ge [sflag:s1], $0x80  }
0x56: {  	[sflag:s1] =	ssyncset.done $0x0  }
0x57: {  	[sflag:s1] =	ssyncadd.s32 $0xFFFFFF80  }
0x58: {  	[tilespmem:s25], [sflag:$0x1] =	stream.indirect.gather [hbm4b:s6+s28], $0x80, s5, s28, $0xb8;
	[tilespmem:$0x1E900] =	vst v63  }
0x59: {  	s23 =	simm.s32 $0x180;
	_ =	swait.ge [sflag:s26], $0x4000  }
0x5a: {  	s16 =	sand.u32 $0x7C00, s23;
	[sflag:s26] =	ssyncset.done $0x0  }
0x5b: {  	s17 =	sand.u32 $0x380, s23;
	s8 =	sadd.s32 s4, s16;
	[sflag:s26] =	ssyncadd.s32 $0xFFFFC000  }
0x5c: {  	[spmem:s3] =	stream.indirect.scatter.add.f32 [tilespmem:s30], [sflag:$0x5], $0x80, s23, s28, $0xb8;
	[tilespmem:$0x1E900] =	vst v63  }
0x5d: {  	s14 =	sor.u32 s17, s8;
	_ =	swait.ge [sflag:s24], $0x4000  }
0x5e: {  	s8 =	simm.s32 $0x280;
	s14 =	sshrl.u32 s14, $0x3;
	[sflag:s24] =	ssyncset.done $0x0  }
.LBB2_4:
0x5f: {  	[sflag:s24] =	ssyncadd.s32 $0xFFFFC000  }
0x60: {  	s14 =	sadd.s32 s2, s14;
	s23 =	sadd.s32 $0x100, s23;
	s15 =	smov.u32 s8  }
0x61: {  	[tilespmem:s28], [sflag:$0x4] =	stream.linear.gather [hbm4b:s14+s5], $0x80, $0x38;
	[tilespmem:$0x1E900] =	vst v63  }
0x62: {  	p0 =	sne.s32 s8, $0x2680;
	s8 =	sadd.s32 $0x100, s8;
	_ =	swait.ge [sflag:s29], $0x80  }
0x63: {  	[sflag:s29] =	ssyncset.done $0x0  }
0x64: {  	[sflag:s29] =	ssyncadd.s32 $0xFFFFFF80  }
0x65: {  	[tilespmem:s30], [sflag:$0x2] =	stream.indirect.gather [hbm4b:s6+s28], $0x80, s28, s28, $0xb8;
	[tilespmem:$0x1E900] =	vst v63  }
0x66: {  	s14 =	sadd.s32 $0xFFFFFF80, s15;
	_ =	swait.ge [sflag:s31], $0x4000  }
0x67: {  	s16 =	sadd.s32 $0xFFFFFF80, s23;
	s17 =	sand.u32 $0x7C00, s14;
	[sflag:s31] =	ssyncset.done $0x0  }
0x68: {  	s14 =	sand.u32 $0x300, s14;
	s17 =	sadd.s32 s4, s17;
	[sflag:s31] =	ssyncadd.s32 $0xFFFFC000  }
0x69: {  	[spmem:s3] =	stream.indirect.scatter.add.f32 [tilespmem:s25], [sflag:$0x5], $0x80, s16, s28, $0xb8;
	[tilespmem:$0x1E900] =	vst v63  }
0x6a: {  	s14 =	sor.u32 s14, s17;
	_ =	swait.ge [sflag:s24], $0x4000  }
0x6b: {  	s14 =	sshrl.u32 s14, $0x3;
	[sflag:s24] =	ssyncset.done $0x0  }
0x6c: {  	s14 =	sadd.s32 s2, s14;
	[sflag:s24] =	ssyncadd.s32 $0xFFFFC000  }
0x6d: {  	[tilespmem:s5], [sflag:$0x3] =	stream.linear.gather [hbm4b:s14+s5], $0x80, $0x38;
	[tilespmem:$0x1E900] =	vst v63  }
0x6e: {  	_ =	swait.ge [sflag:s1], $0x80  }
0x6f: {  	[sflag:s1] =	ssyncset.done $0x0  }
0x70: {  	[sflag:s1] =	ssyncadd.s32 $0xFFFFFF80  }
0x71: {  	[tilespmem:s25], [sflag:$0x1] =	stream.indirect.gather [hbm4b:s6+s28], $0x80, s5, s28, $0xb8;
	[tilespmem:$0x1E900] =	vst v63  }
0x72: {  	_ =	swait.ge [sflag:s26], $0x4000  }
.Ltmp1:
0x73: {  	s14 =	sand.u32 $0x7C00, s15;
	[sflag:s26] =	ssyncset.done $0x0;
	(pc) =	sbr.rel @p0 .LBB2_4-.Ltmp1, $4  }
0x74: {  	s15 =	sand.u32 $0x380, s15;
	s14 =	sadd.s32 s4, s14;
	[sflag:s26] =	ssyncadd.s32 $0xFFFFC000  }
0x75: {  	[spmem:s3] =	stream.indirect.scatter.add.f32 [tilespmem:s30], [sflag:$0x5], $0x80, s23, s28, $0xb8;
	[tilespmem:$0x1E900] =	vst v63  }
0x76: {  	s14 =	sor.u32 s15, s14;
	_ =	swait.ge [sflag:s24], $0x4000  }
0x77: {  	s14 =	sshrl.u32 s14, $0x3;
	[sflag:s24] =	ssyncset.done $0x0  }
0x78: {  	[sflag:s24] =	ssyncadd.s32 $0xFFFFC000;
	s8 =	sadd.s32 s2, s14  }
0x79: {  	[tilespmem:s28], [sflag:$0x4] =	stream.linear.gather [hbm4b:s8+s5], $0x80, $0x38;
	[tilespmem:$0x1E900] =	vst v63  }
0x7a: {  	_ =	swait.ge [sflag:s29], $0x80  }
0x7b: {  	[sflag:s29] =	ssyncset.done $0x0  }
0x7c: {  	[sflag:s29] =	ssyncadd.s32 $0xFFFFFF80  }
0x7d: {  	[tilespmem:s30], [sflag:$0x2] =	stream.indirect.gather [hbm4b:s6+s28], $0x80, s28, s28, $0xb8;
	[tilespmem:$0x1E900] =	vst v63  }
0x7e: {  	_ =	swait.ge [sflag:s31], $0x4000  }
0x7f: {  	[sflag:s31] =	ssyncset.done $0x0  }
0x80: {  	s17 =	simm.s32 $0x2700;
	[sflag:s31] =	ssyncadd.s32 $0xFFFFC000  }
0x81: {  	[spmem:s3] =	stream.indirect.scatter.add.f32 [tilespmem:s25], [sflag:$0x5], $0x80, s17, s28, $0xb8;
	[tilespmem:$0x1E900] =	vst v63  }
0x82: {  	_ =	swait.ge [sflag:s24], $0x4000  }
0x83: {  	[sflag:s24] =	ssyncset.done $0x0  }
0x84: {  	[sflag:s24] =	ssyncadd.s32 $0xFFFFC000  }
0x85: {  	[tilespmem:s5], [sflag:$0x3] =	stream.linear.gather [hbm4b:s22+s5], $0x80, $0x38;
	[tilespmem:$0x1E900] =	vst v63  }
0x86: {  	_ =	swait.ge [sflag:s1], $0x80  }
0x87: {  	[sflag:s1] =	ssyncset.done $0x0  }
0x88: {  	[sflag:s1] =	ssyncadd.s32 $0xFFFFFF80  }
0x89: {  	[tilespmem:s25], [sflag:$0x1] =	stream.indirect.gather [hbm4b:s6+s28], $0x80, s5, s28, $0xb8;
	[tilespmem:$0x1E900] =	vst v63  }
0x8a: {  	_ =	swait.ge [sflag:s26], $0x4000  }
0x8b: {  	[sflag:s26] =	ssyncset.done $0x0  }
0x8c: {  	s23 =	simm.s32 $0x2780;
	[sflag:s26] =	ssyncadd.s32 $0xFFFFC000  }
0x8d: {  	[spmem:s3] =	stream.indirect.scatter.add.f32 [tilespmem:s30], [sflag:$0x5], $0x80, s23, s28, $0xb8;
	[tilespmem:$0x1E900] =	vst v63  }
0x8e: {  	_ =	swait.ge [sflag:s24], $0x4000  }
0x8f: {  	[sflag:s24] =	ssyncset.done $0x0  }
0x90: {  	[sflag:s24] =	ssyncadd.s32 $0xFFFFC000  }
0x91: {  	[tilespmem:s28], [sflag:$0x4] =	stream.linear.gather [hbm4b:s21+s5], $0x80, $0x38;
	[tilespmem:$0x1E900] =	vst v63  }
0x92: {  	_ =	swait.ge [sflag:s29], $0x80  }
0x93: {  	[sflag:s29] =	ssyncset.done $0x0  }
0x94: {  	[sflag:s29] =	ssyncadd.s32 $0xFFFFFF80  }
0x95: {  	[tilespmem:s30], [sflag:$0x2] =	stream.indirect.gather [hbm4b:s6+s28], $0x80, s28, s28, $0xb8;
	[tilespmem:$0x1E900] =	vst v63  }
0x96: {  	_ =	swait.ge [sflag:s31], $0x4000  }
0x97: {  	[sflag:s31] =	ssyncset.done $0x0  }
0x98: {  	s14 =	simm.s32 $0x2800;
	[sflag:s31] =	ssyncadd.s32 $0xFFFFC000  }
0x99: {  	[spmem:s3] =	stream.indirect.scatter.add.f32 [tilespmem:s25], [sflag:$0x5], $0x80, s14, s28, $0xb8;
	[tilespmem:$0x1E900] =	vst v63  }
0x9a: {  	_ =	swait.ge [sflag:s24], $0x4000  }
0x9b: {  	[sflag:s24] =	ssyncset.done $0x0  }
0x9c: {  	[sflag:s24] =	ssyncadd.s32 $0xFFFFC000  }
0x9d: {  	[tilespmem:s5], [sflag:$0x3] =	stream.linear.gather [hbm4b:s21+s5], $0x80, $0x38;
	[tilespmem:$0x1E900] =	vst v63  }
0x9e: {  	_ =	swait.ge [sflag:s1], $0x80  }
0x9f: {  	[sflag:s1] =	ssyncset.done $0x0  }
0xa0: {  	[sflag:s1] =	ssyncadd.s32 $0xFFFFFF80  }
0xa1: {  	[tilespmem:s25], [sflag:$0x1] =	stream.indirect.gather [hbm4b:s6+s28], $0x80, s5, s28, $0xb8;
	[tilespmem:$0x1E900] =	vst v63  }
0xa2: {  	_ =	swait.ge [sflag:s26], $0x4000  }
0xa3: {  	[sflag:s26] =	ssyncset.done $0x0  }
0xa4: {  	s15 =	simm.s32 $0x2880;
	[sflag:s26] =	ssyncadd.s32 $0xFFFFC000  }
0xa5: {  	[spmem:s3] =	stream.indirect.scatter.add.f32 [tilespmem:s30], [sflag:$0x5], $0x80, s15, s28, $0xb8;
	[tilespmem:$0x1E900] =	vst v63  }
0xa6: {  	_ =	swait.ge [sflag:s24], $0x4000  }
0xa7: {  	[sflag:s24] =	ssyncset.done $0x0  }
0xa8: {  	[sflag:s24] =	ssyncadd.s32 $0xFFFFC000  }
0xa9: {  	[tilespmem:s28], [sflag:$0x4] =	stream.linear.gather [hbm4b:s21+s5], $0x80, $0x38;
	[tilespmem:$0x1E900] =	vst v63  }
0xaa: {  	_ =	swait.ge [sflag:s31], $0x4000  }
0xab: {  	[sflag:s31] =	ssyncset.done $0x0  }
0xac: {  	[sflag:s31] =	ssyncadd.s32 $0xFFFFC000  }
0xad: {  	_ =	swait.ge [sflag:s29], $0x80  }
0xae: {  	[sflag:s29] =	ssyncset.done $0x0  }
0xaf: {  	[sflag:s29] =	ssyncadd.s32 $0xFFFFFF80  }
0xb0: {  	[bflag:$0x0] =	sbarrier.arrive $0xFFFF  }
0xb1: {  	[tilespmem:s25], [sflag:$0x5] =	stream.linear.gather [spmem:s7], $0x4000, $0x38;
	[tilespmem:$0x1E900] =	vst v63  }
0xb2: {  	_ =	swait.ge [sflag:s24], $0x4000  }
0xb3: {  	[sflag:s24] =	ssyncset.done $0x0  }
0xb4: {  	s16 =	rddreg [dreg:$0x6];
	[sflag:s24] =	ssyncadd.s32 $0xFFFFC000  }
0xb5: {  	[hbm4b:s16+s5] =	stream.linear.scatter [tilespmem:s25], [sflag:$0x3], $0x4000, $0x38;
	[tilespmem:$0x1E900] =	vst v63  }
0xb6: {  	_ = 	snop  }
0xb7: {  	[tilespmem:s30], [sflag:$0x5] =	stream.linear.gather [spmem:s9], $0x4000, $0x38;
	[tilespmem:$0x1E900] =	vst v63  }
0xb8: {  	_ =	swait.ge [sflag:s24], $0x4000  }
0xb9: {  	[sflag:s24] =	ssyncset.done $0x0  }
0xba: {  	s17 =	rddreg [dreg:$0x7];
	[sflag:s24] =	ssyncadd.s32 $0xFFFFC000  }
0xbb: {  	[hbm4b:s17+s5] =	stream.linear.scatter [tilespmem:s30], [sflag:$0x4], $0x4000, $0x38;
	[tilespmem:$0x1E900] =	vst v63  }
0xbc: {  	_ =	swait.ge [sflag:s1], $0x4000  }
0xbd: {  	[sflag:s1] =	ssyncset.done $0x0  }
0xbe: {  	[sflag:s1] =	ssyncadd.s32 $0xFFFFC000  }
0xbf: {  	[tilespmem:s25], [sflag:$0x5] =	stream.linear.gather [spmem:s10], $0x4000, $0x38;
	[tilespmem:$0x1E900] =	vst v63  }
0xc0: {  	_ =	swait.ge [sflag:s24], $0x4000  }
0xc1: {  	[sflag:s24] =	ssyncset.done $0x0  }
0xc2: {  	s23 =	rddreg [dreg:$0x8];
	[sflag:s24] =	ssyncadd.s32 $0xFFFFC000  }
0xc3: {  	[hbm4b:s23+s5] =	stream.linear.scatter [tilespmem:s25], [sflag:$0x3], $0x4000, $0x38;
	[tilespmem:$0x1E900] =	vst v63  }
0xc4: {  	_ =	swait.ge [sflag:s29], $0x4000  }
0xc5: {  	[sflag:s29] =	ssyncset.done $0x0  }
0xc6: {  	[sflag:s29] =	ssyncadd.s32 $0xFFFFC000  }
0xc7: {  	[tilespmem:s30], [sflag:$0x5] =	stream.linear.gather [spmem:s11], $0x4000, $0x38;
	[tilespmem:$0x1E900] =	vst v63  }
0xc8: {  	_ =	swait.ge [sflag:s24], $0x4000  }
0xc9: {  	[sflag:s24] =	ssyncset.done $0x0  }
0xca: {  	[sflag:s24] =	ssyncadd.s32 $0xFFFFC000  }
0xcb: {  	[hbm4b:s18+s5] =	stream.linear.scatter [tilespmem:s30], [sflag:$0x4], $0x4000, $0x38;
	[tilespmem:$0x1E900] =	vst v63  }
0xcc: {  	_ =	swait.ge [sflag:s1], $0x4000  }
0xcd: {  	[sflag:s1] =	ssyncset.done $0x0  }
0xce: {  	[sflag:s1] =	ssyncadd.s32 $0xFFFFC000  }
0xcf: {  	[tilespmem:s25], [sflag:$0x5] =	stream.linear.gather [spmem:s13], $0x4000, $0x38;
	[tilespmem:$0x1E900] =	vst v63  }
0xd0: {  	_ =	swait.ge [sflag:s24], $0x4000  }
0xd1: {  	[sflag:s24] =	ssyncset.done $0x0  }
0xd2: {  	s0 =	sadd.s32 $0x1, s0;
	[sflag:s24] =	ssyncadd.s32 $0xFFFFC000  }
0xd3: {  	[hbm4b:s19+s5] =	stream.linear.scatter [tilespmem:s25], [sflag:$0x3], $0x4000, $0x38;
	[tilespmem:$0x1E900] =	vst v63  }
0xd4: {  	p0 =	sne.s32 s0, s20;
	_ =	swait.ge [sflag:s29], $0x4000  }
.Ltmp2:
0xd5: {  	[sflag:s29] =	ssyncset.done $0x0;
	(pc) =	sbr.rel @p0 .LBB2_1-.Ltmp2, $4  }
0xd6: {  	[sflag:s29] =	ssyncadd.s32 $0xFFFFC000  }
0xd7: {  	_ =	swait.ge [sflag:s1], $0x4000  }
0xd8: {  	[sflag:s1] =	ssyncset.done $0x0  }
0xd9: {  	[sflag:s1] =	ssyncadd.s32 $0xFFFFC000  }
0xda: {  	_ =	sfence.sel $0x180000  }
0xdb: {  	[bflag:$0x0] =	sbarrier.arrive $0xFFFF  }
0xdc: {  	_ =	strace $0x9000004D  }
0xdd: {  	s0 =	stileid.u32;
	[bflag:$0x2] =	sbarrier.arrive $0xFFFF  }
0xde: {  	p0 =	sne.s32 s0, $0x0;
	s0 =	rddreg [dreg:$0x3]  }
0xdf: {  	s0 =	sadd.s32 @!p0 $0x100000, s0  }
0xe0: {  	[sflag:s0] =	ssyncadd.tile.s32 @!p0 $0x1;
	_ =	shalt  }
.Lfunc_end2:
_tile_overlayer_lowered:
.L_overlay_start_2:
0xe1: {  	(tag) =	ssettag $0x2  }
0xe2: {  	s0 =	rddreg [dreg:$0x0];
	s2 =	stileid.u32  }
0xe3: {  	s1 =	rddreg [dreg:$0x1];
	p0 =	sne.s32 s2, $0x0  }
0xe4: {  	s3 =	rddreg [dreg:$0x2];
	[bflag:$0x3] =	sbarrier.arrive $0xFFFF;
	s2 =	simm.s32 @!p0 $0x1C05  }
0xe5: {  	[timem:s3], [sflag:s2] =	dma.local @!p0 [hbm:s0], s1  }
0xe6: {  	s0 =	simm.s32 @!p0 $0x5  }
0xe7: {  	_ =	swait.ge @!p0 [sflag:s0], s1  }
0xe8: {  	s1 =	ssub.s32 @!p0 $0x0, s1;
	[sflag:s0] =	ssyncset.done @!p0 $0x0  }
0xe9: {  	[sflag:s0] =	ssyncadd.s32 @!p0 s1  }
0xea: {  	[bflag:$0x3] =	sbarrier.arrive $0xFFFF  }
0xeb: {  	_ =	shalt  }

// kernel: kernel.20.cloned.1.call-start
scs
__scs_entry_jumppad:
0x0: {  	(pc) =	sbr.rel $0x88, $3  }
0x1: {  	(tag) =	ssettag $0x0;
	lr =	simm.s32 $0x1  }
0x2: {  	[smem:$0x3F97] =	sst lr;
	_ =	strace $0xD0000000  }
0x3: {  	_ = 	snop  }
0x4: {  	_ = 	snop  }
0x5: {  	_ = 	snop  }
0x6: {  	_ = 	snop  }
0x7: {  	_ = 	snop  }
__scs_overlays_trampoline_lowered:
0x8: {  	[smem:$0x3FA6] =	sst s0  }
0x9: {  	[smem:$0x3FA7] =	sst s1  }
0xa: {  	[smem:$0x3FA8] =	sst s2  }
0xb: {  	[smem:$0x3FA9] =	sst s3  }
0xc: {  	[smem:$0x3FAA] =	sst s4  }
0xd: {  	[smem:$0x3FAB] =	sst s5  }
0xe: {  	[smem:$0x3FAC] =	sst s6  }
0xf: {  	[smem:$0x3FAD] =	sst s7  }
0x10: {  	[smem:$0x3FAE] =	sst s8  }
0x11: {  	[smem:$0x3FAF] =	sst s9;
	s0 =	simm.s32 @!p0 $0x0  }
0x12: {  	s1 =	sld [smem:$0x3F95];
	s0 =	simm.s32 @p0 $0x1  }
0x13: {  	[smem:$0x3FB0] =	sst s0;
	s0 =	simm.s32 @!p1 $0x0  }
0x14: {  	s2 =	sld [smem:$0x3F94];
	s0 =	simm.s32 @p1 $0x1  }
0x15: {  	[smem:$0x3FB1] =	sst s0;
	s0 =	simm.s32 @!p2 $0x0  }
0x16: {  	s3 =	sld [smem:$0x3FDB];
	s0 =	simm.s32 @p2 $0x1  }
0x17: {  	s4 =	simm.s32 $0x1BF5;
	[smem:$0x3FB3] =	sst s0  }
0x18: {  	s0 =	sld [smem:$0x3F96];
	_ =	swait.ge [sflag:s4], $0x0  }
0x19: {  	s7 =	sld [smem:$0x3F97]  }
0x1a: {  	s8 =	sadd.s32 $0xFFFFE003, lr  }
0x1b: {  	s9 =	sadd.s32 $0xFFFFFEF7, lr;
	s5 =	simm.s32 $0xFFFFFFFF;
	p2 =	slt.u32 s8, $0xFFFFF086  }
0x1c: {  	p1 =	slt.u32 s9, $0xF7A;
	s5 =	simm.s32 @!p2 $0x0  }
0x1d: {  	s5 =	simm.s32 @p1 $0x1;
	p0 =	seq.s32 s7, s2  }
0x1e: {  	s7 =	smul.u32 @!p0 $0xF7A, s2;
	p2 =	seq.s32 @!p0 s5, $0x0  }
0x1f: {  	s9 =	smul.u32 $0xF7A, s1;
	s8 =	simm.s32 @!p0 $0x1BF5;
	p2 =	por !p2, p0  }
0x20: {  	[sflag:s8] =	ssyncset.s32 @!p0 $0xFFFFF086;
	s6 =	sadd.s32 @!p0 s3, s7;
	s7 =	simm.s32 @!p0 $0x108  }
0x21: {  	s3 =	sadd.s32 s3, s9;
	s6 =	sadd.s32 @!p0 $0x88, s6;
	s7 =	simm.s32 @p2 $0x1082  }
0x22: {  	[simem:s7], [sflag:s8] =	dma.local @!p0 [hbm:s6], $0xF7A  }
0x23: {  	s9 =	sor.u32 $0xD0000000, s2;
	s6 =	simm.s32 $0x108;
	_ =	swait.ge @!p0 [sflag:s8], $0x0  }
0x24: {  	s3 =	sadd.s32 $0x88, s3;
	s6 =	simm.s32 @!p1 $0x1082;
	[sflag:s4] =	ssyncset.s32 $0xFFFFF086  }
0x25: {  	[simem:s6], [sflag:s4] =	dma.local [hbm:s3], $0xF7A  }
0x26: {  	[smem:$0x3F97] =	sst s1;
	(tag) =	ssettag s2;
	_ =	strace s9  }
0x27: {  	s1 =	sld [smem:$0x3FA7]  }
0x28: {  	s2 =	sld [smem:$0x3FA8]  }
0x29: {  	s4 =	sld [smem:$0x3FAA]  }
0x2a: {  	p0 =	seq.s32 s5, $0x0;
	s5 =	sld [smem:$0x3FAB]  }
0x2b: {  	s6 =	sld [smem:$0x3FAC]  }
0x2c: {  	s7 =	sld [smem:$0x3FAD]  }
0x2d: {  	s3 =	simm.s32 $0x108;
	s8 =	sld [smem:$0x3FAE]  }
0x2e: {  	s3 =	simm.s32 @!p0 $0x1082;
	s9 =	sld [smem:$0x3FAF]  }
0x2f: {  	lr =	sadd.s32 s0, s3;
	s0 =	sld [smem:$0x3FA6]  }
0x30: {  	s3 =	sld [smem:$0x3FA9]  }
0x31: {  	[smem:$0x3FB2] =	sst s10  }
0x32: {  	s10 =	sld [smem:$0x3FB0];
	_ =	sdelay $0x3  }
0x33: {  	p0 =	seq.s32 s10, $0x1;
	s10 =	sld [smem:$0x3FB2];
	_ =	sdelay $0x3  }
0x34: {  	[smem:$0x3FB2] =	sst s10  }
0x35: {  	s10 =	sld [smem:$0x3FB1];
	_ =	sdelay $0x3  }
0x36: {  	p1 =	seq.s32 s10, $0x1;
	s10 =	sld [smem:$0x3FB2];
	_ =	sdelay $0x3  }
0x37: {  	[smem:$0x3FB2] =	sst s10  }
0x38: {  	s10 =	sld [smem:$0x3FB3]  }
0x39: {  	_ = 	snop;
	(pc) =	sbr.ind lr, $3  }
0x3a: {  	_ = 	snop  }
0x3b: {  	_ = 	snop  }
0x3c: {  	p2 =	seq.s32 s10, $0x1;
	s10 =	sld [smem:$0x3FB2]  }
0x3d: {  	_ =	shalt  }
0x3e: {  	_ =	shalt  }
0x3f: {  	_ =	shalt  }
0x40: {  	_ =	shalt  }
0x41: {  	_ =	shalt  }
0x42: {  	_ =	shalt  }
0x43: {  	_ =	shalt  }
0x44: {  	_ =	shalt  }
0x45: {  	_ =	shalt  }
0x46: {  	_ =	shalt  }
0x47: {  	_ =	shalt  }
0x48: {  	_ =	shalt  }
0x49: {  	_ =	shalt  }
0x4a: {  	_ =	shalt  }
0x4b: {  	_ =	shalt  }
0x4c: {  	_ =	shalt  }
0x4d: {  	_ =	shalt  }
0x4e: {  	_ =	shalt  }
0x4f: {  	_ =	shalt  }
0x50: {  	_ =	shalt  }
0x51: {  	_ =	shalt  }
0x52: {  	_ =	shalt  }
0x53: {  	_ =	shalt  }
0x54: {  	_ =	shalt  }
0x55: {  	_ =	shalt  }
0x56: {  	_ =	shalt  }
0x57: {  	_ =	shalt  }
0x58: {  	_ =	shalt  }
0x59: {  	_ =	shalt  }
0x5a: {  	_ =	shalt  }
0x5b: {  	_ =	shalt  }
0x5c: {  	_ =	shalt  }
0x5d: {  	_ =	shalt  }
0x5e: {  	_ =	shalt  }
0x5f: {  	_ =	shalt  }
0x60: {  	_ =	shalt  }
0x61: {  	_ =	shalt  }
0x62: {  	_ =	shalt  }
0x63: {  	_ =	shalt  }
0x64: {  	_ =	shalt  }
0x65: {  	_ =	shalt  }
0x66: {  	_ =	shalt  }
0x67: {  	_ =	shalt  }
0x68: {  	_ =	shalt  }
0x69: {  	_ =	shalt  }
0x6a: {  	_ =	shalt  }
0x6b: {  	_ =	shalt  }
0x6c: {  	_ =	shalt  }
0x6d: {  	_ =	shalt  }
0x6e: {  	_ =	shalt  }
0x6f: {  	_ =	shalt  }
0x70: {  	_ =	shalt  }
0x71: {  	_ =	shalt  }
0x72: {  	_ =	shalt  }
0x73: {  	_ =	shalt  }
0x74: {  	_ =	shalt  }
0x75: {  	_ =	shalt  }
0x76: {  	_ =	shalt  }
0x77: {  	_ =	shalt  }
0x78: {  	_ =	shalt  }
0x79: {  	_ =	shalt  }
0x7a: {  	_ =	shalt  }
0x7b: {  	_ =	shalt  }
0x7c: {  	_ =	shalt  }
0x7d: {  	_ =	shalt  }
0x7e: {  	_ =	shalt  }
0x7f: {  	_ =	shalt  }
0x80: {  	_ =	shalt  }
0x81: {  	_ =	shalt  }
0x82: {  	_ =	shalt  }
0x83: {  	_ =	shalt  }
0x84: {  	_ =	shalt  }
0x85: {  	_ =	shalt  }
0x86: {  	_ =	shalt  }
0x87: {  	_ =	shalt  }
.Lfunc_end0:
.L_simem_size_0:
called_computation.3_lowered:
.L_overlay_start_0:
0x88: {  	s2 =	sld [smem:$0x3FD9]  }
0x89: {  	s3 =	sld [smem:$0x3FFE];
	_ =	sdelay $0x1  }
0x8a: {  	s1 =	srdreg.scid  }
0x8b: {  	s0 =	sand.u32 $0x1, s1  }
0x8c: {  	s17 =	sshll.u32 s0, $0xA;
	s2 =	sadd.s32 s3, s2  }
0x8d: {  	s2 =	sadd.s32 s2, s17  }
0x8e: {  	[smem:$0x3FBE] =	sst s2  }
0x8f: {  	_ = 	snop  }
0x90: {  	s2 =	sld [smem:$0x3FD0];
	(tm) =	ssettm $0x1  }
0x91: {  	s18 =	sld [smem:$0x3FFB];
	_ =	sdelay $0x3  }
0x92: {  	_ =	strace s18  }
0x93: {  	s3 =	sld [smem:$0x3FFC];
	_ =	sdelay $0x3  }
0x94: {  	_ =	strace s3  }
0x95: {  	s3 =	sld [smem:$0x3FFD];
	_ =	sdelay $0x3  }
0x96: {  	_ =	strace s3  }
0x97: {  	_ =	strace $0x8FFFFFFF  }
0x98: {  	s19 =	sld [smem:$0x3FDB];
	_ =	sdelay $0x1  }
0x99: {  	s4 =	simm.s32 $_scs_section_size  }
0x9a: {  	s5 =	simm.s32 $_size__tile_overlayer_lowered;
	s6 =	simm.s32 $_tile_overlayer_lowered  }
0x9b: {  	s22 =	simm.s32 $0x1BFF;
	s21 =	sshll.u32 s6, $0x1;
	s3 =	sadd.s32 s4, s19  }
0x9c: {  	s7 =	simm.s32 $0x0;
	s20 =	sshll.u32 s5, $0x1;
	s5 =	sadd.s32 s21, s3  }
0x9d: {  	[timem:s7], [sflag:s22] =	dma.local [hbm:s5], s20  }
0x9e: {  	_ =	swait.ge [sflag:s22], s20  }
0x9f: {  	s4 =	ssub.s32 $0x0, s20;
	[sflag:s22] =	ssyncset.done $0x0  }
0xa0: {  	[sflag:s22] =	ssyncadd.s32 s4;
	_ =	sdelay $0x1  }
0xa1: {  	s23 =	simm.s32 $0x1B8B  }
0xa2: {  	_ =	swait.ge [sflag:s23], $0x1  }
0xa3: {  	[sflag:s23] =	ssyncset.done $0x0  }
0xa4: {  	s25 =	simm.s32 $0x1B8E;
	s24 =	sld [smem:$0x3FFE];
	[sflag:s23] =	ssyncadd.s32 $0xFFFFFFFF  }
0xa5: {  	s26 =	simm.s32 $execute0_lowered;
	[smem:$0x3FD2] =	sst s25  }
0xa6: {  	s5 =	sshll.u32 s26, $0x1;
	_ =	strace $0x8000004F;
	[dreg:$0x1] =	wrdreg $0xFFFFFFFF  }
0xa7: {  	s28 =	simm.s32 $_size_execute0_lowered;
	s3 =	sadd.s32 s3, s5;
	[dreg:$0x0] =	wrdreg $0x0  }
0xa8: {  	s5 =	sshll.u32 s28, $0x1;
	[dreg:$0x2] =	wrdreg s3  }
0xa9: {  	[dreg:$0x3] =	wrdreg s5  }
0xaa: {  	[dreg:$0x4] =	wrdreg $0xC0  }
0xab: {  	_ =	task [dreg:s7], $0x5FFFF  }
0xac: {  	[dreg:$0x1] =	wrdreg $0xFFFFFFFF  }
0xad: {  	[dreg:$0x0] =	wrdreg $0x60  }
0xae: {  	[dreg:$0x2] =	wrdreg s24  }
0xaf: {  	[dreg:$0x3] =	wrdreg s2  }
0xb0: {  	[dreg:$0x4] =	wrdreg $0xA9000  }
0xb1: {  	[dreg:$0x5] =	wrdreg $0x9  }
0xb2: {  	_ =	task.clear_ibuf [dreg:s7], $0x6FFFF;
	_ =	strace $0x9000004F  }
0xb3: {  	s29 =	simm.s32 $0x9;
	_ =	strace $0x80000051  }
0xb4: {  	_ =	swait.ge [sflag:s29], $0x1  }
0xb5: {  	[sflag:s29] =	ssyncadd.s32 $0xFFFFFFFF  }
0xb6: {  	_ =	strace $0x90000051  }
0xb7: {  	_ =	sfence  }
0xb8: {  	s30 =	sld [smem:$0x0];
	_ =	sdelay $0x2  }
0xb9: {  	s31 =	sshll.u32 s1, $0xD;
	s1 =	sshrl.u32 s1, $0x2  }
0xba: {  	s3 =	sand.u32 $0x4000, s31;
	s1 =	sadd.s32 s1, s30  }
0xbb: {  	s0 =	sor.u32 s3, s0;
	s1 =	sshll.u32 s1, $0x11  }
0xbc: {  	s0 =	sor.u32 s1, s0  }
0xbd: {  	s0 =	sadd.s32 $0x8F2B, s0  }
0xbe: {  	[sflag:s0] =	ssyncadd.remote.s32 $0x1  }
0xbf: {  	_ =	sfence.sel $0xFFFF  }
0xc0: {  	[dreg:$0x0] =	wrdreg $0xFFFFFFFF;
	(pc) =	sbr.abs _section_cstart, $3  }
0xc1: {  	[dreg:$0x1] =	wrdreg $0xFFFFFFFF  }
0xc2: {  	_ =	task.clear_ibuf [dreg:s7], $0x2FFFF;
	_ =	strace $0x9FFFFFFF  }
0xc3: {  	(tm) =	ssettm $0x7FFFFFFF  }
tec
execute0_lowered:
.L_overlay_start_1:
0x0: {  	(tag) =	ssettag $0x1  }
0x1: {  	s0 =	srdreg.scid;
	s1 =	rddreg [dreg:$0x0]  }
0x2: {  	s6 =	stileid.u32;
	s2 =	rddreg [dreg:$0x1]  }
0x3: {  	s5 =	simm.s32 $0x0;
	s28 =	simm.s32 $0x80;
	s29 =	simm.s32 $0x4  }
0x4: {  	s30 =	simm.s32 $0x6900;
	s31 =	simm.s32 $0x1;
	s7 =	smul.u32 $0x280, s6  }
0x5: {  	s0 =	sand.u32 $0x1, s0;
	s3 =	sshll.u32 s6, $0x1;
	s9 =	smul.u32 $0x50000, s6  }
0x6: {  	[smem:$0x7FF] =	sst s5;
	s4 =	sor.u32 s0, s3;
	s8 =	smul.u32 $0x2800, s0  }
0x7: {  	s6 =	sadd.s32 $0xD800, s1;
	s3 =	rddreg [dreg:$0x2];
	s4 =	smul.u32 $0x2800, s4  }
0x8: {  	_ =	strace $0x80000050;
	s0 =	ssub.s32 $0x2, s0;
	s20 =	sshrl.u32 s9, $0x2  }
0x9: {  	s21 =	sshrl.u32 s0, $0x1;
	s7 =	sadd.s32 s7, s8;
	s12 =	sshrl.u32 s4, $0x3  }
0xa: {  	s0 =	ssub.s32 s0, s21;
	s7 =	sshll.u32 s7, $0x4;
	s10 =	sadd.s32 s12, s1  }
0xb: {  	s1 =	sadd.s32 s7, s1;
	s7 =	sadd.s32 s20, s3;
	s12 =	sadd.s32 s2, s12  }
0xc: {  	s20 =	smax.u32 s0, $0x1;
	s0 =	simm.s32 $0x0;
	s22 =	sadd.s32 $0x3800, s10  }
0xd: {  	s9 =	sadd.s32 $0x4000, s7;
	s10 =	sadd.s32 $0x8000, s7;
	s11 =	sadd.s32 $0xC000, s7  }
0xe: {  	s13 =	sadd.s32 $0x10000, s7;
	s23 =	sadd.s32 $0x10, s12;
	[dreg:$0x4] =	wrdreg s22  }
0xf: {  	s24 =	sadd.s32 $0x35800, s1;
	s25 =	sadd.s32 $0x36000, s1;
	[dreg:$0x5] =	wrdreg s23  }
0x10: {  	s26 =	sadd.s32 $0x36800, s1;
	s18 =	sadd.s32 $0x37000, s1;
	[dreg:$0x6] =	wrdreg s24  }
0x11: {  	s19 =	sadd.s32 $0x37800, s1;
	s21 =	sadd.s32 $0x4F0, s12;
	[dreg:$0x7] =	wrdreg s25  }
0x12: {  	s1 =	simm.s32 $0x3;
	[dreg:$0x8] =	wrdreg s26;
	s22 =	sadd.s32 $0x4E0, s12  }
0x13: {  	v0 =	vimm.f32 $0.0e+00;
	s24 =	simm.s32 $0x5;
	s25 =	simm.s32 $0x2900;
	s26 =	simm.s32 $0x2  }
.LBB2_1:
0x14: {  	s8 =	rddreg [dreg:$0x4];
	s14 =	simm.s32 $0x100  }
0x15: {  	[tilespmem:s14], [sflag:$0x5] =	stream.linear.gather [hbm4b:s8+s5], $0x2800, $0x38;
	[tilespmem:$0x1E900] =	vst v63  }
0x16: {  	_ =	swait.ge [sflag:s24], $0x2800  }
0x17: {  	[sflag:s24] =	ssyncset.done $0x0  }
0x18: {  	s23 =	simm.s32 $0x200;
	s8 =	simm.s32 $0x0;
	[sflag:s24] =	ssyncadd.s32 $0xFFFFD800  }
.LBB2_2:
0x19: {  	p0 =	sne.s32 s23, $0xFE00;
	[tilespmem:s8+$0x2970] =	vst v0  }
0x1a: {  	[tilespmem:s8+$0x2900] =	vst v0  }
0x1b: {  	[tilespmem:s8+$0x2910] =	vst v0  }
.Ltmp0:
0x1c: {  	[tilespmem:s8+$0x2920] =	vst v0;
	(pc) =	sbr.rel @p0 .LBB2_2-.Ltmp0, $4  }
0x1d: {  	[tilespmem:s8+$0x2930] =	vst v0  }
0x1e: {  	[tilespmem:s8+$0x2940] =	vst v0  }
0x1f: {  	[tilespmem:s8+$0x2950] =	vst v0  }
0x20: {  	[tilespmem:s8+$0x2960] =	vst v0;
	s8 =	sshra.s32 s23, $0x2;
	s23 =	sadd.s32 $0x200, s23  }
0x21: {  	[tilespmem:s8+$0x2970] =	vst v0  }
0x22: {  	[tilespmem:s8+$0x2900] =	vst v0  }
0x23: {  	[tilespmem:s8+$0x2910] =	vst v0  }
0x24: {  	[tilespmem:s8+$0x2920] =	vst v0  }
0x25: {  	[tilespmem:s8+$0x2930] =	vst v0  }
0x26: {  	[tilespmem:s8+$0x2940] =	vst v0  }
0x27: {  	[tilespmem:s8+$0x2950] =	vst v0  }
0x28: {  	[tilespmem:s8+$0x2960] =	vst v0  }
0x29: {  	[spmem:s7] =	stream.linear.scatter [tilespmem:s25], [sflag:$0x2], $0x4000, $0x38;
	[tilespmem:$0x1E900] =	vst v63  }
0x2a: {  	_ = 	snop  }
0x2b: {  	[spmem:s9] =	stream.linear.scatter [tilespmem:s25], [sflag:$0x2], $0x4000, $0x38;
	[tilespmem:$0x1E900] =	vst v63  }
0x2c: {  	_ = 	snop  }
0x2d: {  	[spmem:s10] =	stream.linear.scatter [tilespmem:s25], [sflag:$0x2], $0x4000, $0x38;
	[tilespmem:$0x1E900] =	vst v63  }
0x2e: {  	_ = 	snop  }
0x2f: {  	[spmem:s11] =	stream.linear.scatter [tilespmem:s25], [sflag:$0x2], $0x4000, $0x38;
	[tilespmem:$0x1E900] =	vst v63  }
0x30: {  	_ = 	snop  }
0x31: {  	[spmem:s13] =	stream.linear.scatter [tilespmem:s25], [sflag:$0x2], $0x4000, $0x38;
	[tilespmem:$0x1E900] =	vst v63  }
0x32: {  	_ =	swait.ge [sflag:s26], $0x4000  }
0x33: {  	[sflag:s26] =	ssyncset.done $0x0  }
0x34: {  	[sflag:s26] =	ssyncadd.s32 $0xFFFFC000  }
0x35: {  	_ =	swait.ge [sflag:s26], $0x4000  }
0x36: {  	[sflag:s26] =	ssyncset.done $0x0  }
0x37: {  	[sflag:s26] =	ssyncadd.s32 $0xFFFFC000  }
0x38: {  	_ =	swait.ge [sflag:s26], $0x4000  }
0x39: {  	[sflag:s26] =	ssyncset.done $0x0  }
0x3a: {  	[sflag:s26] =	ssyncadd.s32 $0xFFFFC000  }
0x3b: {  	_ =	swait.ge [sflag:s26], $0x4000  }
0x3c: {  	[sflag:s26] =	ssyncset.done $0x0  }
0x3d: {  	[sflag:s26] =	ssyncadd.s32 $0xFFFFC000  }
0x3e: {  	_ =	swait.ge [sflag:s26], $0x4000  }
0x3f: {  	[sflag:s26] =	ssyncset.done $0x0  }
0x40: {  	[sflag:s26] =	ssyncadd.s32 $0xFFFFC000  }
0x41: {  	[bflag:$0x0] =	sbarrier.arrive $0xFFFF  }
0x42: {  	[tilespmem:s5], [sflag:$0x5] =	stream.linear.gather [hbm4b:s12+s5], $0x80, $0x38;
	[tilespmem:$0x1E900] =	vst v63  }
0x43: {  	_ =	swait.ge [sflag:s24], $0x80  }
0x44: {  	[sflag:s24] =	ssyncset.done $0x0  }
0x45: {  	[sflag:s24] =	ssyncadd.s32 $0xFFFFFF80  }
0x46: {  	[tilespmem:s25], [sflag:$0x1] =	stream.indirect.gather [hbm4b:s6+s28], $0x80, s5, s28, $0xb8;
	[tilespmem:$0x1E900] =	vst v63  }
0x47: {  	s14 =	rddreg [dreg:$0x5]  }
0x48: {  	[tilespmem:s28], [sflag:$0x4] =	stream.linear.gather [hbm4b:s14+s5], $0x80, $0x38;
	[tilespmem:$0x1E900] =	vst v63  }
0x49: {  	_ =	swait.ge [sflag:s29], $0x80  }
0x4a: {  	[sflag:s29] =	ssyncset.done $0x0  }
0x4b: {  	[sflag:s29] =	ssyncadd.s32 $0xFFFFFF80  }
0x4c: {  	[tilespmem:s30], [sflag:$0x2] =	stream.indirect.gather [hbm4b:s6+s28], $0x80, s28, s28, $0xb8;
	[tilespmem:$0x1E900] =	vst v63  }
0x4d: {  	s15 =	simm.s32 $0x100;
	_ =	swait.ge [sflag:s31], $0x4000  }
0x4e: {  	s23 =	sand.u32 $0x7C00, s15;
	s8 =	sand.u32 $0x300, s15;
	[sflag:s31] =	ssyncset.done $0x0  }
0x4f: {  	s23 =	sadd.s32 s4, s23;
	s14 =	simm.s32 $0x100;
	[sflag:s31] =	ssyncadd.s32 $0xFFFFC000  }
0x50: {  	[spmem:s3] =	stream.indirect.scatter.add.f32 [tilespmem:s25], [sflag:$0x5], $0x80, s14, s28, $0xb8;
	[tilespmem:$0x1E900] =	vst v63  }
0x51: {  	s8 =	sor.u32 s8, s23;
	_ =	swait.ge [sflag:s24], $0x4000  }
0x52: {  	s8 =	sshrl.u32 s8, $0x3;
	[sflag:s24] =	ssyncset.done $0x0  }
0x53: {  	s8 =	sadd.s32 s2, s8;
	[sflag:s24] =	ssyncadd.s32 $0xFFFFC000  }
0x54: {  	[tilespmem:s5], [sflag:$0x3] =	stream.linear.gather [hbm4b:s8+s5], $0x80, $0x38;
	[tilespmem:$0x1E900] =	vst v63  }
0x55: {  	_ =	swait.ge [sflag:s1], $0x80  }
0x56: {  	[sflag:s1] =	ssyncset.done $0x0  }
0x57: {  	[sflag:s1] =	ssyncadd.s32 $0xFFFFFF80  }
0x58: {  	[tilespmem:s25], [sflag:$0x1] =	stream.indirect.gather [hbm4b:s6+s28], $0x80, s5, s28, $0xb8;
	[tilespmem:$0x1E900] =	vst v63  }
0x59: {  	s23 =	simm.s32 $0x180;
	_ =	swait.ge [sflag:s26], $0x4000  }
0x5a: {  	s16 =	sand.u32 $0x7C00, s23;
	[sflag:s26] =	ssyncset.done $0x0  }
0x5b: {  	s17 =	sand.u32 $0x380, s23;
	s8 =	sadd.s32 s4, s16;
	[sflag:s26] =	ssyncadd.s32 $0xFFFFC000  }
0x5c: {  	[spmem:s3] =	stream.indirect.scatter.add.f32 [tilespmem:s30], [sflag:$0x5], $0x80, s23, s28, $0xb8;
	[tilespmem:$0x1E900] =	vst v63  }
0x5d: {  	s14 =	sor.u32 s17, s8;
	_ =	swait.ge [sflag:s24], $0x4000  }
0x5e: {  	s8 =	simm.s32 $0x280;
	s14 =	sshrl.u32 s14, $0x3;
	[sflag:s24] =	ssyncset.done $0x0  }
.LBB2_4:
0x5f: {  	[sflag:s24] =	ssyncadd.s32 $0xFFFFC000  }
0x60: {  	s14 =	sadd.s32 s2, s14;
	s23 =	sadd.s32 $0x100, s23;
	s15 =	smov.u32 s8  }
0x61: {  	[tilespmem:s28], [sflag:$0x4] =	stream.linear.gather [hbm4b:s14+s5], $0x80, $0x38;
	[tilespmem:$0x1E900] =	vst v63  }
0x62: {  	p0 =	sne.s32 s8, $0x2680;
	s8 =	sadd.s32 $0x100, s8;
	_ =	swait.ge [sflag:s29], $0x80  }
0x63: {  	[sflag:s29] =	ssyncset.done $0x0  }
0x64: {  	[sflag:s29] =	ssyncadd.s32 $0xFFFFFF80  }
0x65: {  	[tilespmem:s30], [sflag:$0x2] =	stream.indirect.gather [hbm4b:s6+s28], $0x80, s28, s28, $0xb8;
	[tilespmem:$0x1E900] =	vst v63  }
0x66: {  	s14 =	sadd.s32 $0xFFFFFF80, s15;
	_ =	swait.ge [sflag:s31], $0x4000  }
0x67: {  	s16 =	sadd.s32 $0xFFFFFF80, s23;
	s17 =	sand.u32 $0x7C00, s14;
	[sflag:s31] =	ssyncset.done $0x0  }
0x68: {  	s14 =	sand.u32 $0x300, s14;
	s17 =	sadd.s32 s4, s17;
	[sflag:s31] =	ssyncadd.s32 $0xFFFFC000  }
0x69: {  	[spmem:s3] =	stream.indirect.scatter.add.f32 [tilespmem:s25], [sflag:$0x5], $0x80, s16, s28, $0xb8;
	[tilespmem:$0x1E900] =	vst v63  }
0x6a: {  	s14 =	sor.u32 s14, s17;
	_ =	swait.ge [sflag:s24], $0x4000  }
0x6b: {  	s14 =	sshrl.u32 s14, $0x3;
	[sflag:s24] =	ssyncset.done $0x0  }
0x6c: {  	s14 =	sadd.s32 s2, s14;
	[sflag:s24] =	ssyncadd.s32 $0xFFFFC000  }
0x6d: {  	[tilespmem:s5], [sflag:$0x3] =	stream.linear.gather [hbm4b:s14+s5], $0x80, $0x38;
	[tilespmem:$0x1E900] =	vst v63  }
0x6e: {  	_ =	swait.ge [sflag:s1], $0x80  }
0x6f: {  	[sflag:s1] =	ssyncset.done $0x0  }
0x70: {  	[sflag:s1] =	ssyncadd.s32 $0xFFFFFF80  }
0x71: {  	[tilespmem:s25], [sflag:$0x1] =	stream.indirect.gather [hbm4b:s6+s28], $0x80, s5, s28, $0xb8;
	[tilespmem:$0x1E900] =	vst v63  }
0x72: {  	_ =	swait.ge [sflag:s26], $0x4000  }
.Ltmp1:
0x73: {  	s14 =	sand.u32 $0x7C00, s15;
	[sflag:s26] =	ssyncset.done $0x0;
	(pc) =	sbr.rel @p0 .LBB2_4-.Ltmp1, $4  }
0x74: {  	s15 =	sand.u32 $0x380, s15;
	s14 =	sadd.s32 s4, s14;
	[sflag:s26] =	ssyncadd.s32 $0xFFFFC000  }
0x75: {  	[spmem:s3] =	stream.indirect.scatter.add.f32 [tilespmem:s30], [sflag:$0x5], $0x80, s23, s28, $0xb8;
	[tilespmem:$0x1E900] =	vst v63  }
0x76: {  	s14 =	sor.u32 s15, s14;
	_ =	swait.ge [sflag:s24], $0x4000  }
0x77: {  	s14 =	sshrl.u32 s14, $0x3;
	[sflag:s24] =	ssyncset.done $0x0  }
0x78: {  	[sflag:s24] =	ssyncadd.s32 $0xFFFFC000;
	s8 =	sadd.s32 s2, s14  }
0x79: {  	[tilespmem:s28], [sflag:$0x4] =	stream.linear.gather [hbm4b:s8+s5], $0x80, $0x38;
	[tilespmem:$0x1E900] =	vst v63  }
0x7a: {  	_ =	swait.ge [sflag:s29], $0x80  }
0x7b: {  	[sflag:s29] =	ssyncset.done $0x0  }
0x7c: {  	[sflag:s29] =	ssyncadd.s32 $0xFFFFFF80  }
0x7d: {  	[tilespmem:s30], [sflag:$0x2] =	stream.indirect.gather [hbm4b:s6+s28], $0x80, s28, s28, $0xb8;
	[tilespmem:$0x1E900] =	vst v63  }
0x7e: {  	_ =	swait.ge [sflag:s31], $0x4000  }
0x7f: {  	[sflag:s31] =	ssyncset.done $0x0  }
0x80: {  	s17 =	simm.s32 $0x2700;
	[sflag:s31] =	ssyncadd.s32 $0xFFFFC000  }
0x81: {  	[spmem:s3] =	stream.indirect.scatter.add.f32 [tilespmem:s25], [sflag:$0x5], $0x80, s17, s28, $0xb8;
	[tilespmem:$0x1E900] =	vst v63  }
0x82: {  	_ =	swait.ge [sflag:s24], $0x4000  }
0x83: {  	[sflag:s24] =	ssyncset.done $0x0  }
0x84: {  	[sflag:s24] =	ssyncadd.s32 $0xFFFFC000  }
0x85: {  	[tilespmem:s5], [sflag:$0x3] =	stream.linear.gather [hbm4b:s22+s5], $0x80, $0x38;
	[tilespmem:$0x1E900] =	vst v63  }
0x86: {  	_ =	swait.ge [sflag:s1], $0x80  }
0x87: {  	[sflag:s1] =	ssyncset.done $0x0  }
0x88: {  	[sflag:s1] =	ssyncadd.s32 $0xFFFFFF80  }
0x89: {  	[tilespmem:s25], [sflag:$0x1] =	stream.indirect.gather [hbm4b:s6+s28], $0x80, s5, s28, $0xb8;
	[tilespmem:$0x1E900] =	vst v63  }
0x8a: {  	_ =	swait.ge [sflag:s26], $0x4000  }
0x8b: {  	[sflag:s26] =	ssyncset.done $0x0  }
0x8c: {  	s23 =	simm.s32 $0x2780;
	[sflag:s26] =	ssyncadd.s32 $0xFFFFC000  }
0x8d: {  	[spmem:s3] =	stream.indirect.scatter.add.f32 [tilespmem:s30], [sflag:$0x5], $0x80, s23, s28, $0xb8;
	[tilespmem:$0x1E900] =	vst v63  }
0x8e: {  	_ =	swait.ge [sflag:s24], $0x4000  }
0x8f: {  	[sflag:s24] =	ssyncset.done $0x0  }
0x90: {  	[sflag:s24] =	ssyncadd.s32 $0xFFFFC000  }
0x91: {  	[tilespmem:s28], [sflag:$0x4] =	stream.linear.gather [hbm4b:s21+s5], $0x80, $0x38;
	[tilespmem:$0x1E900] =	vst v63  }
0x92: {  	_ =	swait.ge [sflag:s29], $0x80  }
0x93: {  	[sflag:s29] =	ssyncset.done $0x0  }
0x94: {  	[sflag:s29] =	ssyncadd.s32 $0xFFFFFF80  }
0x95: {  	[tilespmem:s30], [sflag:$0x2] =	stream.indirect.gather [hbm4b:s6+s28], $0x80, s28, s28, $0xb8;
	[tilespmem:$0x1E900] =	vst v63  }
0x96: {  	_ =	swait.ge [sflag:s31], $0x4000  }
0x97: {  	[sflag:s31] =	ssyncset.done $0x0  }
0x98: {  	s14 =	simm.s32 $0x2800;
	[sflag:s31] =	ssyncadd.s32 $0xFFFFC000  }
0x99: {  	[spmem:s3] =	stream.indirect.scatter.add.f32 [tilespmem:s25], [sflag:$0x5], $0x80, s14, s28, $0xb8;
	[tilespmem:$0x1E900] =	vst v63  }
0x9a: {  	_ =	swait.ge [sflag:s24], $0x4000  }
0x9b: {  	[sflag:s24] =	ssyncset.done $0x0  }
0x9c: {  	[sflag:s24] =	ssyncadd.s32 $0xFFFFC000  }
0x9d: {  	[tilespmem:s5], [sflag:$0x3] =	stream.linear.gather [hbm4b:s21+s5], $0x80, $0x38;
	[tilespmem:$0x1E900] =	vst v63  }
0x9e: {  	_ =	swait.ge [sflag:s1], $0x80  }
0x9f: {  	[sflag:s1] =	ssyncset.done $0x0  }
0xa0: {  	[sflag:s1] =	ssyncadd.s32 $0xFFFFFF80  }
0xa1: {  	[tilespmem:s25], [sflag:$0x1] =	stream.indirect.gather [hbm4b:s6+s28], $0x80, s5, s28, $0xb8;
	[tilespmem:$0x1E900] =	vst v63  }
0xa2: {  	_ =	swait.ge [sflag:s26], $0x4000  }
0xa3: {  	[sflag:s26] =	ssyncset.done $0x0  }
0xa4: {  	s15 =	simm.s32 $0x2880;
	[sflag:s26] =	ssyncadd.s32 $0xFFFFC000  }
0xa5: {  	[spmem:s3] =	stream.indirect.scatter.add.f32 [tilespmem:s30], [sflag:$0x5], $0x80, s15, s28, $0xb8;
	[tilespmem:$0x1E900] =	vst v63  }
0xa6: {  	_ =	swait.ge [sflag:s24], $0x4000  }
0xa7: {  	[sflag:s24] =	ssyncset.done $0x0  }
0xa8: {  	[sflag:s24] =	ssyncadd.s32 $0xFFFFC000  }
0xa9: {  	[tilespmem:s28], [sflag:$0x4] =	stream.linear.gather [hbm4b:s21+s5], $0x80, $0x38;
	[tilespmem:$0x1E900] =	vst v63  }
0xaa: {  	_ =	swait.ge [sflag:s31], $0x4000  }
0xab: {  	[sflag:s31] =	ssyncset.done $0x0  }
0xac: {  	[sflag:s31] =	ssyncadd.s32 $0xFFFFC000  }
0xad: {  	_ =	swait.ge [sflag:s29], $0x80  }
0xae: {  	[sflag:s29] =	ssyncset.done $0x0  }
0xaf: {  	[sflag:s29] =	ssyncadd.s32 $0xFFFFFF80  }
0xb0: {  	[bflag:$0x0] =	sbarrier.arrive $0xFFFF  }
0xb1: {  	[tilespmem:s25], [sflag:$0x5] =	stream.linear.gather [spmem:s7], $0x4000, $0x38;
	[tilespmem:$0x1E900] =	vst v63  }
0xb2: {  	_ =	swait.ge [sflag:s24], $0x4000  }
0xb3: {  	[sflag:s24] =	ssyncset.done $0x0  }
0xb4: {  	s16 =	rddreg [dreg:$0x6];
	[sflag:s24] =	ssyncadd.s32 $0xFFFFC000  }
0xb5: {  	[hbm4b:s16+s5] =	stream.linear.scatter [tilespmem:s25], [sflag:$0x3], $0x4000, $0x38;
	[tilespmem:$0x1E900] =	vst v63  }
0xb6: {  	_ = 	snop  }
0xb7: {  	[tilespmem:s30], [sflag:$0x5] =	stream.linear.gather [spmem:s9], $0x4000, $0x38;
	[tilespmem:$0x1E900] =	vst v63  }
0xb8: {  	_ =	swait.ge [sflag:s24], $0x4000  }
0xb9: {  	[sflag:s24] =	ssyncset.done $0x0  }
0xba: {  	s17 =	rddreg [dreg:$0x7];
	[sflag:s24] =	ssyncadd.s32 $0xFFFFC000  }
0xbb: {  	[hbm4b:s17+s5] =	stream.linear.scatter [tilespmem:s30], [sflag:$0x4], $0x4000, $0x38;
	[tilespmem:$0x1E900] =	vst v63  }
0xbc: {  	_ =	swait.ge [sflag:s1], $0x4000  }
0xbd: {  	[sflag:s1] =	ssyncset.done $0x0  }
0xbe: {  	[sflag:s1] =	ssyncadd.s32 $0xFFFFC000  }
0xbf: {  	[tilespmem:s25], [sflag:$0x5] =	stream.linear.gather [spmem:s10], $0x4000, $0x38;
	[tilespmem:$0x1E900] =	vst v63  }
0xc0: {  	_ =	swait.ge [sflag:s24], $0x4000  }
0xc1: {  	[sflag:s24] =	ssyncset.done $0x0  }
0xc2: {  	s23 =	rddreg [dreg:$0x8];
	[sflag:s24] =	ssyncadd.s32 $0xFFFFC000  }
0xc3: {  	[hbm4b:s23+s5] =	stream.linear.scatter [tilespmem:s25], [sflag:$0x3], $0x4000, $0x38;
	[tilespmem:$0x1E900] =	vst v63  }
0xc4: {  	_ =	swait.ge [sflag:s29], $0x4000  }
0xc5: {  	[sflag:s29] =	ssyncset.done $0x0  }
0xc6: {  	[sflag:s29] =	ssyncadd.s32 $0xFFFFC000  }
0xc7: {  	[tilespmem:s30], [sflag:$0x5] =	stream.linear.gather [spmem:s11], $0x4000, $0x38;
	[tilespmem:$0x1E900] =	vst v63  }
0xc8: {  	_ =	swait.ge [sflag:s24], $0x4000  }
0xc9: {  	[sflag:s24] =	ssyncset.done $0x0  }
0xca: {  	[sflag:s24] =	ssyncadd.s32 $0xFFFFC000  }
0xcb: {  	[hbm4b:s18+s5] =	stream.linear.scatter [tilespmem:s30], [sflag:$0x4], $0x4000, $0x38;
	[tilespmem:$0x1E900] =	vst v63  }
0xcc: {  	_ =	swait.ge [sflag:s1], $0x4000  }
0xcd: {  	[sflag:s1] =	ssyncset.done $0x0  }
0xce: {  	[sflag:s1] =	ssyncadd.s32 $0xFFFFC000  }
0xcf: {  	[tilespmem:s25], [sflag:$0x5] =	stream.linear.gather [spmem:s13], $0x4000, $0x38;
	[tilespmem:$0x1E900] =	vst v63  }
0xd0: {  	_ =	swait.ge [sflag:s24], $0x4000  }
0xd1: {  	[sflag:s24] =	ssyncset.done $0x0  }
0xd2: {  	s0 =	sadd.s32 $0x1, s0;
	[sflag:s24] =	ssyncadd.s32 $0xFFFFC000  }
0xd3: {  	[hbm4b:s19+s5] =	stream.linear.scatter [tilespmem:s25], [sflag:$0x3], $0x4000, $0x38;
	[tilespmem:$0x1E900] =	vst v63  }
0xd4: {  	p0 =	sne.s32 s0, s20;
	_ =	swait.ge [sflag:s29], $0x4000  }
.Ltmp2:
0xd5: {  	[sflag:s29] =	ssyncset.done $0x0;
	(pc) =	sbr.rel @p0 .LBB2_1-.Ltmp2, $4  }
0xd6: {  	[sflag:s29] =	ssyncadd.s32 $0xFFFFC000  }
0xd7: {  	_ =	swait.ge [sflag:s1], $0x4000  }
0xd8: {  	[sflag:s1] =	ssyncset.done $0x0  }
0xd9: {  	[sflag:s1] =	ssyncadd.s32 $0xFFFFC000  }
0xda: {  	_ =	sfence.sel $0x180000  }
0xdb: {  	[bflag:$0x0] =	sbarrier.arrive $0xFFFF  }
0xdc: {  	_ =	strace $0x90000050  }
0xdd: {  	s0 =	stileid.u32;
	[bflag:$0x2] =	sbarrier.arrive $0xFFFF  }
0xde: {  	p0 =	sne.s32 s0, $0x0;
	s0 =	rddreg [dreg:$0x3]  }
0xdf: {  	s0 =	sadd.s32 @!p0 $0x100000, s0  }
0xe0: {  	[sflag:s0] =	ssyncadd.tile.s32 @!p0 $0x1;
	_ =	shalt  }
.Lfunc_end2:
_tile_overlayer_lowered:
.L_overlay_start_2:
0xe1: {  	(tag) =	ssettag $0x2  }
0xe2: {  	s0 =	rddreg [dreg:$0x0];
	s2 =	stileid.u32  }
0xe3: {  	s1 =	rddreg [dreg:$0x1];
	p0 =	sne.s32 s2, $0x0  }
0xe4: {  	s3 =	rddreg [dreg:$0x2];
	[bflag:$0x3] =	sbarrier.arrive $0xFFFF;
	s2 =	simm.s32 @!p0 $0x1C05  }
0xe5: {  	[timem:s3], [sflag:s2] =	dma.local @!p0 [hbm:s0], s1  }
0xe6: {  	s0 =	simm.s32 @!p0 $0x5  }
0xe7: {  	_ =	swait.ge @!p0 [sflag:s0], s1  }
0xe8: {  	s1 =	ssub.s32 @!p0 $0x0, s1;
	[sflag:s0] =	ssyncset.done @!p0 $0x0  }
0xe9: {  	[sflag:s0] =	ssyncadd.s32 @!p0 s1  }
0xea: {  	[bflag:$0x3] =	sbarrier.arrive $0xFFFF  }
0xeb: {  	_ =	shalt  }

</sc_bundles>
